<compile_context>
chip_gen: v7x
topology: tpu7x:2x2x1
jax: 0.10.2.dev20260603
libtpu: 0.0.44.dev20260713+nightly
codegen_flags: <defaults>
</compile_context>

<pallas_src>
import functools

import jax
import jax.numpy as jnp
from jax import lax
from jax.experimental import pallas as pl
from jax.experimental.pallas import tpu as pltpu
from jax.experimental.pallas import tpu_sc as plsc

MOD_VOCAB = 11
OUT_DIM = 80
_TPAD = 304

_CHUNK = 128
_LANES = 16


def _build_sc_call(n_batch: int, n_len: int):
    info = plsc.get_sparse_core_info()
    nc, ns = info.num_cores, info.num_subcores
    nw = nc * ns
    tc_per_l = n_batch // _CHUNK
    n_pairs = n_len * tc_per_l
    ppw = n_pairs // nw
    dg_n = OUT_DIM // 8
    out_rows = n_len * OUT_DIM * n_batch // _CHUNK
    nbuf = 4
    assert ppw * nw == n_pairs and ppw % nbuf == 0

    mesh = plsc.VectorSubcoreMesh(core_axis_name="c", subcore_axis_name="s")

    @functools.partial(
        pl.kernel,
        mesh=mesh,
        compiler_params=pltpu.CompilerParams(
            use_tc_tiling_on_sc=False, needs_layout_passes=False),
        out_type=jax.ShapeDtypeStruct((out_rows, _CHUNK), jnp.float32),
        scratch_types=[
            pltpu.VMEM((ppw, _CHUNK), jnp.int32),
            pltpu.VMEM((ppw, _CHUNK), jnp.int32),
            pltpu.VMEM((OUT_DIM * _TPAD,), jnp.float32),
            [pltpu.VMEM((OUT_DIM, _CHUNK), jnp.float32) for _ in range(nbuf)],
            [pltpu.SemaphoreType.DMA for _ in range(nbuf)],
        ],
    )
    def enc(seqt_hbm, modt_hbm, table_hbm, out_hbm, idx_v, mod_v, table_v,
            bufs, wsems):
        wid = lax.axis_index("s") * nc + lax.axis_index("c")
        p0 = wid * ppw

        pltpu.sync_copy(table_hbm, table_v)
        pltpu.sync_copy(seqt_hbm.at[pl.ds(p0, ppw)], idx_v)
        pltpu.sync_copy(modt_hbm.at[pl.ds(p0, ppw)], mod_v)

        def comb_body(jj, _):
            for k in range(_CHUNK // _LANES):
                sl = pl.ds(k * _LANES, _LANES)
                idx_v[jj, sl] = idx_v[jj, sl] * MOD_VOCAB + mod_v[jj, sl]
            return 0

        lax.fori_loop(0, ppw, comb_body, 0)

        def drain(bi):
            for dg in range(dg_n):
                pltpu.make_async_copy(
                    bufs[bi].at[pl.ds(dg * 8, 8)],
                    out_hbm.at[pl.ds(0, 8)], wsems[bi]).wait()

        def outer(t, _):
            for bi in range(nbuf):
                j = t * nbuf + bi
                p = p0 + j
                il = p // tc_per_l
                tc = p - il * tc_per_l

                @pl.when(t > 0)
                def _():
                    drain(bi)

                chunks = [
                    idx_v[j, pl.ds(k * _LANES, _LANES)]
                    for k in range(_CHUNK // _LANES)
                ]

                def dg_body(dg, _):
                    def loads(d):
                        tv = table_v.at[pl.ds(d * _TPAD, _TPAD)]
                        return [
                            plsc.load_gather(tv, [chunks[k]])
                            for k in range(_CHUNK // _LANES)
                        ]

                    def stores(d, vals):
                        for k in range(_CHUNK // _LANES):
                            bufs[bi][d, pl.ds(k * _LANES, _LANES)] = vals[k]

                    prev = loads(dg * 8)
                    for dd in range(1, 8):
                        cur = loads(dg * 8 + dd)
                        stores(dg * 8 + dd - 1, prev)
                        prev = cur
                    stores(dg * 8 + 7, prev)
                    row0 = (il * dg_n + dg) * (tc_per_l * 8) + tc * 8
                    pltpu.async_copy(
                        bufs[bi].at[pl.ds(dg * 8, 8)],
                        out_hbm.at[pl.ds(row0, 8)], wsems[bi])
                    return 0

                lax.fori_loop(0, dg_n, dg_body, 0)
            return 0

        lax.fori_loop(0, ppw // nbuf, outer, 0)
        for bi in range(nbuf):
            drain(bi)

    return enc


def kernel(sequence, modifications, seq_table, mod_table):
    bsz, slen = sequence.shape
    aa_vocab = seq_table.shape[0]

    comb_table = jnp.concatenate(
        [
            jnp.repeat(seq_table, MOD_VOCAB, axis=0),
            jnp.tile(mod_table, (aa_vocab, 1)),
        ],
        axis=1,
    )
    n_comb = comb_table.shape[0]
    tablet = jnp.pad(comb_table.T, ((0, 0), (0, _TPAD - n_comb))).reshape(-1)

    seqt = sequence.T.reshape(slen * bsz // _CHUNK, _CHUNK).astype(jnp.int32)
    modt = modifications.T.reshape(
        slen * bsz // _CHUNK, _CHUNK).astype(jnp.int32)

    out2d = _build_sc_call(bsz, slen)(seqt, modt, tablet)

    out5 = out2d.reshape(slen, OUT_DIM // 8, bsz // _CHUNK, 8, _CHUNK)
    return out5.transpose(2, 4, 0, 1, 3).reshape(bsz, slen, OUT_DIM)

# --- scband reference (transcript-rebuilt; emitter-appended) ---
"""Pipeline reference for scband-input-peptide-encoding-56049323213765 (READ-ONLY COPY).

The authoritative reference and input builder live on the scoring server;
editing this copy changes nothing except your own understanding.
"""

import jax, jax.numpy as jnp
import numpy as np

B, L = 4096, 200
AA_VOCAB = 27   # 26 amino acid symbols + 1 padding row (padding_idx=0)
MOD_VOCAB = 11  # 10 modification symbols + 1 padding row (padding_idx=0)
AA_DIM = 64
MOD_DIM = 16


def setup_inputs(seed: int = 0) -> dict:
    key = jax.random.key(seed)
    k1, k2, k3, k4 = jax.random.split(key, 4)
    sequence = jax.random.randint(k1, (B, L), 0, AA_VOCAB)
    modifications = jax.random.randint(k2, (B, L), 0, MOD_VOCAB)
    seq_table = (jax.random.normal(k3, (AA_VOCAB, AA_DIM), dtype=jnp.float32)).at[0].set(0.0)
    mod_table = (jax.random.normal(k4, (MOD_VOCAB, MOD_DIM), dtype=jnp.float32)).at[0].set(0.0)
    return {
        "sequence": sequence,
        "modifications": modifications,
        "seq_table": seq_table,
        "mod_table": mod_table,
    }


def reference(sequence, modifications, seq_table, mod_table):
    # nn.Embedding lookup for amino-acid sequence
    seq = jnp.take(seq_table, sequence, axis=0)        # [B, L, AA_DIM]
    # nn.Embedding lookup for modifications
    mod = jnp.take(mod_table, modifications, axis=0)   # [B, L, MOD_DIM]
    # torch.cat((seq, mod), 2)
    out = jnp.concatenate((seq, mod), axis=2)          # [B, L, AA_DIM+MOD_DIM]
    return out

if __name__ == "__main__":
    import jax
    _d = setup_inputs()
    print(jax.jit(kernel)(*tuple(_d.values())))

</pallas_src>

<mosaic_0001>
#map = affine_map<(d0, d1) -> (0, 0)>
#map1 = affine_map<(d0, d1) -> (0)>
module attributes {stable_mosaic.version = 14 : i64} {
  func.func @enc(%arg0: i32, %arg1: i32, %arg2: memref<6400x128xi32, #tpu.memory_space<hbm>>, %arg3: memref<6400x128xi32, #tpu.memory_space<hbm>>, %arg4: memref<24320xf32, #tpu.memory_space<hbm>>, %arg5: memref<512000x128xf32, #tpu.memory_space<hbm>>, %arg6: memref<200x128xi32, #tpu.memory_space<vmem>>, %arg7: memref<200x128xi32, #tpu.memory_space<vmem>>, %arg8: memref<24320xf32, #tpu.memory_space<vmem>>, %arg9: memref<80x128xf32, #tpu.memory_space<vmem>>, %arg10: memref<80x128xf32, #tpu.memory_space<vmem>>, %arg11: memref<80x128xf32, #tpu.memory_space<vmem>>, %arg12: memref<80x128xf32, #tpu.memory_space<vmem>>, %arg13: memref<!tpu.dma_semaphore, #tpu.memory_space<semaphore_mem>>, %arg14: memref<!tpu.dma_semaphore, #tpu.memory_space<semaphore_mem>>, %arg15: memref<!tpu.dma_semaphore, #tpu.memory_space<semaphore_mem>>, %arg16: memref<!tpu.dma_semaphore, #tpu.memory_space<semaphore_mem>>) attributes {dimension_semantics = [#tpu.dimension_semantics<core_parallel>, #tpu.dimension_semantics<subcore_parallel>], iteration_bounds = array<i64: 2, 16>, scalar_prefetch = 0 : i64, scratch_operands = 11 : i64, tpu.core_type = #tpu.core_type<sc_vector_subcore>, window_params = [{transform_indices = #map}, {transform_indices = #map}, {transform_indices = #map1}, {transform_indices = #map}]} {
    %mul3A = arith.constant 2 : i32
    %mul3A_0 = arith.muli %arg1, %mul3A : i32
    %add3A = arith.addi %mul3A_0, %arg0 : i32
    %mul3A_1 = arith.constant 200 : i32
    %mul3A_2 = arith.muli %add3A, %mul3A_1 : i32
    "tpu.region"() ({
      %run_scoped3A = tpu.sem_alloc : memref<!tpu.dma_semaphore, #tpu.memory_space<semaphore_mem>>
      tpu.enqueue_dma source(%arg4 : memref<24320xf32, #tpu.memory_space<hbm>>) target(%arg8 : memref<24320xf32, #tpu.memory_space<vmem>>) target_semaphore(%run_scoped3A : memref<!tpu.dma_semaphore, #tpu.memory_space<semaphore_mem>>)
      tpu.wait_dma2 semaphore(%run_scoped3A : memref<!tpu.dma_semaphore, #tpu.memory_space<semaphore_mem>>) src(%arg4 : memref<24320xf32, #tpu.memory_space<hbm>>) dst(%arg8 : memref<24320xf32, #tpu.memory_space<vmem>>)
      tpu.yield
    }) : () -> ()
    "tpu.region"() ({
      %run_scoped3A = tpu.sem_alloc : memref<!tpu.dma_semaphore, #tpu.memory_space<semaphore_mem>>
      %dma_start3A = arith.constant 0 : i32
      %dma_start3A_495 = tpu.memref_slice %arg2[%mul3A_2, %dma_start3A] : memref<6400x128xi32, #tpu.memory_space<hbm>> -> memref<200x128xi32, #tpu.memory_space<hbm>>
      %dma_start3A_496 = arith.constant 0 : i32
      %dma_start3A_497 = tpu.memref_slice %arg2[%mul3A_2, %dma_start3A_496] : memref<6400x128xi32, #tpu.memory_space<hbm>> -> memref<200x128xi32, #tpu.memory_space<hbm>>
      tpu.enqueue_dma source(%dma_start3A_497 : memref<200x128xi32, #tpu.memory_space<hbm>>) target(%arg6 : memref<200x128xi32, #tpu.memory_space<vmem>>) target_semaphore(%run_scoped3A : memref<!tpu.dma_semaphore, #tpu.memory_space<semaphore_mem>>)
      %dma_wait3A_498 = arith.constant 0 : i32
      %dma_wait3A_499 = tpu.memref_slice %arg2[%mul3A_2, %dma_wait3A_498] : memref<6400x128xi32, #tpu.memory_space<hbm>> -> memref<200x128xi32, #tpu.memory_space<hbm>>
      %dma_wait3A_500 = arith.constant 0 : i32
      %dma_wait3A_501 = tpu.memref_slice %arg2[%mul3A_2, %dma_wait3A_500] : memref<6400x128xi32, #tpu.memory_space<hbm>> -> memref<200x128xi32, #tpu.memory_space<hbm>>
      tpu.wait_dma2 semaphore(%run_scoped3A : memref<!tpu.dma_semaphore, #tpu.memory_space<semaphore_mem>>) src(%dma_wait3A_501 : memref<200x128xi32, #tpu.memory_space<hbm>>) dst(%arg6 : memref<200x128xi32, #tpu.memory_space<vmem>>)
      tpu.yield
    }) : () -> ()
    "tpu.region"() ({
      %run_scoped3A = tpu.sem_alloc : memref<!tpu.dma_semaphore, #tpu.memory_space<semaphore_mem>>
      %dma_start3A = arith.constant 0 : i32
      %dma_start3A_495 = tpu.memref_slice %arg3[%mul3A_2, %dma_start3A] : memref<6400x128xi32, #tpu.memory_space<hbm>> -> memref<200x128xi32, #tpu.memory_space<hbm>>
      %dma_start3A_496 = arith.constant 0 : i32
      %dma_start3A_497 = tpu.memref_slice %arg3[%mul3A_2, %dma_start3A_496] : memref<6400x128xi32, #tpu.memory_space<hbm>> -> memref<200x128xi32, #tpu.memory_space<hbm>>
      tpu.enqueue_dma source(%dma_start3A_497 : memref<200x128xi32, #tpu.memory_space<hbm>>) target(%arg7 : memref<200x128xi32, #tpu.memory_space<vmem>>) target_semaphore(%run_scoped3A : memref<!tpu.dma_semaphore, #tpu.memory_space<semaphore_mem>>)
      %dma_wait3A_498 = arith.constant 0 : i32
      %dma_wait3A_499 = tpu.memref_slice %arg3[%mul3A_2, %dma_wait3A_498] : memref<6400x128xi32, #tpu.memory_space<hbm>> -> memref<200x128xi32, #tpu.memory_space<hbm>>
      %dma_wait3A_500 = arith.constant 0 : i32
      %dma_wait3A_501 = tpu.memref_slice %arg3[%mul3A_2, %dma_wait3A_500] : memref<6400x128xi32, #tpu.memory_space<hbm>> -> memref<200x128xi32, #tpu.memory_space<hbm>>
      tpu.wait_dma2 semaphore(%run_scoped3A : memref<!tpu.dma_semaphore, #tpu.memory_space<semaphore_mem>>) src(%dma_wait3A_501 : memref<200x128xi32, #tpu.memory_space<hbm>>) dst(%arg7 : memref<200x128xi32, #tpu.memory_space<vmem>>)
      tpu.yield
    }) : () -> ()
    %scan3A = arith.constant 0 : i32
    %scan3A_3 = arith.constant 0 : i32
    %scan3A_4 = arith.constant 200 : i32
    %scan3A_5 = arith.addi %scan3A_3, %scan3A_4 : i32
    %scan3A_6 = arith.constant 1 : i32
    %scan3A_7 = scf.for %scan3A_495 = %scan3A_3 to %scan3A_5 step %scan3A_6 iter_args(%scan3A_496 = %scan3A) -> (i32)  : i32 {
      %get3A = arith.index_cast %scan3A_495 : i32 to index
      %get3A_497 = arith.constant 0 : index
      %get3A_498 = tpu.vector_load %arg6[%get3A, %get3A_497] {strides = array<i32>} : memref<200x128xi32, #tpu.memory_space<vmem>>, vector<16xi32>,
      %mul3A_499 = arith.constant 11 : i32
      %mul3A_500 = vector.broadcast %mul3A_499 : i32 to vector<16xi32>
      %mul3A_501 = arith.muli %get3A_498, %mul3A_500 : vector<16xi32>
      %get3A_502 = arith.index_cast %scan3A_495 : i32 to index
      %get3A_503 = arith.constant 0 : index
      %get3A_504 = tpu.vector_load %arg7[%get3A_502, %get3A_503] {strides = array<i32>} : memref<200x128xi32, #tpu.memory_space<vmem>>, vector<16xi32>,
      %add3A_505 = arith.addi %mul3A_501, %get3A_504 : vector<16xi32>
      %swap3A = arith.index_cast %scan3A_495 : i32 to index
      %swap3A_506 = arith.constant 0 : index
      %swap3A_507 = tpu.vector_load %arg6[%swap3A, %swap3A_506] {strides = array<i32>} : memref<200x128xi32, #tpu.memory_space<vmem>>, vector<16xi32>,
      tpu.vector_store %arg6[%swap3A, %swap3A_506], %add3A_505 {strides = array<i32>} : memref<200x128xi32, #tpu.memory_space<vmem>>, vector<16xi32>,
      %get3A_508 = arith.index_cast %scan3A_495 : i32 to index
      %get3A_509 = arith.constant 16 : index
      %get3A_510 = tpu.vector_load %arg6[%get3A_508, %get3A_509] {strides = array<i32>} : memref<200x128xi32, #tpu.memory_space<vmem>>, vector<16xi32>,
      %mul3A_511 = arith.constant 11 : i32
      %mul3A_512 = vector.broadcast %mul3A_511 : i32 to vector<16xi32>
      %mul3A_513 = arith.muli %get3A_510, %mul3A_512 : vector<16xi32>
      %get3A_514 = arith.index_cast %scan3A_495 : i32 to index
      %get3A_515 = arith.constant 16 : index
      %get3A_516 = tpu.vector_load %arg7[%get3A_514, %get3A_515] {strides = array<i32>} : memref<200x128xi32, #tpu.memory_space<vmem>>, vector<16xi32>,
      %add3A_517 = arith.addi %mul3A_513, %get3A_516 : vector<16xi32>
      %swap3A_518 = arith.index_cast %scan3A_495 : i32 to index
      %swap3A_519 = arith.constant 16 : index
      %swap3A_520 = tpu.vector_load %arg6[%swap3A_518, %swap3A_519] {strides = array<i32>} : memref<200x128xi32, #tpu.memory_space<vmem>>, vector<16xi32>,
      tpu.vector_store %arg6[%swap3A_518, %swap3A_519], %add3A_517 {strides = array<i32>} : memref<200x128xi32, #tpu.memory_space<vmem>>, vector<16xi32>,
      %get3A_521 = arith.index_cast %scan3A_495 : i32 to index
      %get3A_522 = arith.constant 32 : index
      %get3A_523 = tpu.vector_load %arg6[%get3A_521, %get3A_522] {strides = array<i32>} : memref<200x128xi32, #tpu.memory_space<vmem>>, vector<16xi32>,
      %mul3A_524 = arith.constant 11 : i32
      %mul3A_525 = vector.broadcast %mul3A_524 : i32 to vector<16xi32>
      %mul3A_526 = arith.muli %get3A_523, %mul3A_525 : vector<16xi32>
      %get3A_527 = arith.index_cast %scan3A_495 : i32 to index
      %get3A_528 = arith.constant 32 : index
      %get3A_529 = tpu.vector_load %arg7[%get3A_527, %get3A_528] {strides = array<i32>} : memref<200x128xi32, #tpu.memory_space<vmem>>, vector<16xi32>,
      %add3A_530 = arith.addi %mul3A_526, %get3A_529 : vector<16xi32>
      %swap3A_531 = arith.index_cast %scan3A_495 : i32 to index
      %swap3A_532 = arith.constant 32 : index
      %swap3A_533 = tpu.vector_load %arg6[%swap3A_531, %swap3A_532] {strides = array<i32>} : memref<200x128xi32, #tpu.memory_space<vmem>>, vector<16xi32>,
      tpu.vector_store %arg6[%swap3A_531, %swap3A_532], %add3A_530 {strides = array<i32>} : memref<200x128xi32, #tpu.memory_space<vmem>>, vector<16xi32>,
      %get3A_534 = arith.index_cast %scan3A_495 : i32 to index
      %get3A_535 = arith.constant 48 : index
      %get3A_536 = tpu.vector_load %arg6[%get3A_534, %get3A_535] {strides = array<i32>} : memref<200x128xi32, #tpu.memory_space<vmem>>, vector<16xi32>,
      %mul3A_537 = arith.constant 11 : i32
      %mul3A_538 = vector.broadcast %mul3A_537 : i32 to vector<16xi32>
      %mul3A_539 = arith.muli %get3A_536, %mul3A_538 : vector<16xi32>
      %get3A_540 = arith.index_cast %scan3A_495 : i32 to index
      %get3A_541 = arith.constant 48 : index
      %get3A_542 = tpu.vector_load %arg7[%get3A_540, %get3A_541] {strides = array<i32>} : memref<200x128xi32, #tpu.memory_space<vmem>>, vector<16xi32>,
      %add3A_543 = arith.addi %mul3A_539, %get3A_542 : vector<16xi32>
      %swap3A_544 = arith.index_cast %scan3A_495 : i32 to index
      %swap3A_545 = arith.constant 48 : index
      %swap3A_546 = tpu.vector_load %arg6[%swap3A_544, %swap3A_545] {strides = array<i32>} : memref<200x128xi32, #tpu.memory_space<vmem>>, vector<16xi32>,
      tpu.vector_store %arg6[%swap3A_544, %swap3A_545], %add3A_543 {strides = array<i32>} : memref<200x128xi32, #tpu.memory_space<vmem>>, vector<16xi32>,
      %get3A_547 = arith.index_cast %scan3A_495 : i32 to index
      %get3A_548 = arith.constant 64 : index
      %get3A_549 = tpu.vector_load %arg6[%get3A_547, %get3A_548] {strides = array<i32>} : memref<200x128xi32, #tpu.memory_space<vmem>>, vector<16xi32>,
      %mul3A_550 = arith.constant 11 : i32
      %mul3A_551 = vector.broadcast %mul3A_550 : i32 to vector<16xi32>
      %mul3A_552 = arith.muli %get3A_549, %mul3A_551 : vector<16xi32>
      %get3A_553 = arith.index_cast %scan3A_495 : i32 to index
      %get3A_554 = arith.constant 64 : index
      %get3A_555 = tpu.vector_load %arg7[%get3A_553, %get3A_554] {strides = array<i32>} : memref<200x128xi32, #tpu.memory_space<vmem>>, vector<16xi32>,
      %add3A_556 = arith.addi %mul3A_552, %get3A_555 : vector<16xi32>
      %swap3A_557 = arith.index_cast %scan3A_495 : i32 to index
      %swap3A_558 = arith.constant 64 : index
      %swap3A_559 = tpu.vector_load %arg6[%swap3A_557, %swap3A_558] {strides = array<i32>} : memref<200x128xi32, #tpu.memory_space<vmem>>, vector<16xi32>,
      tpu.vector_store %arg6[%swap3A_557, %swap3A_558], %add3A_556 {strides = array<i32>} : memref<200x128xi32, #tpu.memory_space<vmem>>, vector<16xi32>,
      %get3A_560 = arith.index_cast %scan3A_495 : i32 to index
      %get3A_561 = arith.constant 80 : index
      %get3A_562 = tpu.vector_load %arg6[%get3A_560, %get3A_561] {strides = array<i32>} : memref<200x128xi32, #tpu.memory_space<vmem>>, vector<16xi32>,
      %mul3A_563 = arith.constant 11 : i32
      %mul3A_564 = vector.broadcast %mul3A_563 : i32 to vector<16xi32>
      %mul3A_565 = arith.muli %get3A_562, %mul3A_564 : vector<16xi32>
      %get3A_566 = arith.index_cast %scan3A_495 : i32 to index
      %get3A_567 = arith.constant 80 : index
      %get3A_568 = tpu.vector_load %arg7[%get3A_566, %get3A_567] {strides = array<i32>} : memref<200x128xi32, #tpu.memory_space<vmem>>, vector<16xi32>,
      %add3A_569 = arith.addi %mul3A_565, %get3A_568 : vector<16xi32>
      %swap3A_570 = arith.index_cast %scan3A_495 : i32 to index
      %swap3A_571 = arith.constant 80 : index
      %swap3A_572 = tpu.vector_load %arg6[%swap3A_570, %swap3A_571] {strides = array<i32>} : memref<200x128xi32, #tpu.memory_space<vmem>>, vector<16xi32>,
      tpu.vector_store %arg6[%swap3A_570, %swap3A_571], %add3A_569 {strides = array<i32>} : memref<200x128xi32, #tpu.memory_space<vmem>>, vector<16xi32>,
      %get3A_573 = arith.index_cast %scan3A_495 : i32 to index
      %get3A_574 = arith.constant 96 : index
      %get3A_575 = tpu.vector_load %arg6[%get3A_573, %get3A_574] {strides = array<i32>} : memref<200x128xi32, #tpu.memory_space<vmem>>, vector<16xi32>,
      %mul3A_576 = arith.constant 11 : i32
      %mul3A_577 = vector.broadcast %mul3A_576 : i32 to vector<16xi32>
      %mul3A_578 = arith.muli %get3A_575, %mul3A_577 : vector<16xi32>
      %get3A_579 = arith.index_cast %scan3A_495 : i32 to index
      %get3A_580 = arith.constant 96 : index
      %get3A_581 = tpu.vector_load %arg7[%get3A_579, %get3A_580] {strides = array<i32>} : memref<200x128xi32, #tpu.memory_space<vmem>>, vector<16xi32>,
      %add3A_582 = arith.addi %mul3A_578, %get3A_581 : vector<16xi32>
      %swap3A_583 = arith.index_cast %scan3A_495 : i32 to index
      %swap3A_584 = arith.constant 96 : index
      %swap3A_585 = tpu.vector_load %arg6[%swap3A_583, %swap3A_584] {strides = array<i32>} : memref<200x128xi32, #tpu.memory_space<vmem>>, vector<16xi32>,
      tpu.vector_store %arg6[%swap3A_583, %swap3A_584], %add3A_582 {strides = array<i32>} : memref<200x128xi32, #tpu.memory_space<vmem>>, vector<16xi32>,
      %get3A_586 = arith.index_cast %scan3A_495 : i32 to index
      %get3A_587 = arith.constant 112 : index
      %get3A_588 = tpu.vector_load %arg6[%get3A_586, %get3A_587] {strides = array<i32>} : memref<200x128xi32, #tpu.memory_space<vmem>>, vector<16xi32>,
      %mul3A_589 = arith.constant 11 : i32
      %mul3A_590 = vector.broadcast %mul3A_589 : i32 to vector<16xi32>
      %mul3A_591 = arith.muli %get3A_588, %mul3A_590 : vector<16xi32>
      %get3A_592 = arith.index_cast %scan3A_495 : i32 to index
      %get3A_593 = arith.constant 112 : index
      %get3A_594 = tpu.vector_load %arg7[%get3A_592, %get3A_593] {strides = array<i32>} : memref<200x128xi32, #tpu.memory_space<vmem>>, vector<16xi32>,
      %add3A_595 = arith.addi %mul3A_591, %get3A_594 : vector<16xi32>
      %swap3A_596 = arith.index_cast %scan3A_495 : i32 to index
      %swap3A_597 = arith.constant 112 : index
      %swap3A_598 = tpu.vector_load %arg6[%swap3A_596, %swap3A_597] {strides = array<i32>} : memref<200x128xi32, #tpu.memory_space<vmem>>, vector<16xi32>,
      tpu.vector_store %arg6[%swap3A_596, %swap3A_597], %add3A_595 {strides = array<i32>} : memref<200x128xi32, #tpu.memory_space<vmem>>, vector<16xi32>,
      %scan3A_599 = arith.constant 0 : i32
      scf.yield %scan3A_599 : i32
    }
    %scan3A_8 = arith.constant 200 : i32
    %scan3A_9 = arith.constant 0 : i32
    %scan3A_10 = arith.constant 0 : i32
    %scan3A_11 = arith.constant 50 : i32
    %scan3A_12 = arith.addi %scan3A_10, %scan3A_11 : i32
    %scan3A_13 = arith.constant 1 : i32
    %scan3A_14 = scf.for %scan3A_495 = %scan3A_10 to %scan3A_12 step %scan3A_13 iter_args(%scan3A_496 = %scan3A_9) -> (i32)  : i32 {
      %mul3A_497 = arith.constant 4 : i32
      %mul3A_498 = arith.muli %scan3A_495, %mul3A_497 : i32
      %add3A_499 = arith.constant 0 : i32
      %add3A_500 = arith.addi %mul3A_498, %add3A_499 : i32
      %add3A_501 = arith.addi %mul3A_2, %add3A_500 : i32
      %jit3A = arith.constant 32 : i32
      %div3A = arith.divsi %add3A_501, %jit3A : i32
      %sign3A = arith.constant 0 : i32
      %sign3A_502 = arith.cmpi sgt, %add3A_501, %sign3A : i32
      %sign3A_503 = arith.extui %sign3A_502 : i1 to i32
      %sign3A_504 = arith.constant 0 : i32
      %sign3A_505 = arith.cmpi slt, %add3A_501, %sign3A_504 : i32
      %sign3A_506 = arith.extui %sign3A_505 : i1 to i32
      %sign3A_507 = arith.subi %sign3A_503, %sign3A_506 : i32
      %sign3A_508 = arith.constant 0 : i32
      %sign3A_509 = arith.cmpi sgt, %jit3A, %sign3A_508 : i32
      %sign3A_510 = arith.extui %sign3A_509 : i1 to i32
      %sign3A_511 = arith.constant 0 : i32
      %sign3A_512 = arith.cmpi slt, %jit3A, %sign3A_511 : i32
      %sign3A_513 = arith.extui %sign3A_512 : i1 to i32
      %sign3A_514 = arith.subi %sign3A_510, %sign3A_513 : i32
      %ne3A = arith.cmpi ne, %sign3A_507, %sign3A_514 : i32
      %rem3A = arith.remsi %add3A_501, %jit3A : i32
      %ne3A_515 = arith.constant 0 : i32
      %ne3A_516 = arith.cmpi ne, %rem3A, %ne3A_515 : i32
      %and3A = arith.andi %ne3A, %ne3A_516 : i1
      %sub3A = arith.constant 1 : i32
      %sub3A_517 = arith.subi %div3A, %sub3A : i32
      %select_n3A = arith.select %and3A, %sub3A_517, %div3A : i32
      %mul3A_518 = arith.constant 32 : i32
      %mul3A_519 = arith.muli %select_n3A, %mul3A_518 : i32
      %sub3A_520 = arith.subi %add3A_501, %mul3A_519 : i32
      %gt3A = arith.constant 0 : i32
      %gt3A_521 = arith.cmpi sgt, %scan3A_495, %gt3A : i32
      %convert_element_type3A = arith.extui %gt3A_521 : i1 to i32
      %cond3A = arith.constant 0 : i32
      %cond3A_522 = arith.cmpi ne, %convert_element_type3A, %cond3A : i32
      scf.if %cond3A_522 {
        %dma_wait3A_758 = arith.constant 0 : i32
        %dma_wait3A_759 = arith.constant 0 : i32
        %dma_wait3A_760 = tpu.memref_slice %arg9[%dma_wait3A_758, %dma_wait3A_759] : memref<80x128xf32, #tpu.memory_space<vmem>> -> memref<8x128xf32, #tpu.memory_space<vmem>>
        %dma_wait3A_761 = arith.constant 0 : i32
        %dma_wait3A_762 = arith.constant 0 : i32
        %dma_wait3A_763 = tpu.memref_slice %arg5[%dma_wait3A_761, %dma_wait3A_762] : memref<512000x128xf32, #tpu.memory_space<hbm>> -> memref<8x128xf32, #tpu.memory_space<hbm>>
        %dma_wait3A_764 = arith.constant 0 : i32
        %dma_wait3A_765 = arith.constant 0 : i32
        %dma_wait3A_766 = tpu.memref_slice %arg5[%dma_wait3A_764, %dma_wait3A_765] : memref<512000x128xf32, #tpu.memory_space<hbm>> -> memref<8x128xf32, #tpu.memory_space<hbm>>
        %dma_wait3A_767 = arith.constant 0 : i32
        %dma_wait3A_768 = arith.constant 0 : i32
        %dma_wait3A_769 = tpu.memref_slice %arg9[%dma_wait3A_767, %dma_wait3A_768] : memref<80x128xf32, #tpu.memory_space<vmem>> -> memref<8x128xf32, #tpu.memory_space<vmem>>
        tpu.wait_dma2 semaphore(%arg13 : memref<!tpu.dma_semaphore, #tpu.memory_space<semaphore_mem>>) src(%dma_wait3A_769 : memref<8x128xf32, #tpu.memory_space<vmem>>) dst(%dma_wait3A_766 : memref<8x128xf32, #tpu.memory_space<hbm>>)
        %dma_wait3A_770 = arith.constant 8 : i32
        %dma_wait3A_771 = arith.constant 0 : i32
        %dma_wait3A_772 = tpu.memref_slice %arg9[%dma_wait3A_770, %dma_wait3A_771] : memref<80x128xf32, #tpu.memory_space<vmem>> -> memref<8x128xf32, #tpu.memory_space<vmem>>
        %dma_wait3A_773 = arith.constant 0 : i32
        %dma_wait3A_774 = arith.constant 0 : i32
        %dma_wait3A_775 = tpu.memref_slice %arg5[%dma_wait3A_773, %dma_wait3A_774] : memref<512000x128xf32, #tpu.memory_space<hbm>> -> memref<8x128xf32, #tpu.memory_space<hbm>>
        %dma_wait3A_776 = arith.constant 0 : i32
        %dma_wait3A_777 = arith.constant 0 : i32
        %dma_wait3A_778 = tpu.memref_slice %arg5[%dma_wait3A_776, %dma_wait3A_777] : memref<512000x128xf32, #tpu.memory_space<hbm>> -> memref<8x128xf32, #tpu.memory_space<hbm>>
        %dma_wait3A_779 = arith.constant 8 : i32
        %dma_wait3A_780 = arith.constant 0 : i32
        %dma_wait3A_781 = tpu.memref_slice %arg9[%dma_wait3A_779, %dma_wait3A_780] : memref<80x128xf32, #tpu.memory_space<vmem>> -> memref<8x128xf32, #tpu.memory_space<vmem>>
        tpu.wait_dma2 semaphore(%arg13 : memref<!tpu.dma_semaphore, #tpu.memory_space<semaphore_mem>>) src(%dma_wait3A_781 : memref<8x128xf32, #tpu.memory_space<vmem>>) dst(%dma_wait3A_778 : memref<8x128xf32, #tpu.memory_space<hbm>>)
        %dma_wait3A_782 = arith.constant 16 : i32
        %dma_wait3A_783 = arith.constant 0 : i32
        %dma_wait3A_784 = tpu.memref_slice %arg9[%dma_wait3A_782, %dma_wait3A_783] : memref<80x128xf32, #tpu.memory_space<vmem>> -> memref<8x128xf32, #tpu.memory_space<vmem>>
        %dma_wait3A_785 = arith.constant 0 : i32
        %dma_wait3A_786 = arith.constant 0 : i32
        %dma_wait3A_787 = tpu.memref_slice %arg5[%dma_wait3A_785, %dma_wait3A_786] : memref<512000x128xf32, #tpu.memory_space<hbm>> -> memref<8x128xf32, #tpu.memory_space<hbm>>
        %dma_wait3A_788 = arith.constant 0 : i32
        %dma_wait3A_789 = arith.constant 0 : i32
        %dma_wait3A_790 = tpu.memref_slice %arg5[%dma_wait3A_788, %dma_wait3A_789] : memref<512000x128xf32, #tpu.memory_space<hbm>> -> memref<8x128xf32, #tpu.memory_space<hbm>>
        %dma_wait3A_791 = arith.constant 16 : i32
        %dma_wait3A_792 = arith.constant 0 : i32
        %dma_wait3A_793 = tpu.memref_slice %arg9[%dma_wait3A_791, %dma_wait3A_792] : memref<80x128xf32, #tpu.memory_space<vmem>> -> memref<8x128xf32, #tpu.memory_space<vmem>>
        tpu.wait_dma2 semaphore(%arg13 : memref<!tpu.dma_semaphore, #tpu.memory_space<semaphore_mem>>) src(%dma_wait3A_793 : memref<8x128xf32, #tpu.memory_space<vmem>>) dst(%dma_wait3A_790 : memref<8x128xf32, #tpu.memory_space<hbm>>)
        %dma_wait3A_794 = arith.constant 24 : i32
        %dma_wait3A_795 = arith.constant 0 : i32
        %dma_wait3A_796 = tpu.memref_slice %arg9[%dma_wait3A_794, %dma_wait3A_795] : memref<80x128xf32, #tpu.memory_space<vmem>> -> memref<8x128xf32, #tpu.memory_space<vmem>>
        %dma_wait3A_797 = arith.constant 0 : i32
        %dma_wait3A_798 = arith.constant 0 : i32
        %dma_wait3A_799 = tpu.memref_slice %arg5[%dma_wait3A_797, %dma_wait3A_798] : memref<512000x128xf32, #tpu.memory_space<hbm>> -> memref<8x128xf32, #tpu.memory_space<hbm>>
        %dma_wait3A_800 = arith.constant 0 : i32
        %dma_wait3A_801 = arith.constant 0 : i32
        %dma_wait3A_802 = tpu.memref_slice %arg5[%dma_wait3A_800, %dma_wait3A_801] : memref<512000x128xf32, #tpu.memory_space<hbm>> -> memref<8x128xf32, #tpu.memory_space<hbm>>
        %dma_wait3A_803 = arith.constant 24 : i32
        %dma_wait3A_804 = arith.constant 0 : i32
        %dma_wait3A_805 = tpu.memref_slice %arg9[%dma_wait3A_803, %dma_wait3A_804] : memref<80x128xf32, #tpu.memory_space<vmem>> -> memref<8x128xf32, #tpu.memory_space<vmem>>
        tpu.wait_dma2 semaphore(%arg13 : memref<!tpu.dma_semaphore, #tpu.memory_space<semaphore_mem>>) src(%dma_wait3A_805 : memref<8x128xf32, #tpu.memory_space<vmem>>) dst(%dma_wait3A_802 : memref<8x128xf32, #tpu.memory_space<hbm>>)
        %dma_wait3A_806 = arith.constant 32 : i32
        %dma_wait3A_807 = arith.constant 0 : i32
        %dma_wait3A_808 = tpu.memref_slice %arg9[%dma_wait3A_806, %dma_wait3A_807] : memref<80x128xf32, #tpu.memory_space<vmem>> -> memref<8x128xf32, #tpu.memory_space<vmem>>
        %dma_wait3A_809 = arith.constant 0 : i32
        %dma_wait3A_810 = arith.constant 0 : i32
        %dma_wait3A_811 = tpu.memref_slice %arg5[%dma_wait3A_809, %dma_wait3A_810] : memref<512000x128xf32, #tpu.memory_space<hbm>> -> memref<8x128xf32, #tpu.memory_space<hbm>>
        %dma_wait3A_812 = arith.constant 0 : i32
        %dma_wait3A_813 = arith.constant 0 : i32
        %dma_wait3A_814 = tpu.memref_slice %arg5[%dma_wait3A_812, %dma_wait3A_813] : memref<512000x128xf32, #tpu.memory_space<hbm>> -> memref<8x128xf32, #tpu.memory_space<hbm>>
        %dma_wait3A_815 = arith.constant 32 : i32
        %dma_wait3A_816 = arith.constant 0 : i32
        %dma_wait3A_817 = tpu.memref_slice %arg9[%dma_wait3A_815, %dma_wait3A_816] : memref<80x128xf32, #tpu.memory_space<vmem>> -> memref<8x128xf32, #tpu.memory_space<vmem>>
        tpu.wait_dma2 semaphore(%arg13 : memref<!tpu.dma_semaphore, #tpu.memory_space<semaphore_mem>>) src(%dma_wait3A_817 : memref<8x128xf32, #tpu.memory_space<vmem>>) dst(%dma_wait3A_814 : memref<8x128xf32, #tpu.memory_space<hbm>>)
        %dma_wait3A_818 = arith.constant 40 : i32
        %dma_wait3A_819 = arith.constant 0 : i32
        %dma_wait3A_820 = tpu.memref_slice %arg9[%dma_wait3A_818, %dma_wait3A_819] : memref<80x128xf32, #tpu.memory_space<vmem>> -> memref<8x128xf32, #tpu.memory_space<vmem>>
        %dma_wait3A_821 = arith.constant 0 : i32
        %dma_wait3A_822 = arith.constant 0 : i32
        %dma_wait3A_823 = tpu.memref_slice %arg5[%dma_wait3A_821, %dma_wait3A_822] : memref<512000x128xf32, #tpu.memory_space<hbm>> -> memref<8x128xf32, #tpu.memory_space<hbm>>
        %dma_wait3A_824 = arith.constant 0 : i32
        %dma_wait3A_825 = arith.constant 0 : i32
        %dma_wait3A_826 = tpu.memref_slice %arg5[%dma_wait3A_824, %dma_wait3A_825] : memref<512000x128xf32, #tpu.memory_space<hbm>> -> memref<8x128xf32, #tpu.memory_space<hbm>>
        %dma_wait3A_827 = arith.constant 40 : i32
        %dma_wait3A_828 = arith.constant 0 : i32
        %dma_wait3A_829 = tpu.memref_slice %arg9[%dma_wait3A_827, %dma_wait3A_828] : memref<80x128xf32, #tpu.memory_space<vmem>> -> memref<8x128xf32, #tpu.memory_space<vmem>>
        tpu.wait_dma2 semaphore(%arg13 : memref<!tpu.dma_semaphore, #tpu.memory_space<semaphore_mem>>) src(%dma_wait3A_829 : memref<8x128xf32, #tpu.memory_space<vmem>>) dst(%dma_wait3A_826 : memref<8x128xf32, #tpu.memory_space<hbm>>)
        %dma_wait3A_830 = arith.constant 48 : i32
        %dma_wait3A_831 = arith.constant 0 : i32
        %dma_wait3A_832 = tpu.memref_slice %arg9[%dma_wait3A_830, %dma_wait3A_831] : memref<80x128xf32, #tpu.memory_space<vmem>> -> memref<8x128xf32, #tpu.memory_space<vmem>>
        %dma_wait3A_833 = arith.constant 0 : i32
        %dma_wait3A_834 = arith.constant 0 : i32
        %dma_wait3A_835 = tpu.memref_slice %arg5[%dma_wait3A_833, %dma_wait3A_834] : memref<512000x128xf32, #tpu.memory_space<hbm>> -> memref<8x128xf32, #tpu.memory_space<hbm>>
        %dma_wait3A_836 = arith.constant 0 : i32
        %dma_wait3A_837 = arith.constant 0 : i32
        %dma_wait3A_838 = tpu.memref_slice %arg5[%dma_wait3A_836, %dma_wait3A_837] : memref<512000x128xf32, #tpu.memory_space<hbm>> -> memref<8x128xf32, #tpu.memory_space<hbm>>
        %dma_wait3A_839 = arith.constant 48 : i32
        %dma_wait3A_840 = arith.constant 0 : i32
        %dma_wait3A_841 = tpu.memref_slice %arg9[%dma_wait3A_839, %dma_wait3A_840] : memref<80x128xf32, #tpu.memory_space<vmem>> -> memref<8x128xf32, #tpu.memory_space<vmem>>
        tpu.wait_dma2 semaphore(%arg13 : memref<!tpu.dma_semaphore, #tpu.memory_space<semaphore_mem>>) src(%dma_wait3A_841 : memref<8x128xf32, #tpu.memory_space<vmem>>) dst(%dma_wait3A_838 : memref<8x128xf32, #tpu.memory_space<hbm>>)
        %dma_wait3A_842 = arith.constant 56 : i32
        %dma_wait3A_843 = arith.constant 0 : i32
        %dma_wait3A_844 = tpu.memref_slice %arg9[%dma_wait3A_842, %dma_wait3A_843] : memref<80x128xf32, #tpu.memory_space<vmem>> -> memref<8x128xf32, #tpu.memory_space<vmem>>
        %dma_wait3A_845 = arith.constant 0 : i32
        %dma_wait3A_846 = arith.constant 0 : i32
        %dma_wait3A_847 = tpu.memref_slice %arg5[%dma_wait3A_845, %dma_wait3A_846] : memref<512000x128xf32, #tpu.memory_space<hbm>> -> memref<8x128xf32, #tpu.memory_space<hbm>>
        %dma_wait3A_848 = arith.constant 0 : i32
        %dma_wait3A_849 = arith.constant 0 : i32
        %dma_wait3A_850 = tpu.memref_slice %arg5[%dma_wait3A_848, %dma_wait3A_849] : memref<512000x128xf32, #tpu.memory_space<hbm>> -> memref<8x128xf32, #tpu.memory_space<hbm>>
        %dma_wait3A_851 = arith.constant 56 : i32
        %dma_wait3A_852 = arith.constant 0 : i32
        %dma_wait3A_853 = tpu.memref_slice %arg9[%dma_wait3A_851, %dma_wait3A_852] : memref<80x128xf32, #tpu.memory_space<vmem>> -> memref<8x128xf32, #tpu.memory_space<vmem>>
        tpu.wait_dma2 semaphore(%arg13 : memref<!tpu.dma_semaphore, #tpu.memory_space<semaphore_mem>>) src(%dma_wait3A_853 : memref<8x128xf32, #tpu.memory_space<vmem>>) dst(%dma_wait3A_850 : memref<8x128xf32, #tpu.memory_space<hbm>>)
        %dma_wait3A_854 = arith.constant 64 : i32
        %dma_wait3A_855 = arith.constant 0 : i32
        %dma_wait3A_856 = tpu.memref_slice %arg9[%dma_wait3A_854, %dma_wait3A_855] : memref<80x128xf32, #tpu.memory_space<vmem>> -> memref<8x128xf32, #tpu.memory_space<vmem>>
        %dma_wait3A_857 = arith.constant 0 : i32
        %dma_wait3A_858 = arith.constant 0 : i32
        %dma_wait3A_859 = tpu.memref_slice %arg5[%dma_wait3A_857, %dma_wait3A_858] : memref<512000x128xf32, #tpu.memory_space<hbm>> -> memref<8x128xf32, #tpu.memory_space<hbm>>
        %dma_wait3A_860 = arith.constant 0 : i32
        %dma_wait3A_861 = arith.constant 0 : i32
        %dma_wait3A_862 = tpu.memref_slice %arg5[%dma_wait3A_860, %dma_wait3A_861] : memref<512000x128xf32, #tpu.memory_space<hbm>> -> memref<8x128xf32, #tpu.memory_space<hbm>>
        %dma_wait3A_863 = arith.constant 64 : i32
        %dma_wait3A_864 = arith.constant 0 : i32
        %dma_wait3A_865 = tpu.memref_slice %arg9[%dma_wait3A_863, %dma_wait3A_864] : memref<80x128xf32, #tpu.memory_space<vmem>> -> memref<8x128xf32, #tpu.memory_space<vmem>>
        tpu.wait_dma2 semaphore(%arg13 : memref<!tpu.dma_semaphore, #tpu.memory_space<semaphore_mem>>) src(%dma_wait3A_865 : memref<8x128xf32, #tpu.memory_space<vmem>>) dst(%dma_wait3A_862 : memref<8x128xf32, #tpu.memory_space<hbm>>)
        %dma_wait3A_866 = arith.constant 72 : i32
        %dma_wait3A_867 = arith.constant 0 : i32
        %dma_wait3A_868 = tpu.memref_slice %arg9[%dma_wait3A_866, %dma_wait3A_867] : memref<80x128xf32, #tpu.memory_space<vmem>> -> memref<8x128xf32, #tpu.memory_space<vmem>>
        %dma_wait3A_869 = arith.constant 0 : i32
        %dma_wait3A_870 = arith.constant 0 : i32
        %dma_wait3A_871 = tpu.memref_slice %arg5[%dma_wait3A_869, %dma_wait3A_870] : memref<512000x128xf32, #tpu.memory_space<hbm>> -> memref<8x128xf32, #tpu.memory_space<hbm>>
        %dma_wait3A_872 = arith.constant 0 : i32
        %dma_wait3A_873 = arith.constant 0 : i32
        %dma_wait3A_874 = tpu.memref_slice %arg5[%dma_wait3A_872, %dma_wait3A_873] : memref<512000x128xf32, #tpu.memory_space<hbm>> -> memref<8x128xf32, #tpu.memory_space<hbm>>
        %dma_wait3A_875 = arith.constant 72 : i32
        %dma_wait3A_876 = arith.constant 0 : i32
        %dma_wait3A_877 = tpu.memref_slice %arg9[%dma_wait3A_875, %dma_wait3A_876] : memref<80x128xf32, #tpu.memory_space<vmem>> -> memref<8x128xf32, #tpu.memory_space<vmem>>
        tpu.wait_dma2 semaphore(%arg13 : memref<!tpu.dma_semaphore, #tpu.memory_space<semaphore_mem>>) src(%dma_wait3A_877 : memref<8x128xf32, #tpu.memory_space<vmem>>) dst(%dma_wait3A_874 : memref<8x128xf32, #tpu.memory_space<hbm>>)
      } else {
      }
      %get3A = arith.index_cast %add3A_500 : i32 to index
      %get3A_523 = arith.constant 0 : index
      %get3A_524 = tpu.vector_load %arg6[%get3A, %get3A_523] {strides = array<i32>} : memref<200x128xi32, #tpu.memory_space<vmem>>, vector<16xi32>,
      %get3A_525 = arith.index_cast %add3A_500 : i32 to index
      %get3A_526 = arith.constant 16 : index
      %get3A_527 = tpu.vector_load %arg6[%get3A_525, %get3A_526] {strides = array<i32>} : memref<200x128xi32, #tpu.memory_space<vmem>>, vector<16xi32>,
      %get3A_528 = arith.index_cast %add3A_500 : i32 to index
      %get3A_529 = arith.constant 32 : index
      %get3A_530 = tpu.vector_load %arg6[%get3A_528, %get3A_529] {strides = array<i32>} : memref<200x128xi32, #tpu.memory_space<vmem>>, vector<16xi32>,
      %get3A_531 = arith.index_cast %add3A_500 : i32 to index
      %get3A_532 = arith.constant 48 : index
      %get3A_533 = tpu.vector_load %arg6[%get3A_531, %get3A_532] {strides = array<i32>} : memref<200x128xi32, #tpu.memory_space<vmem>>, vector<16xi32>,
      %get3A_534 = arith.index_cast %add3A_500 : i32 to index
      %get3A_535 = arith.constant 64 : index
      %get3A_536 = tpu.vector_load %arg6[%get3A_534, %get3A_535] {strides = array<i32>} : memref<200x128xi32, #tpu.memory_space<vmem>>, vector<16xi32>,
      %get3A_537 = arith.index_cast %add3A_500 : i32 to index
      %get3A_538 = arith.constant 80 : index
      %get3A_539 = tpu.vector_load %arg6[%get3A_537, %get3A_538] {strides = array<i32>} : memref<200x128xi32, #tpu.memory_space<vmem>>, vector<16xi32>,
      %get3A_540 = arith.index_cast %add3A_500 : i32 to index
      %get3A_541 = arith.constant 96 : index
      %get3A_542 = tpu.vector_load %arg6[%get3A_540, %get3A_541] {strides = array<i32>} : memref<200x128xi32, #tpu.memory_space<vmem>>, vector<16xi32>,
      %get3A_543 = arith.index_cast %add3A_500 : i32 to index
      %get3A_544 = arith.constant 112 : index
      %get3A_545 = tpu.vector_load %arg6[%get3A_543, %get3A_544] {strides = array<i32>} : memref<200x128xi32, #tpu.memory_space<vmem>>, vector<16xi32>,
      %scan3A_546 = arith.constant 0 : i32
      %scan3A_547 = arith.constant 0 : i32
      %scan3A_548 = arith.constant 10 : i32
      %scan3A_549 = arith.addi %scan3A_547, %scan3A_548 : i32
      %scan3A_550 = arith.constant 1 : i32
      %scan3A_551 = scf.for %scan3A_758 = %scan3A_547 to %scan3A_549 step %scan3A_550 iter_args(%scan3A_759 = %scan3A_546) -> (i32)  : i32 {
        %mul3A_760 = arith.constant 8 : i32
        %mul3A_761 = arith.muli %scan3A_758, %mul3A_760 : i32
        %mul3A_762 = arith.constant 304 : i32
        %mul3A_763 = arith.muli %mul3A_761, %mul3A_762 : i32
        %gather3A = tpu.memref_slice %arg8[%mul3A_763] : memref<24320xf32, #tpu.memory_space<vmem>> -> memref<304xf32, #tpu.memory_space<vmem>>
        %gather3A_764 = tpu.vector_load_idx %gather3A[%get3A_524] : memref<304xf32, #tpu.memory_space<vmem>>[vector<16xi32>], vector<16xf32>,
        %gather3A_765 = tpu.memref_slice %arg8[%mul3A_763] : memref<24320xf32, #tpu.memory_space<vmem>> -> memref<304xf32, #tpu.memory_space<vmem>>
        %gather3A_766 = tpu.vector_load_idx %gather3A_765[%get3A_527] : memref<304xf32, #tpu.memory_space<vmem>>[vector<16xi32>], vector<16xf32>,
        %gather3A_767 = tpu.memref_slice %arg8[%mul3A_763] : memref<24320xf32, #tpu.memory_space<vmem>> -> memref<304xf32, #tpu.memory_space<vmem>>
        %gather3A_768 = tpu.vector_load_idx %gather3A_767[%get3A_530] : memref<304xf32, #tpu.memory_space<vmem>>[vector<16xi32>], vector<16xf32>,
        %gather3A_769 = tpu.memref_slice %arg8[%mul3A_763] : memref<24320xf32, #tpu.memory_space<vmem>> -> memref<304xf32, #tpu.memory_space<vmem>>
        %gather3A_770 = tpu.vector_load_idx %gather3A_769[%get3A_533] : memref<304xf32, #tpu.memory_space<vmem>>[vector<16xi32>], vector<16xf32>,
        %gather3A_771 = tpu.memref_slice %arg8[%mul3A_763] : memref<24320xf32, #tpu.memory_space<vmem>> -> memref<304xf32, #tpu.memory_space<vmem>>
        %gather3A_772 = tpu.vector_load_idx %gather3A_771[%get3A_536] : memref<304xf32, #tpu.memory_space<vmem>>[vector<16xi32>], vector<16xf32>,
        %gather3A_773 = tpu.memref_slice %arg8[%mul3A_763] : memref<24320xf32, #tpu.memory_space<vmem>> -> memref<304xf32, #tpu.memory_space<vmem>>
        %gather3A_774 = tpu.vector_load_idx %gather3A_773[%get3A_539] : memref<304xf32, #tpu.memory_space<vmem>>[vector<16xi32>], vector<16xf32>,
        %gather3A_775 = tpu.memref_slice %arg8[%mul3A_763] : memref<24320xf32, #tpu.memory_space<vmem>> -> memref<304xf32, #tpu.memory_space<vmem>>
        %gather3A_776 = tpu.vector_load_idx %gather3A_775[%get3A_542] : memref<304xf32, #tpu.memory_space<vmem>>[vector<16xi32>], vector<16xf32>,
        %gather3A_777 = tpu.memref_slice %arg8[%mul3A_763] : memref<24320xf32, #tpu.memory_space<vmem>> -> memref<304xf32, #tpu.memory_space<vmem>>
        %gather3A_778 = tpu.vector_load_idx %gather3A_777[%get3A_545] : memref<304xf32, #tpu.memory_space<vmem>>[vector<16xi32>], vector<16xf32>,
        %mul3A_779 = arith.constant 8 : i32
        %mul3A_780 = arith.muli %scan3A_758, %mul3A_779 : i32
        %add3A_781 = arith.constant 1 : i32
        %add3A_782 = arith.addi %mul3A_780, %add3A_781 : i32
        %mul3A_783 = arith.constant 304 : i32
        %mul3A_784 = arith.muli %add3A_782, %mul3A_783 : i32
        %gather3A_785 = tpu.memref_slice %arg8[%mul3A_784] : memref<24320xf32, #tpu.memory_space<vmem>> -> memref<304xf32, #tpu.memory_space<vmem>>
        %gather3A_786 = tpu.vector_load_idx %gather3A_785[%get3A_524] : memref<304xf32, #tpu.memory_space<vmem>>[vector<16xi32>], vector<16xf32>,
        %gather3A_787 = tpu.memref_slice %arg8[%mul3A_784] : memref<24320xf32, #tpu.memory_space<vmem>> -> memref<304xf32, #tpu.memory_space<vmem>>
        %gather3A_788 = tpu.vector_load_idx %gather3A_787[%get3A_527] : memref<304xf32, #tpu.memory_space<vmem>>[vector<16xi32>], vector<16xf32>,
        %gather3A_789 = tpu.memref_slice %arg8[%mul3A_784] : memref<24320xf32, #tpu.memory_space<vmem>> -> memref<304xf32, #tpu.memory_space<vmem>>
        %gather3A_790 = tpu.vector_load_idx %gather3A_789[%get3A_530] : memref<304xf32, #tpu.memory_space<vmem>>[vector<16xi32>], vector<16xf32>,
        %gather3A_791 = tpu.memref_slice %arg8[%mul3A_784] : memref<24320xf32, #tpu.memory_space<vmem>> -> memref<304xf32, #tpu.memory_space<vmem>>
        %gather3A_792 = tpu.vector_load_idx %gather3A_791[%get3A_533] : memref<304xf32, #tpu.memory_space<vmem>>[vector<16xi32>], vector<16xf32>,
        %gather3A_793 = tpu.memref_slice %arg8[%mul3A_784] : memref<24320xf32, #tpu.memory_space<vmem>> -> memref<304xf32, #tpu.memory_space<vmem>>
        %gather3A_794 = tpu.vector_load_idx %gather3A_793[%get3A_536] : memref<304xf32, #tpu.memory_space<vmem>>[vector<16xi32>], vector<16xf32>,
        %gather3A_795 = tpu.memref_slice %arg8[%mul3A_784] : memref<24320xf32, #tpu.memory_space<vmem>> -> memref<304xf32, #tpu.memory_space<vmem>>
        %gather3A_796 = tpu.vector_load_idx %gather3A_795[%get3A_539] : memref<304xf32, #tpu.memory_space<vmem>>[vector<16xi32>], vector<16xf32>,
        %gather3A_797 = tpu.memref_slice %arg8[%mul3A_784] : memref<24320xf32, #tpu.memory_space<vmem>> -> memref<304xf32, #tpu.memory_space<vmem>>
        %gather3A_798 = tpu.vector_load_idx %gather3A_797[%get3A_542] : memref<304xf32, #tpu.memory_space<vmem>>[vector<16xi32>], vector<16xf32>,
        %gather3A_799 = tpu.memref_slice %arg8[%mul3A_784] : memref<24320xf32, #tpu.memory_space<vmem>> -> memref<304xf32, #tpu.memory_space<vmem>>
        %gather3A_800 = tpu.vector_load_idx %gather3A_799[%get3A_545] : memref<304xf32, #tpu.memory_space<vmem>>[vector<16xi32>], vector<16xf32>,
        %mul3A_801 = arith.constant 8 : i32
        %mul3A_802 = arith.muli %scan3A_758, %mul3A_801 : i32
        %add3A_803 = arith.constant 1 : i32
        %add3A_804 = arith.addi %mul3A_802, %add3A_803 : i32
        %sub3A_805 = arith.constant 1 : i32
        %sub3A_806 = arith.subi %add3A_804, %sub3A_805 : i32
        %swap3A = arith.index_cast %sub3A_806 : i32 to index
        %swap3A_807 = arith.constant 0 : index
        %swap3A_808 = tpu.vector_load %arg9[%swap3A, %swap3A_807] {strides = array<i32>} : memref<80x128xf32, #tpu.memory_space<vmem>>, vector<16xf32>,
        tpu.vector_store %arg9[%swap3A, %swap3A_807], %gather3A_764 {strides = array<i32>} : memref<80x128xf32, #tpu.memory_space<vmem>>, vector<16xf32>,
        %swap3A_809 = arith.index_cast %sub3A_806 : i32 to index
        %swap3A_810 = arith.constant 16 : index
        %swap3A_811 = tpu.vector_load %arg9[%swap3A_809, %swap3A_810] {strides = array<i32>} : memref<80x128xf32, #tpu.memory_space<vmem>>, vector<16xf32>,
        tpu.vector_store %arg9[%swap3A_809, %swap3A_810], %gather3A_766 {strides = array<i32>} : memref<80x128xf32, #tpu.memory_space<vmem>>, vector<16xf32>,
        %swap3A_812 = arith.index_cast %sub3A_806 : i32 to index
        %swap3A_813 = arith.constant 32 : index
        %swap3A_814 = tpu.vector_load %arg9[%swap3A_812, %swap3A_813] {strides = array<i32>} : memref<80x128xf32, #tpu.memory_space<vmem>>, vector<16xf32>,
        tpu.vector_store %arg9[%swap3A_812, %swap3A_813], %gather3A_768 {strides = array<i32>} : memref<80x128xf32, #tpu.memory_space<vmem>>, vector<16xf32>,
        %swap3A_815 = arith.index_cast %sub3A_806 : i32 to index
        %swap3A_816 = arith.constant 48 : index
        %swap3A_817 = tpu.vector_load %arg9[%swap3A_815, %swap3A_816] {strides = array<i32>} : memref<80x128xf32, #tpu.memory_space<vmem>>, vector<16xf32>,
        tpu.vector_store %arg9[%swap3A_815, %swap3A_816], %gather3A_770 {strides = array<i32>} : memref<80x128xf32, #tpu.memory_space<vmem>>, vector<16xf32>,
        %swap3A_818 = arith.index_cast %sub3A_806 : i32 to index
        %swap3A_819 = arith.constant 64 : index
        %swap3A_820 = tpu.vector_load %arg9[%swap3A_818, %swap3A_819] {strides = array<i32>} : memref<80x128xf32, #tpu.memory_space<vmem>>, vector<16xf32>,
        tpu.vector_store %arg9[%swap3A_818, %swap3A_819], %gather3A_772 {strides = array<i32>} : memref<80x128xf32, #tpu.memory_space<vmem>>, vector<16xf32>,
        %swap3A_821 = arith.index_cast %sub3A_806 : i32 to index
        %swap3A_822 = arith.constant 80 : index
        %swap3A_823 = tpu.vector_load %arg9[%swap3A_821, %swap3A_822] {strides = array<i32>} : memref<80x128xf32, #tpu.memory_space<vmem>>, vector<16xf32>,
        tpu.vector_store %arg9[%swap3A_821, %swap3A_822], %gather3A_774 {strides = array<i32>} : memref<80x128xf32, #tpu.memory_space<vmem>>, vector<16xf32>,
        %swap3A_824 = arith.index_cast %sub3A_806 : i32 to index
        %swap3A_825 = arith.constant 96 : index
        %swap3A_826 = tpu.vector_load %arg9[%swap3A_824, %swap3A_825] {strides = array<i32>} : memref<80x128xf32, #tpu.memory_space<vmem>>, vector<16xf32>,
        tpu.vector_store %arg9[%swap3A_824, %swap3A_825], %gather3A_776 {strides = array<i32>} : memref<80x128xf32, #tpu.memory_space<vmem>>, vector<16xf32>,
        %swap3A_827 = arith.index_cast %sub3A_806 : i32 to index
        %swap3A_828 = arith.constant 112 : index
        %swap3A_829 = tpu.vector_load %arg9[%swap3A_827, %swap3A_828] {strides = array<i32>} : memref<80x128xf32, #tpu.memory_space<vmem>>, vector<16xf32>,
        tpu.vector_store %arg9[%swap3A_827, %swap3A_828], %gather3A_778 {strides = array<i32>} : memref<80x128xf32, #tpu.memory_space<vmem>>, vector<16xf32>,
        %mul3A_830 = arith.constant 8 : i32
        %mul3A_831 = arith.muli %scan3A_758, %mul3A_830 : i32
        %add3A_832 = arith.constant 2 : i32
        %add3A_833 = arith.addi %mul3A_831, %add3A_832 : i32
        %mul3A_834 = arith.constant 304 : i32
        %mul3A_835 = arith.muli %add3A_833, %mul3A_834 : i32
        %gather3A_836 = tpu.memref_slice %arg8[%mul3A_835] : memref<24320xf32, #tpu.memory_space<vmem>> -> memref<304xf32, #tpu.memory_space<vmem>>
        %gather3A_837 = tpu.vector_load_idx %gather3A_836[%get3A_524] : memref<304xf32, #tpu.memory_space<vmem>>[vector<16xi32>], vector<16xf32>,
        %gather3A_838 = tpu.memref_slice %arg8[%mul3A_835] : memref<24320xf32, #tpu.memory_space<vmem>> -> memref<304xf32, #tpu.memory_space<vmem>>
        %gather3A_839 = tpu.vector_load_idx %gather3A_838[%get3A_527] : memref<304xf32, #tpu.memory_space<vmem>>[vector<16xi32>], vector<16xf32>,
        %gather3A_840 = tpu.memref_slice %arg8[%mul3A_835] : memref<24320xf32, #tpu.memory_space<vmem>> -> memref<304xf32, #tpu.memory_space<vmem>>
        %gather3A_841 = tpu.vector_load_idx %gather3A_840[%get3A_530] : memref<304xf32, #tpu.memory_space<vmem>>[vector<16xi32>], vector<16xf32>,
        %gather3A_842 = tpu.memref_slice %arg8[%mul3A_835] : memref<24320xf32, #tpu.memory_space<vmem>> -> memref<304xf32, #tpu.memory_space<vmem>>
        %gather3A_843 = tpu.vector_load_idx %gather3A_842[%get3A_533] : memref<304xf32, #tpu.memory_space<vmem>>[vector<16xi32>], vector<16xf32>,
        %gather3A_844 = tpu.memref_slice %arg8[%mul3A_835] : memref<24320xf32, #tpu.memory_space<vmem>> -> memref<304xf32, #tpu.memory_space<vmem>>
        %gather3A_845 = tpu.vector_load_idx %gather3A_844[%get3A_536] : memref<304xf32, #tpu.memory_space<vmem>>[vector<16xi32>], vector<16xf32>,
        %gather3A_846 = tpu.memref_slice %arg8[%mul3A_835] : memref<24320xf32, #tpu.memory_space<vmem>> -> memref<304xf32, #tpu.memory_space<vmem>>
        %gather3A_847 = tpu.vector_load_idx %gather3A_846[%get3A_539] : memref<304xf32, #tpu.memory_space<vmem>>[vector<16xi32>], vector<16xf32>,
        %gather3A_848 = tpu.memref_slice %arg8[%mul3A_835] : memref<24320xf32, #tpu.memory_space<vmem>> -> memref<304xf32, #tpu.memory_space<vmem>>
        %gather3A_849 = tpu.vector_load_idx %gather3A_848[%get3A_542] : memref<304xf32, #tpu.memory_space<vmem>>[vector<16xi32>], vector<16xf32>,
        %gather3A_850 = tpu.memref_slice %arg8[%mul3A_835] : memref<24320xf32, #tpu.memory_space<vmem>> -> memref<304xf32, #tpu.memory_space<vmem>>
        %gather3A_851 = tpu.vector_load_idx %gather3A_850[%get3A_545] : memref<304xf32, #tpu.memory_space<vmem>>[vector<16xi32>], vector<16xf32>,
        %mul3A_852 = arith.constant 8 : i32
        %mul3A_853 = arith.muli %scan3A_758, %mul3A_852 : i32
        %add3A_854 = arith.constant 2 : i32
        %add3A_855 = arith.addi %mul3A_853, %add3A_854 : i32
        %sub3A_856 = arith.constant 1 : i32
        %sub3A_857 = arith.subi %add3A_855, %sub3A_856 : i32
        %swap3A_858 = arith.index_cast %sub3A_857 : i32 to index
        %swap3A_859 = arith.constant 0 : index
        %swap3A_860 = tpu.vector_load %arg9[%swap3A_858, %swap3A_859] {strides = array<i32>} : memref<80x128xf32, #tpu.memory_space<vmem>>, vector<16xf32>,
        tpu.vector_store %arg9[%swap3A_858, %swap3A_859], %gather3A_786 {strides = array<i32>} : memref<80x128xf32, #tpu.memory_space<vmem>>, vector<16xf32>,
        %swap3A_861 = arith.index_cast %sub3A_857 : i32 to index
        %swap3A_862 = arith.constant 16 : index
        %swap3A_863 = tpu.vector_load %arg9[%swap3A_861, %swap3A_862] {strides = array<i32>} : memref<80x128xf32, #tpu.memory_space<vmem>>, vector<16xf32>,
        tpu.vector_store %arg9[%swap3A_861, %swap3A_862], %gather3A_788 {strides = array<i32>} : memref<80x128xf32, #tpu.memory_space<vmem>>, vector<16xf32>,
        %swap3A_864 = arith.index_cast %sub3A_857 : i32 to index
        %swap3A_865 = arith.constant 32 : index
        %swap3A_866 = tpu.vector_load %arg9[%swap3A_864, %swap3A_865] {strides = array<i32>} : memref<80x128xf32, #tpu.memory_space<vmem>>, vector<16xf32>,
        tpu.vector_store %arg9[%swap3A_864, %swap3A_865], %gather3A_790 {strides = array<i32>} : memref<80x128xf32, #tpu.memory_space<vmem>>, vector<16xf32>,
        %swap3A_867 = arith.index_cast %sub3A_857 : i32 to index
        %swap3A_868 = arith.constant 48 : index
        %swap3A_869 = tpu.vector_load %arg9[%swap3A_867, %swap3A_868] {strides = array<i32>} : memref<80x128xf32, #tpu.memory_space<vmem>>, vector<16xf32>,
        tpu.vector_store %arg9[%swap3A_867, %swap3A_868], %gather3A_792 {strides = array<i32>} : memref<80x128xf32, #tpu.memory_space<vmem>>, vector<16xf32>,
        %swap3A_870 = arith.index_cast %sub3A_857 : i32 to index
        %swap3A_871 = arith.constant 64 : index
        %swap3A_872 = tpu.vector_load %arg9[%swap3A_870, %swap3A_871] {strides = array<i32>} : memref<80x128xf32, #tpu.memory_space<vmem>>, vector<16xf32>,
        tpu.vector_store %arg9[%swap3A_870, %swap3A_871], %gather3A_794 {strides = array<i32>} : memref<80x128xf32, #tpu.memory_space<vmem>>, vector<16xf32>,
        %swap3A_873 = arith.index_cast %sub3A_857 : i32 to index
        %swap3A_874 = arith.constant 80 : index
        %swap3A_875 = tpu.vector_load %arg9[%swap3A_873, %swap3A_874] {strides = array<i32>} : memref<80x128xf32, #tpu.memory_space<vmem>>, vector<16xf32>,
        tpu.vector_store %arg9[%swap3A_873, %swap3A_874], %gather3A_796 {strides = array<i32>} : memref<80x128xf32, #tpu.memory_space<vmem>>, vector<16xf32>,
        %swap3A_876 = arith.index_cast %sub3A_857 : i32 to index
        %swap3A_877 = arith.constant 96 : index
        %swap3A_878 = tpu.vector_load %arg9[%swap3A_876, %swap3A_877] {strides = array<i32>} : memref<80x128xf32, #tpu.memory_space<vmem>>, vector<16xf32>,
        tpu.vector_store %arg9[%swap3A_876, %swap3A_877], %gather3A_798 {strides = array<i32>} : memref<80x128xf32, #tpu.memory_space<vmem>>, vector<16xf32>,
        %swap3A_879 = arith.index_cast %sub3A_857 : i32 to index
        %swap3A_880 = arith.constant 112 : index
        %swap3A_881 = tpu.vector_load %arg9[%swap3A_879, %swap3A_880] {strides = array<i32>} : memref<80x128xf32, #tpu.memory_space<vmem>>, vector<16xf32>,
        tpu.vector_store %arg9[%swap3A_879, %swap3A_880], %gather3A_800 {strides = array<i32>} : memref<80x128xf32, #tpu.memory_space<vmem>>, vector<16xf32>,
        %mul3A_882 = arith.constant 8 : i32
        %mul3A_883 = arith.muli %scan3A_758, %mul3A_882 : i32
        %add3A_884 = arith.constant 3 : i32
        %add3A_885 = arith.addi %mul3A_883, %add3A_884 : i32
        %mul3A_886 = arith.constant 304 : i32
        %mul3A_887 = arith.muli %add3A_885, %mul3A_886 : i32
        %gather3A_888 = tpu.memref_slice %arg8[%mul3A_887] : memref<24320xf32, #tpu.memory_space<vmem>> -> memref<304xf32, #tpu.memory_space<vmem>>
        %gather3A_889 = tpu.vector_load_idx %gather3A_888[%get3A_524] : memref<304xf32, #tpu.memory_space<vmem>>[vector<16xi32>], vector<16xf32>,
        %gather3A_890 = tpu.memref_slice %arg8[%mul3A_887] : memref<24320xf32, #tpu.memory_space<vmem>> -> memref<304xf32, #tpu.memory_space<vmem>>
        %gather3A_891 = tpu.vector_load_idx %gather3A_890[%get3A_527] : memref<304xf32, #tpu.memory_space<vmem>>[vector<16xi32>], vector<16xf32>,
        %gather3A_892 = tpu.memref_slice %arg8[%mul3A_887] : memref<24320xf32, #tpu.memory_space<vmem>> -> memref<304xf32, #tpu.memory_space<vmem>>
        %gather3A_893 = tpu.vector_load_idx %gather3A_892[%get3A_530] : memref<304xf32, #tpu.memory_space<vmem>>[vector<16xi32>], vector<16xf32>,
        %gather3A_894 = tpu.memref_slice %arg8[%mul3A_887] : memref<24320xf32, #tpu.memory_space<vmem>> -> memref<304xf32, #tpu.memory_space<vmem>>
        %gather3A_895 = tpu.vector_load_idx %gather3A_894[%get3A_533] : memref<304xf32, #tpu.memory_space<vmem>>[vector<16xi32>], vector<16xf32>,
        %gather3A_896 = tpu.memref_slice %arg8[%mul3A_887] : memref<24320xf32, #tpu.memory_space<vmem>> -> memref<304xf32, #tpu.memory_space<vmem>>
        %gather3A_897 = tpu.vector_load_idx %gather3A_896[%get3A_536] : memref<304xf32, #tpu.memory_space<vmem>>[vector<16xi32>], vector<16xf32>,
        %gather3A_898 = tpu.memref_slice %arg8[%mul3A_887] : memref<24320xf32, #tpu.memory_space<vmem>> -> memref<304xf32, #tpu.memory_space<vmem>>
        %gather3A_899 = tpu.vector_load_idx %gather3A_898[%get3A_539] : memref<304xf32, #tpu.memory_space<vmem>>[vector<16xi32>], vector<16xf32>,
        %gather3A_900 = tpu.memref_slice %arg8[%mul3A_887] : memref<24320xf32, #tpu.memory_space<vmem>> -> memref<304xf32, #tpu.memory_space<vmem>>
        %gather3A_901 = tpu.vector_load_idx %gather3A_900[%get3A_542] : memref<304xf32, #tpu.memory_space<vmem>>[vector<16xi32>], vector<16xf32>,
        %gather3A_902 = tpu.memref_slice %arg8[%mul3A_887] : memref<24320xf32, #tpu.memory_space<vmem>> -> memref<304xf32, #tpu.memory_space<vmem>>
        %gather3A_903 = tpu.vector_load_idx %gather3A_902[%get3A_545] : memref<304xf32, #tpu.memory_space<vmem>>[vector<16xi32>], vector<16xf32>,
        %mul3A_904 = arith.constant 8 : i32
        %mul3A_905 = arith.muli %scan3A_758, %mul3A_904 : i32
        %add3A_906 = arith.constant 3 : i32
        %add3A_907 = arith.addi %mul3A_905, %add3A_906 : i32
        %sub3A_908 = arith.constant 1 : i32
        %sub3A_909 = arith.subi %add3A_907, %sub3A_908 : i32
        %swap3A_910 = arith.index_cast %sub3A_909 : i32 to index
        %swap3A_911 = arith.constant 0 : index
        %swap3A_912 = tpu.vector_load %arg9[%swap3A_910, %swap3A_911] {strides = array<i32>} : memref<80x128xf32, #tpu.memory_space<vmem>>, vector<16xf32>,
        tpu.vector_store %arg9[%swap3A_910, %swap3A_911], %gather3A_837 {strides = array<i32>} : memref<80x128xf32, #tpu.memory_space<vmem>>, vector<16xf32>,
        %swap3A_913 = arith.index_cast %sub3A_909 : i32 to index
        %swap3A_914 = arith.constant 16 : index
        %swap3A_915 = tpu.vector_load %arg9[%swap3A_913, %swap3A_914] {strides = array<i32>} : memref<80x128xf32, #tpu.memory_space<vmem>>, vector<16xf32>,
        tpu.vector_store %arg9[%swap3A_913, %swap3A_914], %gather3A_839 {strides = array<i32>} : memref<80x128xf32, #tpu.memory_space<vmem>>, vector<16xf32>,
        %swap3A_916 = arith.index_cast %sub3A_909 : i32 to index
        %swap3A_917 = arith.constant 32 : index
        %swap3A_918 = tpu.vector_load %arg9[%swap3A_916, %swap3A_917] {strides = array<i32>} : memref<80x128xf32, #tpu.memory_space<vmem>>, vector<16xf32>,
        tpu.vector_store %arg9[%swap3A_916, %swap3A_917], %gather3A_841 {strides = array<i32>} : memref<80x128xf32, #tpu.memory_space<vmem>>, vector<16xf32>,
        %swap3A_919 = arith.index_cast %sub3A_909 : i32 to index
        %swap3A_920 = arith.constant 48 : index
        %swap3A_921 = tpu.vector_load %arg9[%swap3A_919, %swap3A_920] {strides = array<i32>} : memref<80x128xf32, #tpu.memory_space<vmem>>, vector<16xf32>,
        tpu.vector_store %arg9[%swap3A_919, %swap3A_920], %gather3A_843 {strides = array<i32>} : memref<80x128xf32, #tpu.memory_space<vmem>>, vector<16xf32>,
        %swap3A_922 = arith.index_cast %sub3A_909 : i32 to index
        %swap3A_923 = arith.constant 64 : index
        %swap3A_924 = tpu.vector_load %arg9[%swap3A_922, %swap3A_923] {strides = array<i32>} : memref<80x128xf32, #tpu.memory_space<vmem>>, vector<16xf32>,
        tpu.vector_store %arg9[%swap3A_922, %swap3A_923], %gather3A_845 {strides = array<i32>} : memref<80x128xf32, #tpu.memory_space<vmem>>, vector<16xf32>,
        %swap3A_925 = arith.index_cast %sub3A_909 : i32 to index
        %swap3A_926 = arith.constant 80 : index
        %swap3A_927 = tpu.vector_load %arg9[%swap3A_925, %swap3A_926] {strides = array<i32>} : memref<80x128xf32, #tpu.memory_space<vmem>>, vector<16xf32>,
        tpu.vector_store %arg9[%swap3A_925, %swap3A_926], %gather3A_847 {strides = array<i32>} : memref<80x128xf32, #tpu.memory_space<vmem>>, vector<16xf32>,
        %swap3A_928 = arith.index_cast %sub3A_909 : i32 to index
        %swap3A_929 = arith.constant 96 : index
        %swap3A_930 = tpu.vector_load %arg9[%swap3A_928, %swap3A_929] {strides = array<i32>} : memref<80x128xf32, #tpu.memory_space<vmem>>, vector<16xf32>,
        tpu.vector_store %arg9[%swap3A_928, %swap3A_929], %gather3A_849 {strides = array<i32>} : memref<80x128xf32, #tpu.memory_space<vmem>>, vector<16xf32>,
        %swap3A_931 = arith.index_cast %sub3A_909 : i32 to index
        %swap3A_932 = arith.constant 112 : index
        %swap3A_933 = tpu.vector_load %arg9[%swap3A_931, %swap3A_932] {strides = array<i32>} : memref<80x128xf32, #tpu.memory_space<vmem>>, vector<16xf32>,
        tpu.vector_store %arg9[%swap3A_931, %swap3A_932], %gather3A_851 {strides = array<i32>} : memref<80x128xf32, #tpu.memory_space<vmem>>, vector<16xf32>,
        %mul3A_934 = arith.constant 8 : i32
        %mul3A_935 = arith.muli %scan3A_758, %mul3A_934 : i32
        %add3A_936 = arith.constant 4 : i32
        %add3A_937 = arith.addi %mul3A_935, %add3A_936 : i32
        %mul3A_938 = arith.constant 304 : i32
        %mul3A_939 = arith.muli %add3A_937, %mul3A_938 : i32
        %gather3A_940 = tpu.memref_slice %arg8[%mul3A_939] : memref<24320xf32, #tpu.memory_space<vmem>> -> memref<304xf32, #tpu.memory_space<vmem>>
        %gather3A_941 = tpu.vector_load_idx %gather3A_940[%get3A_524] : memref<304xf32, #tpu.memory_space<vmem>>[vector<16xi32>], vector<16xf32>,
        %gather3A_942 = tpu.memref_slice %arg8[%mul3A_939] : memref<24320xf32, #tpu.memory_space<vmem>> -> memref<304xf32, #tpu.memory_space<vmem>>
        %gather3A_943 = tpu.vector_load_idx %gather3A_942[%get3A_527] : memref<304xf32, #tpu.memory_space<vmem>>[vector<16xi32>], vector<16xf32>,
        %gather3A_944 = tpu.memref_slice %arg8[%mul3A_939] : memref<24320xf32, #tpu.memory_space<vmem>> -> memref<304xf32, #tpu.memory_space<vmem>>
        %gather3A_945 = tpu.vector_load_idx %gather3A_944[%get3A_530] : memref<304xf32, #tpu.memory_space<vmem>>[vector<16xi32>], vector<16xf32>,
        %gather3A_946 = tpu.memref_slice %arg8[%mul3A_939] : memref<24320xf32, #tpu.memory_space<vmem>> -> memref<304xf32, #tpu.memory_space<vmem>>
        %gather3A_947 = tpu.vector_load_idx %gather3A_946[%get3A_533] : memref<304xf32, #tpu.memory_space<vmem>>[vector<16xi32>], vector<16xf32>,
        %gather3A_948 = tpu.memref_slice %arg8[%mul3A_939] : memref<24320xf32, #tpu.memory_space<vmem>> -> memref<304xf32, #tpu.memory_space<vmem>>
        %gather3A_949 = tpu.vector_load_idx %gather3A_948[%get3A_536] : memref<304xf32, #tpu.memory_space<vmem>>[vector<16xi32>], vector<16xf32>,
        %gather3A_950 = tpu.memref_slice %arg8[%mul3A_939] : memref<24320xf32, #tpu.memory_space<vmem>> -> memref<304xf32, #tpu.memory_space<vmem>>
        %gather3A_951 = tpu.vector_load_idx %gather3A_950[%get3A_539] : memref<304xf32, #tpu.memory_space<vmem>>[vector<16xi32>], vector<16xf32>,
        %gather3A_952 = tpu.memref_slice %arg8[%mul3A_939] : memref<24320xf32, #tpu.memory_space<vmem>> -> memref<304xf32, #tpu.memory_space<vmem>>
        %gather3A_953 = tpu.vector_load_idx %gather3A_952[%get3A_542] : memref<304xf32, #tpu.memory_space<vmem>>[vector<16xi32>], vector<16xf32>,
        %gather3A_954 = tpu.memref_slice %arg8[%mul3A_939] : memref<24320xf32, #tpu.memory_space<vmem>> -> memref<304xf32, #tpu.memory_space<vmem>>
        %gather3A_955 = tpu.vector_load_idx %gather3A_954[%get3A_545] : memref<304xf32, #tpu.memory_space<vmem>>[vector<16xi32>], vector<16xf32>,
        %mul3A_956 = arith.constant 8 : i32
        %mul3A_957 = arith.muli %scan3A_758, %mul3A_956 : i32
        %add3A_958 = arith.constant 4 : i32
        %add3A_959 = arith.addi %mul3A_957, %add3A_958 : i32
        %sub3A_960 = arith.constant 1 : i32
        %sub3A_961 = arith.subi %add3A_959, %sub3A_960 : i32
        %swap3A_962 = arith.index_cast %sub3A_961 : i32 to index
        %swap3A_963 = arith.constant 0 : index
        %swap3A_964 = tpu.vector_load %arg9[%swap3A_962, %swap3A_963] {strides = array<i32>} : memref<80x128xf32, #tpu.memory_space<vmem>>, vector<16xf32>,
        tpu.vector_store %arg9[%swap3A_962, %swap3A_963], %gather3A_889 {strides = array<i32>} : memref<80x128xf32, #tpu.memory_space<vmem>>, vector<16xf32>,
        %swap3A_965 = arith.index_cast %sub3A_961 : i32 to index
        %swap3A_966 = arith.constant 16 : index
        %swap3A_967 = tpu.vector_load %arg9[%swap3A_965, %swap3A_966] {strides = array<i32>} : memref<80x128xf32, #tpu.memory_space<vmem>>, vector<16xf32>,
        tpu.vector_store %arg9[%swap3A_965, %swap3A_966], %gather3A_891 {strides = array<i32>} : memref<80x128xf32, #tpu.memory_space<vmem>>, vector<16xf32>,
        %swap3A_968 = arith.index_cast %sub3A_961 : i32 to index
        %swap3A_969 = arith.constant 32 : index
        %swap3A_970 = tpu.vector_load %arg9[%swap3A_968, %swap3A_969] {strides = array<i32>} : memref<80x128xf32, #tpu.memory_space<vmem>>, vector<16xf32>,
        tpu.vector_store %arg9[%swap3A_968, %swap3A_969], %gather3A_893 {strides = array<i32>} : memref<80x128xf32, #tpu.memory_space<vmem>>, vector<16xf32>,
        %swap3A_971 = arith.index_cast %sub3A_961 : i32 to index
        %swap3A_972 = arith.constant 48 : index
        %swap3A_973 = tpu.vector_load %arg9[%swap3A_971, %swap3A_972] {strides = array<i32>} : memref<80x128xf32, #tpu.memory_space<vmem>>, vector<16xf32>,
        tpu.vector_store %arg9[%swap3A_971, %swap3A_972], %gather3A_895 {strides = array<i32>} : memref<80x128xf32, #tpu.memory_space<vmem>>, vector<16xf32>,
        %swap3A_974 = arith.index_cast %sub3A_961 : i32 to index
        %swap3A_975 = arith.constant 64 : index
        %swap3A_976 = tpu.vector_load %arg9[%swap3A_974, %swap3A_975] {strides = array<i32>} : memref<80x128xf32, #tpu.memory_space<vmem>>, vector<16xf32>,
        tpu.vector_store %arg9[%swap3A_974, %swap3A_975], %gather3A_897 {strides = array<i32>} : memref<80x128xf32, #tpu.memory_space<vmem>>, vector<16xf32>,
        %swap3A_977 = arith.index_cast %sub3A_961 : i32 to index
        %swap3A_978 = arith.constant 80 : index
        %swap3A_979 = tpu.vector_load %arg9[%swap3A_977, %swap3A_978] {strides = array<i32>} : memref<80x128xf32, #tpu.memory_space<vmem>>, vector<16xf32>,
        tpu.vector_store %arg9[%swap3A_977, %swap3A_978], %gather3A_899 {strides = array<i32>} : memref<80x128xf32, #tpu.memory_space<vmem>>, vector<16xf32>,
        %swap3A_980 = arith.index_cast %sub3A_961 : i32 to index
        %swap3A_981 = arith.constant 96 : index
        %swap3A_982 = tpu.vector_load %arg9[%swap3A_980, %swap3A_981] {strides = array<i32>} : memref<80x128xf32, #tpu.memory_space<vmem>>, vector<16xf32>,
        tpu.vector_store %arg9[%swap3A_980, %swap3A_981], %gather3A_901 {strides = array<i32>} : memref<80x128xf32, #tpu.memory_space<vmem>>, vector<16xf32>,
        %swap3A_983 = arith.index_cast %sub3A_961 : i32 to index
        %swap3A_984 = arith.constant 112 : index
        %swap3A_985 = tpu.vector_load %arg9[%swap3A_983, %swap3A_984] {strides = array<i32>} : memref<80x128xf32, #tpu.memory_space<vmem>>, vector<16xf32>,
        tpu.vector_store %arg9[%swap3A_983, %swap3A_984], %gather3A_903 {strides = array<i32>} : memref<80x128xf32, #tpu.memory_space<vmem>>, vector<16xf32>,
        %mul3A_986 = arith.constant 8 : i32
        %mul3A_987 = arith.muli %scan3A_758, %mul3A_986 : i32
        %add3A_988 = arith.constant 5 : i32
        %add3A_989 = arith.addi %mul3A_987, %add3A_988 : i32
        %mul3A_990 = arith.constant 304 : i32
        %mul3A_991 = arith.muli %add3A_989, %mul3A_990 : i32
        %gather3A_992 = tpu.memref_slice %arg8[%mul3A_991] : memref<24320xf32, #tpu.memory_space<vmem>> -> memref<304xf32, #tpu.memory_space<vmem>>
        %gather3A_993 = tpu.vector_load_idx %gather3A_992[%get3A_524] : memref<304xf32, #tpu.memory_space<vmem>>[vector<16xi32>], vector<16xf32>,
        %gather3A_994 = tpu.memref_slice %arg8[%mul3A_991] : memref<24320xf32, #tpu.memory_space<vmem>> -> memref<304xf32, #tpu.memory_space<vmem>>
        %gather3A_995 = tpu.vector_load_idx %gather3A_994[%get3A_527] : memref<304xf32, #tpu.memory_space<vmem>>[vector<16xi32>], vector<16xf32>,
        %gather3A_996 = tpu.memref_slice %arg8[%mul3A_991] : memref<24320xf32, #tpu.memory_space<vmem>> -> memref<304xf32, #tpu.memory_space<vmem>>
        %gather3A_997 = tpu.vector_load_idx %gather3A_996[%get3A_530] : memref<304xf32, #tpu.memory_space<vmem>>[vector<16xi32>], vector<16xf32>,
        %gather3A_998 = tpu.memref_slice %arg8[%mul3A_991] : memref<24320xf32, #tpu.memory_space<vmem>> -> memref<304xf32, #tpu.memory_space<vmem>>
        %gather3A_999 = tpu.vector_load_idx %gather3A_998[%get3A_533] : memref<304xf32, #tpu.memory_space<vmem>>[vector<16xi32>], vector<16xf32>,
        %gather3A_1000 = tpu.memref_slice %arg8[%mul3A_991] : memref<24320xf32, #tpu.memory_space<vmem>> -> memref<304xf32, #tpu.memory_space<vmem>>
        %gather3A_1001 = tpu.vector_load_idx %gather3A_1000[%get3A_536] : memref<304xf32, #tpu.memory_space<vmem>>[vector<16xi32>], vector<16xf32>,
        %gather3A_1002 = tpu.memref_slice %arg8[%mul3A_991] : memref<24320xf32, #tpu.memory_space<vmem>> -> memref<304xf32, #tpu.memory_space<vmem>>
        %gather3A_1003 = tpu.vector_load_idx %gather3A_1002[%get3A_539] : memref<304xf32, #tpu.memory_space<vmem>>[vector<16xi32>], vector<16xf32>,
        %gather3A_1004 = tpu.memref_slice %arg8[%mul3A_991] : memref<24320xf32, #tpu.memory_space<vmem>> -> memref<304xf32, #tpu.memory_space<vmem>>
        %gather3A_1005 = tpu.vector_load_idx %gather3A_1004[%get3A_542] : memref<304xf32, #tpu.memory_space<vmem>>[vector<16xi32>], vector<16xf32>,
        %gather3A_1006 = tpu.memref_slice %arg8[%mul3A_991] : memref<24320xf32, #tpu.memory_space<vmem>> -> memref<304xf32, #tpu.memory_space<vmem>>
        %gather3A_1007 = tpu.vector_load_idx %gather3A_1006[%get3A_545] : memref<304xf32, #tpu.memory_space<vmem>>[vector<16xi32>], vector<16xf32>,
        %mul3A_1008 = arith.constant 8 : i32
        %mul3A_1009 = arith.muli %scan3A_758, %mul3A_1008 : i32
        %add3A_1010 = arith.constant 5 : i32
        %add3A_1011 = arith.addi %mul3A_1009, %add3A_1010 : i32
        %sub3A_1012 = arith.constant 1 : i32
        %sub3A_1013 = arith.subi %add3A_1011, %sub3A_1012 : i32
        %swap3A_1014 = arith.index_cast %sub3A_1013 : i32 to index
        %swap3A_1015 = arith.constant 0 : index
        %swap3A_1016 = tpu.vector_load %arg9[%swap3A_1014, %swap3A_1015] {strides = array<i32>} : memref<80x128xf32, #tpu.memory_space<vmem>>, vector<16xf32>,
        tpu.vector_store %arg9[%swap3A_1014, %swap3A_1015], %gather3A_941 {strides = array<i32>} : memref<80x128xf32, #tpu.memory_space<vmem>>, vector<16xf32>,
        %swap3A_1017 = arith.index_cast %sub3A_1013 : i32 to index
        %swap3A_1018 = arith.constant 16 : index
        %swap3A_1019 = tpu.vector_load %arg9[%swap3A_1017, %swap3A_1018] {strides = array<i32>} : memref<80x128xf32, #tpu.memory_space<vmem>>, vector<16xf32>,
        tpu.vector_store %arg9[%swap3A_1017, %swap3A_1018], %gather3A_943 {strides = array<i32>} : memref<80x128xf32, #tpu.memory_space<vmem>>, vector<16xf32>,
        %swap3A_1020 = arith.index_cast %sub3A_1013 : i32 to index
        %swap3A_1021 = arith.constant 32 : index
        %swap3A_1022 = tpu.vector_load %arg9[%swap3A_1020, %swap3A_1021] {strides = array<i32>} : memref<80x128xf32, #tpu.memory_space<vmem>>, vector<16xf32>,
        tpu.vector_store %arg9[%swap3A_1020, %swap3A_1021], %gather3A_945 {strides = array<i32>} : memref<80x128xf32, #tpu.memory_space<vmem>>, vector<16xf32>,
        %swap3A_1023 = arith.index_cast %sub3A_1013 : i32 to index
        %swap3A_1024 = arith.constant 48 : index
        %swap3A_1025 = tpu.vector_load %arg9[%swap3A_1023, %swap3A_1024] {strides = array<i32>} : memref<80x128xf32, #tpu.memory_space<vmem>>, vector<16xf32>,
        tpu.vector_store %arg9[%swap3A_1023, %swap3A_1024], %gather3A_947 {strides = array<i32>} : memref<80x128xf32, #tpu.memory_space<vmem>>, vector<16xf32>,
        %swap3A_1026 = arith.index_cast %sub3A_1013 : i32 to index
        %swap3A_1027 = arith.constant 64 : index
        %swap3A_1028 = tpu.vector_load %arg9[%swap3A_1026, %swap3A_1027] {strides = array<i32>} : memref<80x128xf32, #tpu.memory_space<vmem>>, vector<16xf32>,
        tpu.vector_store %arg9[%swap3A_1026, %swap3A_1027], %gather3A_949 {strides = array<i32>} : memref<80x128xf32, #tpu.memory_space<vmem>>, vector<16xf32>,
        %swap3A_1029 = arith.index_cast %sub3A_1013 : i32 to index
        %swap3A_1030 = arith.constant 80 : index
        %swap3A_1031 = tpu.vector_load %arg9[%swap3A_1029, %swap3A_1030] {strides = array<i32>} : memref<80x128xf32, #tpu.memory_space<vmem>>, vector<16xf32>,
        tpu.vector_store %arg9[%swap3A_1029, %swap3A_1030], %gather3A_951 {strides = array<i32>} : memref<80x128xf32, #tpu.memory_space<vmem>>, vector<16xf32>,
        %swap3A_1032 = arith.index_cast %sub3A_1013 : i32 to index
        %swap3A_1033 = arith.constant 96 : index
        %swap3A_1034 = tpu.vector_load %arg9[%swap3A_1032, %swap3A_1033] {strides = array<i32>} : memref<80x128xf32, #tpu.memory_space<vmem>>, vector<16xf32>,
        tpu.vector_store %arg9[%swap3A_1032, %swap3A_1033], %gather3A_953 {strides = array<i32>} : memref<80x128xf32, #tpu.memory_space<vmem>>, vector<16xf32>,
        %swap3A_1035 = arith.index_cast %sub3A_1013 : i32 to index
        %swap3A_1036 = arith.constant 112 : index
        %swap3A_1037 = tpu.vector_load %arg9[%swap3A_1035, %swap3A_1036] {strides = array<i32>} : memref<80x128xf32, #tpu.memory_space<vmem>>, vector<16xf32>,
        tpu.vector_store %arg9[%swap3A_1035, %swap3A_1036], %gather3A_955 {strides = array<i32>} : memref<80x128xf32, #tpu.memory_space<vmem>>, vector<16xf32>,
        %mul3A_1038 = arith.constant 8 : i32
        %mul3A_1039 = arith.muli %scan3A_758, %mul3A_1038 : i32
        %add3A_1040 = arith.constant 6 : i32
        %add3A_1041 = arith.addi %mul3A_1039, %add3A_1040 : i32
        %mul3A_1042 = arith.constant 304 : i32
        %mul3A_1043 = arith.muli %add3A_1041, %mul3A_1042 : i32
        %gather3A_1044 = tpu.memref_slice %arg8[%mul3A_1043] : memref<24320xf32, #tpu.memory_space<vmem>> -> memref<304xf32, #tpu.memory_space<vmem>>
        %gather3A_1045 = tpu.vector_load_idx %gather3A_1044[%get3A_524] : memref<304xf32, #tpu.memory_space<vmem>>[vector<16xi32>], vector<16xf32>,
        %gather3A_1046 = tpu.memref_slice %arg8[%mul3A_1043] : memref<24320xf32, #tpu.memory_space<vmem>> -> memref<304xf32, #tpu.memory_space<vmem>>
        %gather3A_1047 = tpu.vector_load_idx %gather3A_1046[%get3A_527] : memref<304xf32, #tpu.memory_space<vmem>>[vector<16xi32>], vector<16xf32>,
        %gather3A_1048 = tpu.memref_slice %arg8[%mul3A_1043] : memref<24320xf32, #tpu.memory_space<vmem>> -> memref<304xf32, #tpu.memory_space<vmem>>
        %gather3A_1049 = tpu.vector_load_idx %gather3A_1048[%get3A_530] : memref<304xf32, #tpu.memory_space<vmem>>[vector<16xi32>], vector<16xf32>,
        %gather3A_1050 = tpu.memref_slice %arg8[%mul3A_1043] : memref<24320xf32, #tpu.memory_space<vmem>> -> memref<304xf32, #tpu.memory_space<vmem>>
        %gather3A_1051 = tpu.vector_load_idx %gather3A_1050[%get3A_533] : memref<304xf32, #tpu.memory_space<vmem>>[vector<16xi32>], vector<16xf32>,
        %gather3A_1052 = tpu.memref_slice %arg8[%mul3A_1043] : memref<24320xf32, #tpu.memory_space<vmem>> -> memref<304xf32, #tpu.memory_space<vmem>>
        %gather3A_1053 = tpu.vector_load_idx %gather3A_1052[%get3A_536] : memref<304xf32, #tpu.memory_space<vmem>>[vector<16xi32>], vector<16xf32>,
        %gather3A_1054 = tpu.memref_slice %arg8[%mul3A_1043] : memref<24320xf32, #tpu.memory_space<vmem>> -> memref<304xf32, #tpu.memory_space<vmem>>
        %gather3A_1055 = tpu.vector_load_idx %gather3A_1054[%get3A_539] : memref<304xf32, #tpu.memory_space<vmem>>[vector<16xi32>], vector<16xf32>,
        %gather3A_1056 = tpu.memref_slice %arg8[%mul3A_1043] : memref<24320xf32, #tpu.memory_space<vmem>> -> memref<304xf32, #tpu.memory_space<vmem>>
        %gather3A_1057 = tpu.vector_load_idx %gather3A_1056[%get3A_542] : memref<304xf32, #tpu.memory_space<vmem>>[vector<16xi32>], vector<16xf32>,
        %gather3A_1058 = tpu.memref_slice %arg8[%mul3A_1043] : memref<24320xf32, #tpu.memory_space<vmem>> -> memref<304xf32, #tpu.memory_space<vmem>>
        %gather3A_1059 = tpu.vector_load_idx %gather3A_1058[%get3A_545] : memref<304xf32, #tpu.memory_space<vmem>>[vector<16xi32>], vector<16xf32>,
        %mul3A_1060 = arith.constant 8 : i32
        %mul3A_1061 = arith.muli %scan3A_758, %mul3A_1060 : i32
        %add3A_1062 = arith.constant 6 : i32
        %add3A_1063 = arith.addi %mul3A_1061, %add3A_1062 : i32
        %sub3A_1064 = arith.constant 1 : i32
        %sub3A_1065 = arith.subi %add3A_1063, %sub3A_1064 : i32
        %swap3A_1066 = arith.index_cast %sub3A_1065 : i32 to index
        %swap3A_1067 = arith.constant 0 : index
        %swap3A_1068 = tpu.vector_load %arg9[%swap3A_1066, %swap3A_1067] {strides = array<i32>} : memref<80x128xf32, #tpu.memory_space<vmem>>, vector<16xf32>,
        tpu.vector_store %arg9[%swap3A_1066, %swap3A_1067], %gather3A_993 {strides = array<i32>} : memref<80x128xf32, #tpu.memory_space<vmem>>, vector<16xf32>,
        %swap3A_1069 = arith.index_cast %sub3A_1065 : i32 to index
        %swap3A_1070 = arith.constant 16 : index
        %swap3A_1071 = tpu.vector_load %arg9[%swap3A_1069, %swap3A_1070] {strides = array<i32>} : memref<80x128xf32, #tpu.memory_space<vmem>>, vector<16xf32>,
        tpu.vector_store %arg9[%swap3A_1069, %swap3A_1070], %gather3A_995 {strides = array<i32>} : memref<80x128xf32, #tpu.memory_space<vmem>>, vector<16xf32>,
        %swap3A_1072 = arith.index_cast %sub3A_1065 : i32 to index
        %swap3A_1073 = arith.constant 32 : index
        %swap3A_1074 = tpu.vector_load %arg9[%swap3A_1072, %swap3A_1073] {strides = array<i32>} : memref<80x128xf32, #tpu.memory_space<vmem>>, vector<16xf32>,
        tpu.vector_store %arg9[%swap3A_1072, %swap3A_1073], %gather3A_997 {strides = array<i32>} : memref<80x128xf32, #tpu.memory_space<vmem>>, vector<16xf32>,
        %swap3A_1075 = arith.index_cast %sub3A_1065 : i32 to index
        %swap3A_1076 = arith.constant 48 : index
        %swap3A_1077 = tpu.vector_load %arg9[%swap3A_1075, %swap3A_1076] {strides = array<i32>} : memref<80x128xf32, #tpu.memory_space<vmem>>, vector<16xf32>,
        tpu.vector_store %arg9[%swap3A_1075, %swap3A_1076], %gather3A_999 {strides = array<i32>} : memref<80x128xf32, #tpu.memory_space<vmem>>, vector<16xf32>,
        %swap3A_1078 = arith.index_cast %sub3A_1065 : i32 to index
        %swap3A_1079 = arith.constant 64 : index
        %swap3A_1080 = tpu.vector_load %arg9[%swap3A_1078, %swap3A_1079] {strides = array<i32>} : memref<80x128xf32, #tpu.memory_space<vmem>>, vector<16xf32>,
        tpu.vector_store %arg9[%swap3A_1078, %swap3A_1079], %gather3A_1001 {strides = array<i32>} : memref<80x128xf32, #tpu.memory_space<vmem>>, vector<16xf32>,
        %swap3A_1081 = arith.index_cast %sub3A_1065 : i32 to index
        %swap3A_1082 = arith.constant 80 : index
        %swap3A_1083 = tpu.vector_load %arg9[%swap3A_1081, %swap3A_1082] {strides = array<i32>} : memref<80x128xf32, #tpu.memory_space<vmem>>, vector<16xf32>,
        tpu.vector_store %arg9[%swap3A_1081, %swap3A_1082], %gather3A_1003 {strides = array<i32>} : memref<80x128xf32, #tpu.memory_space<vmem>>, vector<16xf32>,
        %swap3A_1084 = arith.index_cast %sub3A_1065 : i32 to index
        %swap3A_1085 = arith.constant 96 : index
        %swap3A_1086 = tpu.vector_load %arg9[%swap3A_1084, %swap3A_1085] {strides = array<i32>} : memref<80x128xf32, #tpu.memory_space<vmem>>, vector<16xf32>,
        tpu.vector_store %arg9[%swap3A_1084, %swap3A_1085], %gather3A_1005 {strides = array<i32>} : memref<80x128xf32, #tpu.memory_space<vmem>>, vector<16xf32>,
        %swap3A_1087 = arith.index_cast %sub3A_1065 : i32 to index
        %swap3A_1088 = arith.constant 112 : index
        %swap3A_1089 = tpu.vector_load %arg9[%swap3A_1087, %swap3A_1088] {strides = array<i32>} : memref<80x128xf32, #tpu.memory_space<vmem>>, vector<16xf32>,
        tpu.vector_store %arg9[%swap3A_1087, %swap3A_1088], %gather3A_1007 {strides = array<i32>} : memref<80x128xf32, #tpu.memory_space<vmem>>, vector<16xf32>,
        %mul3A_1090 = arith.constant 8 : i32
        %mul3A_1091 = arith.muli %scan3A_758, %mul3A_1090 : i32
        %add3A_1092 = arith.constant 7 : i32
        %add3A_1093 = arith.addi %mul3A_1091, %add3A_1092 : i32
        %mul3A_1094 = arith.constant 304 : i32
        %mul3A_1095 = arith.muli %add3A_1093, %mul3A_1094 : i32
        %gather3A_1096 = tpu.memref_slice %arg8[%mul3A_1095] : memref<24320xf32, #tpu.memory_space<vmem>> -> memref<304xf32, #tpu.memory_space<vmem>>
        %gather3A_1097 = tpu.vector_load_idx %gather3A_1096[%get3A_524] : memref<304xf32, #tpu.memory_space<vmem>>[vector<16xi32>], vector<16xf32>,
        %gather3A_1098 = tpu.memref_slice %arg8[%mul3A_1095] : memref<24320xf32, #tpu.memory_space<vmem>> -> memref<304xf32, #tpu.memory_space<vmem>>
        %gather3A_1099 = tpu.vector_load_idx %gather3A_1098[%get3A_527] : memref<304xf32, #tpu.memory_space<vmem>>[vector<16xi32>], vector<16xf32>,
        %gather3A_1100 = tpu.memref_slice %arg8[%mul3A_1095] : memref<24320xf32, #tpu.memory_space<vmem>> -> memref<304xf32, #tpu.memory_space<vmem>>
        %gather3A_1101 = tpu.vector_load_idx %gather3A_1100[%get3A_530] : memref<304xf32, #tpu.memory_space<vmem>>[vector<16xi32>], vector<16xf32>,
        %gather3A_1102 = tpu.memref_slice %arg8[%mul3A_1095] : memref<24320xf32, #tpu.memory_space<vmem>> -> memref<304xf32, #tpu.memory_space<vmem>>
        %gather3A_1103 = tpu.vector_load_idx %gather3A_1102[%get3A_533] : memref<304xf32, #tpu.memory_space<vmem>>[vector<16xi32>], vector<16xf32>,
        %gather3A_1104 = tpu.memref_slice %arg8[%mul3A_1095] : memref<24320xf32, #tpu.memory_space<vmem>> -> memref<304xf32, #tpu.memory_space<vmem>>
        %gather3A_1105 = tpu.vector_load_idx %gather3A_1104[%get3A_536] : memref<304xf32, #tpu.memory_space<vmem>>[vector<16xi32>], vector<16xf32>,
        %gather3A_1106 = tpu.memref_slice %arg8[%mul3A_1095] : memref<24320xf32, #tpu.memory_space<vmem>> -> memref<304xf32, #tpu.memory_space<vmem>>
        %gather3A_1107 = tpu.vector_load_idx %gather3A_1106[%get3A_539] : memref<304xf32, #tpu.memory_space<vmem>>[vector<16xi32>], vector<16xf32>,
        %gather3A_1108 = tpu.memref_slice %arg8[%mul3A_1095] : memref<24320xf32, #tpu.memory_space<vmem>> -> memref<304xf32, #tpu.memory_space<vmem>>
        %gather3A_1109 = tpu.vector_load_idx %gather3A_1108[%get3A_542] : memref<304xf32, #tpu.memory_space<vmem>>[vector<16xi32>], vector<16xf32>,
        %gather3A_1110 = tpu.memref_slice %arg8[%mul3A_1095] : memref<24320xf32, #tpu.memory_space<vmem>> -> memref<304xf32, #tpu.memory_space<vmem>>
        %gather3A_1111 = tpu.vector_load_idx %gather3A_1110[%get3A_545] : memref<304xf32, #tpu.memory_space<vmem>>[vector<16xi32>], vector<16xf32>,
        %mul3A_1112 = arith.constant 8 : i32
        %mul3A_1113 = arith.muli %scan3A_758, %mul3A_1112 : i32
        %add3A_1114 = arith.constant 7 : i32
        %add3A_1115 = arith.addi %mul3A_1113, %add3A_1114 : i32
        %sub3A_1116 = arith.constant 1 : i32
        %sub3A_1117 = arith.subi %add3A_1115, %sub3A_1116 : i32
        %swap3A_1118 = arith.index_cast %sub3A_1117 : i32 to index
        %swap3A_1119 = arith.constant 0 : index
        %swap3A_1120 = tpu.vector_load %arg9[%swap3A_1118, %swap3A_1119] {strides = array<i32>} : memref<80x128xf32, #tpu.memory_space<vmem>>, vector<16xf32>,
        tpu.vector_store %arg9[%swap3A_1118, %swap3A_1119], %gather3A_1045 {strides = array<i32>} : memref<80x128xf32, #tpu.memory_space<vmem>>, vector<16xf32>,
        %swap3A_1121 = arith.index_cast %sub3A_1117 : i32 to index
        %swap3A_1122 = arith.constant 16 : index
        %swap3A_1123 = tpu.vector_load %arg9[%swap3A_1121, %swap3A_1122] {strides = array<i32>} : memref<80x128xf32, #tpu.memory_space<vmem>>, vector<16xf32>,
        tpu.vector_store %arg9[%swap3A_1121, %swap3A_1122], %gather3A_1047 {strides = array<i32>} : memref<80x128xf32, #tpu.memory_space<vmem>>, vector<16xf32>,
        %swap3A_1124 = arith.index_cast %sub3A_1117 : i32 to index
        %swap3A_1125 = arith.constant 32 : index
        %swap3A_1126 = tpu.vector_load %arg9[%swap3A_1124, %swap3A_1125] {strides = array<i32>} : memref<80x128xf32, #tpu.memory_space<vmem>>, vector<16xf32>,
        tpu.vector_store %arg9[%swap3A_1124, %swap3A_1125], %gather3A_1049 {strides = array<i32>} : memref<80x128xf32, #tpu.memory_space<vmem>>, vector<16xf32>,
        %swap3A_1127 = arith.index_cast %sub3A_1117 : i32 to index
        %swap3A_1128 = arith.constant 48 : index
        %swap3A_1129 = tpu.vector_load %arg9[%swap3A_1127, %swap3A_1128] {strides = array<i32>} : memref<80x128xf32, #tpu.memory_space<vmem>>, vector<16xf32>,
        tpu.vector_store %arg9[%swap3A_1127, %swap3A_1128], %gather3A_1051 {strides = array<i32>} : memref<80x128xf32, #tpu.memory_space<vmem>>, vector<16xf32>,
        %swap3A_1130 = arith.index_cast %sub3A_1117 : i32 to index
        %swap3A_1131 = arith.constant 64 : index
        %swap3A_1132 = tpu.vector_load %arg9[%swap3A_1130, %swap3A_1131] {strides = array<i32>} : memref<80x128xf32, #tpu.memory_space<vmem>>, vector<16xf32>,
        tpu.vector_store %arg9[%swap3A_1130, %swap3A_1131], %gather3A_1053 {strides = array<i32>} : memref<80x128xf32, #tpu.memory_space<vmem>>, vector<16xf32>,
        %swap3A_1133 = arith.index_cast %sub3A_1117 : i32 to index
        %swap3A_1134 = arith.constant 80 : index
        %swap3A_1135 = tpu.vector_load %arg9[%swap3A_1133, %swap3A_1134] {strides = array<i32>} : memref<80x128xf32, #tpu.memory_space<vmem>>, vector<16xf32>,
        tpu.vector_store %arg9[%swap3A_1133, %swap3A_1134], %gather3A_1055 {strides = array<i32>} : memref<80x128xf32, #tpu.memory_space<vmem>>, vector<16xf32>,
        %swap3A_1136 = arith.index_cast %sub3A_1117 : i32 to index
        %swap3A_1137 = arith.constant 96 : index
        %swap3A_1138 = tpu.vector_load %arg9[%swap3A_1136, %swap3A_1137] {strides = array<i32>} : memref<80x128xf32, #tpu.memory_space<vmem>>, vector<16xf32>,
        tpu.vector_store %arg9[%swap3A_1136, %swap3A_1137], %gather3A_1057 {strides = array<i32>} : memref<80x128xf32, #tpu.memory_space<vmem>>, vector<16xf32>,
        %swap3A_1139 = arith.index_cast %sub3A_1117 : i32 to index
        %swap3A_1140 = arith.constant 112 : index
        %swap3A_1141 = tpu.vector_load %arg9[%swap3A_1139, %swap3A_1140] {strides = array<i32>} : memref<80x128xf32, #tpu.memory_space<vmem>>, vector<16xf32>,
        tpu.vector_store %arg9[%swap3A_1139, %swap3A_1140], %gather3A_1059 {strides = array<i32>} : memref<80x128xf32, #tpu.memory_space<vmem>>, vector<16xf32>,
        %mul3A_1142 = arith.constant 8 : i32
        %mul3A_1143 = arith.muli %scan3A_758, %mul3A_1142 : i32
        %add3A_1144 = arith.constant 7 : i32
        %add3A_1145 = arith.addi %mul3A_1143, %add3A_1144 : i32
        %swap3A_1146 = arith.index_cast %add3A_1145 : i32 to index
        %swap3A_1147 = arith.constant 0 : index
        %swap3A_1148 = tpu.vector_load %arg9[%swap3A_1146, %swap3A_1147] {strides = array<i32>} : memref<80x128xf32, #tpu.memory_space<vmem>>, vector<16xf32>,
        tpu.vector_store %arg9[%swap3A_1146, %swap3A_1147], %gather3A_1097 {strides = array<i32>} : memref<80x128xf32, #tpu.memory_space<vmem>>, vector<16xf32>,
        %swap3A_1149 = arith.index_cast %add3A_1145 : i32 to index
        %swap3A_1150 = arith.constant 16 : index
        %swap3A_1151 = tpu.vector_load %arg9[%swap3A_1149, %swap3A_1150] {strides = array<i32>} : memref<80x128xf32, #tpu.memory_space<vmem>>, vector<16xf32>,
        tpu.vector_store %arg9[%swap3A_1149, %swap3A_1150], %gather3A_1099 {strides = array<i32>} : memref<80x128xf32, #tpu.memory_space<vmem>>, vector<16xf32>,
        %swap3A_1152 = arith.index_cast %add3A_1145 : i32 to index
        %swap3A_1153 = arith.constant 32 : index
        %swap3A_1154 = tpu.vector_load %arg9[%swap3A_1152, %swap3A_1153] {strides = array<i32>} : memref<80x128xf32, #tpu.memory_space<vmem>>, vector<16xf32>,
        tpu.vector_store %arg9[%swap3A_1152, %swap3A_1153], %gather3A_1101 {strides = array<i32>} : memref<80x128xf32, #tpu.memory_space<vmem>>, vector<16xf32>,
        %swap3A_1155 = arith.index_cast %add3A_1145 : i32 to index
        %swap3A_1156 = arith.constant 48 : index
        %swap3A_1157 = tpu.vector_load %arg9[%swap3A_1155, %swap3A_1156] {strides = array<i32>} : memref<80x128xf32, #tpu.memory_space<vmem>>, vector<16xf32>,
        tpu.vector_store %arg9[%swap3A_1155, %swap3A_1156], %gather3A_1103 {strides = array<i32>} : memref<80x128xf32, #tpu.memory_space<vmem>>, vector<16xf32>,
        %swap3A_1158 = arith.index_cast %add3A_1145 : i32 to index
        %swap3A_1159 = arith.constant 64 : index
        %swap3A_1160 = tpu.vector_load %arg9[%swap3A_1158, %swap3A_1159] {strides = array<i32>} : memref<80x128xf32, #tpu.memory_space<vmem>>, vector<16xf32>,
        tpu.vector_store %arg9[%swap3A_1158, %swap3A_1159], %gather3A_1105 {strides = array<i32>} : memref<80x128xf32, #tpu.memory_space<vmem>>, vector<16xf32>,
        %swap3A_1161 = arith.index_cast %add3A_1145 : i32 to index
        %swap3A_1162 = arith.constant 80 : index
        %swap3A_1163 = tpu.vector_load %arg9[%swap3A_1161, %swap3A_1162] {strides = array<i32>} : memref<80x128xf32, #tpu.memory_space<vmem>>, vector<16xf32>,
        tpu.vector_store %arg9[%swap3A_1161, %swap3A_1162], %gather3A_1107 {strides = array<i32>} : memref<80x128xf32, #tpu.memory_space<vmem>>, vector<16xf32>,
        %swap3A_1164 = arith.index_cast %add3A_1145 : i32 to index
        %swap3A_1165 = arith.constant 96 : index
        %swap3A_1166 = tpu.vector_load %arg9[%swap3A_1164, %swap3A_1165] {strides = array<i32>} : memref<80x128xf32, #tpu.memory_space<vmem>>, vector<16xf32>,
        tpu.vector_store %arg9[%swap3A_1164, %swap3A_1165], %gather3A_1109 {strides = array<i32>} : memref<80x128xf32, #tpu.memory_space<vmem>>, vector<16xf32>,
        %swap3A_1167 = arith.index_cast %add3A_1145 : i32 to index
        %swap3A_1168 = arith.constant 112 : index
        %swap3A_1169 = tpu.vector_load %arg9[%swap3A_1167, %swap3A_1168] {strides = array<i32>} : memref<80x128xf32, #tpu.memory_space<vmem>>, vector<16xf32>,
        tpu.vector_store %arg9[%swap3A_1167, %swap3A_1168], %gather3A_1111 {strides = array<i32>} : memref<80x128xf32, #tpu.memory_space<vmem>>, vector<16xf32>,
        %mul3A_1170 = arith.constant 10 : i32
        %mul3A_1171 = arith.muli %select_n3A, %mul3A_1170 : i32
        %add3A_1172 = arith.addi %mul3A_1171, %scan3A_758 : i32
        %mul3A_1173 = arith.constant 256 : i32
        %mul3A_1174 = arith.muli %add3A_1172, %mul3A_1173 : i32
        %mul3A_1175 = arith.constant 8 : i32
        %mul3A_1176 = arith.muli %sub3A_520, %mul3A_1175 : i32
        %add3A_1177 = arith.addi %mul3A_1174, %mul3A_1176 : i32
        %mul3A_1178 = arith.constant 8 : i32
        %mul3A_1179 = arith.muli %scan3A_758, %mul3A_1178 : i32
        %dma_start3A = arith.constant 0 : i32
        %dma_start3A_1180 = tpu.memref_slice %arg9[%mul3A_1179, %dma_start3A] : memref<80x128xf32, #tpu.memory_space<vmem>> -> memref<8x128xf32, #tpu.memory_space<vmem>>
        %dma_start3A_1181 = arith.constant 0 : i32
        %dma_start3A_1182 = tpu.memref_slice %arg5[%add3A_1177, %dma_start3A_1181] : memref<512000x128xf32, #tpu.memory_space<hbm>> -> memref<8x128xf32, #tpu.memory_space<hbm>>
        %dma_start3A_1183 = arith.constant 0 : i32
        %dma_start3A_1184 = tpu.memref_slice %arg5[%add3A_1177, %dma_start3A_1183] : memref<512000x128xf32, #tpu.memory_space<hbm>> -> memref<8x128xf32, #tpu.memory_space<hbm>>
        %dma_start3A_1185 = arith.constant 0 : i32
        %dma_start3A_1186 = tpu.memref_slice %arg9[%mul3A_1179, %dma_start3A_1185] : memref<80x128xf32, #tpu.memory_space<vmem>> -> memref<8x128xf32, #tpu.memory_space<vmem>>
        tpu.enqueue_dma source(%dma_start3A_1186 : memref<8x128xf32, #tpu.memory_space<vmem>>) target(%dma_start3A_1184 : memref<8x128xf32, #tpu.memory_space<hbm>>) target_semaphore(%arg13 : memref<!tpu.dma_semaphore, #tpu.memory_space<semaphore_mem>>)
        %scan3A_1187 = arith.constant 0 : i32
        scf.yield %scan3A_1187 : i32
      }
      %scan3A_552 = arith.constant 10 : i32
      %mul3A_553 = arith.constant 4 : i32
      %mul3A_554 = arith.muli %scan3A_495, %mul3A_553 : i32
      %add3A_555 = arith.constant 1 : i32
      %add3A_556 = arith.addi %mul3A_554, %add3A_555 : i32
      %add3A_557 = arith.addi %mul3A_2, %add3A_556 : i32
      %jit3A_558 = arith.constant 32 : i32
      %div3A_559 = arith.divsi %add3A_557, %jit3A_558 : i32
      %sign3A_560 = arith.constant 0 : i32
      %sign3A_561 = arith.cmpi sgt, %add3A_557, %sign3A_560 : i32
      %sign3A_562 = arith.extui %sign3A_561 : i1 to i32
      %sign3A_563 = arith.constant 0 : i32
      %sign3A_564 = arith.cmpi slt, %add3A_557, %sign3A_563 : i32
      %sign3A_565 = arith.extui %sign3A_564 : i1 to i32
      %sign3A_566 = arith.subi %sign3A_562, %sign3A_565 : i32
      %sign3A_567 = arith.constant 0 : i32
      %sign3A_568 = arith.cmpi sgt, %jit3A_558, %sign3A_567 : i32
      %sign3A_569 = arith.extui %sign3A_568 : i1 to i32
      %sign3A_570 = arith.constant 0 : i32
      %sign3A_571 = arith.cmpi slt, %jit3A_558, %sign3A_570 : i32
      %sign3A_572 = arith.extui %sign3A_571 : i1 to i32
      %sign3A_573 = arith.subi %sign3A_569, %sign3A_572 : i32
      %ne3A_574 = arith.cmpi ne, %sign3A_566, %sign3A_573 : i32
      %rem3A_575 = arith.remsi %add3A_557, %jit3A_558 : i32
      %ne3A_576 = arith.constant 0 : i32
      %ne3A_577 = arith.cmpi ne, %rem3A_575, %ne3A_576 : i32
      %and3A_578 = arith.andi %ne3A_574, %ne3A_577 : i1
      %sub3A_579 = arith.constant 1 : i32
      %sub3A_580 = arith.subi %div3A_559, %sub3A_579 : i32
      %select_n3A_581 = arith.select %and3A_578, %sub3A_580, %div3A_559 : i32
      %mul3A_582 = arith.constant 32 : i32
      %mul3A_583 = arith.muli %select_n3A_581, %mul3A_582 : i32
      %sub3A_584 = arith.subi %add3A_557, %mul3A_583 : i32
      %gt3A_585 = arith.constant 0 : i32
      %gt3A_586 = arith.cmpi sgt, %scan3A_495, %gt3A_585 : i32
      %convert_element_type3A_587 = arith.extui %gt3A_586 : i1 to i32
      %cond3A_588 = arith.constant 0 : i32
      %cond3A_589 = arith.cmpi ne, %convert_element_type3A_587, %cond3A_588 : i32
      scf.if %cond3A_589 {
        %dma_wait3A_758 = arith.constant 0 : i32
        %dma_wait3A_759 = arith.constant 0 : i32
        %dma_wait3A_760 = tpu.memref_slice %arg10[%dma_wait3A_758, %dma_wait3A_759] : memref<80x128xf32, #tpu.memory_space<vmem>> -> memref<8x128xf32, #tpu.memory_space<vmem>>
        %dma_wait3A_761 = arith.constant 0 : i32
        %dma_wait3A_762 = arith.constant 0 : i32
        %dma_wait3A_763 = tpu.memref_slice %arg5[%dma_wait3A_761, %dma_wait3A_762] : memref<512000x128xf32, #tpu.memory_space<hbm>> -> memref<8x128xf32, #tpu.memory_space<hbm>>
        %dma_wait3A_764 = arith.constant 0 : i32
        %dma_wait3A_765 = arith.constant 0 : i32
        %dma_wait3A_766 = tpu.memref_slice %arg5[%dma_wait3A_764, %dma_wait3A_765] : memref<512000x128xf32, #tpu.memory_space<hbm>> -> memref<8x128xf32, #tpu.memory_space<hbm>>
        %dma_wait3A_767 = arith.constant 0 : i32
        %dma_wait3A_768 = arith.constant 0 : i32
        %dma_wait3A_769 = tpu.memref_slice %arg10[%dma_wait3A_767, %dma_wait3A_768] : memref<80x128xf32, #tpu.memory_space<vmem>> -> memref<8x128xf32, #tpu.memory_space<vmem>>
        tpu.wait_dma2 semaphore(%arg14 : memref<!tpu.dma_semaphore, #tpu.memory_space<semaphore_mem>>) src(%dma_wait3A_769 : memref<8x128xf32, #tpu.memory_space<vmem>>) dst(%dma_wait3A_766 : memref<8x128xf32, #tpu.memory_space<hbm>>)
        %dma_wait3A_770 = arith.constant 8 : i32
        %dma_wait3A_771 = arith.constant 0 : i32
        %dma_wait3A_772 = tpu.memref_slice %arg10[%dma_wait3A_770, %dma_wait3A_771] : memref<80x128xf32, #tpu.memory_space<vmem>> -> memref<8x128xf32, #tpu.memory_space<vmem>>
        %dma_wait3A_773 = arith.constant 0 : i32
        %dma_wait3A_774 = arith.constant 0 : i32
        %dma_wait3A_775 = tpu.memref_slice %arg5[%dma_wait3A_773, %dma_wait3A_774] : memref<512000x128xf32, #tpu.memory_space<hbm>> -> memref<8x128xf32, #tpu.memory_space<hbm>>
        %dma_wait3A_776 = arith.constant 0 : i32
        %dma_wait3A_777 = arith.constant 0 : i32
        %dma_wait3A_778 = tpu.memref_slice %arg5[%dma_wait3A_776, %dma_wait3A_777] : memref<512000x128xf32, #tpu.memory_space<hbm>> -> memref<8x128xf32, #tpu.memory_space<hbm>>
        %dma_wait3A_779 = arith.constant 8 : i32
        %dma_wait3A_780 = arith.constant 0 : i32
        %dma_wait3A_781 = tpu.memref_slice %arg10[%dma_wait3A_779, %dma_wait3A_780] : memref<80x128xf32, #tpu.memory_space<vmem>> -> memref<8x128xf32, #tpu.memory_space<vmem>>
        tpu.wait_dma2 semaphore(%arg14 : memref<!tpu.dma_semaphore, #tpu.memory_space<semaphore_mem>>) src(%dma_wait3A_781 : memref<8x128xf32, #tpu.memory_space<vmem>>) dst(%dma_wait3A_778 : memref<8x128xf32, #tpu.memory_space<hbm>>)
        %dma_wait3A_782 = arith.constant 16 : i32
        %dma_wait3A_783 = arith.constant 0 : i32
        %dma_wait3A_784 = tpu.memref_slice %arg10[%dma_wait3A_782, %dma_wait3A_783] : memref<80x128xf32, #tpu.memory_space<vmem>> -> memref<8x128xf32, #tpu.memory_space<vmem>>
        %dma_wait3A_785 = arith.constant 0 : i32
        %dma_wait3A_786 = arith.constant 0 : i32
        %dma_wait3A_787 = tpu.memref_slice %arg5[%dma_wait3A_785, %dma_wait3A_786] : memref<512000x128xf32, #tpu.memory_space<hbm>> -> memref<8x128xf32, #tpu.memory_space<hbm>>
        %dma_wait3A_788 = arith.constant 0 : i32
        %dma_wait3A_789 = arith.constant 0 : i32
        %dma_wait3A_790 = tpu.memref_slice %arg5[%dma_wait3A_788, %dma_wait3A_789] : memref<512000x128xf32, #tpu.memory_space<hbm>> -> memref<8x128xf32, #tpu.memory_space<hbm>>
        %dma_wait3A_791 = arith.constant 16 : i32
        %dma_wait3A_792 = arith.constant 0 : i32
        %dma_wait3A_793 = tpu.memref_slice %arg10[%dma_wait3A_791, %dma_wait3A_792] : memref<80x128xf32, #tpu.memory_space<vmem>> -> memref<8x128xf32, #tpu.memory_space<vmem>>
        tpu.wait_dma2 semaphore(%arg14 : memref<!tpu.dma_semaphore, #tpu.memory_space<semaphore_mem>>) src(%dma_wait3A_793 : memref<8x128xf32, #tpu.memory_space<vmem>>) dst(%dma_wait3A_790 : memref<8x128xf32, #tpu.memory_space<hbm>>)
        %dma_wait3A_794 = arith.constant 24 : i32
        %dma_wait3A_795 = arith.constant 0 : i32
        %dma_wait3A_796 = tpu.memref_slice %arg10[%dma_wait3A_794, %dma_wait3A_795] : memref<80x128xf32, #tpu.memory_space<vmem>> -> memref<8x128xf32, #tpu.memory_space<vmem>>
        %dma_wait3A_797 = arith.constant 0 : i32
        %dma_wait3A_798 = arith.constant 0 : i32
        %dma_wait3A_799 = tpu.memref_slice %arg5[%dma_wait3A_797, %dma_wait3A_798] : memref<512000x128xf32, #tpu.memory_space<hbm>> -> memref<8x128xf32, #tpu.memory_space<hbm>>
        %dma_wait3A_800 = arith.constant 0 : i32
        %dma_wait3A_801 = arith.constant 0 : i32
        %dma_wait3A_802 = tpu.memref_slice %arg5[%dma_wait3A_800, %dma_wait3A_801] : memref<512000x128xf32, #tpu.memory_space<hbm>> -> memref<8x128xf32, #tpu.memory_space<hbm>>
        %dma_wait3A_803 = arith.constant 24 : i32
        %dma_wait3A_804 = arith.constant 0 : i32
        %dma_wait3A_805 = tpu.memref_slice %arg10[%dma_wait3A_803, %dma_wait3A_804] : memref<80x128xf32, #tpu.memory_space<vmem>> -> memref<8x128xf32, #tpu.memory_space<vmem>>
        tpu.wait_dma2 semaphore(%arg14 : memref<!tpu.dma_semaphore, #tpu.memory_space<semaphore_mem>>) src(%dma_wait3A_805 : memref<8x128xf32, #tpu.memory_space<vmem>>) dst(%dma_wait3A_802 : memref<8x128xf32, #tpu.memory_space<hbm>>)
        %dma_wait3A_806 = arith.constant 32 : i32
        %dma_wait3A_807 = arith.constant 0 : i32
        %dma_wait3A_808 = tpu.memref_slice %arg10[%dma_wait3A_806, %dma_wait3A_807] : memref<80x128xf32, #tpu.memory_space<vmem>> -> memref<8x128xf32, #tpu.memory_space<vmem>>
        %dma_wait3A_809 = arith.constant 0 : i32
        %dma_wait3A_810 = arith.constant 0 : i32
        %dma_wait3A_811 = tpu.memref_slice %arg5[%dma_wait3A_809, %dma_wait3A_810] : memref<512000x128xf32, #tpu.memory_space<hbm>> -> memref<8x128xf32, #tpu.memory_space<hbm>>
        %dma_wait3A_812 = arith.constant 0 : i32
        %dma_wait3A_813 = arith.constant 0 : i32
        %dma_wait3A_814 = tpu.memref_slice %arg5[%dma_wait3A_812, %dma_wait3A_813] : memref<512000x128xf32, #tpu.memory_space<hbm>> -> memref<8x128xf32, #tpu.memory_space<hbm>>
        %dma_wait3A_815 = arith.constant 32 : i32
        %dma_wait3A_816 = arith.constant 0 : i32
        %dma_wait3A_817 = tpu.memref_slice %arg10[%dma_wait3A_815, %dma_wait3A_816] : memref<80x128xf32, #tpu.memory_space<vmem>> -> memref<8x128xf32, #tpu.memory_space<vmem>>
        tpu.wait_dma2 semaphore(%arg14 : memref<!tpu.dma_semaphore, #tpu.memory_space<semaphore_mem>>) src(%dma_wait3A_817 : memref<8x128xf32, #tpu.memory_space<vmem>>) dst(%dma_wait3A_814 : memref<8x128xf32, #tpu.memory_space<hbm>>)
        %dma_wait3A_818 = arith.constant 40 : i32
        %dma_wait3A_819 = arith.constant 0 : i32
        %dma_wait3A_820 = tpu.memref_slice %arg10[%dma_wait3A_818, %dma_wait3A_819] : memref<80x128xf32, #tpu.memory_space<vmem>> -> memref<8x128xf32, #tpu.memory_space<vmem>>
        %dma_wait3A_821 = arith.constant 0 : i32
        %dma_wait3A_822 = arith.constant 0 : i32
        %dma_wait3A_823 = tpu.memref_slice %arg5[%dma_wait3A_821, %dma_wait3A_822] : memref<512000x128xf32, #tpu.memory_space<hbm>> -> memref<8x128xf32, #tpu.memory_space<hbm>>
        %dma_wait3A_824 = arith.constant 0 : i32
        %dma_wait3A_825 = arith.constant 0 : i32
        %dma_wait3A_826 = tpu.memref_slice %arg5[%dma_wait3A_824, %dma_wait3A_825] : memref<512000x128xf32, #tpu.memory_space<hbm>> -> memref<8x128xf32, #tpu.memory_space<hbm>>
        %dma_wait3A_827 = arith.constant 40 : i32
        %dma_wait3A_828 = arith.constant 0 : i32
        %dma_wait3A_829 = tpu.memref_slice %arg10[%dma_wait3A_827, %dma_wait3A_828] : memref<80x128xf32, #tpu.memory_space<vmem>> -> memref<8x128xf32, #tpu.memory_space<vmem>>
        tpu.wait_dma2 semaphore(%arg14 : memref<!tpu.dma_semaphore, #tpu.memory_space<semaphore_mem>>) src(%dma_wait3A_829 : memref<8x128xf32, #tpu.memory_space<vmem>>) dst(%dma_wait3A_826 : memref<8x128xf32, #tpu.memory_space<hbm>>)
        %dma_wait3A_830 = arith.constant 48 : i32
        %dma_wait3A_831 = arith.constant 0 : i32
        %dma_wait3A_832 = tpu.memref_slice %arg10[%dma_wait3A_830, %dma_wait3A_831] : memref<80x128xf32, #tpu.memory_space<vmem>> -> memref<8x128xf32, #tpu.memory_space<vmem>>
        %dma_wait3A_833 = arith.constant 0 : i32
        %dma_wait3A_834 = arith.constant 0 : i32
        %dma_wait3A_835 = tpu.memref_slice %arg5[%dma_wait3A_833, %dma_wait3A_834] : memref<512000x128xf32, #tpu.memory_space<hbm>> -> memref<8x128xf32, #tpu.memory_space<hbm>>
        %dma_wait3A_836 = arith.constant 0 : i32
        %dma_wait3A_837 = arith.constant 0 : i32
        %dma_wait3A_838 = tpu.memref_slice %arg5[%dma_wait3A_836, %dma_wait3A_837] : memref<512000x128xf32, #tpu.memory_space<hbm>> -> memref<8x128xf32, #tpu.memory_space<hbm>>
        %dma_wait3A_839 = arith.constant 48 : i32
        %dma_wait3A_840 = arith.constant 0 : i32
        %dma_wait3A_841 = tpu.memref_slice %arg10[%dma_wait3A_839, %dma_wait3A_840] : memref<80x128xf32, #tpu.memory_space<vmem>> -> memref<8x128xf32, #tpu.memory_space<vmem>>
        tpu.wait_dma2 semaphore(%arg14 : memref<!tpu.dma_semaphore, #tpu.memory_space<semaphore_mem>>) src(%dma_wait3A_841 : memref<8x128xf32, #tpu.memory_space<vmem>>) dst(%dma_wait3A_838 : memref<8x128xf32, #tpu.memory_space<hbm>>)
        %dma_wait3A_842 = arith.constant 56 : i32
        %dma_wait3A_843 = arith.constant 0 : i32
        %dma_wait3A_844 = tpu.memref_slice %arg10[%dma_wait3A_842, %dma_wait3A_843] : memref<80x128xf32, #tpu.memory_space<vmem>> -> memref<8x128xf32, #tpu.memory_space<vmem>>
        %dma_wait3A_845 = arith.constant 0 : i32
        %dma_wait3A_846 = arith.constant 0 : i32
        %dma_wait3A_847 = tpu.memref_slice %arg5[%dma_wait3A_845, %dma_wait3A_846] : memref<512000x128xf32, #tpu.memory_space<hbm>> -> memref<8x128xf32, #tpu.memory_space<hbm>>
        %dma_wait3A_848 = arith.constant 0 : i32
        %dma_wait3A_849 = arith.constant 0 : i32
        %dma_wait3A_850 = tpu.memref_slice %arg5[%dma_wait3A_848, %dma_wait3A_849] : memref<512000x128xf32, #tpu.memory_space<hbm>> -> memref<8x128xf32, #tpu.memory_space<hbm>>
        %dma_wait3A_851 = arith.constant 56 : i32
        %dma_wait3A_852 = arith.constant 0 : i32
        %dma_wait3A_853 = tpu.memref_slice %arg10[%dma_wait3A_851, %dma_wait3A_852] : memref<80x128xf32, #tpu.memory_space<vmem>> -> memref<8x128xf32, #tpu.memory_space<vmem>>
        tpu.wait_dma2 semaphore(%arg14 : memref<!tpu.dma_semaphore, #tpu.memory_space<semaphore_mem>>) src(%dma_wait3A_853 : memref<8x128xf32, #tpu.memory_space<vmem>>) dst(%dma_wait3A_850 : memref<8x128xf32, #tpu.memory_space<hbm>>)
        %dma_wait3A_854 = arith.constant 64 : i32
        %dma_wait3A_855 = arith.constant 0 : i32
        %dma_wait3A_856 = tpu.memref_slice %arg10[%dma_wait3A_854, %dma_wait3A_855] : memref<80x128xf32, #tpu.memory_space<vmem>> -> memref<8x128xf32, #tpu.memory_space<vmem>>
        %dma_wait3A_857 = arith.constant 0 : i32
        %dma_wait3A_858 = arith.constant 0 : i32
        %dma_wait3A_859 = tpu.memref_slice %arg5[%dma_wait3A_857, %dma_wait3A_858] : memref<512000x128xf32, #tpu.memory_space<hbm>> -> memref<8x128xf32, #tpu.memory_space<hbm>>
        %dma_wait3A_860 = arith.constant 0 : i32
        %dma_wait3A_861 = arith.constant 0 : i32
        %dma_wait3A_862 = tpu.memref_slice %arg5[%dma_wait3A_860, %dma_wait3A_861] : memref<512000x128xf32, #tpu.memory_space<hbm>> -> memref<8x128xf32, #tpu.memory_space<hbm>>
        %dma_wait3A_863 = arith.constant 64 : i32
        %dma_wait3A_864 = arith.constant 0 : i32
        %dma_wait3A_865 = tpu.memref_slice %arg10[%dma_wait3A_863, %dma_wait3A_864] : memref<80x128xf32, #tpu.memory_space<vmem>> -> memref<8x128xf32, #tpu.memory_space<vmem>>
        tpu.wait_dma2 semaphore(%arg14 : memref<!tpu.dma_semaphore, #tpu.memory_space<semaphore_mem>>) src(%dma_wait3A_865 : memref<8x128xf32, #tpu.memory_space<vmem>>) dst(%dma_wait3A_862 : memref<8x128xf32, #tpu.memory_space<hbm>>)
        %dma_wait3A_866 = arith.constant 72 : i32
        %dma_wait3A_867 = arith.constant 0 : i32
        %dma_wait3A_868 = tpu.memref_slice %arg10[%dma_wait3A_866, %dma_wait3A_867] : memref<80x128xf32, #tpu.memory_space<vmem>> -> memref<8x128xf32, #tpu.memory_space<vmem>>
        %dma_wait3A_869 = arith.constant 0 : i32
        %dma_wait3A_870 = arith.constant 0 : i32
        %dma_wait3A_871 = tpu.memref_slice %arg5[%dma_wait3A_869, %dma_wait3A_870] : memref<512000x128xf32, #tpu.memory_space<hbm>> -> memref<8x128xf32, #tpu.memory_space<hbm>>
        %dma_wait3A_872 = arith.constant 0 : i32
        %dma_wait3A_873 = arith.constant 0 : i32
        %dma_wait3A_874 = tpu.memref_slice %arg5[%dma_wait3A_872, %dma_wait3A_873] : memref<512000x128xf32, #tpu.memory_space<hbm>> -> memref<8x128xf32, #tpu.memory_space<hbm>>
        %dma_wait3A_875 = arith.constant 72 : i32
        %dma_wait3A_876 = arith.constant 0 : i32
        %dma_wait3A_877 = tpu.memref_slice %arg10[%dma_wait3A_875, %dma_wait3A_876] : memref<80x128xf32, #tpu.memory_space<vmem>> -> memref<8x128xf32, #tpu.memory_space<vmem>>
        tpu.wait_dma2 semaphore(%arg14 : memref<!tpu.dma_semaphore, #tpu.memory_space<semaphore_mem>>) src(%dma_wait3A_877 : memref<8x128xf32, #tpu.memory_space<vmem>>) dst(%dma_wait3A_874 : memref<8x128xf32, #tpu.memory_space<hbm>>)
      } else {
      }
      %get3A_590 = arith.index_cast %add3A_556 : i32 to index
      %get3A_591 = arith.constant 0 : index
      %get3A_592 = tpu.vector_load %arg6[%get3A_590, %get3A_591] {strides = array<i32>} : memref<200x128xi32, #tpu.memory_space<vmem>>, vector<16xi32>,
      %get3A_593 = arith.index_cast %add3A_556 : i32 to index
      %get3A_594 = arith.constant 16 : index
      %get3A_595 = tpu.vector_load %arg6[%get3A_593, %get3A_594] {strides = array<i32>} : memref<200x128xi32, #tpu.memory_space<vmem>>, vector<16xi32>,
      %get3A_596 = arith.index_cast %add3A_556 : i32 to index
      %get3A_597 = arith.constant 32 : index
      %get3A_598 = tpu.vector_load %arg6[%get3A_596, %get3A_597] {strides = array<i32>} : memref<200x128xi32, #tpu.memory_space<vmem>>, vector<16xi32>,
      %get3A_599 = arith.index_cast %add3A_556 : i32 to index
      %get3A_600 = arith.constant 48 : index
      %get3A_601 = tpu.vector_load %arg6[%get3A_599, %get3A_600] {strides = array<i32>} : memref<200x128xi32, #tpu.memory_space<vmem>>, vector<16xi32>,
      %get3A_602 = arith.index_cast %add3A_556 : i32 to index
      %get3A_603 = arith.constant 64 : index
      %get3A_604 = tpu.vector_load %arg6[%get3A_602, %get3A_603] {strides = array<i32>} : memref<200x128xi32, #tpu.memory_space<vmem>>, vector<16xi32>,
      %get3A_605 = arith.index_cast %add3A_556 : i32 to index
      %get3A_606 = arith.constant 80 : index
      %get3A_607 = tpu.vector_load %arg6[%get3A_605, %get3A_606] {strides = array<i32>} : memref<200x128xi32, #tpu.memory_space<vmem>>, vector<16xi32>,
      %get3A_608 = arith.index_cast %add3A_556 : i32 to index
      %get3A_609 = arith.constant 96 : index
      %get3A_610 = tpu.vector_load %arg6[%get3A_608, %get3A_609] {strides = array<i32>} : memref<200x128xi32, #tpu.memory_space<vmem>>, vector<16xi32>,
      %get3A_611 = arith.index_cast %add3A_556 : i32 to index
      %get3A_612 = arith.constant 112 : index
      %get3A_613 = tpu.vector_load %arg6[%get3A_611, %get3A_612] {strides = array<i32>} : memref<200x128xi32, #tpu.memory_space<vmem>>, vector<16xi32>,
      %scan3A_614 = arith.constant 0 : i32
      %scan3A_615 = arith.constant 0 : i32
      %scan3A_616 = arith.constant 10 : i32
      %scan3A_617 = arith.addi %scan3A_615, %scan3A_616 : i32
      %scan3A_618 = arith.constant 1 : i32
      %scan3A_619 = scf.for %scan3A_758 = %scan3A_615 to %scan3A_617 step %scan3A_618 iter_args(%scan3A_759 = %scan3A_614) -> (i32)  : i32 {
        %mul3A_760 = arith.constant 8 : i32
        %mul3A_761 = arith.muli %scan3A_758, %mul3A_760 : i32
        %mul3A_762 = arith.constant 304 : i32
        %mul3A_763 = arith.muli %mul3A_761, %mul3A_762 : i32
        %gather3A = tpu.memref_slice %arg8[%mul3A_763] : memref<24320xf32, #tpu.memory_space<vmem>> -> memref<304xf32, #tpu.memory_space<vmem>>
        %gather3A_764 = tpu.vector_load_idx %gather3A[%get3A_592] : memref<304xf32, #tpu.memory_space<vmem>>[vector<16xi32>], vector<16xf32>,
        %gather3A_765 = tpu.memref_slice %arg8[%mul3A_763] : memref<24320xf32, #tpu.memory_space<vmem>> -> memref<304xf32, #tpu.memory_space<vmem>>
        %gather3A_766 = tpu.vector_load_idx %gather3A_765[%get3A_595] : memref<304xf32, #tpu.memory_space<vmem>>[vector<16xi32>], vector<16xf32>,
        %gather3A_767 = tpu.memref_slice %arg8[%mul3A_763] : memref<24320xf32, #tpu.memory_space<vmem>> -> memref<304xf32, #tpu.memory_space<vmem>>
        %gather3A_768 = tpu.vector_load_idx %gather3A_767[%get3A_598] : memref<304xf32, #tpu.memory_space<vmem>>[vector<16xi32>], vector<16xf32>,
        %gather3A_769 = tpu.memref_slice %arg8[%mul3A_763] : memref<24320xf32, #tpu.memory_space<vmem>> -> memref<304xf32, #tpu.memory_space<vmem>>
        %gather3A_770 = tpu.vector_load_idx %gather3A_769[%get3A_601] : memref<304xf32, #tpu.memory_space<vmem>>[vector<16xi32>], vector<16xf32>,
        %gather3A_771 = tpu.memref_slice %arg8[%mul3A_763] : memref<24320xf32, #tpu.memory_space<vmem>> -> memref<304xf32, #tpu.memory_space<vmem>>
        %gather3A_772 = tpu.vector_load_idx %gather3A_771[%get3A_604] : memref<304xf32, #tpu.memory_space<vmem>>[vector<16xi32>], vector<16xf32>,
        %gather3A_773 = tpu.memref_slice %arg8[%mul3A_763] : memref<24320xf32, #tpu.memory_space<vmem>> -> memref<304xf32, #tpu.memory_space<vmem>>
        %gather3A_774 = tpu.vector_load_idx %gather3A_773[%get3A_607] : memref<304xf32, #tpu.memory_space<vmem>>[vector<16xi32>], vector<16xf32>,
        %gather3A_775 = tpu.memref_slice %arg8[%mul3A_763] : memref<24320xf32, #tpu.memory_space<vmem>> -> memref<304xf32, #tpu.memory_space<vmem>>
        %gather3A_776 = tpu.vector_load_idx %gather3A_775[%get3A_610] : memref<304xf32, #tpu.memory_space<vmem>>[vector<16xi32>], vector<16xf32>,
        %gather3A_777 = tpu.memref_slice %arg8[%mul3A_763] : memref<24320xf32, #tpu.memory_space<vmem>> -> memref<304xf32, #tpu.memory_space<vmem>>
        %gather3A_778 = tpu.vector_load_idx %gather3A_777[%get3A_613] : memref<304xf32, #tpu.memory_space<vmem>>[vector<16xi32>], vector<16xf32>,
        %mul3A_779 = arith.constant 8 : i32
        %mul3A_780 = arith.muli %scan3A_758, %mul3A_779 : i32
        %add3A_781 = arith.constant 1 : i32
        %add3A_782 = arith.addi %mul3A_780, %add3A_781 : i32
        %mul3A_783 = arith.constant 304 : i32
        %mul3A_784 = arith.muli %add3A_782, %mul3A_783 : i32
        %gather3A_785 = tpu.memref_slice %arg8[%mul3A_784] : memref<24320xf32, #tpu.memory_space<vmem>> -> memref<304xf32, #tpu.memory_space<vmem>>
        %gather3A_786 = tpu.vector_load_idx %gather3A_785[%get3A_592] : memref<304xf32, #tpu.memory_space<vmem>>[vector<16xi32>], vector<16xf32>,
        %gather3A_787 = tpu.memref_slice %arg8[%mul3A_784] : memref<24320xf32, #tpu.memory_space<vmem>> -> memref<304xf32, #tpu.memory_space<vmem>>
        %gather3A_788 = tpu.vector_load_idx %gather3A_787[%get3A_595] : memref<304xf32, #tpu.memory_space<vmem>>[vector<16xi32>], vector<16xf32>,
        %gather3A_789 = tpu.memref_slice %arg8[%mul3A_784] : memref<24320xf32, #tpu.memory_space<vmem>> -> memref<304xf32, #tpu.memory_space<vmem>>
        %gather3A_790 = tpu.vector_load_idx %gather3A_789[%get3A_598] : memref<304xf32, #tpu.memory_space<vmem>>[vector<16xi32>], vector<16xf32>,
        %gather3A_791 = tpu.memref_slice %arg8[%mul3A_784] : memref<24320xf32, #tpu.memory_space<vmem>> -> memref<304xf32, #tpu.memory_space<vmem>>
        %gather3A_792 = tpu.vector_load_idx %gather3A_791[%get3A_601] : memref<304xf32, #tpu.memory_space<vmem>>[vector<16xi32>], vector<16xf32>,
        %gather3A_793 = tpu.memref_slice %arg8[%mul3A_784] : memref<24320xf32, #tpu.memory_space<vmem>> -> memref<304xf32, #tpu.memory_space<vmem>>
        %gather3A_794 = tpu.vector_load_idx %gather3A_793[%get3A_604] : memref<304xf32, #tpu.memory_space<vmem>>[vector<16xi32>], vector<16xf32>,
        %gather3A_795 = tpu.memref_slice %arg8[%mul3A_784] : memref<24320xf32, #tpu.memory_space<vmem>> -> memref<304xf32, #tpu.memory_space<vmem>>
        %gather3A_796 = tpu.vector_load_idx %gather3A_795[%get3A_607] : memref<304xf32, #tpu.memory_space<vmem>>[vector<16xi32>], vector<16xf32>,
        %gather3A_797 = tpu.memref_slice %arg8[%mul3A_784] : memref<24320xf32, #tpu.memory_space<vmem>> -> memref<304xf32, #tpu.memory_space<vmem>>
        %gather3A_798 = tpu.vector_load_idx %gather3A_797[%get3A_610] : memref<304xf32, #tpu.memory_space<vmem>>[vector<16xi32>], vector<16xf32>,
        %gather3A_799 = tpu.memref_slice %arg8[%mul3A_784] : memref<24320xf32, #tpu.memory_space<vmem>> -> memref<304xf32, #tpu.memory_space<vmem>>
        %gather3A_800 = tpu.vector_load_idx %gather3A_799[%get3A_613] : memref<304xf32, #tpu.memory_space<vmem>>[vector<16xi32>], vector<16xf32>,
        %mul3A_801 = arith.constant 8 : i32
        %mul3A_802 = arith.muli %scan3A_758, %mul3A_801 : i32
        %add3A_803 = arith.constant 1 : i32
        %add3A_804 = arith.addi %mul3A_802, %add3A_803 : i32
        %sub3A_805 = arith.constant 1 : i32
        %sub3A_806 = arith.subi %add3A_804, %sub3A_805 : i32
        %swap3A = arith.index_cast %sub3A_806 : i32 to index
        %swap3A_807 = arith.constant 0 : index
        %swap3A_808 = tpu.vector_load %arg10[%swap3A, %swap3A_807] {strides = array<i32>} : memref<80x128xf32, #tpu.memory_space<vmem>>, vector<16xf32>,
        tpu.vector_store %arg10[%swap3A, %swap3A_807], %gather3A_764 {strides = array<i32>} : memref<80x128xf32, #tpu.memory_space<vmem>>, vector<16xf32>,
        %swap3A_809 = arith.index_cast %sub3A_806 : i32 to index
        %swap3A_810 = arith.constant 16 : index
        %swap3A_811 = tpu.vector_load %arg10[%swap3A_809, %swap3A_810] {strides = array<i32>} : memref<80x128xf32, #tpu.memory_space<vmem>>, vector<16xf32>,
        tpu.vector_store %arg10[%swap3A_809, %swap3A_810], %gather3A_766 {strides = array<i32>} : memref<80x128xf32, #tpu.memory_space<vmem>>, vector<16xf32>,
        %swap3A_812 = arith.index_cast %sub3A_806 : i32 to index
        %swap3A_813 = arith.constant 32 : index
        %swap3A_814 = tpu.vector_load %arg10[%swap3A_812, %swap3A_813] {strides = array<i32>} : memref<80x128xf32, #tpu.memory_space<vmem>>, vector<16xf32>,
        tpu.vector_store %arg10[%swap3A_812, %swap3A_813], %gather3A_768 {strides = array<i32>} : memref<80x128xf32, #tpu.memory_space<vmem>>, vector<16xf32>,
        %swap3A_815 = arith.index_cast %sub3A_806 : i32 to index
        %swap3A_816 = arith.constant 48 : index
        %swap3A_817 = tpu.vector_load %arg10[%swap3A_815, %swap3A_816] {strides = array<i32>} : memref<80x128xf32, #tpu.memory_space<vmem>>, vector<16xf32>,
        tpu.vector_store %arg10[%swap3A_815, %swap3A_816], %gather3A_770 {strides = array<i32>} : memref<80x128xf32, #tpu.memory_space<vmem>>, vector<16xf32>,
        %swap3A_818 = arith.index_cast %sub3A_806 : i32 to index
        %swap3A_819 = arith.constant 64 : index
        %swap3A_820 = tpu.vector_load %arg10[%swap3A_818, %swap3A_819] {strides = array<i32>} : memref<80x128xf32, #tpu.memory_space<vmem>>, vector<16xf32>,
        tpu.vector_store %arg10[%swap3A_818, %swap3A_819], %gather3A_772 {strides = array<i32>} : memref<80x128xf32, #tpu.memory_space<vmem>>, vector<16xf32>,
        %swap3A_821 = arith.index_cast %sub3A_806 : i32 to index
        %swap3A_822 = arith.constant 80 : index
        %swap3A_823 = tpu.vector_load %arg10[%swap3A_821, %swap3A_822] {strides = array<i32>} : memref<80x128xf32, #tpu.memory_space<vmem>>, vector<16xf32>,
        tpu.vector_store %arg10[%swap3A_821, %swap3A_822], %gather3A_774 {strides = array<i32>} : memref<80x128xf32, #tpu.memory_space<vmem>>, vector<16xf32>,
        %swap3A_824 = arith.index_cast %sub3A_806 : i32 to index
        %swap3A_825 = arith.constant 96 : index
        %swap3A_826 = tpu.vector_load %arg10[%swap3A_824, %swap3A_825] {strides = array<i32>} : memref<80x128xf32, #tpu.memory_space<vmem>>, vector<16xf32>,
        tpu.vector_store %arg10[%swap3A_824, %swap3A_825], %gather3A_776 {strides = array<i32>} : memref<80x128xf32, #tpu.memory_space<vmem>>, vector<16xf32>,
        %swap3A_827 = arith.index_cast %sub3A_806 : i32 to index
        %swap3A_828 = arith.constant 112 : index
        %swap3A_829 = tpu.vector_load %arg10[%swap3A_827, %swap3A_828] {strides = array<i32>} : memref<80x128xf32, #tpu.memory_space<vmem>>, vector<16xf32>,
        tpu.vector_store %arg10[%swap3A_827, %swap3A_828], %gather3A_778 {strides = array<i32>} : memref<80x128xf32, #tpu.memory_space<vmem>>, vector<16xf32>,
        %mul3A_830 = arith.constant 8 : i32
        %mul3A_831 = arith.muli %scan3A_758, %mul3A_830 : i32
        %add3A_832 = arith.constant 2 : i32
        %add3A_833 = arith.addi %mul3A_831, %add3A_832 : i32
        %mul3A_834 = arith.constant 304 : i32
        %mul3A_835 = arith.muli %add3A_833, %mul3A_834 : i32
        %gather3A_836 = tpu.memref_slice %arg8[%mul3A_835] : memref<24320xf32, #tpu.memory_space<vmem>> -> memref<304xf32, #tpu.memory_space<vmem>>
        %gather3A_837 = tpu.vector_load_idx %gather3A_836[%get3A_592] : memref<304xf32, #tpu.memory_space<vmem>>[vector<16xi32>], vector<16xf32>,
        %gather3A_838 = tpu.memref_slice %arg8[%mul3A_835] : memref<24320xf32, #tpu.memory_space<vmem>> -> memref<304xf32, #tpu.memory_space<vmem>>
        %gather3A_839 = tpu.vector_load_idx %gather3A_838[%get3A_595] : memref<304xf32, #tpu.memory_space<vmem>>[vector<16xi32>], vector<16xf32>,
        %gather3A_840 = tpu.memref_slice %arg8[%mul3A_835] : memref<24320xf32, #tpu.memory_space<vmem>> -> memref<304xf32, #tpu.memory_space<vmem>>
        %gather3A_841 = tpu.vector_load_idx %gather3A_840[%get3A_598] : memref<304xf32, #tpu.memory_space<vmem>>[vector<16xi32>], vector<16xf32>,
        %gather3A_842 = tpu.memref_slice %arg8[%mul3A_835] : memref<24320xf32, #tpu.memory_space<vmem>> -> memref<304xf32, #tpu.memory_space<vmem>>
        %gather3A_843 = tpu.vector_load_idx %gather3A_842[%get3A_601] : memref<304xf32, #tpu.memory_space<vmem>>[vector<16xi32>], vector<16xf32>,
        %gather3A_844 = tpu.memref_slice %arg8[%mul3A_835] : memref<24320xf32, #tpu.memory_space<vmem>> -> memref<304xf32, #tpu.memory_space<vmem>>
        %gather3A_845 = tpu.vector_load_idx %gather3A_844[%get3A_604] : memref<304xf32, #tpu.memory_space<vmem>>[vector<16xi32>], vector<16xf32>,
        %gather3A_846 = tpu.memref_slice %arg8[%mul3A_835] : memref<24320xf32, #tpu.memory_space<vmem>> -> memref<304xf32, #tpu.memory_space<vmem>>
        %gather3A_847 = tpu.vector_load_idx %gather3A_846[%get3A_607] : memref<304xf32, #tpu.memory_space<vmem>>[vector<16xi32>], vector<16xf32>,
        %gather3A_848 = tpu.memref_slice %arg8[%mul3A_835] : memref<24320xf32, #tpu.memory_space<vmem>> -> memref<304xf32, #tpu.memory_space<vmem>>
        %gather3A_849 = tpu.vector_load_idx %gather3A_848[%get3A_610] : memref<304xf32, #tpu.memory_space<vmem>>[vector<16xi32>], vector<16xf32>,
        %gather3A_850 = tpu.memref_slice %arg8[%mul3A_835] : memref<24320xf32, #tpu.memory_space<vmem>> -> memref<304xf32, #tpu.memory_space<vmem>>
        %gather3A_851 = tpu.vector_load_idx %gather3A_850[%get3A_613] : memref<304xf32, #tpu.memory_space<vmem>>[vector<16xi32>], vector<16xf32>,
        %mul3A_852 = arith.constant 8 : i32
        %mul3A_853 = arith.muli %scan3A_758, %mul3A_852 : i32
        %add3A_854 = arith.constant 2 : i32
        %add3A_855 = arith.addi %mul3A_853, %add3A_854 : i32
        %sub3A_856 = arith.constant 1 : i32
        %sub3A_857 = arith.subi %add3A_855, %sub3A_856 : i32
        %swap3A_858 = arith.index_cast %sub3A_857 : i32 to index
        %swap3A_859 = arith.constant 0 : index
        %swap3A_860 = tpu.vector_load %arg10[%swap3A_858, %swap3A_859] {strides = array<i32>} : memref<80x128xf32, #tpu.memory_space<vmem>>, vector<16xf32>,
        tpu.vector_store %arg10[%swap3A_858, %swap3A_859], %gather3A_786 {strides = array<i32>} : memref<80x128xf32, #tpu.memory_space<vmem>>, vector<16xf32>,
        %swap3A_861 = arith.index_cast %sub3A_857 : i32 to index
        %swap3A_862 = arith.constant 16 : index
        %swap3A_863 = tpu.vector_load %arg10[%swap3A_861, %swap3A_862] {strides = array<i32>} : memref<80x128xf32, #tpu.memory_space<vmem>>, vector<16xf32>,
        tpu.vector_store %arg10[%swap3A_861, %swap3A_862], %gather3A_788 {strides = array<i32>} : memref<80x128xf32, #tpu.memory_space<vmem>>, vector<16xf32>,
        %swap3A_864 = arith.index_cast %sub3A_857 : i32 to index
        %swap3A_865 = arith.constant 32 : index
        %swap3A_866 = tpu.vector_load %arg10[%swap3A_864, %swap3A_865] {strides = array<i32>} : memref<80x128xf32, #tpu.memory_space<vmem>>, vector<16xf32>,
        tpu.vector_store %arg10[%swap3A_864, %swap3A_865], %gather3A_790 {strides = array<i32>} : memref<80x128xf32, #tpu.memory_space<vmem>>, vector<16xf32>,
        %swap3A_867 = arith.index_cast %sub3A_857 : i32 to index
        %swap3A_868 = arith.constant 48 : index
        %swap3A_869 = tpu.vector_load %arg10[%swap3A_867, %swap3A_868] {strides = array<i32>} : memref<80x128xf32, #tpu.memory_space<vmem>>, vector<16xf32>,
        tpu.vector_store %arg10[%swap3A_867, %swap3A_868], %gather3A_792 {strides = array<i32>} : memref<80x128xf32, #tpu.memory_space<vmem>>, vector<16xf32>,
        %swap3A_870 = arith.index_cast %sub3A_857 : i32 to index
        %swap3A_871 = arith.constant 64 : index
        %swap3A_872 = tpu.vector_load %arg10[%swap3A_870, %swap3A_871] {strides = array<i32>} : memref<80x128xf32, #tpu.memory_space<vmem>>, vector<16xf32>,
        tpu.vector_store %arg10[%swap3A_870, %swap3A_871], %gather3A_794 {strides = array<i32>} : memref<80x128xf32, #tpu.memory_space<vmem>>, vector<16xf32>,
        %swap3A_873 = arith.index_cast %sub3A_857 : i32 to index
        %swap3A_874 = arith.constant 80 : index
        %swap3A_875 = tpu.vector_load %arg10[%swap3A_873, %swap3A_874] {strides = array<i32>} : memref<80x128xf32, #tpu.memory_space<vmem>>, vector<16xf32>,
        tpu.vector_store %arg10[%swap3A_873, %swap3A_874], %gather3A_796 {strides = array<i32>} : memref<80x128xf32, #tpu.memory_space<vmem>>, vector<16xf32>,
        %swap3A_876 = arith.index_cast %sub3A_857 : i32 to index
        %swap3A_877 = arith.constant 96 : index
        %swap3A_878 = tpu.vector_load %arg10[%swap3A_876, %swap3A_877] {strides = array<i32>} : memref<80x128xf32, #tpu.memory_space<vmem>>, vector<16xf32>,
        tpu.vector_store %arg10[%swap3A_876, %swap3A_877], %gather3A_798 {strides = array<i32>} : memref<80x128xf32, #tpu.memory_space<vmem>>, vector<16xf32>,
        %swap3A_879 = arith.index_cast %sub3A_857 : i32 to index
        %swap3A_880 = arith.constant 112 : index
        %swap3A_881 = tpu.vector_load %arg10[%swap3A_879, %swap3A_880] {strides = array<i32>} : memref<80x128xf32, #tpu.memory_space<vmem>>, vector<16xf32>,
        tpu.vector_store %arg10[%swap3A_879, %swap3A_880], %gather3A_800 {strides = array<i32>} : memref<80x128xf32, #tpu.memory_space<vmem>>, vector<16xf32>,
        %mul3A_882 = arith.constant 8 : i32
        %mul3A_883 = arith.muli %scan3A_758, %mul3A_882 : i32
        %add3A_884 = arith.constant 3 : i32
        %add3A_885 = arith.addi %mul3A_883, %add3A_884 : i32
        %mul3A_886 = arith.constant 304 : i32
        %mul3A_887 = arith.muli %add3A_885, %mul3A_886 : i32
        %gather3A_888 = tpu.memref_slice %arg8[%mul3A_887] : memref<24320xf32, #tpu.memory_space<vmem>> -> memref<304xf32, #tpu.memory_space<vmem>>
        %gather3A_889 = tpu.vector_load_idx %gather3A_888[%get3A_592] : memref<304xf32, #tpu.memory_space<vmem>>[vector<16xi32>], vector<16xf32>,
        %gather3A_890 = tpu.memref_slice %arg8[%mul3A_887] : memref<24320xf32, #tpu.memory_space<vmem>> -> memref<304xf32, #tpu.memory_space<vmem>>
        %gather3A_891 = tpu.vector_load_idx %gather3A_890[%get3A_595] : memref<304xf32, #tpu.memory_space<vmem>>[vector<16xi32>], vector<16xf32>,
        %gather3A_892 = tpu.memref_slice %arg8[%mul3A_887] : memref<24320xf32, #tpu.memory_space<vmem>> -> memref<304xf32, #tpu.memory_space<vmem>>
        %gather3A_893 = tpu.vector_load_idx %gather3A_892[%get3A_598] : memref<304xf32, #tpu.memory_space<vmem>>[vector<16xi32>], vector<16xf32>,
        %gather3A_894 = tpu.memref_slice %arg8[%mul3A_887] : memref<24320xf32, #tpu.memory_space<vmem>> -> memref<304xf32, #tpu.memory_space<vmem>>
        %gather3A_895 = tpu.vector_load_idx %gather3A_894[%get3A_601] : memref<304xf32, #tpu.memory_space<vmem>>[vector<16xi32>], vector<16xf32>,
        %gather3A_896 = tpu.memref_slice %arg8[%mul3A_887] : memref<24320xf32, #tpu.memory_space<vmem>> -> memref<304xf32, #tpu.memory_space<vmem>>
        %gather3A_897 = tpu.vector_load_idx %gather3A_896[%get3A_604] : memref<304xf32, #tpu.memory_space<vmem>>[vector<16xi32>], vector<16xf32>,
        %gather3A_898 = tpu.memref_slice %arg8[%mul3A_887] : memref<24320xf32, #tpu.memory_space<vmem>> -> memref<304xf32, #tpu.memory_space<vmem>>
        %gather3A_899 = tpu.vector_load_idx %gather3A_898[%get3A_607] : memref<304xf32, #tpu.memory_space<vmem>>[vector<16xi32>], vector<16xf32>,
        %gather3A_900 = tpu.memref_slice %arg8[%mul3A_887] : memref<24320xf32, #tpu.memory_space<vmem>> -> memref<304xf32, #tpu.memory_space<vmem>>
        %gather3A_901 = tpu.vector_load_idx %gather3A_900[%get3A_610] : memref<304xf32, #tpu.memory_space<vmem>>[vector<16xi32>], vector<16xf32>,
        %gather3A_902 = tpu.memref_slice %arg8[%mul3A_887] : memref<24320xf32, #tpu.memory_space<vmem>> -> memref<304xf32, #tpu.memory_space<vmem>>
        %gather3A_903 = tpu.vector_load_idx %gather3A_902[%get3A_613] : memref<304xf32, #tpu.memory_space<vmem>>[vector<16xi32>], vector<16xf32>,
        %mul3A_904 = arith.constant 8 : i32
        %mul3A_905 = arith.muli %scan3A_758, %mul3A_904 : i32
        %add3A_906 = arith.constant 3 : i32
        %add3A_907 = arith.addi %mul3A_905, %add3A_906 : i32
        %sub3A_908 = arith.constant 1 : i32
        %sub3A_909 = arith.subi %add3A_907, %sub3A_908 : i32
        %swap3A_910 = arith.index_cast %sub3A_909 : i32 to index
        %swap3A_911 = arith.constant 0 : index
        %swap3A_912 = tpu.vector_load %arg10[%swap3A_910, %swap3A_911] {strides = array<i32>} : memref<80x128xf32, #tpu.memory_space<vmem>>, vector<16xf32>,
        tpu.vector_store %arg10[%swap3A_910, %swap3A_911], %gather3A_837 {strides = array<i32>} : memref<80x128xf32, #tpu.memory_space<vmem>>, vector<16xf32>,
        %swap3A_913 = arith.index_cast %sub3A_909 : i32 to index
        %swap3A_914 = arith.constant 16 : index
        %swap3A_915 = tpu.vector_load %arg10[%swap3A_913, %swap3A_914] {strides = array<i32>} : memref<80x128xf32, #tpu.memory_space<vmem>>, vector<16xf32>,
        tpu.vector_store %arg10[%swap3A_913, %swap3A_914], %gather3A_839 {strides = array<i32>} : memref<80x128xf32, #tpu.memory_space<vmem>>, vector<16xf32>,
        %swap3A_916 = arith.index_cast %sub3A_909 : i32 to index
        %swap3A_917 = arith.constant 32 : index
        %swap3A_918 = tpu.vector_load %arg10[%swap3A_916, %swap3A_917] {strides = array<i32>} : memref<80x128xf32, #tpu.memory_space<vmem>>, vector<16xf32>,
        tpu.vector_store %arg10[%swap3A_916, %swap3A_917], %gather3A_841 {strides = array<i32>} : memref<80x128xf32, #tpu.memory_space<vmem>>, vector<16xf32>,
        %swap3A_919 = arith.index_cast %sub3A_909 : i32 to index
        %swap3A_920 = arith.constant 48 : index
        %swap3A_921 = tpu.vector_load %arg10[%swap3A_919, %swap3A_920] {strides = array<i32>} : memref<80x128xf32, #tpu.memory_space<vmem>>, vector<16xf32>,
        tpu.vector_store %arg10[%swap3A_919, %swap3A_920], %gather3A_843 {strides = array<i32>} : memref<80x128xf32, #tpu.memory_space<vmem>>, vector<16xf32>,
        %swap3A_922 = arith.index_cast %sub3A_909 : i32 to index
        %swap3A_923 = arith.constant 64 : index
        %swap3A_924 = tpu.vector_load %arg10[%swap3A_922, %swap3A_923] {strides = array<i32>} : memref<80x128xf32, #tpu.memory_space<vmem>>, vector<16xf32>,
        tpu.vector_store %arg10[%swap3A_922, %swap3A_923], %gather3A_845 {strides = array<i32>} : memref<80x128xf32, #tpu.memory_space<vmem>>, vector<16xf32>,
        %swap3A_925 = arith.index_cast %sub3A_909 : i32 to index
        %swap3A_926 = arith.constant 80 : index
        %swap3A_927 = tpu.vector_load %arg10[%swap3A_925, %swap3A_926] {strides = array<i32>} : memref<80x128xf32, #tpu.memory_space<vmem>>, vector<16xf32>,
        tpu.vector_store %arg10[%swap3A_925, %swap3A_926], %gather3A_847 {strides = array<i32>} : memref<80x128xf32, #tpu.memory_space<vmem>>, vector<16xf32>,
        %swap3A_928 = arith.index_cast %sub3A_909 : i32 to index
        %swap3A_929 = arith.constant 96 : index
        %swap3A_930 = tpu.vector_load %arg10[%swap3A_928, %swap3A_929] {strides = array<i32>} : memref<80x128xf32, #tpu.memory_space<vmem>>, vector<16xf32>,
        tpu.vector_store %arg10[%swap3A_928, %swap3A_929], %gather3A_849 {strides = array<i32>} : memref<80x128xf32, #tpu.memory_space<vmem>>, vector<16xf32>,
        %swap3A_931 = arith.index_cast %sub3A_909 : i32 to index
        %swap3A_932 = arith.constant 112 : index
        %swap3A_933 = tpu.vector_load %arg10[%swap3A_931, %swap3A_932] {strides = array<i32>} : memref<80x128xf32, #tpu.memory_space<vmem>>, vector<16xf32>,
        tpu.vector_store %arg10[%swap3A_931, %swap3A_932], %gather3A_851 {strides = array<i32>} : memref<80x128xf32, #tpu.memory_space<vmem>>, vector<16xf32>,
        %mul3A_934 = arith.constant 8 : i32
        %mul3A_935 = arith.muli %scan3A_758, %mul3A_934 : i32
        %add3A_936 = arith.constant 4 : i32
        %add3A_937 = arith.addi %mul3A_935, %add3A_936 : i32
        %mul3A_938 = arith.constant 304 : i32
        %mul3A_939 = arith.muli %add3A_937, %mul3A_938 : i32
        %gather3A_940 = tpu.memref_slice %arg8[%mul3A_939] : memref<24320xf32, #tpu.memory_space<vmem>> -> memref<304xf32, #tpu.memory_space<vmem>>
        %gather3A_941 = tpu.vector_load_idx %gather3A_940[%get3A_592] : memref<304xf32, #tpu.memory_space<vmem>>[vector<16xi32>], vector<16xf32>,
        %gather3A_942 = tpu.memref_slice %arg8[%mul3A_939] : memref<24320xf32, #tpu.memory_space<vmem>> -> memref<304xf32, #tpu.memory_space<vmem>>
        %gather3A_943 = tpu.vector_load_idx %gather3A_942[%get3A_595] : memref<304xf32, #tpu.memory_space<vmem>>[vector<16xi32>], vector<16xf32>,
        %gather3A_944 = tpu.memref_slice %arg8[%mul3A_939] : memref<24320xf32, #tpu.memory_space<vmem>> -> memref<304xf32, #tpu.memory_space<vmem>>
        %gather3A_945 = tpu.vector_load_idx %gather3A_944[%get3A_598] : memref<304xf32, #tpu.memory_space<vmem>>[vector<16xi32>], vector<16xf32>,
        %gather3A_946 = tpu.memref_slice %arg8[%mul3A_939] : memref<24320xf32, #tpu.memory_space<vmem>> -> memref<304xf32, #tpu.memory_space<vmem>>
        %gather3A_947 = tpu.vector_load_idx %gather3A_946[%get3A_601] : memref<304xf32, #tpu.memory_space<vmem>>[vector<16xi32>], vector<16xf32>,
        %gather3A_948 = tpu.memref_slice %arg8[%mul3A_939] : memref<24320xf32, #tpu.memory_space<vmem>> -> memref<304xf32, #tpu.memory_space<vmem>>
        %gather3A_949 = tpu.vector_load_idx %gather3A_948[%get3A_604] : memref<304xf32, #tpu.memory_space<vmem>>[vector<16xi32>], vector<16xf32>,
        %gather3A_950 = tpu.memref_slice %arg8[%mul3A_939] : memref<24320xf32, #tpu.memory_space<vmem>> -> memref<304xf32, #tpu.memory_space<vmem>>
        %gather3A_951 = tpu.vector_load_idx %gather3A_950[%get3A_607] : memref<304xf32, #tpu.memory_space<vmem>>[vector<16xi32>], vector<16xf32>,
        %gather3A_952 = tpu.memref_slice %arg8[%mul3A_939] : memref<24320xf32, #tpu.memory_space<vmem>> -> memref<304xf32, #tpu.memory_space<vmem>>
        %gather3A_953 = tpu.vector_load_idx %gather3A_952[%get3A_610] : memref<304xf32, #tpu.memory_space<vmem>>[vector<16xi32>], vector<16xf32>,
        %gather3A_954 = tpu.memref_slice %arg8[%mul3A_939] : memref<24320xf32, #tpu.memory_space<vmem>> -> memref<304xf32, #tpu.memory_space<vmem>>
        %gather3A_955 = tpu.vector_load_idx %gather3A_954[%get3A_613] : memref<304xf32, #tpu.memory_space<vmem>>[vector<16xi32>], vector<16xf32>,
        %mul3A_956 = arith.constant 8 : i32
        %mul3A_957 = arith.muli %scan3A_758, %mul3A_956 : i32
        %add3A_958 = arith.constant 4 : i32
        %add3A_959 = arith.addi %mul3A_957, %add3A_958 : i32
        %sub3A_960 = arith.constant 1 : i32
        %sub3A_961 = arith.subi %add3A_959, %sub3A_960 : i32
        %swap3A_962 = arith.index_cast %sub3A_961 : i32 to index
        %swap3A_963 = arith.constant 0 : index
        %swap3A_964 = tpu.vector_load %arg10[%swap3A_962, %swap3A_963] {strides = array<i32>} : memref<80x128xf32, #tpu.memory_space<vmem>>, vector<16xf32>,
        tpu.vector_store %arg10[%swap3A_962, %swap3A_963], %gather3A_889 {strides = array<i32>} : memref<80x128xf32, #tpu.memory_space<vmem>>, vector<16xf32>,
        %swap3A_965 = arith.index_cast %sub3A_961 : i32 to index
        %swap3A_966 = arith.constant 16 : index
        %swap3A_967 = tpu.vector_load %arg10[%swap3A_965, %swap3A_966] {strides = array<i32>} : memref<80x128xf32, #tpu.memory_space<vmem>>, vector<16xf32>,
        tpu.vector_store %arg10[%swap3A_965, %swap3A_966], %gather3A_891 {strides = array<i32>} : memref<80x128xf32, #tpu.memory_space<vmem>>, vector<16xf32>,
        %swap3A_968 = arith.index_cast %sub3A_961 : i32 to index
        %swap3A_969 = arith.constant 32 : index
        %swap3A_970 = tpu.vector_load %arg10[%swap3A_968, %swap3A_969] {strides = array<i32>} : memref<80x128xf32, #tpu.memory_space<vmem>>, vector<16xf32>,
        tpu.vector_store %arg10[%swap3A_968, %swap3A_969], %gather3A_893 {strides = array<i32>} : memref<80x128xf32, #tpu.memory_space<vmem>>, vector<16xf32>,
        %swap3A_971 = arith.index_cast %sub3A_961 : i32 to index
        %swap3A_972 = arith.constant 48 : index
        %swap3A_973 = tpu.vector_load %arg10[%swap3A_971, %swap3A_972] {strides = array<i32>} : memref<80x128xf32, #tpu.memory_space<vmem>>, vector<16xf32>,
        tpu.vector_store %arg10[%swap3A_971, %swap3A_972], %gather3A_895 {strides = array<i32>} : memref<80x128xf32, #tpu.memory_space<vmem>>, vector<16xf32>,
        %swap3A_974 = arith.index_cast %sub3A_961 : i32 to index
        %swap3A_975 = arith.constant 64 : index
        %swap3A_976 = tpu.vector_load %arg10[%swap3A_974, %swap3A_975] {strides = array<i32>} : memref<80x128xf32, #tpu.memory_space<vmem>>, vector<16xf32>,
        tpu.vector_store %arg10[%swap3A_974, %swap3A_975], %gather3A_897 {strides = array<i32>} : memref<80x128xf32, #tpu.memory_space<vmem>>, vector<16xf32>,
        %swap3A_977 = arith.index_cast %sub3A_961 : i32 to index
        %swap3A_978 = arith.constant 80 : index
        %swap3A_979 = tpu.vector_load %arg10[%swap3A_977, %swap3A_978] {strides = array<i32>} : memref<80x128xf32, #tpu.memory_space<vmem>>, vector<16xf32>,
        tpu.vector_store %arg10[%swap3A_977, %swap3A_978], %gather3A_899 {strides = array<i32>} : memref<80x128xf32, #tpu.memory_space<vmem>>, vector<16xf32>,
        %swap3A_980 = arith.index_cast %sub3A_961 : i32 to index
        %swap3A_981 = arith.constant 96 : index
        %swap3A_982 = tpu.vector_load %arg10[%swap3A_980, %swap3A_981] {strides = array<i32>} : memref<80x128xf32, #tpu.memory_space<vmem>>, vector<16xf32>,
        tpu.vector_store %arg10[%swap3A_980, %swap3A_981], %gather3A_901 {strides = array<i32>} : memref<80x128xf32, #tpu.memory_space<vmem>>, vector<16xf32>,
        %swap3A_983 = arith.index_cast %sub3A_961 : i32 to index
        %swap3A_984 = arith.constant 112 : index
        %swap3A_985 = tpu.vector_load %arg10[%swap3A_983, %swap3A_984] {strides = array<i32>} : memref<80x128xf32, #tpu.memory_space<vmem>>, vector<16xf32>,
        tpu.vector_store %arg10[%swap3A_983, %swap3A_984], %gather3A_903 {strides = array<i32>} : memref<80x128xf32, #tpu.memory_space<vmem>>, vector<16xf32>,
        %mul3A_986 = arith.constant 8 : i32
        %mul3A_987 = arith.muli %scan3A_758, %mul3A_986 : i32
        %add3A_988 = arith.constant 5 : i32
        %add3A_989 = arith.addi %mul3A_987, %add3A_988 : i32
        %mul3A_990 = arith.constant 304 : i32
        %mul3A_991 = arith.muli %add3A_989, %mul3A_990 : i32
        %gather3A_992 = tpu.memref_slice %arg8[%mul3A_991] : memref<24320xf32, #tpu.memory_space<vmem>> -> memref<304xf32, #tpu.memory_space<vmem>>
        %gather3A_993 = tpu.vector_load_idx %gather3A_992[%get3A_592] : memref<304xf32, #tpu.memory_space<vmem>>[vector<16xi32>], vector<16xf32>,
        %gather3A_994 = tpu.memref_slice %arg8[%mul3A_991] : memref<24320xf32, #tpu.memory_space<vmem>> -> memref<304xf32, #tpu.memory_space<vmem>>
        %gather3A_995 = tpu.vector_load_idx %gather3A_994[%get3A_595] : memref<304xf32, #tpu.memory_space<vmem>>[vector<16xi32>], vector<16xf32>,
        %gather3A_996 = tpu.memref_slice %arg8[%mul3A_991] : memref<24320xf32, #tpu.memory_space<vmem>> -> memref<304xf32, #tpu.memory_space<vmem>>
        %gather3A_997 = tpu.vector_load_idx %gather3A_996[%get3A_598] : memref<304xf32, #tpu.memory_space<vmem>>[vector<16xi32>], vector<16xf32>,
        %gather3A_998 = tpu.memref_slice %arg8[%mul3A_991] : memref<24320xf32, #tpu.memory_space<vmem>> -> memref<304xf32, #tpu.memory_space<vmem>>
        %gather3A_999 = tpu.vector_load_idx %gather3A_998[%get3A_601] : memref<304xf32, #tpu.memory_space<vmem>>[vector<16xi32>], vector<16xf32>,
        %gather3A_1000 = tpu.memref_slice %arg8[%mul3A_991] : memref<24320xf32, #tpu.memory_space<vmem>> -> memref<304xf32, #tpu.memory_space<vmem>>
        %gather3A_1001 = tpu.vector_load_idx %gather3A_1000[%get3A_604] : memref<304xf32, #tpu.memory_space<vmem>>[vector<16xi32>], vector<16xf32>,
        %gather3A_1002 = tpu.memref_slice %arg8[%mul3A_991] : memref<24320xf32, #tpu.memory_space<vmem>> -> memref<304xf32, #tpu.memory_space<vmem>>
        %gather3A_1003 = tpu.vector_load_idx %gather3A_1002[%get3A_607] : memref<304xf32, #tpu.memory_space<vmem>>[vector<16xi32>], vector<16xf32>,
        %gather3A_1004 = tpu.memref_slice %arg8[%mul3A_991] : memref<24320xf32, #tpu.memory_space<vmem>> -> memref<304xf32, #tpu.memory_space<vmem>>
        %gather3A_1005 = tpu.vector_load_idx %gather3A_1004[%get3A_610] : memref<304xf32, #tpu.memory_space<vmem>>[vector<16xi32>], vector<16xf32>,
        %gather3A_1006 = tpu.memref_slice %arg8[%mul3A_991] : memref<24320xf32, #tpu.memory_space<vmem>> -> memref<304xf32, #tpu.memory_space<vmem>>
        %gather3A_1007 = tpu.vector_load_idx %gather3A_1006[%get3A_613] : memref<304xf32, #tpu.memory_space<vmem>>[vector<16xi32>], vector<16xf32>,
        %mul3A_1008 = arith.constant 8 : i32
        %mul3A_1009 = arith.muli %scan3A_758, %mul3A_1008 : i32
        %add3A_1010 = arith.constant 5 : i32
        %add3A_1011 = arith.addi %mul3A_1009, %add3A_1010 : i32
        %sub3A_1012 = arith.constant 1 : i32
        %sub3A_1013 = arith.subi %add3A_1011, %sub3A_1012 : i32
        %swap3A_1014 = arith.index_cast %sub3A_1013 : i32 to index
        %swap3A_1015 = arith.constant 0 : index
        %swap3A_1016 = tpu.vector_load %arg10[%swap3A_1014, %swap3A_1015] {strides = array<i32>} : memref<80x128xf32, #tpu.memory_space<vmem>>, vector<16xf32>,
        tpu.vector_store %arg10[%swap3A_1014, %swap3A_1015], %gather3A_941 {strides = array<i32>} : memref<80x128xf32, #tpu.memory_space<vmem>>, vector<16xf32>,
        %swap3A_1017 = arith.index_cast %sub3A_1013 : i32 to index
        %swap3A_1018 = arith.constant 16 : index
        %swap3A_1019 = tpu.vector_load %arg10[%swap3A_1017, %swap3A_1018] {strides = array<i32>} : memref<80x128xf32, #tpu.memory_space<vmem>>, vector<16xf32>,
        tpu.vector_store %arg10[%swap3A_1017, %swap3A_1018], %gather3A_943 {strides = array<i32>} : memref<80x128xf32, #tpu.memory_space<vmem>>, vector<16xf32>,
        %swap3A_1020 = arith.index_cast %sub3A_1013 : i32 to index
        %swap3A_1021 = arith.constant 32 : index
        %swap3A_1022 = tpu.vector_load %arg10[%swap3A_1020, %swap3A_1021] {strides = array<i32>} : memref<80x128xf32, #tpu.memory_space<vmem>>, vector<16xf32>,
        tpu.vector_store %arg10[%swap3A_1020, %swap3A_1021], %gather3A_945 {strides = array<i32>} : memref<80x128xf32, #tpu.memory_space<vmem>>, vector<16xf32>,
        %swap3A_1023 = arith.index_cast %sub3A_1013 : i32 to index
        %swap3A_1024 = arith.constant 48 : index
        %swap3A_1025 = tpu.vector_load %arg10[%swap3A_1023, %swap3A_1024] {strides = array<i32>} : memref<80x128xf32, #tpu.memory_space<vmem>>, vector<16xf32>,
        tpu.vector_store %arg10[%swap3A_1023, %swap3A_1024], %gather3A_947 {strides = array<i32>} : memref<80x128xf32, #tpu.memory_space<vmem>>, vector<16xf32>,
        %swap3A_1026 = arith.index_cast %sub3A_1013 : i32 to index
        %swap3A_1027 = arith.constant 64 : index
        %swap3A_1028 = tpu.vector_load %arg10[%swap3A_1026, %swap3A_1027] {strides = array<i32>} : memref<80x128xf32, #tpu.memory_space<vmem>>, vector<16xf32>,
        tpu.vector_store %arg10[%swap3A_1026, %swap3A_1027], %gather3A_949 {strides = array<i32>} : memref<80x128xf32, #tpu.memory_space<vmem>>, vector<16xf32>,
        %swap3A_1029 = arith.index_cast %sub3A_1013 : i32 to index
        %swap3A_1030 = arith.constant 80 : index
        %swap3A_1031 = tpu.vector_load %arg10[%swap3A_1029, %swap3A_1030] {strides = array<i32>} : memref<80x128xf32, #tpu.memory_space<vmem>>, vector<16xf32>,
        tpu.vector_store %arg10[%swap3A_1029, %swap3A_1030], %gather3A_951 {strides = array<i32>} : memref<80x128xf32, #tpu.memory_space<vmem>>, vector<16xf32>,
        %swap3A_1032 = arith.index_cast %sub3A_1013 : i32 to index
        %swap3A_1033 = arith.constant 96 : index
        %swap3A_1034 = tpu.vector_load %arg10[%swap3A_1032, %swap3A_1033] {strides = array<i32>} : memref<80x128xf32, #tpu.memory_space<vmem>>, vector<16xf32>,
        tpu.vector_store %arg10[%swap3A_1032, %swap3A_1033], %gather3A_953 {strides = array<i32>} : memref<80x128xf32, #tpu.memory_space<vmem>>, vector<16xf32>,
        %swap3A_1035 = arith.index_cast %sub3A_1013 : i32 to index
        %swap3A_1036 = arith.constant 112 : index
        %swap3A_1037 = tpu.vector_load %arg10[%swap3A_1035, %swap3A_1036] {strides = array<i32>} : memref<80x128xf32, #tpu.memory_space<vmem>>, vector<16xf32>,
        tpu.vector_store %arg10[%swap3A_1035, %swap3A_1036], %gather3A_955 {strides = array<i32>} : memref<80x128xf32, #tpu.memory_space<vmem>>, vector<16xf32>,
        %mul3A_1038 = arith.constant 8 : i32
        %mul3A_1039 = arith.muli %scan3A_758, %mul3A_1038 : i32
        %add3A_1040 = arith.constant 6 : i32
        %add3A_1041 = arith.addi %mul3A_1039, %add3A_1040 : i32
        %mul3A_1042 = arith.constant 304 : i32
        %mul3A_1043 = arith.muli %add3A_1041, %mul3A_1042 : i32
        %gather3A_1044 = tpu.memref_slice %arg8[%mul3A_1043] : memref<24320xf32, #tpu.memory_space<vmem>> -> memref<304xf32, #tpu.memory_space<vmem>>
        %gather3A_1045 = tpu.vector_load_idx %gather3A_1044[%get3A_592] : memref<304xf32, #tpu.memory_space<vmem>>[vector<16xi32>], vector<16xf32>,
        %gather3A_1046 = tpu.memref_slice %arg8[%mul3A_1043] : memref<24320xf32, #tpu.memory_space<vmem>> -> memref<304xf32, #tpu.memory_space<vmem>>
        %gather3A_1047 = tpu.vector_load_idx %gather3A_1046[%get3A_595] : memref<304xf32, #tpu.memory_space<vmem>>[vector<16xi32>], vector<16xf32>,
        %gather3A_1048 = tpu.memref_slice %arg8[%mul3A_1043] : memref<24320xf32, #tpu.memory_space<vmem>> -> memref<304xf32, #tpu.memory_space<vmem>>
        %gather3A_1049 = tpu.vector_load_idx %gather3A_1048[%get3A_598] : memref<304xf32, #tpu.memory_space<vmem>>[vector<16xi32>], vector<16xf32>,
        %gather3A_1050 = tpu.memref_slice %arg8[%mul3A_1043] : memref<24320xf32, #tpu.memory_space<vmem>> -> memref<304xf32, #tpu.memory_space<vmem>>
        %gather3A_1051 = tpu.vector_load_idx %gather3A_1050[%get3A_601] : memref<304xf32, #tpu.memory_space<vmem>>[vector<16xi32>], vector<16xf32>,
        %gather3A_1052 = tpu.memref_slice %arg8[%mul3A_1043] : memref<24320xf32, #tpu.memory_space<vmem>> -> memref<304xf32, #tpu.memory_space<vmem>>
        %gather3A_1053 = tpu.vector_load_idx %gather3A_1052[%get3A_604] : memref<304xf32, #tpu.memory_space<vmem>>[vector<16xi32>], vector<16xf32>,
        %gather3A_1054 = tpu.memref_slice %arg8[%mul3A_1043] : memref<24320xf32, #tpu.memory_space<vmem>> -> memref<304xf32, #tpu.memory_space<vmem>>
        %gather3A_1055 = tpu.vector_load_idx %gather3A_1054[%get3A_607] : memref<304xf32, #tpu.memory_space<vmem>>[vector<16xi32>], vector<16xf32>,
        %gather3A_1056 = tpu.memref_slice %arg8[%mul3A_1043] : memref<24320xf32, #tpu.memory_space<vmem>> -> memref<304xf32, #tpu.memory_space<vmem>>
        %gather3A_1057 = tpu.vector_load_idx %gather3A_1056[%get3A_610] : memref<304xf32, #tpu.memory_space<vmem>>[vector<16xi32>], vector<16xf32>,
        %gather3A_1058 = tpu.memref_slice %arg8[%mul3A_1043] : memref<24320xf32, #tpu.memory_space<vmem>> -> memref<304xf32, #tpu.memory_space<vmem>>
        %gather3A_1059 = tpu.vector_load_idx %gather3A_1058[%get3A_613] : memref<304xf32, #tpu.memory_space<vmem>>[vector<16xi32>], vector<16xf32>,
        %mul3A_1060 = arith.constant 8 : i32
        %mul3A_1061 = arith.muli %scan3A_758, %mul3A_1060 : i32
        %add3A_1062 = arith.constant 6 : i32
        %add3A_1063 = arith.addi %mul3A_1061, %add3A_1062 : i32
        %sub3A_1064 = arith.constant 1 : i32
        %sub3A_1065 = arith.subi %add3A_1063, %sub3A_1064 : i32
        %swap3A_1066 = arith.index_cast %sub3A_1065 : i32 to index
        %swap3A_1067 = arith.constant 0 : index
        %swap3A_1068 = tpu.vector_load %arg10[%swap3A_1066, %swap3A_1067] {strides = array<i32>} : memref<80x128xf32, #tpu.memory_space<vmem>>, vector<16xf32>,
        tpu.vector_store %arg10[%swap3A_1066, %swap3A_1067], %gather3A_993 {strides = array<i32>} : memref<80x128xf32, #tpu.memory_space<vmem>>, vector<16xf32>,
        %swap3A_1069 = arith.index_cast %sub3A_1065 : i32 to index
        %swap3A_1070 = arith.constant 16 : index
        %swap3A_1071 = tpu.vector_load %arg10[%swap3A_1069, %swap3A_1070] {strides = array<i32>} : memref<80x128xf32, #tpu.memory_space<vmem>>, vector<16xf32>,
        tpu.vector_store %arg10[%swap3A_1069, %swap3A_1070], %gather3A_995 {strides = array<i32>} : memref<80x128xf32, #tpu.memory_space<vmem>>, vector<16xf32>,
        %swap3A_1072 = arith.index_cast %sub3A_1065 : i32 to index
        %swap3A_1073 = arith.constant 32 : index
        %swap3A_1074 = tpu.vector_load %arg10[%swap3A_1072, %swap3A_1073] {strides = array<i32>} : memref<80x128xf32, #tpu.memory_space<vmem>>, vector<16xf32>,
        tpu.vector_store %arg10[%swap3A_1072, %swap3A_1073], %gather3A_997 {strides = array<i32>} : memref<80x128xf32, #tpu.memory_space<vmem>>, vector<16xf32>,
        %swap3A_1075 = arith.index_cast %sub3A_1065 : i32 to index
        %swap3A_1076 = arith.constant 48 : index
        %swap3A_1077 = tpu.vector_load %arg10[%swap3A_1075, %swap3A_1076] {strides = array<i32>} : memref<80x128xf32, #tpu.memory_space<vmem>>, vector<16xf32>,
        tpu.vector_store %arg10[%swap3A_1075, %swap3A_1076], %gather3A_999 {strides = array<i32>} : memref<80x128xf32, #tpu.memory_space<vmem>>, vector<16xf32>,
        %swap3A_1078 = arith.index_cast %sub3A_1065 : i32 to index
        %swap3A_1079 = arith.constant 64 : index
        %swap3A_1080 = tpu.vector_load %arg10[%swap3A_1078, %swap3A_1079] {strides = array<i32>} : memref<80x128xf32, #tpu.memory_space<vmem>>, vector<16xf32>,
        tpu.vector_store %arg10[%swap3A_1078, %swap3A_1079], %gather3A_1001 {strides = array<i32>} : memref<80x128xf32, #tpu.memory_space<vmem>>, vector<16xf32>,
        %swap3A_1081 = arith.index_cast %sub3A_1065 : i32 to index
        %swap3A_1082 = arith.constant 80 : index
        %swap3A_1083 = tpu.vector_load %arg10[%swap3A_1081, %swap3A_1082] {strides = array<i32>} : memref<80x128xf32, #tpu.memory_space<vmem>>, vector<16xf32>,
        tpu.vector_store %arg10[%swap3A_1081, %swap3A_1082], %gather3A_1003 {strides = array<i32>} : memref<80x128xf32, #tpu.memory_space<vmem>>, vector<16xf32>,
        %swap3A_1084 = arith.index_cast %sub3A_1065 : i32 to index
        %swap3A_1085 = arith.constant 96 : index
        %swap3A_1086 = tpu.vector_load %arg10[%swap3A_1084, %swap3A_1085] {strides = array<i32>} : memref<80x128xf32, #tpu.memory_space<vmem>>, vector<16xf32>,
        tpu.vector_store %arg10[%swap3A_1084, %swap3A_1085], %gather3A_1005 {strides = array<i32>} : memref<80x128xf32, #tpu.memory_space<vmem>>, vector<16xf32>,
        %swap3A_1087 = arith.index_cast %sub3A_1065 : i32 to index
        %swap3A_1088 = arith.constant 112 : index
        %swap3A_1089 = tpu.vector_load %arg10[%swap3A_1087, %swap3A_1088] {strides = array<i32>} : memref<80x128xf32, #tpu.memory_space<vmem>>, vector<16xf32>,
        tpu.vector_store %arg10[%swap3A_1087, %swap3A_1088], %gather3A_1007 {strides = array<i32>} : memref<80x128xf32, #tpu.memory_space<vmem>>, vector<16xf32>,
        %mul3A_1090 = arith.constant 8 : i32
        %mul3A_1091 = arith.muli %scan3A_758, %mul3A_1090 : i32
        %add3A_1092 = arith.constant 7 : i32
        %add3A_1093 = arith.addi %mul3A_1091, %add3A_1092 : i32
        %mul3A_1094 = arith.constant 304 : i32
        %mul3A_1095 = arith.muli %add3A_1093, %mul3A_1094 : i32
        %gather3A_1096 = tpu.memref_slice %arg8[%mul3A_1095] : memref<24320xf32, #tpu.memory_space<vmem>> -> memref<304xf32, #tpu.memory_space<vmem>>
        %gather3A_1097 = tpu.vector_load_idx %gather3A_1096[%get3A_592] : memref<304xf32, #tpu.memory_space<vmem>>[vector<16xi32>], vector<16xf32>,
        %gather3A_1098 = tpu.memref_slice %arg8[%mul3A_1095] : memref<24320xf32, #tpu.memory_space<vmem>> -> memref<304xf32, #tpu.memory_space<vmem>>
        %gather3A_1099 = tpu.vector_load_idx %gather3A_1098[%get3A_595] : memref<304xf32, #tpu.memory_space<vmem>>[vector<16xi32>], vector<16xf32>,
        %gather3A_1100 = tpu.memref_slice %arg8[%mul3A_1095] : memref<24320xf32, #tpu.memory_space<vmem>> -> memref<304xf32, #tpu.memory_space<vmem>>
        %gather3A_1101 = tpu.vector_load_idx %gather3A_1100[%get3A_598] : memref<304xf32, #tpu.memory_space<vmem>>[vector<16xi32>], vector<16xf32>,
        %gather3A_1102 = tpu.memref_slice %arg8[%mul3A_1095] : memref<24320xf32, #tpu.memory_space<vmem>> -> memref<304xf32, #tpu.memory_space<vmem>>
        %gather3A_1103 = tpu.vector_load_idx %gather3A_1102[%get3A_601] : memref<304xf32, #tpu.memory_space<vmem>>[vector<16xi32>], vector<16xf32>,
        %gather3A_1104 = tpu.memref_slice %arg8[%mul3A_1095] : memref<24320xf32, #tpu.memory_space<vmem>> -> memref<304xf32, #tpu.memory_space<vmem>>
        %gather3A_1105 = tpu.vector_load_idx %gather3A_1104[%get3A_604] : memref<304xf32, #tpu.memory_space<vmem>>[vector<16xi32>], vector<16xf32>,
        %gather3A_1106 = tpu.memref_slice %arg8[%mul3A_1095] : memref<24320xf32, #tpu.memory_space<vmem>> -> memref<304xf32, #tpu.memory_space<vmem>>
        %gather3A_1107 = tpu.vector_load_idx %gather3A_1106[%get3A_607] : memref<304xf32, #tpu.memory_space<vmem>>[vector<16xi32>], vector<16xf32>,
        %gather3A_1108 = tpu.memref_slice %arg8[%mul3A_1095] : memref<24320xf32, #tpu.memory_space<vmem>> -> memref<304xf32, #tpu.memory_space<vmem>>
        %gather3A_1109 = tpu.vector_load_idx %gather3A_1108[%get3A_610] : memref<304xf32, #tpu.memory_space<vmem>>[vector<16xi32>], vector<16xf32>,
        %gather3A_1110 = tpu.memref_slice %arg8[%mul3A_1095] : memref<24320xf32, #tpu.memory_space<vmem>> -> memref<304xf32, #tpu.memory_space<vmem>>
        %gather3A_1111 = tpu.vector_load_idx %gather3A_1110[%get3A_613] : memref<304xf32, #tpu.memory_space<vmem>>[vector<16xi32>], vector<16xf32>,
        %mul3A_1112 = arith.constant 8 : i32
        %mul3A_1113 = arith.muli %scan3A_758, %mul3A_1112 : i32
        %add3A_1114 = arith.constant 7 : i32
        %add3A_1115 = arith.addi %mul3A_1113, %add3A_1114 : i32
        %sub3A_1116 = arith.constant 1 : i32
        %sub3A_1117 = arith.subi %add3A_1115, %sub3A_1116 : i32
        %swap3A_1118 = arith.index_cast %sub3A_1117 : i32 to index
        %swap3A_1119 = arith.constant 0 : index
        %swap3A_1120 = tpu.vector_load %arg10[%swap3A_1118, %swap3A_1119] {strides = array<i32>} : memref<80x128xf32, #tpu.memory_space<vmem>>, vector<16xf32>,
        tpu.vector_store %arg10[%swap3A_1118, %swap3A_1119], %gather3A_1045 {strides = array<i32>} : memref<80x128xf32, #tpu.memory_space<vmem>>, vector<16xf32>,
        %swap3A_1121 = arith.index_cast %sub3A_1117 : i32 to index
        %swap3A_1122 = arith.constant 16 : index
        %swap3A_1123 = tpu.vector_load %arg10[%swap3A_1121, %swap3A_1122] {strides = array<i32>} : memref<80x128xf32, #tpu.memory_space<vmem>>, vector<16xf32>,
        tpu.vector_store %arg10[%swap3A_1121, %swap3A_1122], %gather3A_1047 {strides = array<i32>} : memref<80x128xf32, #tpu.memory_space<vmem>>, vector<16xf32>,
        %swap3A_1124 = arith.index_cast %sub3A_1117 : i32 to index
        %swap3A_1125 = arith.constant 32 : index
        %swap3A_1126 = tpu.vector_load %arg10[%swap3A_1124, %swap3A_1125] {strides = array<i32>} : memref<80x128xf32, #tpu.memory_space<vmem>>, vector<16xf32>,
        tpu.vector_store %arg10[%swap3A_1124, %swap3A_1125], %gather3A_1049 {strides = array<i32>} : memref<80x128xf32, #tpu.memory_space<vmem>>, vector<16xf32>,
        %swap3A_1127 = arith.index_cast %sub3A_1117 : i32 to index
        %swap3A_1128 = arith.constant 48 : index
        %swap3A_1129 = tpu.vector_load %arg10[%swap3A_1127, %swap3A_1128] {strides = array<i32>} : memref<80x128xf32, #tpu.memory_space<vmem>>, vector<16xf32>,
        tpu.vector_store %arg10[%swap3A_1127, %swap3A_1128], %gather3A_1051 {strides = array<i32>} : memref<80x128xf32, #tpu.memory_space<vmem>>, vector<16xf32>,
        %swap3A_1130 = arith.index_cast %sub3A_1117 : i32 to index
        %swap3A_1131 = arith.constant 64 : index
        %swap3A_1132 = tpu.vector_load %arg10[%swap3A_1130, %swap3A_1131] {strides = array<i32>} : memref<80x128xf32, #tpu.memory_space<vmem>>, vector<16xf32>,
        tpu.vector_store %arg10[%swap3A_1130, %swap3A_1131], %gather3A_1053 {strides = array<i32>} : memref<80x128xf32, #tpu.memory_space<vmem>>, vector<16xf32>,
        %swap3A_1133 = arith.index_cast %sub3A_1117 : i32 to index
        %swap3A_1134 = arith.constant 80 : index
        %swap3A_1135 = tpu.vector_load %arg10[%swap3A_1133, %swap3A_1134] {strides = array<i32>} : memref<80x128xf32, #tpu.memory_space<vmem>>, vector<16xf32>,
        tpu.vector_store %arg10[%swap3A_1133, %swap3A_1134], %gather3A_1055 {strides = array<i32>} : memref<80x128xf32, #tpu.memory_space<vmem>>, vector<16xf32>,
        %swap3A_1136 = arith.index_cast %sub3A_1117 : i32 to index
        %swap3A_1137 = arith.constant 96 : index
        %swap3A_1138 = tpu.vector_load %arg10[%swap3A_1136, %swap3A_1137] {strides = array<i32>} : memref<80x128xf32, #tpu.memory_space<vmem>>, vector<16xf32>,
        tpu.vector_store %arg10[%swap3A_1136, %swap3A_1137], %gather3A_1057 {strides = array<i32>} : memref<80x128xf32, #tpu.memory_space<vmem>>, vector<16xf32>,
        %swap3A_1139 = arith.index_cast %sub3A_1117 : i32 to index
        %swap3A_1140 = arith.constant 112 : index
        %swap3A_1141 = tpu.vector_load %arg10[%swap3A_1139, %swap3A_1140] {strides = array<i32>} : memref<80x128xf32, #tpu.memory_space<vmem>>, vector<16xf32>,
        tpu.vector_store %arg10[%swap3A_1139, %swap3A_1140], %gather3A_1059 {strides = array<i32>} : memref<80x128xf32, #tpu.memory_space<vmem>>, vector<16xf32>,
        %mul3A_1142 = arith.constant 8 : i32
        %mul3A_1143 = arith.muli %scan3A_758, %mul3A_1142 : i32
        %add3A_1144 = arith.constant 7 : i32
        %add3A_1145 = arith.addi %mul3A_1143, %add3A_1144 : i32
        %swap3A_1146 = arith.index_cast %add3A_1145 : i32 to index
        %swap3A_1147 = arith.constant 0 : index
        %swap3A_1148 = tpu.vector_load %arg10[%swap3A_1146, %swap3A_1147] {strides = array<i32>} : memref<80x128xf32, #tpu.memory_space<vmem>>, vector<16xf32>,
        tpu.vector_store %arg10[%swap3A_1146, %swap3A_1147], %gather3A_1097 {strides = array<i32>} : memref<80x128xf32, #tpu.memory_space<vmem>>, vector<16xf32>,
        %swap3A_1149 = arith.index_cast %add3A_1145 : i32 to index
        %swap3A_1150 = arith.constant 16 : index
        %swap3A_1151 = tpu.vector_load %arg10[%swap3A_1149, %swap3A_1150] {strides = array<i32>} : memref<80x128xf32, #tpu.memory_space<vmem>>, vector<16xf32>,
        tpu.vector_store %arg10[%swap3A_1149, %swap3A_1150], %gather3A_1099 {strides = array<i32>} : memref<80x128xf32, #tpu.memory_space<vmem>>, vector<16xf32>,
        %swap3A_1152 = arith.index_cast %add3A_1145 : i32 to index
        %swap3A_1153 = arith.constant 32 : index
        %swap3A_1154 = tpu.vector_load %arg10[%swap3A_1152, %swap3A_1153] {strides = array<i32>} : memref<80x128xf32, #tpu.memory_space<vmem>>, vector<16xf32>,
        tpu.vector_store %arg10[%swap3A_1152, %swap3A_1153], %gather3A_1101 {strides = array<i32>} : memref<80x128xf32, #tpu.memory_space<vmem>>, vector<16xf32>,
        %swap3A_1155 = arith.index_cast %add3A_1145 : i32 to index
        %swap3A_1156 = arith.constant 48 : index
        %swap3A_1157 = tpu.vector_load %arg10[%swap3A_1155, %swap3A_1156] {strides = array<i32>} : memref<80x128xf32, #tpu.memory_space<vmem>>, vector<16xf32>,
        tpu.vector_store %arg10[%swap3A_1155, %swap3A_1156], %gather3A_1103 {strides = array<i32>} : memref<80x128xf32, #tpu.memory_space<vmem>>, vector<16xf32>,
        %swap3A_1158 = arith.index_cast %add3A_1145 : i32 to index
        %swap3A_1159 = arith.constant 64 : index
        %swap3A_1160 = tpu.vector_load %arg10[%swap3A_1158, %swap3A_1159] {strides = array<i32>} : memref<80x128xf32, #tpu.memory_space<vmem>>, vector<16xf32>,
        tpu.vector_store %arg10[%swap3A_1158, %swap3A_1159], %gather3A_1105 {strides = array<i32>} : memref<80x128xf32, #tpu.memory_space<vmem>>, vector<16xf32>,
        %swap3A_1161 = arith.index_cast %add3A_1145 : i32 to index
        %swap3A_1162 = arith.constant 80 : index
        %swap3A_1163 = tpu.vector_load %arg10[%swap3A_1161, %swap3A_1162] {strides = array<i32>} : memref<80x128xf32, #tpu.memory_space<vmem>>, vector<16xf32>,
        tpu.vector_store %arg10[%swap3A_1161, %swap3A_1162], %gather3A_1107 {strides = array<i32>} : memref<80x128xf32, #tpu.memory_space<vmem>>, vector<16xf32>,
        %swap3A_1164 = arith.index_cast %add3A_1145 : i32 to index
        %swap3A_1165 = arith.constant 96 : index
        %swap3A_1166 = tpu.vector_load %arg10[%swap3A_1164, %swap3A_1165] {strides = array<i32>} : memref<80x128xf32, #tpu.memory_space<vmem>>, vector<16xf32>,
        tpu.vector_store %arg10[%swap3A_1164, %swap3A_1165], %gather3A_1109 {strides = array<i32>} : memref<80x128xf32, #tpu.memory_space<vmem>>, vector<16xf32>,
        %swap3A_1167 = arith.index_cast %add3A_1145 : i32 to index
        %swap3A_1168 = arith.constant 112 : index
        %swap3A_1169 = tpu.vector_load %arg10[%swap3A_1167, %swap3A_1168] {strides = array<i32>} : memref<80x128xf32, #tpu.memory_space<vmem>>, vector<16xf32>,
        tpu.vector_store %arg10[%swap3A_1167, %swap3A_1168], %gather3A_1111 {strides = array<i32>} : memref<80x128xf32, #tpu.memory_space<vmem>>, vector<16xf32>,
        %mul3A_1170 = arith.constant 10 : i32
        %mul3A_1171 = arith.muli %select_n3A_581, %mul3A_1170 : i32
        %add3A_1172 = arith.addi %mul3A_1171, %scan3A_758 : i32
        %mul3A_1173 = arith.constant 256 : i32
        %mul3A_1174 = arith.muli %add3A_1172, %mul3A_1173 : i32
        %mul3A_1175 = arith.constant 8 : i32
        %mul3A_1176 = arith.muli %sub3A_584, %mul3A_1175 : i32
        %add3A_1177 = arith.addi %mul3A_1174, %mul3A_1176 : i32
        %mul3A_1178 = arith.constant 8 : i32
        %mul3A_1179 = arith.muli %scan3A_758, %mul3A_1178 : i32
        %dma_start3A = arith.constant 0 : i32
        %dma_start3A_1180 = tpu.memref_slice %arg10[%mul3A_1179, %dma_start3A] : memref<80x128xf32, #tpu.memory_space<vmem>> -> memref<8x128xf32, #tpu.memory_space<vmem>>
        %dma_start3A_1181 = arith.constant 0 : i32
        %dma_start3A_1182 = tpu.memref_slice %arg5[%add3A_1177, %dma_start3A_1181] : memref<512000x128xf32, #tpu.memory_space<hbm>> -> memref<8x128xf32, #tpu.memory_space<hbm>>
        %dma_start3A_1183 = arith.constant 0 : i32
        %dma_start3A_1184 = tpu.memref_slice %arg5[%add3A_1177, %dma_start3A_1183] : memref<512000x128xf32, #tpu.memory_space<hbm>> -> memref<8x128xf32, #tpu.memory_space<hbm>>
        %dma_start3A_1185 = arith.constant 0 : i32
        %dma_start3A_1186 = tpu.memref_slice %arg10[%mul3A_1179, %dma_start3A_1185] : memref<80x128xf32, #tpu.memory_space<vmem>> -> memref<8x128xf32, #tpu.memory_space<vmem>>
        tpu.enqueue_dma source(%dma_start3A_1186 : memref<8x128xf32, #tpu.memory_space<vmem>>) target(%dma_start3A_1184 : memref<8x128xf32, #tpu.memory_space<hbm>>) target_semaphore(%arg14 : memref<!tpu.dma_semaphore, #tpu.memory_space<semaphore_mem>>)
        %scan3A_1187 = arith.constant 0 : i32
        scf.yield %scan3A_1187 : i32
      }
      %scan3A_620 = arith.constant 10 : i32
      %mul3A_621 = arith.constant 4 : i32
      %mul3A_622 = arith.muli %scan3A_495, %mul3A_621 : i32
      %add3A_623 = arith.constant 2 : i32
      %add3A_624 = arith.addi %mul3A_622, %add3A_623 : i32
      %add3A_625 = arith.addi %mul3A_2, %add3A_624 : i32
      %jit3A_626 = arith.constant 32 : i32
      %div3A_627 = arith.divsi %add3A_625, %jit3A_626 : i32
      %sign3A_628 = arith.constant 0 : i32
      %sign3A_629 = arith.cmpi sgt, %add3A_625, %sign3A_628 : i32
      %sign3A_630 = arith.extui %sign3A_629 : i1 to i32
      %sign3A_631 = arith.constant 0 : i32
      %sign3A_632 = arith.cmpi slt, %add3A_625, %sign3A_631 : i32
      %sign3A_633 = arith.extui %sign3A_632 : i1 to i32
      %sign3A_634 = arith.subi %sign3A_630, %sign3A_633 : i32
      %sign3A_635 = arith.constant 0 : i32
      %sign3A_636 = arith.cmpi sgt, %jit3A_626, %sign3A_635 : i32
      %sign3A_637 = arith.extui %sign3A_636 : i1 to i32
      %sign3A_638 = arith.constant 0 : i32
      %sign3A_639 = arith.cmpi slt, %jit3A_626, %sign3A_638 : i32
      %sign3A_640 = arith.extui %sign3A_639 : i1 to i32
      %sign3A_641 = arith.subi %sign3A_637, %sign3A_640 : i32
      %ne3A_642 = arith.cmpi ne, %sign3A_634, %sign3A_641 : i32
      %rem3A_643 = arith.remsi %add3A_625, %jit3A_626 : i32
      %ne3A_644 = arith.constant 0 : i32
      %ne3A_645 = arith.cmpi ne, %rem3A_643, %ne3A_644 : i32
      %and3A_646 = arith.andi %ne3A_642, %ne3A_645 : i1
      %sub3A_647 = arith.constant 1 : i32
      %sub3A_648 = arith.subi %div3A_627, %sub3A_647 : i32
      %select_n3A_649 = arith.select %and3A_646, %sub3A_648, %div3A_627 : i32
      %mul3A_650 = arith.constant 32 : i32
      %mul3A_651 = arith.muli %select_n3A_649, %mul3A_650 : i32
      %sub3A_652 = arith.subi %add3A_625, %mul3A_651 : i32
      %gt3A_653 = arith.constant 0 : i32
      %gt3A_654 = arith.cmpi sgt, %scan3A_495, %gt3A_653 : i32
      %convert_element_type3A_655 = arith.extui %gt3A_654 : i1 to i32
      %cond3A_656 = arith.constant 0 : i32
      %cond3A_657 = arith.cmpi ne, %convert_element_type3A_655, %cond3A_656 : i32
      scf.if %cond3A_657 {
        %dma_wait3A_758 = arith.constant 0 : i32
        %dma_wait3A_759 = arith.constant 0 : i32
        %dma_wait3A_760 = tpu.memref_slice %arg11[%dma_wait3A_758, %dma_wait3A_759] : memref<80x128xf32, #tpu.memory_space<vmem>> -> memref<8x128xf32, #tpu.memory_space<vmem>>
        %dma_wait3A_761 = arith.constant 0 : i32
        %dma_wait3A_762 = arith.constant 0 : i32
        %dma_wait3A_763 = tpu.memref_slice %arg5[%dma_wait3A_761, %dma_wait3A_762] : memref<512000x128xf32, #tpu.memory_space<hbm>> -> memref<8x128xf32, #tpu.memory_space<hbm>>
        %dma_wait3A_764 = arith.constant 0 : i32
        %dma_wait3A_765 = arith.constant 0 : i32
        %dma_wait3A_766 = tpu.memref_slice %arg5[%dma_wait3A_764, %dma_wait3A_765] : memref<512000x128xf32, #tpu.memory_space<hbm>> -> memref<8x128xf32, #tpu.memory_space<hbm>>
        %dma_wait3A_767 = arith.constant 0 : i32
        %dma_wait3A_768 = arith.constant 0 : i32
        %dma_wait3A_769 = tpu.memref_slice %arg11[%dma_wait3A_767, %dma_wait3A_768] : memref<80x128xf32, #tpu.memory_space<vmem>> -> memref<8x128xf32, #tpu.memory_space<vmem>>
        tpu.wait_dma2 semaphore(%arg15 : memref<!tpu.dma_semaphore, #tpu.memory_space<semaphore_mem>>) src(%dma_wait3A_769 : memref<8x128xf32, #tpu.memory_space<vmem>>) dst(%dma_wait3A_766 : memref<8x128xf32, #tpu.memory_space<hbm>>)
        %dma_wait3A_770 = arith.constant 8 : i32
        %dma_wait3A_771 = arith.constant 0 : i32
        %dma_wait3A_772 = tpu.memref_slice %arg11[%dma_wait3A_770, %dma_wait3A_771] : memref<80x128xf32, #tpu.memory_space<vmem>> -> memref<8x128xf32, #tpu.memory_space<vmem>>
        %dma_wait3A_773 = arith.constant 0 : i32
        %dma_wait3A_774 = arith.constant 0 : i32
        %dma_wait3A_775 = tpu.memref_slice %arg5[%dma_wait3A_773, %dma_wait3A_774] : memref<512000x128xf32, #tpu.memory_space<hbm>> -> memref<8x128xf32, #tpu.memory_space<hbm>>
        %dma_wait3A_776 = arith.constant 0 : i32
        %dma_wait3A_777 = arith.constant 0 : i32
        %dma_wait3A_778 = tpu.memref_slice %arg5[%dma_wait3A_776, %dma_wait3A_777] : memref<512000x128xf32, #tpu.memory_space<hbm>> -> memref<8x128xf32, #tpu.memory_space<hbm>>
        %dma_wait3A_779 = arith.constant 8 : i32
        %dma_wait3A_780 = arith.constant 0 : i32
        %dma_wait3A_781 = tpu.memref_slice %arg11[%dma_wait3A_779, %dma_wait3A_780] : memref<80x128xf32, #tpu.memory_space<vmem>> -> memref<8x128xf32, #tpu.memory_space<vmem>>
        tpu.wait_dma2 semaphore(%arg15 : memref<!tpu.dma_semaphore, #tpu.memory_space<semaphore_mem>>) src(%dma_wait3A_781 : memref<8x128xf32, #tpu.memory_space<vmem>>) dst(%dma_wait3A_778 : memref<8x128xf32, #tpu.memory_space<hbm>>)
        %dma_wait3A_782 = arith.constant 16 : i32
        %dma_wait3A_783 = arith.constant 0 : i32
        %dma_wait3A_784 = tpu.memref_slice %arg11[%dma_wait3A_782, %dma_wait3A_783] : memref<80x128xf32, #tpu.memory_space<vmem>> -> memref<8x128xf32, #tpu.memory_space<vmem>>
        %dma_wait3A_785 = arith.constant 0 : i32
        %dma_wait3A_786 = arith.constant 0 : i32
        %dma_wait3A_787 = tpu.memref_slice %arg5[%dma_wait3A_785, %dma_wait3A_786] : memref<512000x128xf32, #tpu.memory_space<hbm>> -> memref<8x128xf32, #tpu.memory_space<hbm>>
        %dma_wait3A_788 = arith.constant 0 : i32
        %dma_wait3A_789 = arith.constant 0 : i32
        %dma_wait3A_790 = tpu.memref_slice %arg5[%dma_wait3A_788, %dma_wait3A_789] : memref<512000x128xf32, #tpu.memory_space<hbm>> -> memref<8x128xf32, #tpu.memory_space<hbm>>
        %dma_wait3A_791 = arith.constant 16 : i32
        %dma_wait3A_792 = arith.constant 0 : i32
        %dma_wait3A_793 = tpu.memref_slice %arg11[%dma_wait3A_791, %dma_wait3A_792] : memref<80x128xf32, #tpu.memory_space<vmem>> -> memref<8x128xf32, #tpu.memory_space<vmem>>
        tpu.wait_dma2 semaphore(%arg15 : memref<!tpu.dma_semaphore, #tpu.memory_space<semaphore_mem>>) src(%dma_wait3A_793 : memref<8x128xf32, #tpu.memory_space<vmem>>) dst(%dma_wait3A_790 : memref<8x128xf32, #tpu.memory_space<hbm>>)
        %dma_wait3A_794 = arith.constant 24 : i32
        %dma_wait3A_795 = arith.constant 0 : i32
        %dma_wait3A_796 = tpu.memref_slice %arg11[%dma_wait3A_794, %dma_wait3A_795] : memref<80x128xf32, #tpu.memory_space<vmem>> -> memref<8x128xf32, #tpu.memory_space<vmem>>
        %dma_wait3A_797 = arith.constant 0 : i32
        %dma_wait3A_798 = arith.constant 0 : i32
        %dma_wait3A_799 = tpu.memref_slice %arg5[%dma_wait3A_797, %dma_wait3A_798] : memref<512000x128xf32, #tpu.memory_space<hbm>> -> memref<8x128xf32, #tpu.memory_space<hbm>>
        %dma_wait3A_800 = arith.constant 0 : i32
        %dma_wait3A_801 = arith.constant 0 : i32
        %dma_wait3A_802 = tpu.memref_slice %arg5[%dma_wait3A_800, %dma_wait3A_801] : memref<512000x128xf32, #tpu.memory_space<hbm>> -> memref<8x128xf32, #tpu.memory_space<hbm>>
        %dma_wait3A_803 = arith.constant 24 : i32
        %dma_wait3A_804 = arith.constant 0 : i32
        %dma_wait3A_805 = tpu.memref_slice %arg11[%dma_wait3A_803, %dma_wait3A_804] : memref<80x128xf32, #tpu.memory_space<vmem>> -> memref<8x128xf32, #tpu.memory_space<vmem>>
        tpu.wait_dma2 semaphore(%arg15 : memref<!tpu.dma_semaphore, #tpu.memory_space<semaphore_mem>>) src(%dma_wait3A_805 : memref<8x128xf32, #tpu.memory_space<vmem>>) dst(%dma_wait3A_802 : memref<8x128xf32, #tpu.memory_space<hbm>>)
        %dma_wait3A_806 = arith.constant 32 : i32
        %dma_wait3A_807 = arith.constant 0 : i32
        %dma_wait3A_808 = tpu.memref_slice %arg11[%dma_wait3A_806, %dma_wait3A_807] : memref<80x128xf32, #tpu.memory_space<vmem>> -> memref<8x128xf32, #tpu.memory_space<vmem>>
        %dma_wait3A_809 = arith.constant 0 : i32
        %dma_wait3A_810 = arith.constant 0 : i32
        %dma_wait3A_811 = tpu.memref_slice %arg5[%dma_wait3A_809, %dma_wait3A_810] : memref<512000x128xf32, #tpu.memory_space<hbm>> -> memref<8x128xf32, #tpu.memory_space<hbm>>
        %dma_wait3A_812 = arith.constant 0 : i32
        %dma_wait3A_813 = arith.constant 0 : i32
        %dma_wait3A_814 = tpu.memref_slice %arg5[%dma_wait3A_812, %dma_wait3A_813] : memref<512000x128xf32, #tpu.memory_space<hbm>> -> memref<8x128xf32, #tpu.memory_space<hbm>>
        %dma_wait3A_815 = arith.constant 32 : i32
        %dma_wait3A_816 = arith.constant 0 : i32
        %dma_wait3A_817 = tpu.memref_slice %arg11[%dma_wait3A_815, %dma_wait3A_816] : memref<80x128xf32, #tpu.memory_space<vmem>> -> memref<8x128xf32, #tpu.memory_space<vmem>>
        tpu.wait_dma2 semaphore(%arg15 : memref<!tpu.dma_semaphore, #tpu.memory_space<semaphore_mem>>) src(%dma_wait3A_817 : memref<8x128xf32, #tpu.memory_space<vmem>>) dst(%dma_wait3A_814 : memref<8x128xf32, #tpu.memory_space<hbm>>)
        %dma_wait3A_818 = arith.constant 40 : i32
        %dma_wait3A_819 = arith.constant 0 : i32
        %dma_wait3A_820 = tpu.memref_slice %arg11[%dma_wait3A_818, %dma_wait3A_819] : memref<80x128xf32, #tpu.memory_space<vmem>> -> memref<8x128xf32, #tpu.memory_space<vmem>>
        %dma_wait3A_821 = arith.constant 0 : i32
        %dma_wait3A_822 = arith.constant 0 : i32
        %dma_wait3A_823 = tpu.memref_slice %arg5[%dma_wait3A_821, %dma_wait3A_822] : memref<512000x128xf32, #tpu.memory_space<hbm>> -> memref<8x128xf32, #tpu.memory_space<hbm>>
        %dma_wait3A_824 = arith.constant 0 : i32
        %dma_wait3A_825 = arith.constant 0 : i32
        %dma_wait3A_826 = tpu.memref_slice %arg5[%dma_wait3A_824, %dma_wait3A_825] : memref<512000x128xf32, #tpu.memory_space<hbm>> -> memref<8x128xf32, #tpu.memory_space<hbm>>
        %dma_wait3A_827 = arith.constant 40 : i32
        %dma_wait3A_828 = arith.constant 0 : i32
        %dma_wait3A_829 = tpu.memref_slice %arg11[%dma_wait3A_827, %dma_wait3A_828] : memref<80x128xf32, #tpu.memory_space<vmem>> -> memref<8x128xf32, #tpu.memory_space<vmem>>
        tpu.wait_dma2 semaphore(%arg15 : memref<!tpu.dma_semaphore, #tpu.memory_space<semaphore_mem>>) src(%dma_wait3A_829 : memref<8x128xf32, #tpu.memory_space<vmem>>) dst(%dma_wait3A_826 : memref<8x128xf32, #tpu.memory_space<hbm>>)
        %dma_wait3A_830 = arith.constant 48 : i32
        %dma_wait3A_831 = arith.constant 0 : i32
        %dma_wait3A_832 = tpu.memref_slice %arg11[%dma_wait3A_830, %dma_wait3A_831] : memref<80x128xf32, #tpu.memory_space<vmem>> -> memref<8x128xf32, #tpu.memory_space<vmem>>
        %dma_wait3A_833 = arith.constant 0 : i32
        %dma_wait3A_834 = arith.constant 0 : i32
        %dma_wait3A_835 = tpu.memref_slice %arg5[%dma_wait3A_833, %dma_wait3A_834] : memref<512000x128xf32, #tpu.memory_space<hbm>> -> memref<8x128xf32, #tpu.memory_space<hbm>>
        %dma_wait3A_836 = arith.constant 0 : i32
        %dma_wait3A_837 = arith.constant 0 : i32
        %dma_wait3A_838 = tpu.memref_slice %arg5[%dma_wait3A_836, %dma_wait3A_837] : memref<512000x128xf32, #tpu.memory_space<hbm>> -> memref<8x128xf32, #tpu.memory_space<hbm>>
        %dma_wait3A_839 = arith.constant 48 : i32
        %dma_wait3A_840 = arith.constant 0 : i32
        %dma_wait3A_841 = tpu.memref_slice %arg11[%dma_wait3A_839, %dma_wait3A_840] : memref<80x128xf32, #tpu.memory_space<vmem>> -> memref<8x128xf32, #tpu.memory_space<vmem>>
        tpu.wait_dma2 semaphore(%arg15 : memref<!tpu.dma_semaphore, #tpu.memory_space<semaphore_mem>>) src(%dma_wait3A_841 : memref<8x128xf32, #tpu.memory_space<vmem>>) dst(%dma_wait3A_838 : memref<8x128xf32, #tpu.memory_space<hbm>>)
        %dma_wait3A_842 = arith.constant 56 : i32
        %dma_wait3A_843 = arith.constant 0 : i32
        %dma_wait3A_844 = tpu.memref_slice %arg11[%dma_wait3A_842, %dma_wait3A_843] : memref<80x128xf32, #tpu.memory_space<vmem>> -> memref<8x128xf32, #tpu.memory_space<vmem>>
        %dma_wait3A_845 = arith.constant 0 : i32
        %dma_wait3A_846 = arith.constant 0 : i32
        %dma_wait3A_847 = tpu.memref_slice %arg5[%dma_wait3A_845, %dma_wait3A_846] : memref<512000x128xf32, #tpu.memory_space<hbm>> -> memref<8x128xf32, #tpu.memory_space<hbm>>
        %dma_wait3A_848 = arith.constant 0 : i32
        %dma_wait3A_849 = arith.constant 0 : i32
        %dma_wait3A_850 = tpu.memref_slice %arg5[%dma_wait3A_848, %dma_wait3A_849] : memref<512000x128xf32, #tpu.memory_space<hbm>> -> memref<8x128xf32, #tpu.memory_space<hbm>>
        %dma_wait3A_851 = arith.constant 56 : i32
        %dma_wait3A_852 = arith.constant 0 : i32
        %dma_wait3A_853 = tpu.memref_slice %arg11[%dma_wait3A_851, %dma_wait3A_852] : memref<80x128xf32, #tpu.memory_space<vmem>> -> memref<8x128xf32, #tpu.memory_space<vmem>>
        tpu.wait_dma2 semaphore(%arg15 : memref<!tpu.dma_semaphore, #tpu.memory_space<semaphore_mem>>) src(%dma_wait3A_853 : memref<8x128xf32, #tpu.memory_space<vmem>>) dst(%dma_wait3A_850 : memref<8x128xf32, #tpu.memory_space<hbm>>)
        %dma_wait3A_854 = arith.constant 64 : i32
        %dma_wait3A_855 = arith.constant 0 : i32
        %dma_wait3A_856 = tpu.memref_slice %arg11[%dma_wait3A_854, %dma_wait3A_855] : memref<80x128xf32, #tpu.memory_space<vmem>> -> memref<8x128xf32, #tpu.memory_space<vmem>>
        %dma_wait3A_857 = arith.constant 0 : i32
        %dma_wait3A_858 = arith.constant 0 : i32
        %dma_wait3A_859 = tpu.memref_slice %arg5[%dma_wait3A_857, %dma_wait3A_858] : memref<512000x128xf32, #tpu.memory_space<hbm>> -> memref<8x128xf32, #tpu.memory_space<hbm>>
        %dma_wait3A_860 = arith.constant 0 : i32
        %dma_wait3A_861 = arith.constant 0 : i32
        %dma_wait3A_862 = tpu.memref_slice %arg5[%dma_wait3A_860, %dma_wait3A_861] : memref<512000x128xf32, #tpu.memory_space<hbm>> -> memref<8x128xf32, #tpu.memory_space<hbm>>
        %dma_wait3A_863 = arith.constant 64 : i32
        %dma_wait3A_864 = arith.constant 0 : i32
        %dma_wait3A_865 = tpu.memref_slice %arg11[%dma_wait3A_863, %dma_wait3A_864] : memref<80x128xf32, #tpu.memory_space<vmem>> -> memref<8x128xf32, #tpu.memory_space<vmem>>
        tpu.wait_dma2 semaphore(%arg15 : memref<!tpu.dma_semaphore, #tpu.memory_space<semaphore_mem>>) src(%dma_wait3A_865 : memref<8x128xf32, #tpu.memory_space<vmem>>) dst(%dma_wait3A_862 : memref<8x128xf32, #tpu.memory_space<hbm>>)
        %dma_wait3A_866 = arith.constant 72 : i32
        %dma_wait3A_867 = arith.constant 0 : i32
        %dma_wait3A_868 = tpu.memref_slice %arg11[%dma_wait3A_866, %dma_wait3A_867] : memref<80x128xf32, #tpu.memory_space<vmem>> -> memref<8x128xf32, #tpu.memory_space<vmem>>
        %dma_wait3A_869 = arith.constant 0 : i32
        %dma_wait3A_870 = arith.constant 0 : i32
        %dma_wait3A_871 = tpu.memref_slice %arg5[%dma_wait3A_869, %dma_wait3A_870] : memref<512000x128xf32, #tpu.memory_space<hbm>> -> memref<8x128xf32, #tpu.memory_space<hbm>>
        %dma_wait3A_872 = arith.constant 0 : i32
        %dma_wait3A_873 = arith.constant 0 : i32
        %dma_wait3A_874 = tpu.memref_slice %arg5[%dma_wait3A_872, %dma_wait3A_873] : memref<512000x128xf32, #tpu.memory_space<hbm>> -> memref<8x128xf32, #tpu.memory_space<hbm>>
        %dma_wait3A_875 = arith.constant 72 : i32
        %dma_wait3A_876 = arith.constant 0 : i32
        %dma_wait3A_877 = tpu.memref_slice %arg11[%dma_wait3A_875, %dma_wait3A_876] : memref<80x128xf32, #tpu.memory_space<vmem>> -> memref<8x128xf32, #tpu.memory_space<vmem>>
        tpu.wait_dma2 semaphore(%arg15 : memref<!tpu.dma_semaphore, #tpu.memory_space<semaphore_mem>>) src(%dma_wait3A_877 : memref<8x128xf32, #tpu.memory_space<vmem>>) dst(%dma_wait3A_874 : memref<8x128xf32, #tpu.memory_space<hbm>>)
      } else {
      }
      %get3A_658 = arith.index_cast %add3A_624 : i32 to index
      %get3A_659 = arith.constant 0 : index
      %get3A_660 = tpu.vector_load %arg6[%get3A_658, %get3A_659] {strides = array<i32>} : memref<200x128xi32, #tpu.memory_space<vmem>>, vector<16xi32>,
      %get3A_661 = arith.index_cast %add3A_624 : i32 to index
      %get3A_662 = arith.constant 16 : index
      %get3A_663 = tpu.vector_load %arg6[%get3A_661, %get3A_662] {strides = array<i32>} : memref<200x128xi32, #tpu.memory_space<vmem>>, vector<16xi32>,
      %get3A_664 = arith.index_cast %add3A_624 : i32 to index
      %get3A_665 = arith.constant 32 : index
      %get3A_666 = tpu.vector_load %arg6[%get3A_664, %get3A_665] {strides = array<i32>} : memref<200x128xi32, #tpu.memory_space<vmem>>, vector<16xi32>,
      %get3A_667 = arith.index_cast %add3A_624 : i32 to index
      %get3A_668 = arith.constant 48 : index
      %get3A_669 = tpu.vector_load %arg6[%get3A_667, %get3A_668] {strides = array<i32>} : memref<200x128xi32, #tpu.memory_space<vmem>>, vector<16xi32>,
      %get3A_670 = arith.index_cast %add3A_624 : i32 to index
      %get3A_671 = arith.constant 64 : index
      %get3A_672 = tpu.vector_load %arg6[%get3A_670, %get3A_671] {strides = array<i32>} : memref<200x128xi32, #tpu.memory_space<vmem>>, vector<16xi32>,
      %get3A_673 = arith.index_cast %add3A_624 : i32 to index
      %get3A_674 = arith.constant 80 : index
      %get3A_675 = tpu.vector_load %arg6[%get3A_673, %get3A_674] {strides = array<i32>} : memref<200x128xi32, #tpu.memory_space<vmem>>, vector<16xi32>,
      %get3A_676 = arith.index_cast %add3A_624 : i32 to index
      %get3A_677 = arith.constant 96 : index
      %get3A_678 = tpu.vector_load %arg6[%get3A_676, %get3A_677] {strides = array<i32>} : memref<200x128xi32, #tpu.memory_space<vmem>>, vector<16xi32>,
      %get3A_679 = arith.index_cast %add3A_624 : i32 to index
      %get3A_680 = arith.constant 112 : index
      %get3A_681 = tpu.vector_load %arg6[%get3A_679, %get3A_680] {strides = array<i32>} : memref<200x128xi32, #tpu.memory_space<vmem>>, vector<16xi32>,
      %scan3A_682 = arith.constant 0 : i32
      %scan3A_683 = arith.constant 0 : i32
      %scan3A_684 = arith.constant 10 : i32
      %scan3A_685 = arith.addi %scan3A_683, %scan3A_684 : i32
      %scan3A_686 = arith.constant 1 : i32
      %scan3A_687 = scf.for %scan3A_758 = %scan3A_683 to %scan3A_685 step %scan3A_686 iter_args(%scan3A_759 = %scan3A_682) -> (i32)  : i32 {
        %mul3A_760 = arith.constant 8 : i32
        %mul3A_761 = arith.muli %scan3A_758, %mul3A_760 : i32
        %mul3A_762 = arith.constant 304 : i32
        %mul3A_763 = arith.muli %mul3A_761, %mul3A_762 : i32
        %gather3A = tpu.memref_slice %arg8[%mul3A_763] : memref<24320xf32, #tpu.memory_space<vmem>> -> memref<304xf32, #tpu.memory_space<vmem>>
        %gather3A_764 = tpu.vector_load_idx %gather3A[%get3A_660] : memref<304xf32, #tpu.memory_space<vmem>>[vector<16xi32>], vector<16xf32>,
        %gather3A_765 = tpu.memref_slice %arg8[%mul3A_763] : memref<24320xf32, #tpu.memory_space<vmem>> -> memref<304xf32, #tpu.memory_space<vmem>>
        %gather3A_766 = tpu.vector_load_idx %gather3A_765[%get3A_663] : memref<304xf32, #tpu.memory_space<vmem>>[vector<16xi32>], vector<16xf32>,
        %gather3A_767 = tpu.memref_slice %arg8[%mul3A_763] : memref<24320xf32, #tpu.memory_space<vmem>> -> memref<304xf32, #tpu.memory_space<vmem>>
        %gather3A_768 = tpu.vector_load_idx %gather3A_767[%get3A_666] : memref<304xf32, #tpu.memory_space<vmem>>[vector<16xi32>], vector<16xf32>,
        %gather3A_769 = tpu.memref_slice %arg8[%mul3A_763] : memref<24320xf32, #tpu.memory_space<vmem>> -> memref<304xf32, #tpu.memory_space<vmem>>
        %gather3A_770 = tpu.vector_load_idx %gather3A_769[%get3A_669] : memref<304xf32, #tpu.memory_space<vmem>>[vector<16xi32>], vector<16xf32>,
        %gather3A_771 = tpu.memref_slice %arg8[%mul3A_763] : memref<24320xf32, #tpu.memory_space<vmem>> -> memref<304xf32, #tpu.memory_space<vmem>>
        %gather3A_772 = tpu.vector_load_idx %gather3A_771[%get3A_672] : memref<304xf32, #tpu.memory_space<vmem>>[vector<16xi32>], vector<16xf32>,
        %gather3A_773 = tpu.memref_slice %arg8[%mul3A_763] : memref<24320xf32, #tpu.memory_space<vmem>> -> memref<304xf32, #tpu.memory_space<vmem>>
        %gather3A_774 = tpu.vector_load_idx %gather3A_773[%get3A_675] : memref<304xf32, #tpu.memory_space<vmem>>[vector<16xi32>], vector<16xf32>,
        %gather3A_775 = tpu.memref_slice %arg8[%mul3A_763] : memref<24320xf32, #tpu.memory_space<vmem>> -> memref<304xf32, #tpu.memory_space<vmem>>
        %gather3A_776 = tpu.vector_load_idx %gather3A_775[%get3A_678] : memref<304xf32, #tpu.memory_space<vmem>>[vector<16xi32>], vector<16xf32>,
        %gather3A_777 = tpu.memref_slice %arg8[%mul3A_763] : memref<24320xf32, #tpu.memory_space<vmem>> -> memref<304xf32, #tpu.memory_space<vmem>>
        %gather3A_778 = tpu.vector_load_idx %gather3A_777[%get3A_681] : memref<304xf32, #tpu.memory_space<vmem>>[vector<16xi32>], vector<16xf32>,
        %mul3A_779 = arith.constant 8 : i32
        %mul3A_780 = arith.muli %scan3A_758, %mul3A_779 : i32
        %add3A_781 = arith.constant 1 : i32
        %add3A_782 = arith.addi %mul3A_780, %add3A_781 : i32
        %mul3A_783 = arith.constant 304 : i32
        %mul3A_784 = arith.muli %add3A_782, %mul3A_783 : i32
        %gather3A_785 = tpu.memref_slice %arg8[%mul3A_784] : memref<24320xf32, #tpu.memory_space<vmem>> -> memref<304xf32, #tpu.memory_space<vmem>>
        %gather3A_786 = tpu.vector_load_idx %gather3A_785[%get3A_660] : memref<304xf32, #tpu.memory_space<vmem>>[vector<16xi32>], vector<16xf32>,
        %gather3A_787 = tpu.memref_slice %arg8[%mul3A_784] : memref<24320xf32, #tpu.memory_space<vmem>> -> memref<304xf32, #tpu.memory_space<vmem>>
        %gather3A_788 = tpu.vector_load_idx %gather3A_787[%get3A_663] : memref<304xf32, #tpu.memory_space<vmem>>[vector<16xi32>], vector<16xf32>,
        %gather3A_789 = tpu.memref_slice %arg8[%mul3A_784] : memref<24320xf32, #tpu.memory_space<vmem>> -> memref<304xf32, #tpu.memory_space<vmem>>
        %gather3A_790 = tpu.vector_load_idx %gather3A_789[%get3A_666] : memref<304xf32, #tpu.memory_space<vmem>>[vector<16xi32>], vector<16xf32>,
        %gather3A_791 = tpu.memref_slice %arg8[%mul3A_784] : memref<24320xf32, #tpu.memory_space<vmem>> -> memref<304xf32, #tpu.memory_space<vmem>>
        %gather3A_792 = tpu.vector_load_idx %gather3A_791[%get3A_669] : memref<304xf32, #tpu.memory_space<vmem>>[vector<16xi32>], vector<16xf32>,
        %gather3A_793 = tpu.memref_slice %arg8[%mul3A_784] : memref<24320xf32, #tpu.memory_space<vmem>> -> memref<304xf32, #tpu.memory_space<vmem>>
        %gather3A_794 = tpu.vector_load_idx %gather3A_793[%get3A_672] : memref<304xf32, #tpu.memory_space<vmem>>[vector<16xi32>], vector<16xf32>,
        %gather3A_795 = tpu.memref_slice %arg8[%mul3A_784] : memref<24320xf32, #tpu.memory_space<vmem>> -> memref<304xf32, #tpu.memory_space<vmem>>
        %gather3A_796 = tpu.vector_load_idx %gather3A_795[%get3A_675] : memref<304xf32, #tpu.memory_space<vmem>>[vector<16xi32>], vector<16xf32>,
        %gather3A_797 = tpu.memref_slice %arg8[%mul3A_784] : memref<24320xf32, #tpu.memory_space<vmem>> -> memref<304xf32, #tpu.memory_space<vmem>>
        %gather3A_798 = tpu.vector_load_idx %gather3A_797[%get3A_678] : memref<304xf32, #tpu.memory_space<vmem>>[vector<16xi32>], vector<16xf32>,
        %gather3A_799 = tpu.memref_slice %arg8[%mul3A_784] : memref<24320xf32, #tpu.memory_space<vmem>> -> memref<304xf32, #tpu.memory_space<vmem>>
        %gather3A_800 = tpu.vector_load_idx %gather3A_799[%get3A_681] : memref<304xf32, #tpu.memory_space<vmem>>[vector<16xi32>], vector<16xf32>,
        %mul3A_801 = arith.constant 8 : i32
        %mul3A_802 = arith.muli %scan3A_758, %mul3A_801 : i32
        %add3A_803 = arith.constant 1 : i32
        %add3A_804 = arith.addi %mul3A_802, %add3A_803 : i32
        %sub3A_805 = arith.constant 1 : i32
        %sub3A_806 = arith.subi %add3A_804, %sub3A_805 : i32
        %swap3A = arith.index_cast %sub3A_806 : i32 to index
        %swap3A_807 = arith.constant 0 : index
        %swap3A_808 = tpu.vector_load %arg11[%swap3A, %swap3A_807] {strides = array<i32>} : memref<80x128xf32, #tpu.memory_space<vmem>>, vector<16xf32>,
        tpu.vector_store %arg11[%swap3A, %swap3A_807], %gather3A_764 {strides = array<i32>} : memref<80x128xf32, #tpu.memory_space<vmem>>, vector<16xf32>,
        %swap3A_809 = arith.index_cast %sub3A_806 : i32 to index
        %swap3A_810 = arith.constant 16 : index
        %swap3A_811 = tpu.vector_load %arg11[%swap3A_809, %swap3A_810] {strides = array<i32>} : memref<80x128xf32, #tpu.memory_space<vmem>>, vector<16xf32>,
        tpu.vector_store %arg11[%swap3A_809, %swap3A_810], %gather3A_766 {strides = array<i32>} : memref<80x128xf32, #tpu.memory_space<vmem>>, vector<16xf32>,
        %swap3A_812 = arith.index_cast %sub3A_806 : i32 to index
        %swap3A_813 = arith.constant 32 : index
        %swap3A_814 = tpu.vector_load %arg11[%swap3A_812, %swap3A_813] {strides = array<i32>} : memref<80x128xf32, #tpu.memory_space<vmem>>, vector<16xf32>,
        tpu.vector_store %arg11[%swap3A_812, %swap3A_813], %gather3A_768 {strides = array<i32>} : memref<80x128xf32, #tpu.memory_space<vmem>>, vector<16xf32>,
        %swap3A_815 = arith.index_cast %sub3A_806 : i32 to index
        %swap3A_816 = arith.constant 48 : index
        %swap3A_817 = tpu.vector_load %arg11[%swap3A_815, %swap3A_816] {strides = array<i32>} : memref<80x128xf32, #tpu.memory_space<vmem>>, vector<16xf32>,
        tpu.vector_store %arg11[%swap3A_815, %swap3A_816], %gather3A_770 {strides = array<i32>} : memref<80x128xf32, #tpu.memory_space<vmem>>, vector<16xf32>,
        %swap3A_818 = arith.index_cast %sub3A_806 : i32 to index
        %swap3A_819 = arith.constant 64 : index
        %swap3A_820 = tpu.vector_load %arg11[%swap3A_818, %swap3A_819] {strides = array<i32>} : memref<80x128xf32, #tpu.memory_space<vmem>>, vector<16xf32>,
        tpu.vector_store %arg11[%swap3A_818, %swap3A_819], %gather3A_772 {strides = array<i32>} : memref<80x128xf32, #tpu.memory_space<vmem>>, vector<16xf32>,
        %swap3A_821 = arith.index_cast %sub3A_806 : i32 to index
        %swap3A_822 = arith.constant 80 : index
        %swap3A_823 = tpu.vector_load %arg11[%swap3A_821, %swap3A_822] {strides = array<i32>} : memref<80x128xf32, #tpu.memory_space<vmem>>, vector<16xf32>,
        tpu.vector_store %arg11[%swap3A_821, %swap3A_822], %gather3A_774 {strides = array<i32>} : memref<80x128xf32, #tpu.memory_space<vmem>>, vector<16xf32>,
        %swap3A_824 = arith.index_cast %sub3A_806 : i32 to index
        %swap3A_825 = arith.constant 96 : index
        %swap3A_826 = tpu.vector_load %arg11[%swap3A_824, %swap3A_825] {strides = array<i32>} : memref<80x128xf32, #tpu.memory_space<vmem>>, vector<16xf32>,
        tpu.vector_store %arg11[%swap3A_824, %swap3A_825], %gather3A_776 {strides = array<i32>} : memref<80x128xf32, #tpu.memory_space<vmem>>, vector<16xf32>,
        %swap3A_827 = arith.index_cast %sub3A_806 : i32 to index
        %swap3A_828 = arith.constant 112 : index
        %swap3A_829 = tpu.vector_load %arg11[%swap3A_827, %swap3A_828] {strides = array<i32>} : memref<80x128xf32, #tpu.memory_space<vmem>>, vector<16xf32>,
        tpu.vector_store %arg11[%swap3A_827, %swap3A_828], %gather3A_778 {strides = array<i32>} : memref<80x128xf32, #tpu.memory_space<vmem>>, vector<16xf32>,
        %mul3A_830 = arith.constant 8 : i32
        %mul3A_831 = arith.muli %scan3A_758, %mul3A_830 : i32
        %add3A_832 = arith.constant 2 : i32
        %add3A_833 = arith.addi %mul3A_831, %add3A_832 : i32
        %mul3A_834 = arith.constant 304 : i32
        %mul3A_835 = arith.muli %add3A_833, %mul3A_834 : i32
        %gather3A_836 = tpu.memref_slice %arg8[%mul3A_835] : memref<24320xf32, #tpu.memory_space<vmem>> -> memref<304xf32, #tpu.memory_space<vmem>>
        %gather3A_837 = tpu.vector_load_idx %gather3A_836[%get3A_660] : memref<304xf32, #tpu.memory_space<vmem>>[vector<16xi32>], vector<16xf32>,
        %gather3A_838 = tpu.memref_slice %arg8[%mul3A_835] : memref<24320xf32, #tpu.memory_space<vmem>> -> memref<304xf32, #tpu.memory_space<vmem>>
        %gather3A_839 = tpu.vector_load_idx %gather3A_838[%get3A_663] : memref<304xf32, #tpu.memory_space<vmem>>[vector<16xi32>], vector<16xf32>,
        %gather3A_840 = tpu.memref_slice %arg8[%mul3A_835] : memref<24320xf32, #tpu.memory_space<vmem>> -> memref<304xf32, #tpu.memory_space<vmem>>
        %gather3A_841 = tpu.vector_load_idx %gather3A_840[%get3A_666] : memref<304xf32, #tpu.memory_space<vmem>>[vector<16xi32>], vector<16xf32>,
        %gather3A_842 = tpu.memref_slice %arg8[%mul3A_835] : memref<24320xf32, #tpu.memory_space<vmem>> -> memref<304xf32, #tpu.memory_space<vmem>>
        %gather3A_843 = tpu.vector_load_idx %gather3A_842[%get3A_669] : memref<304xf32, #tpu.memory_space<vmem>>[vector<16xi32>], vector<16xf32>,
        %gather3A_844 = tpu.memref_slice %arg8[%mul3A_835] : memref<24320xf32, #tpu.memory_space<vmem>> -> memref<304xf32, #tpu.memory_space<vmem>>
        %gather3A_845 = tpu.vector_load_idx %gather3A_844[%get3A_672] : memref<304xf32, #tpu.memory_space<vmem>>[vector<16xi32>], vector<16xf32>,
        %gather3A_846 = tpu.memref_slice %arg8[%mul3A_835] : memref<24320xf32, #tpu.memory_space<vmem>> -> memref<304xf32, #tpu.memory_space<vmem>>
        %gather3A_847 = tpu.vector_load_idx %gather3A_846[%get3A_675] : memref<304xf32, #tpu.memory_space<vmem>>[vector<16xi32>], vector<16xf32>,
        %gather3A_848 = tpu.memref_slice %arg8[%mul3A_835] : memref<24320xf32, #tpu.memory_space<vmem>> -> memref<304xf32, #tpu.memory_space<vmem>>
        %gather3A_849 = tpu.vector_load_idx %gather3A_848[%get3A_678] : memref<304xf32, #tpu.memory_space<vmem>>[vector<16xi32>], vector<16xf32>,
        %gather3A_850 = tpu.memref_slice %arg8[%mul3A_835] : memref<24320xf32, #tpu.memory_space<vmem>> -> memref<304xf32, #tpu.memory_space<vmem>>
        %gather3A_851 = tpu.vector_load_idx %gather3A_850[%get3A_681] : memref<304xf32, #tpu.memory_space<vmem>>[vector<16xi32>], vector<16xf32>,
        %mul3A_852 = arith.constant 8 : i32
        %mul3A_853 = arith.muli %scan3A_758, %mul3A_852 : i32
        %add3A_854 = arith.constant 2 : i32
        %add3A_855 = arith.addi %mul3A_853, %add3A_854 : i32
        %sub3A_856 = arith.constant 1 : i32
        %sub3A_857 = arith.subi %add3A_855, %sub3A_856 : i32
        %swap3A_858 = arith.index_cast %sub3A_857 : i32 to index
        %swap3A_859 = arith.constant 0 : index
        %swap3A_860 = tpu.vector_load %arg11[%swap3A_858, %swap3A_859] {strides = array<i32>} : memref<80x128xf32, #tpu.memory_space<vmem>>, vector<16xf32>,
        tpu.vector_store %arg11[%swap3A_858, %swap3A_859], %gather3A_786 {strides = array<i32>} : memref<80x128xf32, #tpu.memory_space<vmem>>, vector<16xf32>,
        %swap3A_861 = arith.index_cast %sub3A_857 : i32 to index
        %swap3A_862 = arith.constant 16 : index
        %swap3A_863 = tpu.vector_load %arg11[%swap3A_861, %swap3A_862] {strides = array<i32>} : memref<80x128xf32, #tpu.memory_space<vmem>>, vector<16xf32>,
        tpu.vector_store %arg11[%swap3A_861, %swap3A_862], %gather3A_788 {strides = array<i32>} : memref<80x128xf32, #tpu.memory_space<vmem>>, vector<16xf32>,
        %swap3A_864 = arith.index_cast %sub3A_857 : i32 to index
        %swap3A_865 = arith.constant 32 : index
        %swap3A_866 = tpu.vector_load %arg11[%swap3A_864, %swap3A_865] {strides = array<i32>} : memref<80x128xf32, #tpu.memory_space<vmem>>, vector<16xf32>,
        tpu.vector_store %arg11[%swap3A_864, %swap3A_865], %gather3A_790 {strides = array<i32>} : memref<80x128xf32, #tpu.memory_space<vmem>>, vector<16xf32>,
        %swap3A_867 = arith.index_cast %sub3A_857 : i32 to index
        %swap3A_868 = arith.constant 48 : index
        %swap3A_869 = tpu.vector_load %arg11[%swap3A_867, %swap3A_868] {strides = array<i32>} : memref<80x128xf32, #tpu.memory_space<vmem>>, vector<16xf32>,
        tpu.vector_store %arg11[%swap3A_867, %swap3A_868], %gather3A_792 {strides = array<i32>} : memref<80x128xf32, #tpu.memory_space<vmem>>, vector<16xf32>,
        %swap3A_870 = arith.index_cast %sub3A_857 : i32 to index
        %swap3A_871 = arith.constant 64 : index
        %swap3A_872 = tpu.vector_load %arg11[%swap3A_870, %swap3A_871] {strides = array<i32>} : memref<80x128xf32, #tpu.memory_space<vmem>>, vector<16xf32>,
        tpu.vector_store %arg11[%swap3A_870, %swap3A_871], %gather3A_794 {strides = array<i32>} : memref<80x128xf32, #tpu.memory_space<vmem>>, vector<16xf32>,
        %swap3A_873 = arith.index_cast %sub3A_857 : i32 to index
        %swap3A_874 = arith.constant 80 : index
        %swap3A_875 = tpu.vector_load %arg11[%swap3A_873, %swap3A_874] {strides = array<i32>} : memref<80x128xf32, #tpu.memory_space<vmem>>, vector<16xf32>,
        tpu.vector_store %arg11[%swap3A_873, %swap3A_874], %gather3A_796 {strides = array<i32>} : memref<80x128xf32, #tpu.memory_space<vmem>>, vector<16xf32>,
        %swap3A_876 = arith.index_cast %sub3A_857 : i32 to index
        %swap3A_877 = arith.constant 96 : index
        %swap3A_878 = tpu.vector_load %arg11[%swap3A_876, %swap3A_877] {strides = array<i32>} : memref<80x128xf32, #tpu.memory_space<vmem>>, vector<16xf32>,
        tpu.vector_store %arg11[%swap3A_876, %swap3A_877], %gather3A_798 {strides = array<i32>} : memref<80x128xf32, #tpu.memory_space<vmem>>, vector<16xf32>,
        %swap3A_879 = arith.index_cast %sub3A_857 : i32 to index
        %swap3A_880 = arith.constant 112 : index
        %swap3A_881 = tpu.vector_load %arg11[%swap3A_879, %swap3A_880] {strides = array<i32>} : memref<80x128xf32, #tpu.memory_space<vmem>>, vector<16xf32>,
        tpu.vector_store %arg11[%swap3A_879, %swap3A_880], %gather3A_800 {strides = array<i32>} : memref<80x128xf32, #tpu.memory_space<vmem>>, vector<16xf32>,
        %mul3A_882 = arith.constant 8 : i32
        %mul3A_883 = arith.muli %scan3A_758, %mul3A_882 : i32
        %add3A_884 = arith.constant 3 : i32
        %add3A_885 = arith.addi %mul3A_883, %add3A_884 : i32
        %mul3A_886 = arith.constant 304 : i32
        %mul3A_887 = arith.muli %add3A_885, %mul3A_886 : i32
        %gather3A_888 = tpu.memref_slice %arg8[%mul3A_887] : memref<24320xf32, #tpu.memory_space<vmem>> -> memref<304xf32, #tpu.memory_space<vmem>>
        %gather3A_889 = tpu.vector_load_idx %gather3A_888[%get3A_660] : memref<304xf32, #tpu.memory_space<vmem>>[vector<16xi32>], vector<16xf32>,
        %gather3A_890 = tpu.memref_slice %arg8[%mul3A_887] : memref<24320xf32, #tpu.memory_space<vmem>> -> memref<304xf32, #tpu.memory_space<vmem>>
        %gather3A_891 = tpu.vector_load_idx %gather3A_890[%get3A_663] : memref<304xf32, #tpu.memory_space<vmem>>[vector<16xi32>], vector<16xf32>,
        %gather3A_892 = tpu.memref_slice %arg8[%mul3A_887] : memref<24320xf32, #tpu.memory_space<vmem>> -> memref<304xf32, #tpu.memory_space<vmem>>
        %gather3A_893 = tpu.vector_load_idx %gather3A_892[%get3A_666] : memref<304xf32, #tpu.memory_space<vmem>>[vector<16xi32>], vector<16xf32>,
        %gather3A_894 = tpu.memref_slice %arg8[%mul3A_887] : memref<24320xf32, #tpu.memory_space<vmem>> -> memref<304xf32, #tpu.memory_space<vmem>>
        %gather3A_895 = tpu.vector_load_idx %gather3A_894[%get3A_669] : memref<304xf32, #tpu.memory_space<vmem>>[vector<16xi32>], vector<16xf32>,
        %gather3A_896 = tpu.memref_slice %arg8[%mul3A_887] : memref<24320xf32, #tpu.memory_space<vmem>> -> memref<304xf32, #tpu.memory_space<vmem>>
        %gather3A_897 = tpu.vector_load_idx %gather3A_896[%get3A_672] : memref<304xf32, #tpu.memory_space<vmem>>[vector<16xi32>], vector<16xf32>,
        %gather3A_898 = tpu.memref_slice %arg8[%mul3A_887] : memref<24320xf32, #tpu.memory_space<vmem>> -> memref<304xf32, #tpu.memory_space<vmem>>
        %gather3A_899 = tpu.vector_load_idx %gather3A_898[%get3A_675] : memref<304xf32, #tpu.memory_space<vmem>>[vector<16xi32>], vector<16xf32>,
        %gather3A_900 = tpu.memref_slice %arg8[%mul3A_887] : memref<24320xf32, #tpu.memory_space<vmem>> -> memref<304xf32, #tpu.memory_space<vmem>>
        %gather3A_901 = tpu.vector_load_idx %gather3A_900[%get3A_678] : memref<304xf32, #tpu.memory_space<vmem>>[vector<16xi32>], vector<16xf32>,
        %gather3A_902 = tpu.memref_slice %arg8[%mul3A_887] : memref<24320xf32, #tpu.memory_space<vmem>> -> memref<304xf32, #tpu.memory_space<vmem>>
        %gather3A_903 = tpu.vector_load_idx %gather3A_902[%get3A_681] : memref<304xf32, #tpu.memory_space<vmem>>[vector<16xi32>], vector<16xf32>,
        %mul3A_904 = arith.constant 8 : i32
        %mul3A_905 = arith.muli %scan3A_758, %mul3A_904 : i32
        %add3A_906 = arith.constant 3 : i32
        %add3A_907 = arith.addi %mul3A_905, %add3A_906 : i32
        %sub3A_908 = arith.constant 1 : i32
        %sub3A_909 = arith.subi %add3A_907, %sub3A_908 : i32
        %swap3A_910 = arith.index_cast %sub3A_909 : i32 to index
        %swap3A_911 = arith.constant 0 : index
        %swap3A_912 = tpu.vector_load %arg11[%swap3A_910, %swap3A_911] {strides = array<i32>} : memref<80x128xf32, #tpu.memory_space<vmem>>, vector<16xf32>,
        tpu.vector_store %arg11[%swap3A_910, %swap3A_911], %gather3A_837 {strides = array<i32>} : memref<80x128xf32, #tpu.memory_space<vmem>>, vector<16xf32>,
        %swap3A_913 = arith.index_cast %sub3A_909 : i32 to index
        %swap3A_914 = arith.constant 16 : index
        %swap3A_915 = tpu.vector_load %arg11[%swap3A_913, %swap3A_914] {strides = array<i32>} : memref<80x128xf32, #tpu.memory_space<vmem>>, vector<16xf32>,
        tpu.vector_store %arg11[%swap3A_913, %swap3A_914], %gather3A_839 {strides = array<i32>} : memref<80x128xf32, #tpu.memory_space<vmem>>, vector<16xf32>,
        %swap3A_916 = arith.index_cast %sub3A_909 : i32 to index
        %swap3A_917 = arith.constant 32 : index
        %swap3A_918 = tpu.vector_load %arg11[%swap3A_916, %swap3A_917] {strides = array<i32>} : memref<80x128xf32, #tpu.memory_space<vmem>>, vector<16xf32>,
        tpu.vector_store %arg11[%swap3A_916, %swap3A_917], %gather3A_841 {strides = array<i32>} : memref<80x128xf32, #tpu.memory_space<vmem>>, vector<16xf32>,
        %swap3A_919 = arith.index_cast %sub3A_909 : i32 to index
        %swap3A_920 = arith.constant 48 : index
        %swap3A_921 = tpu.vector_load %arg11[%swap3A_919, %swap3A_920] {strides = array<i32>} : memref<80x128xf32, #tpu.memory_space<vmem>>, vector<16xf32>,
        tpu.vector_store %arg11[%swap3A_919, %swap3A_920], %gather3A_843 {strides = array<i32>} : memref<80x128xf32, #tpu.memory_space<vmem>>, vector<16xf32>,
        %swap3A_922 = arith.index_cast %sub3A_909 : i32 to index
        %swap3A_923 = arith.constant 64 : index
        %swap3A_924 = tpu.vector_load %arg11[%swap3A_922, %swap3A_923] {strides = array<i32>} : memref<80x128xf32, #tpu.memory_space<vmem>>, vector<16xf32>,
        tpu.vector_store %arg11[%swap3A_922, %swap3A_923], %gather3A_845 {strides = array<i32>} : memref<80x128xf32, #tpu.memory_space<vmem>>, vector<16xf32>,
        %swap3A_925 = arith.index_cast %sub3A_909 : i32 to index
        %swap3A_926 = arith.constant 80 : index
        %swap3A_927 = tpu.vector_load %arg11[%swap3A_925, %swap3A_926] {strides = array<i32>} : memref<80x128xf32, #tpu.memory_space<vmem>>, vector<16xf32>,
        tpu.vector_store %arg11[%swap3A_925, %swap3A_926], %gather3A_847 {strides = array<i32>} : memref<80x128xf32, #tpu.memory_space<vmem>>, vector<16xf32>,
        %swap3A_928 = arith.index_cast %sub3A_909 : i32 to index
        %swap3A_929 = arith.constant 96 : index
        %swap3A_930 = tpu.vector_load %arg11[%swap3A_928, %swap3A_929] {strides = array<i32>} : memref<80x128xf32, #tpu.memory_space<vmem>>, vector<16xf32>,
        tpu.vector_store %arg11[%swap3A_928, %swap3A_929], %gather3A_849 {strides = array<i32>} : memref<80x128xf32, #tpu.memory_space<vmem>>, vector<16xf32>,
        %swap3A_931 = arith.index_cast %sub3A_909 : i32 to index
        %swap3A_932 = arith.constant 112 : index
        %swap3A_933 = tpu.vector_load %arg11[%swap3A_931, %swap3A_932] {strides = array<i32>} : memref<80x128xf32, #tpu.memory_space<vmem>>, vector<16xf32>,
        tpu.vector_store %arg11[%swap3A_931, %swap3A_932], %gather3A_851 {strides = array<i32>} : memref<80x128xf32, #tpu.memory_space<vmem>>, vector<16xf32>,
        %mul3A_934 = arith.constant 8 : i32
        %mul3A_935 = arith.muli %scan3A_758, %mul3A_934 : i32
        %add3A_936 = arith.constant 4 : i32
        %add3A_937 = arith.addi %mul3A_935, %add3A_936 : i32
        %mul3A_938 = arith.constant 304 : i32
        %mul3A_939 = arith.muli %add3A_937, %mul3A_938 : i32
        %gather3A_940 = tpu.memref_slice %arg8[%mul3A_939] : memref<24320xf32, #tpu.memory_space<vmem>> -> memref<304xf32, #tpu.memory_space<vmem>>
        %gather3A_941 = tpu.vector_load_idx %gather3A_940[%get3A_660] : memref<304xf32, #tpu.memory_space<vmem>>[vector<16xi32>], vector<16xf32>,
        %gather3A_942 = tpu.memref_slice %arg8[%mul3A_939] : memref<24320xf32, #tpu.memory_space<vmem>> -> memref<304xf32, #tpu.memory_space<vmem>>
        %gather3A_943 = tpu.vector_load_idx %gather3A_942[%get3A_663] : memref<304xf32, #tpu.memory_space<vmem>>[vector<16xi32>], vector<16xf32>,
        %gather3A_944 = tpu.memref_slice %arg8[%mul3A_939] : memref<24320xf32, #tpu.memory_space<vmem>> -> memref<304xf32, #tpu.memory_space<vmem>>
        %gather3A_945 = tpu.vector_load_idx %gather3A_944[%get3A_666] : memref<304xf32, #tpu.memory_space<vmem>>[vector<16xi32>], vector<16xf32>,
        %gather3A_946 = tpu.memref_slice %arg8[%mul3A_939] : memref<24320xf32, #tpu.memory_space<vmem>> -> memref<304xf32, #tpu.memory_space<vmem>>
        %gather3A_947 = tpu.vector_load_idx %gather3A_946[%get3A_669] : memref<304xf32, #tpu.memory_space<vmem>>[vector<16xi32>], vector<16xf32>,
        %gather3A_948 = tpu.memref_slice %arg8[%mul3A_939] : memref<24320xf32, #tpu.memory_space<vmem>> -> memref<304xf32, #tpu.memory_space<vmem>>
        %gather3A_949 = tpu.vector_load_idx %gather3A_948[%get3A_672] : memref<304xf32, #tpu.memory_space<vmem>>[vector<16xi32>], vector<16xf32>,
        %gather3A_950 = tpu.memref_slice %arg8[%mul3A_939] : memref<24320xf32, #tpu.memory_space<vmem>> -> memref<304xf32, #tpu.memory_space<vmem>>
        %gather3A_951 = tpu.vector_load_idx %gather3A_950[%get3A_675] : memref<304xf32, #tpu.memory_space<vmem>>[vector<16xi32>], vector<16xf32>,
        %gather3A_952 = tpu.memref_slice %arg8[%mul3A_939] : memref<24320xf32, #tpu.memory_space<vmem>> -> memref<304xf32, #tpu.memory_space<vmem>>
        %gather3A_953 = tpu.vector_load_idx %gather3A_952[%get3A_678] : memref<304xf32, #tpu.memory_space<vmem>>[vector<16xi32>], vector<16xf32>,
        %gather3A_954 = tpu.memref_slice %arg8[%mul3A_939] : memref<24320xf32, #tpu.memory_space<vmem>> -> memref<304xf32, #tpu.memory_space<vmem>>
        %gather3A_955 = tpu.vector_load_idx %gather3A_954[%get3A_681] : memref<304xf32, #tpu.memory_space<vmem>>[vector<16xi32>], vector<16xf32>,
        %mul3A_956 = arith.constant 8 : i32
        %mul3A_957 = arith.muli %scan3A_758, %mul3A_956 : i32
        %add3A_958 = arith.constant 4 : i32
        %add3A_959 = arith.addi %mul3A_957, %add3A_958 : i32
        %sub3A_960 = arith.constant 1 : i32
        %sub3A_961 = arith.subi %add3A_959, %sub3A_960 : i32
        %swap3A_962 = arith.index_cast %sub3A_961 : i32 to index
        %swap3A_963 = arith.constant 0 : index
        %swap3A_964 = tpu.vector_load %arg11[%swap3A_962, %swap3A_963] {strides = array<i32>} : memref<80x128xf32, #tpu.memory_space<vmem>>, vector<16xf32>,
        tpu.vector_store %arg11[%swap3A_962, %swap3A_963], %gather3A_889 {strides = array<i32>} : memref<80x128xf32, #tpu.memory_space<vmem>>, vector<16xf32>,
        %swap3A_965 = arith.index_cast %sub3A_961 : i32 to index
        %swap3A_966 = arith.constant 16 : index
        %swap3A_967 = tpu.vector_load %arg11[%swap3A_965, %swap3A_966] {strides = array<i32>} : memref<80x128xf32, #tpu.memory_space<vmem>>, vector<16xf32>,
        tpu.vector_store %arg11[%swap3A_965, %swap3A_966], %gather3A_891 {strides = array<i32>} : memref<80x128xf32, #tpu.memory_space<vmem>>, vector<16xf32>,
        %swap3A_968 = arith.index_cast %sub3A_961 : i32 to index
        %swap3A_969 = arith.constant 32 : index
        %swap3A_970 = tpu.vector_load %arg11[%swap3A_968, %swap3A_969] {strides = array<i32>} : memref<80x128xf32, #tpu.memory_space<vmem>>, vector<16xf32>,
        tpu.vector_store %arg11[%swap3A_968, %swap3A_969], %gather3A_893 {strides = array<i32>} : memref<80x128xf32, #tpu.memory_space<vmem>>, vector<16xf32>,
        %swap3A_971 = arith.index_cast %sub3A_961 : i32 to index
        %swap3A_972 = arith.constant 48 : index
        %swap3A_973 = tpu.vector_load %arg11[%swap3A_971, %swap3A_972] {strides = array<i32>} : memref<80x128xf32, #tpu.memory_space<vmem>>, vector<16xf32>,
        tpu.vector_store %arg11[%swap3A_971, %swap3A_972], %gather3A_895 {strides = array<i32>} : memref<80x128xf32, #tpu.memory_space<vmem>>, vector<16xf32>,
        %swap3A_974 = arith.index_cast %sub3A_961 : i32 to index
        %swap3A_975 = arith.constant 64 : index
        %swap3A_976 = tpu.vector_load %arg11[%swap3A_974, %swap3A_975] {strides = array<i32>} : memref<80x128xf32, #tpu.memory_space<vmem>>, vector<16xf32>,
        tpu.vector_store %arg11[%swap3A_974, %swap3A_975], %gather3A_897 {strides = array<i32>} : memref<80x128xf32, #tpu.memory_space<vmem>>, vector<16xf32>,
        %swap3A_977 = arith.index_cast %sub3A_961 : i32 to index
        %swap3A_978 = arith.constant 80 : index
        %swap3A_979 = tpu.vector_load %arg11[%swap3A_977, %swap3A_978] {strides = array<i32>} : memref<80x128xf32, #tpu.memory_space<vmem>>, vector<16xf32>,
        tpu.vector_store %arg11[%swap3A_977, %swap3A_978], %gather3A_899 {strides = array<i32>} : memref<80x128xf32, #tpu.memory_space<vmem>>, vector<16xf32>,
        %swap3A_980 = arith.index_cast %sub3A_961 : i32 to index
        %swap3A_981 = arith.constant 96 : index
        %swap3A_982 = tpu.vector_load %arg11[%swap3A_980, %swap3A_981] {strides = array<i32>} : memref<80x128xf32, #tpu.memory_space<vmem>>, vector<16xf32>,
        tpu.vector_store %arg11[%swap3A_980, %swap3A_981], %gather3A_901 {strides = array<i32>} : memref<80x128xf32, #tpu.memory_space<vmem>>, vector<16xf32>,
        %swap3A_983 = arith.index_cast %sub3A_961 : i32 to index
        %swap3A_984 = arith.constant 112 : index
        %swap3A_985 = tpu.vector_load %arg11[%swap3A_983, %swap3A_984] {strides = array<i32>} : memref<80x128xf32, #tpu.memory_space<vmem>>, vector<16xf32>,
        tpu.vector_store %arg11[%swap3A_983, %swap3A_984], %gather3A_903 {strides = array<i32>} : memref<80x128xf32, #tpu.memory_space<vmem>>, vector<16xf32>,
        %mul3A_986 = arith.constant 8 : i32
        %mul3A_987 = arith.muli %scan3A_758, %mul3A_986 : i32
        %add3A_988 = arith.constant 5 : i32
        %add3A_989 = arith.addi %mul3A_987, %add3A_988 : i32
        %mul3A_990 = arith.constant 304 : i32
        %mul3A_991 = arith.muli %add3A_989, %mul3A_990 : i32
        %gather3A_992 = tpu.memref_slice %arg8[%mul3A_991] : memref<24320xf32, #tpu.memory_space<vmem>> -> memref<304xf32, #tpu.memory_space<vmem>>
        %gather3A_993 = tpu.vector_load_idx %gather3A_992[%get3A_660] : memref<304xf32, #tpu.memory_space<vmem>>[vector<16xi32>], vector<16xf32>,
        %gather3A_994 = tpu.memref_slice %arg8[%mul3A_991] : memref<24320xf32, #tpu.memory_space<vmem>> -> memref<304xf32, #tpu.memory_space<vmem>>
        %gather3A_995 = tpu.vector_load_idx %gather3A_994[%get3A_663] : memref<304xf32, #tpu.memory_space<vmem>>[vector<16xi32>], vector<16xf32>,
        %gather3A_996 = tpu.memref_slice %arg8[%mul3A_991] : memref<24320xf32, #tpu.memory_space<vmem>> -> memref<304xf32, #tpu.memory_space<vmem>>
        %gather3A_997 = tpu.vector_load_idx %gather3A_996[%get3A_666] : memref<304xf32, #tpu.memory_space<vmem>>[vector<16xi32>], vector<16xf32>,
        %gather3A_998 = tpu.memref_slice %arg8[%mul3A_991] : memref<24320xf32, #tpu.memory_space<vmem>> -> memref<304xf32, #tpu.memory_space<vmem>>
        %gather3A_999 = tpu.vector_load_idx %gather3A_998[%get3A_669] : memref<304xf32, #tpu.memory_space<vmem>>[vector<16xi32>], vector<16xf32>,
        %gather3A_1000 = tpu.memref_slice %arg8[%mul3A_991] : memref<24320xf32, #tpu.memory_space<vmem>> -> memref<304xf32, #tpu.memory_space<vmem>>
        %gather3A_1001 = tpu.vector_load_idx %gather3A_1000[%get3A_672] : memref<304xf32, #tpu.memory_space<vmem>>[vector<16xi32>], vector<16xf32>,
        %gather3A_1002 = tpu.memref_slice %arg8[%mul3A_991] : memref<24320xf32, #tpu.memory_space<vmem>> -> memref<304xf32, #tpu.memory_space<vmem>>
        %gather3A_1003 = tpu.vector_load_idx %gather3A_1002[%get3A_675] : memref<304xf32, #tpu.memory_space<vmem>>[vector<16xi32>], vector<16xf32>,
        %gather3A_1004 = tpu.memref_slice %arg8[%mul3A_991] : memref<24320xf32, #tpu.memory_space<vmem>> -> memref<304xf32, #tpu.memory_space<vmem>>
        %gather3A_1005 = tpu.vector_load_idx %gather3A_1004[%get3A_678] : memref<304xf32, #tpu.memory_space<vmem>>[vector<16xi32>], vector<16xf32>,
        %gather3A_1006 = tpu.memref_slice %arg8[%mul3A_991] : memref<24320xf32, #tpu.memory_space<vmem>> -> memref<304xf32, #tpu.memory_space<vmem>>
        %gather3A_1007 = tpu.vector_load_idx %gather3A_1006[%get3A_681] : memref<304xf32, #tpu.memory_space<vmem>>[vector<16xi32>], vector<16xf32>,
        %mul3A_1008 = arith.constant 8 : i32
        %mul3A_1009 = arith.muli %scan3A_758, %mul3A_1008 : i32
        %add3A_1010 = arith.constant 5 : i32
        %add3A_1011 = arith.addi %mul3A_1009, %add3A_1010 : i32
        %sub3A_1012 = arith.constant 1 : i32
        %sub3A_1013 = arith.subi %add3A_1011, %sub3A_1012 : i32
        %swap3A_1014 = arith.index_cast %sub3A_1013 : i32 to index
        %swap3A_1015 = arith.constant 0 : index
        %swap3A_1016 = tpu.vector_load %arg11[%swap3A_1014, %swap3A_1015] {strides = array<i32>} : memref<80x128xf32, #tpu.memory_space<vmem>>, vector<16xf32>,
        tpu.vector_store %arg11[%swap3A_1014, %swap3A_1015], %gather3A_941 {strides = array<i32>} : memref<80x128xf32, #tpu.memory_space<vmem>>, vector<16xf32>,
        %swap3A_1017 = arith.index_cast %sub3A_1013 : i32 to index
        %swap3A_1018 = arith.constant 16 : index
        %swap3A_1019 = tpu.vector_load %arg11[%swap3A_1017, %swap3A_1018] {strides = array<i32>} : memref<80x128xf32, #tpu.memory_space<vmem>>, vector<16xf32>,
        tpu.vector_store %arg11[%swap3A_1017, %swap3A_1018], %gather3A_943 {strides = array<i32>} : memref<80x128xf32, #tpu.memory_space<vmem>>, vector<16xf32>,
        %swap3A_1020 = arith.index_cast %sub3A_1013 : i32 to index
        %swap3A_1021 = arith.constant 32 : index
        %swap3A_1022 = tpu.vector_load %arg11[%swap3A_1020, %swap3A_1021] {strides = array<i32>} : memref<80x128xf32, #tpu.memory_space<vmem>>, vector<16xf32>,
        tpu.vector_store %arg11[%swap3A_1020, %swap3A_1021], %gather3A_945 {strides = array<i32>} : memref<80x128xf32, #tpu.memory_space<vmem>>, vector<16xf32>,
        %swap3A_1023 = arith.index_cast %sub3A_1013 : i32 to index
        %swap3A_1024 = arith.constant 48 : index
        %swap3A_1025 = tpu.vector_load %arg11[%swap3A_1023, %swap3A_1024] {strides = array<i32>} : memref<80x128xf32, #tpu.memory_space<vmem>>, vector<16xf32>,
        tpu.vector_store %arg11[%swap3A_1023, %swap3A_1024], %gather3A_947 {strides = array<i32>} : memref<80x128xf32, #tpu.memory_space<vmem>>, vector<16xf32>,
        %swap3A_1026 = arith.index_cast %sub3A_1013 : i32 to index
        %swap3A_1027 = arith.constant 64 : index
        %swap3A_1028 = tpu.vector_load %arg11[%swap3A_1026, %swap3A_1027] {strides = array<i32>} : memref<80x128xf32, #tpu.memory_space<vmem>>, vector<16xf32>,
        tpu.vector_store %arg11[%swap3A_1026, %swap3A_1027], %gather3A_949 {strides = array<i32>} : memref<80x128xf32, #tpu.memory_space<vmem>>, vector<16xf32>,
        %swap3A_1029 = arith.index_cast %sub3A_1013 : i32 to index
        %swap3A_1030 = arith.constant 80 : index
        %swap3A_1031 = tpu.vector_load %arg11[%swap3A_1029, %swap3A_1030] {strides = array<i32>} : memref<80x128xf32, #tpu.memory_space<vmem>>, vector<16xf32>,
        tpu.vector_store %arg11[%swap3A_1029, %swap3A_1030], %gather3A_951 {strides = array<i32>} : memref<80x128xf32, #tpu.memory_space<vmem>>, vector<16xf32>,
        %swap3A_1032 = arith.index_cast %sub3A_1013 : i32 to index
        %swap3A_1033 = arith.constant 96 : index
        %swap3A_1034 = tpu.vector_load %arg11[%swap3A_1032, %swap3A_1033] {strides = array<i32>} : memref<80x128xf32, #tpu.memory_space<vmem>>, vector<16xf32>,
        tpu.vector_store %arg11[%swap3A_1032, %swap3A_1033], %gather3A_953 {strides = array<i32>} : memref<80x128xf32, #tpu.memory_space<vmem>>, vector<16xf32>,
        %swap3A_1035 = arith.index_cast %sub3A_1013 : i32 to index
        %swap3A_1036 = arith.constant 112 : index
        %swap3A_1037 = tpu.vector_load %arg11[%swap3A_1035, %swap3A_1036] {strides = array<i32>} : memref<80x128xf32, #tpu.memory_space<vmem>>, vector<16xf32>,
        tpu.vector_store %arg11[%swap3A_1035, %swap3A_1036], %gather3A_955 {strides = array<i32>} : memref<80x128xf32, #tpu.memory_space<vmem>>, vector<16xf32>,
        %mul3A_1038 = arith.constant 8 : i32
        %mul3A_1039 = arith.muli %scan3A_758, %mul3A_1038 : i32
        %add3A_1040 = arith.constant 6 : i32
        %add3A_1041 = arith.addi %mul3A_1039, %add3A_1040 : i32
        %mul3A_1042 = arith.constant 304 : i32
        %mul3A_1043 = arith.muli %add3A_1041, %mul3A_1042 : i32
        %gather3A_1044 = tpu.memref_slice %arg8[%mul3A_1043] : memref<24320xf32, #tpu.memory_space<vmem>> -> memref<304xf32, #tpu.memory_space<vmem>>
        %gather3A_1045 = tpu.vector_load_idx %gather3A_1044[%get3A_660] : memref<304xf32, #tpu.memory_space<vmem>>[vector<16xi32>], vector<16xf32>,
        %gather3A_1046 = tpu.memref_slice %arg8[%mul3A_1043] : memref<24320xf32, #tpu.memory_space<vmem>> -> memref<304xf32, #tpu.memory_space<vmem>>
        %gather3A_1047 = tpu.vector_load_idx %gather3A_1046[%get3A_663] : memref<304xf32, #tpu.memory_space<vmem>>[vector<16xi32>], vector<16xf32>,
        %gather3A_1048 = tpu.memref_slice %arg8[%mul3A_1043] : memref<24320xf32, #tpu.memory_space<vmem>> -> memref<304xf32, #tpu.memory_space<vmem>>
        %gather3A_1049 = tpu.vector_load_idx %gather3A_1048[%get3A_666] : memref<304xf32, #tpu.memory_space<vmem>>[vector<16xi32>], vector<16xf32>,
        %gather3A_1050 = tpu.memref_slice %arg8[%mul3A_1043] : memref<24320xf32, #tpu.memory_space<vmem>> -> memref<304xf32, #tpu.memory_space<vmem>>
        %gather3A_1051 = tpu.vector_load_idx %gather3A_1050[%get3A_669] : memref<304xf32, #tpu.memory_space<vmem>>[vector<16xi32>], vector<16xf32>,
        %gather3A_1052 = tpu.memref_slice %arg8[%mul3A_1043] : memref<24320xf32, #tpu.memory_space<vmem>> -> memref<304xf32, #tpu.memory_space<vmem>>
        %gather3A_1053 = tpu.vector_load_idx %gather3A_1052[%get3A_672] : memref<304xf32, #tpu.memory_space<vmem>>[vector<16xi32>], vector<16xf32>,
        %gather3A_1054 = tpu.memref_slice %arg8[%mul3A_1043] : memref<24320xf32, #tpu.memory_space<vmem>> -> memref<304xf32, #tpu.memory_space<vmem>>
        %gather3A_1055 = tpu.vector_load_idx %gather3A_1054[%get3A_675] : memref<304xf32, #tpu.memory_space<vmem>>[vector<16xi32>], vector<16xf32>,
        %gather3A_1056 = tpu.memref_slice %arg8[%mul3A_1043] : memref<24320xf32, #tpu.memory_space<vmem>> -> memref<304xf32, #tpu.memory_space<vmem>>
        %gather3A_1057 = tpu.vector_load_idx %gather3A_1056[%get3A_678] : memref<304xf32, #tpu.memory_space<vmem>>[vector<16xi32>], vector<16xf32>,
        %gather3A_1058 = tpu.memref_slice %arg8[%mul3A_1043] : memref<24320xf32, #tpu.memory_space<vmem>> -> memref<304xf32, #tpu.memory_space<vmem>>
        %gather3A_1059 = tpu.vector_load_idx %gather3A_1058[%get3A_681] : memref<304xf32, #tpu.memory_space<vmem>>[vector<16xi32>], vector<16xf32>,
        %mul3A_1060 = arith.constant 8 : i32
        %mul3A_1061 = arith.muli %scan3A_758, %mul3A_1060 : i32
        %add3A_1062 = arith.constant 6 : i32
        %add3A_1063 = arith.addi %mul3A_1061, %add3A_1062 : i32
        %sub3A_1064 = arith.constant 1 : i32
        %sub3A_1065 = arith.subi %add3A_1063, %sub3A_1064 : i32
        %swap3A_1066 = arith.index_cast %sub3A_1065 : i32 to index
        %swap3A_1067 = arith.constant 0 : index
        %swap3A_1068 = tpu.vector_load %arg11[%swap3A_1066, %swap3A_1067] {strides = array<i32>} : memref<80x128xf32, #tpu.memory_space<vmem>>, vector<16xf32>,
        tpu.vector_store %arg11[%swap3A_1066, %swap3A_1067], %gather3A_993 {strides = array<i32>} : memref<80x128xf32, #tpu.memory_space<vmem>>, vector<16xf32>,
        %swap3A_1069 = arith.index_cast %sub3A_1065 : i32 to index
        %swap3A_1070 = arith.constant 16 : index
        %swap3A_1071 = tpu.vector_load %arg11[%swap3A_1069, %swap3A_1070] {strides = array<i32>} : memref<80x128xf32, #tpu.memory_space<vmem>>, vector<16xf32>,
        tpu.vector_store %arg11[%swap3A_1069, %swap3A_1070], %gather3A_995 {strides = array<i32>} : memref<80x128xf32, #tpu.memory_space<vmem>>, vector<16xf32>,
        %swap3A_1072 = arith.index_cast %sub3A_1065 : i32 to index
        %swap3A_1073 = arith.constant 32 : index
        %swap3A_1074 = tpu.vector_load %arg11[%swap3A_1072, %swap3A_1073] {strides = array<i32>} : memref<80x128xf32, #tpu.memory_space<vmem>>, vector<16xf32>,
        tpu.vector_store %arg11[%swap3A_1072, %swap3A_1073], %gather3A_997 {strides = array<i32>} : memref<80x128xf32, #tpu.memory_space<vmem>>, vector<16xf32>,
        %swap3A_1075 = arith.index_cast %sub3A_1065 : i32 to index
        %swap3A_1076 = arith.constant 48 : index
        %swap3A_1077 = tpu.vector_load %arg11[%swap3A_1075, %swap3A_1076] {strides = array<i32>} : memref<80x128xf32, #tpu.memory_space<vmem>>, vector<16xf32>,
        tpu.vector_store %arg11[%swap3A_1075, %swap3A_1076], %gather3A_999 {strides = array<i32>} : memref<80x128xf32, #tpu.memory_space<vmem>>, vector<16xf32>,
        %swap3A_1078 = arith.index_cast %sub3A_1065 : i32 to index
        %swap3A_1079 = arith.constant 64 : index
        %swap3A_1080 = tpu.vector_load %arg11[%swap3A_1078, %swap3A_1079] {strides = array<i32>} : memref<80x128xf32, #tpu.memory_space<vmem>>, vector<16xf32>,
        tpu.vector_store %arg11[%swap3A_1078, %swap3A_1079], %gather3A_1001 {strides = array<i32>} : memref<80x128xf32, #tpu.memory_space<vmem>>, vector<16xf32>,
        %swap3A_1081 = arith.index_cast %sub3A_1065 : i32 to index
        %swap3A_1082 = arith.constant 80 : index
        %swap3A_1083 = tpu.vector_load %arg11[%swap3A_1081, %swap3A_1082] {strides = array<i32>} : memref<80x128xf32, #tpu.memory_space<vmem>>, vector<16xf32>,
        tpu.vector_store %arg11[%swap3A_1081, %swap3A_1082], %gather3A_1003 {strides = array<i32>} : memref<80x128xf32, #tpu.memory_space<vmem>>, vector<16xf32>,
        %swap3A_1084 = arith.index_cast %sub3A_1065 : i32 to index
        %swap3A_1085 = arith.constant 96 : index
        %swap3A_1086 = tpu.vector_load %arg11[%swap3A_1084, %swap3A_1085] {strides = array<i32>} : memref<80x128xf32, #tpu.memory_space<vmem>>, vector<16xf32>,
        tpu.vector_store %arg11[%swap3A_1084, %swap3A_1085], %gather3A_1005 {strides = array<i32>} : memref<80x128xf32, #tpu.memory_space<vmem>>, vector<16xf32>,
        %swap3A_1087 = arith.index_cast %sub3A_1065 : i32 to index
        %swap3A_1088 = arith.constant 112 : index
        %swap3A_1089 = tpu.vector_load %arg11[%swap3A_1087, %swap3A_1088] {strides = array<i32>} : memref<80x128xf32, #tpu.memory_space<vmem>>, vector<16xf32>,
        tpu.vector_store %arg11[%swap3A_1087, %swap3A_1088], %gather3A_1007 {strides = array<i32>} : memref<80x128xf32, #tpu.memory_space<vmem>>, vector<16xf32>,
        %mul3A_1090 = arith.constant 8 : i32
        %mul3A_1091 = arith.muli %scan3A_758, %mul3A_1090 : i32
        %add3A_1092 = arith.constant 7 : i32
        %add3A_1093 = arith.addi %mul3A_1091, %add3A_1092 : i32
        %mul3A_1094 = arith.constant 304 : i32
        %mul3A_1095 = arith.muli %add3A_1093, %mul3A_1094 : i32
        %gather3A_1096 = tpu.memref_slice %arg8[%mul3A_1095] : memref<24320xf32, #tpu.memory_space<vmem>> -> memref<304xf32, #tpu.memory_space<vmem>>
        %gather3A_1097 = tpu.vector_load_idx %gather3A_1096[%get3A_660] : memref<304xf32, #tpu.memory_space<vmem>>[vector<16xi32>], vector<16xf32>,
        %gather3A_1098 = tpu.memref_slice %arg8[%mul3A_1095] : memref<24320xf32, #tpu.memory_space<vmem>> -> memref<304xf32, #tpu.memory_space<vmem>>
        %gather3A_1099 = tpu.vector_load_idx %gather3A_1098[%get3A_663] : memref<304xf32, #tpu.memory_space<vmem>>[vector<16xi32>], vector<16xf32>,
        %gather3A_1100 = tpu.memref_slice %arg8[%mul3A_1095] : memref<24320xf32, #tpu.memory_space<vmem>> -> memref<304xf32, #tpu.memory_space<vmem>>
        %gather3A_1101 = tpu.vector_load_idx %gather3A_1100[%get3A_666] : memref<304xf32, #tpu.memory_space<vmem>>[vector<16xi32>], vector<16xf32>,
        %gather3A_1102 = tpu.memref_slice %arg8[%mul3A_1095] : memref<24320xf32, #tpu.memory_space<vmem>> -> memref<304xf32, #tpu.memory_space<vmem>>
        %gather3A_1103 = tpu.vector_load_idx %gather3A_1102[%get3A_669] : memref<304xf32, #tpu.memory_space<vmem>>[vector<16xi32>], vector<16xf32>,
        %gather3A_1104 = tpu.memref_slice %arg8[%mul3A_1095] : memref<24320xf32, #tpu.memory_space<vmem>> -> memref<304xf32, #tpu.memory_space<vmem>>
        %gather3A_1105 = tpu.vector_load_idx %gather3A_1104[%get3A_672] : memref<304xf32, #tpu.memory_space<vmem>>[vector<16xi32>], vector<16xf32>,
        %gather3A_1106 = tpu.memref_slice %arg8[%mul3A_1095] : memref<24320xf32, #tpu.memory_space<vmem>> -> memref<304xf32, #tpu.memory_space<vmem>>
        %gather3A_1107 = tpu.vector_load_idx %gather3A_1106[%get3A_675] : memref<304xf32, #tpu.memory_space<vmem>>[vector<16xi32>], vector<16xf32>,
        %gather3A_1108 = tpu.memref_slice %arg8[%mul3A_1095] : memref<24320xf32, #tpu.memory_space<vmem>> -> memref<304xf32, #tpu.memory_space<vmem>>
        %gather3A_1109 = tpu.vector_load_idx %gather3A_1108[%get3A_678] : memref<304xf32, #tpu.memory_space<vmem>>[vector<16xi32>], vector<16xf32>,
        %gather3A_1110 = tpu.memref_slice %arg8[%mul3A_1095] : memref<24320xf32, #tpu.memory_space<vmem>> -> memref<304xf32, #tpu.memory_space<vmem>>
        %gather3A_1111 = tpu.vector_load_idx %gather3A_1110[%get3A_681] : memref<304xf32, #tpu.memory_space<vmem>>[vector<16xi32>], vector<16xf32>,
        %mul3A_1112 = arith.constant 8 : i32
        %mul3A_1113 = arith.muli %scan3A_758, %mul3A_1112 : i32
        %add3A_1114 = arith.constant 7 : i32
        %add3A_1115 = arith.addi %mul3A_1113, %add3A_1114 : i32
        %sub3A_1116 = arith.constant 1 : i32
        %sub3A_1117 = arith.subi %add3A_1115, %sub3A_1116 : i32
        %swap3A_1118 = arith.index_cast %sub3A_1117 : i32 to index
        %swap3A_1119 = arith.constant 0 : index
        %swap3A_1120 = tpu.vector_load %arg11[%swap3A_1118, %swap3A_1119] {strides = array<i32>} : memref<80x128xf32, #tpu.memory_space<vmem>>, vector<16xf32>,
        tpu.vector_store %arg11[%swap3A_1118, %swap3A_1119], %gather3A_1045 {strides = array<i32>} : memref<80x128xf32, #tpu.memory_space<vmem>>, vector<16xf32>,
        %swap3A_1121 = arith.index_cast %sub3A_1117 : i32 to index
        %swap3A_1122 = arith.constant 16 : index
        %swap3A_1123 = tpu.vector_load %arg11[%swap3A_1121, %swap3A_1122] {strides = array<i32>} : memref<80x128xf32, #tpu.memory_space<vmem>>, vector<16xf32>,
        tpu.vector_store %arg11[%swap3A_1121, %swap3A_1122], %gather3A_1047 {strides = array<i32>} : memref<80x128xf32, #tpu.memory_space<vmem>>, vector<16xf32>,
        %swap3A_1124 = arith.index_cast %sub3A_1117 : i32 to index
        %swap3A_1125 = arith.constant 32 : index
        %swap3A_1126 = tpu.vector_load %arg11[%swap3A_1124, %swap3A_1125] {strides = array<i32>} : memref<80x128xf32, #tpu.memory_space<vmem>>, vector<16xf32>,
        tpu.vector_store %arg11[%swap3A_1124, %swap3A_1125], %gather3A_1049 {strides = array<i32>} : memref<80x128xf32, #tpu.memory_space<vmem>>, vector<16xf32>,
        %swap3A_1127 = arith.index_cast %sub3A_1117 : i32 to index
        %swap3A_1128 = arith.constant 48 : index
        %swap3A_1129 = tpu.vector_load %arg11[%swap3A_1127, %swap3A_1128] {strides = array<i32>} : memref<80x128xf32, #tpu.memory_space<vmem>>, vector<16xf32>,
        tpu.vector_store %arg11[%swap3A_1127, %swap3A_1128], %gather3A_1051 {strides = array<i32>} : memref<80x128xf32, #tpu.memory_space<vmem>>, vector<16xf32>,
        %swap3A_1130 = arith.index_cast %sub3A_1117 : i32 to index
        %swap3A_1131 = arith.constant 64 : index
        %swap3A_1132 = tpu.vector_load %arg11[%swap3A_1130, %swap3A_1131] {strides = array<i32>} : memref<80x128xf32, #tpu.memory_space<vmem>>, vector<16xf32>,
        tpu.vector_store %arg11[%swap3A_1130, %swap3A_1131], %gather3A_1053 {strides = array<i32>} : memref<80x128xf32, #tpu.memory_space<vmem>>, vector<16xf32>,
        %swap3A_1133 = arith.index_cast %sub3A_1117 : i32 to index
        %swap3A_1134 = arith.constant 80 : index
        %swap3A_1135 = tpu.vector_load %arg11[%swap3A_1133, %swap3A_1134] {strides = array<i32>} : memref<80x128xf32, #tpu.memory_space<vmem>>, vector<16xf32>,
        tpu.vector_store %arg11[%swap3A_1133, %swap3A_1134], %gather3A_1055 {strides = array<i32>} : memref<80x128xf32, #tpu.memory_space<vmem>>, vector<16xf32>,
        %swap3A_1136 = arith.index_cast %sub3A_1117 : i32 to index
        %swap3A_1137 = arith.constant 96 : index
        %swap3A_1138 = tpu.vector_load %arg11[%swap3A_1136, %swap3A_1137] {strides = array<i32>} : memref<80x128xf32, #tpu.memory_space<vmem>>, vector<16xf32>,
        tpu.vector_store %arg11[%swap3A_1136, %swap3A_1137], %gather3A_1057 {strides = array<i32>} : memref<80x128xf32, #tpu.memory_space<vmem>>, vector<16xf32>,
        %swap3A_1139 = arith.index_cast %sub3A_1117 : i32 to index
        %swap3A_1140 = arith.constant 112 : index
        %swap3A_1141 = tpu.vector_load %arg11[%swap3A_1139, %swap3A_1140] {strides = array<i32>} : memref<80x128xf32, #tpu.memory_space<vmem>>, vector<16xf32>,
        tpu.vector_store %arg11[%swap3A_1139, %swap3A_1140], %gather3A_1059 {strides = array<i32>} : memref<80x128xf32, #tpu.memory_space<vmem>>, vector<16xf32>,
        %mul3A_1142 = arith.constant 8 : i32
        %mul3A_1143 = arith.muli %scan3A_758, %mul3A_1142 : i32
        %add3A_1144 = arith.constant 7 : i32
        %add3A_1145 = arith.addi %mul3A_1143, %add3A_1144 : i32
        %swap3A_1146 = arith.index_cast %add3A_1145 : i32 to index
        %swap3A_1147 = arith.constant 0 : index
        %swap3A_1148 = tpu.vector_load %arg11[%swap3A_1146, %swap3A_1147] {strides = array<i32>} : memref<80x128xf32, #tpu.memory_space<vmem>>, vector<16xf32>,
        tpu.vector_store %arg11[%swap3A_1146, %swap3A_1147], %gather3A_1097 {strides = array<i32>} : memref<80x128xf32, #tpu.memory_space<vmem>>, vector<16xf32>,
        %swap3A_1149 = arith.index_cast %add3A_1145 : i32 to index
        %swap3A_1150 = arith.constant 16 : index
        %swap3A_1151 = tpu.vector_load %arg11[%swap3A_1149, %swap3A_1150] {strides = array<i32>} : memref<80x128xf32, #tpu.memory_space<vmem>>, vector<16xf32>,
        tpu.vector_store %arg11[%swap3A_1149, %swap3A_1150], %gather3A_1099 {strides = array<i32>} : memref<80x128xf32, #tpu.memory_space<vmem>>, vector<16xf32>,
        %swap3A_1152 = arith.index_cast %add3A_1145 : i32 to index
        %swap3A_1153 = arith.constant 32 : index
        %swap3A_1154 = tpu.vector_load %arg11[%swap3A_1152, %swap3A_1153] {strides = array<i32>} : memref<80x128xf32, #tpu.memory_space<vmem>>, vector<16xf32>,
        tpu.vector_store %arg11[%swap3A_1152, %swap3A_1153], %gather3A_1101 {strides = array<i32>} : memref<80x128xf32, #tpu.memory_space<vmem>>, vector<16xf32>,
        %swap3A_1155 = arith.index_cast %add3A_1145 : i32 to index
        %swap3A_1156 = arith.constant 48 : index
        %swap3A_1157 = tpu.vector_load %arg11[%swap3A_1155, %swap3A_1156] {strides = array<i32>} : memref<80x128xf32, #tpu.memory_space<vmem>>, vector<16xf32>,
        tpu.vector_store %arg11[%swap3A_1155, %swap3A_1156], %gather3A_1103 {strides = array<i32>} : memref<80x128xf32, #tpu.memory_space<vmem>>, vector<16xf32>,
        %swap3A_1158 = arith.index_cast %add3A_1145 : i32 to index
        %swap3A_1159 = arith.constant 64 : index
        %swap3A_1160 = tpu.vector_load %arg11[%swap3A_1158, %swap3A_1159] {strides = array<i32>} : memref<80x128xf32, #tpu.memory_space<vmem>>, vector<16xf32>,
        tpu.vector_store %arg11[%swap3A_1158, %swap3A_1159], %gather3A_1105 {strides = array<i32>} : memref<80x128xf32, #tpu.memory_space<vmem>>, vector<16xf32>,
        %swap3A_1161 = arith.index_cast %add3A_1145 : i32 to index
        %swap3A_1162 = arith.constant 80 : index
        %swap3A_1163 = tpu.vector_load %arg11[%swap3A_1161, %swap3A_1162] {strides = array<i32>} : memref<80x128xf32, #tpu.memory_space<vmem>>, vector<16xf32>,
        tpu.vector_store %arg11[%swap3A_1161, %swap3A_1162], %gather3A_1107 {strides = array<i32>} : memref<80x128xf32, #tpu.memory_space<vmem>>, vector<16xf32>,
        %swap3A_1164 = arith.index_cast %add3A_1145 : i32 to index
        %swap3A_1165 = arith.constant 96 : index
        %swap3A_1166 = tpu.vector_load %arg11[%swap3A_1164, %swap3A_1165] {strides = array<i32>} : memref<80x128xf32, #tpu.memory_space<vmem>>, vector<16xf32>,
        tpu.vector_store %arg11[%swap3A_1164, %swap3A_1165], %gather3A_1109 {strides = array<i32>} : memref<80x128xf32, #tpu.memory_space<vmem>>, vector<16xf32>,
        %swap3A_1167 = arith.index_cast %add3A_1145 : i32 to index
        %swap3A_1168 = arith.constant 112 : index
        %swap3A_1169 = tpu.vector_load %arg11[%swap3A_1167, %swap3A_1168] {strides = array<i32>} : memref<80x128xf32, #tpu.memory_space<vmem>>, vector<16xf32>,
        tpu.vector_store %arg11[%swap3A_1167, %swap3A_1168], %gather3A_1111 {strides = array<i32>} : memref<80x128xf32, #tpu.memory_space<vmem>>, vector<16xf32>,
        %mul3A_1170 = arith.constant 10 : i32
        %mul3A_1171 = arith.muli %select_n3A_649, %mul3A_1170 : i32
        %add3A_1172 = arith.addi %mul3A_1171, %scan3A_758 : i32
        %mul3A_1173 = arith.constant 256 : i32
        %mul3A_1174 = arith.muli %add3A_1172, %mul3A_1173 : i32
        %mul3A_1175 = arith.constant 8 : i32
        %mul3A_1176 = arith.muli %sub3A_652, %mul3A_1175 : i32
        %add3A_1177 = arith.addi %mul3A_1174, %mul3A_1176 : i32
        %mul3A_1178 = arith.constant 8 : i32
        %mul3A_1179 = arith.muli %scan3A_758, %mul3A_1178 : i32
        %dma_start3A = arith.constant 0 : i32
        %dma_start3A_1180 = tpu.memref_slice %arg11[%mul3A_1179, %dma_start3A] : memref<80x128xf32, #tpu.memory_space<vmem>> -> memref<8x128xf32, #tpu.memory_space<vmem>>
        %dma_start3A_1181 = arith.constant 0 : i32
        %dma_start3A_1182 = tpu.memref_slice %arg5[%add3A_1177, %dma_start3A_1181] : memref<512000x128xf32, #tpu.memory_space<hbm>> -> memref<8x128xf32, #tpu.memory_space<hbm>>
        %dma_start3A_1183 = arith.constant 0 : i32
        %dma_start3A_1184 = tpu.memref_slice %arg5[%add3A_1177, %dma_start3A_1183] : memref<512000x128xf32, #tpu.memory_space<hbm>> -> memref<8x128xf32, #tpu.memory_space<hbm>>
        %dma_start3A_1185 = arith.constant 0 : i32
        %dma_start3A_1186 = tpu.memref_slice %arg11[%mul3A_1179, %dma_start3A_1185] : memref<80x128xf32, #tpu.memory_space<vmem>> -> memref<8x128xf32, #tpu.memory_space<vmem>>
        tpu.enqueue_dma source(%dma_start3A_1186 : memref<8x128xf32, #tpu.memory_space<vmem>>) target(%dma_start3A_1184 : memref<8x128xf32, #tpu.memory_space<hbm>>) target_semaphore(%arg15 : memref<!tpu.dma_semaphore, #tpu.memory_space<semaphore_mem>>)
        %scan3A_1187 = arith.constant 0 : i32
        scf.yield %scan3A_1187 : i32
      }
      %scan3A_688 = arith.constant 10 : i32
      %mul3A_689 = arith.constant 4 : i32
      %mul3A_690 = arith.muli %scan3A_495, %mul3A_689 : i32
      %add3A_691 = arith.constant 3 : i32
      %add3A_692 = arith.addi %mul3A_690, %add3A_691 : i32
      %add3A_693 = arith.addi %mul3A_2, %add3A_692 : i32
      %jit3A_694 = arith.constant 32 : i32
      %div3A_695 = arith.divsi %add3A_693, %jit3A_694 : i32
      %sign3A_696 = arith.constant 0 : i32
      %sign3A_697 = arith.cmpi sgt, %add3A_693, %sign3A_696 : i32
      %sign3A_698 = arith.extui %sign3A_697 : i1 to i32
      %sign3A_699 = arith.constant 0 : i32
      %sign3A_700 = arith.cmpi slt, %add3A_693, %sign3A_699 : i32
      %sign3A_701 = arith.extui %sign3A_700 : i1 to i32
      %sign3A_702 = arith.subi %sign3A_698, %sign3A_701 : i32
      %sign3A_703 = arith.constant 0 : i32
      %sign3A_704 = arith.cmpi sgt, %jit3A_694, %sign3A_703 : i32
      %sign3A_705 = arith.extui %sign3A_704 : i1 to i32
      %sign3A_706 = arith.constant 0 : i32
      %sign3A_707 = arith.cmpi slt, %jit3A_694, %sign3A_706 : i32
      %sign3A_708 = arith.extui %sign3A_707 : i1 to i32
      %sign3A_709 = arith.subi %sign3A_705, %sign3A_708 : i32
      %ne3A_710 = arith.cmpi ne, %sign3A_702, %sign3A_709 : i32
      %rem3A_711 = arith.remsi %add3A_693, %jit3A_694 : i32
      %ne3A_712 = arith.constant 0 : i32
      %ne3A_713 = arith.cmpi ne, %rem3A_711, %ne3A_712 : i32
      %and3A_714 = arith.andi %ne3A_710, %ne3A_713 : i1
      %sub3A_715 = arith.constant 1 : i32
      %sub3A_716 = arith.subi %div3A_695, %sub3A_715 : i32
      %select_n3A_717 = arith.select %and3A_714, %sub3A_716, %div3A_695 : i32
      %mul3A_718 = arith.constant 32 : i32
      %mul3A_719 = arith.muli %select_n3A_717, %mul3A_718 : i32
      %sub3A_720 = arith.subi %add3A_693, %mul3A_719 : i32
      %gt3A_721 = arith.constant 0 : i32
      %gt3A_722 = arith.cmpi sgt, %scan3A_495, %gt3A_721 : i32
      %convert_element_type3A_723 = arith.extui %gt3A_722 : i1 to i32
      %cond3A_724 = arith.constant 0 : i32
      %cond3A_725 = arith.cmpi ne, %convert_element_type3A_723, %cond3A_724 : i32
      scf.if %cond3A_725 {
        %dma_wait3A_758 = arith.constant 0 : i32
        %dma_wait3A_759 = arith.constant 0 : i32
        %dma_wait3A_760 = tpu.memref_slice %arg12[%dma_wait3A_758, %dma_wait3A_759] : memref<80x128xf32, #tpu.memory_space<vmem>> -> memref<8x128xf32, #tpu.memory_space<vmem>>
        %dma_wait3A_761 = arith.constant 0 : i32
        %dma_wait3A_762 = arith.constant 0 : i32
        %dma_wait3A_763 = tpu.memref_slice %arg5[%dma_wait3A_761, %dma_wait3A_762] : memref<512000x128xf32, #tpu.memory_space<hbm>> -> memref<8x128xf32, #tpu.memory_space<hbm>>
        %dma_wait3A_764 = arith.constant 0 : i32
        %dma_wait3A_765 = arith.constant 0 : i32
        %dma_wait3A_766 = tpu.memref_slice %arg5[%dma_wait3A_764, %dma_wait3A_765] : memref<512000x128xf32, #tpu.memory_space<hbm>> -> memref<8x128xf32, #tpu.memory_space<hbm>>
        %dma_wait3A_767 = arith.constant 0 : i32
        %dma_wait3A_768 = arith.constant 0 : i32
        %dma_wait3A_769 = tpu.memref_slice %arg12[%dma_wait3A_767, %dma_wait3A_768] : memref<80x128xf32, #tpu.memory_space<vmem>> -> memref<8x128xf32, #tpu.memory_space<vmem>>
        tpu.wait_dma2 semaphore(%arg16 : memref<!tpu.dma_semaphore, #tpu.memory_space<semaphore_mem>>) src(%dma_wait3A_769 : memref<8x128xf32, #tpu.memory_space<vmem>>) dst(%dma_wait3A_766 : memref<8x128xf32, #tpu.memory_space<hbm>>)
        %dma_wait3A_770 = arith.constant 8 : i32
        %dma_wait3A_771 = arith.constant 0 : i32
        %dma_wait3A_772 = tpu.memref_slice %arg12[%dma_wait3A_770, %dma_wait3A_771] : memref<80x128xf32, #tpu.memory_space<vmem>> -> memref<8x128xf32, #tpu.memory_space<vmem>>
        %dma_wait3A_773 = arith.constant 0 : i32
        %dma_wait3A_774 = arith.constant 0 : i32
        %dma_wait3A_775 = tpu.memref_slice %arg5[%dma_wait3A_773, %dma_wait3A_774] : memref<512000x128xf32, #tpu.memory_space<hbm>> -> memref<8x128xf32, #tpu.memory_space<hbm>>
        %dma_wait3A_776 = arith.constant 0 : i32
        %dma_wait3A_777 = arith.constant 0 : i32
        %dma_wait3A_778 = tpu.memref_slice %arg5[%dma_wait3A_776, %dma_wait3A_777] : memref<512000x128xf32, #tpu.memory_space<hbm>> -> memref<8x128xf32, #tpu.memory_space<hbm>>
        %dma_wait3A_779 = arith.constant 8 : i32
        %dma_wait3A_780 = arith.constant 0 : i32
        %dma_wait3A_781 = tpu.memref_slice %arg12[%dma_wait3A_779, %dma_wait3A_780] : memref<80x128xf32, #tpu.memory_space<vmem>> -> memref<8x128xf32, #tpu.memory_space<vmem>>
        tpu.wait_dma2 semaphore(%arg16 : memref<!tpu.dma_semaphore, #tpu.memory_space<semaphore_mem>>) src(%dma_wait3A_781 : memref<8x128xf32, #tpu.memory_space<vmem>>) dst(%dma_wait3A_778 : memref<8x128xf32, #tpu.memory_space<hbm>>)
        %dma_wait3A_782 = arith.constant 16 : i32
        %dma_wait3A_783 = arith.constant 0 : i32
        %dma_wait3A_784 = tpu.memref_slice %arg12[%dma_wait3A_782, %dma_wait3A_783] : memref<80x128xf32, #tpu.memory_space<vmem>> -> memref<8x128xf32, #tpu.memory_space<vmem>>
        %dma_wait3A_785 = arith.constant 0 : i32
        %dma_wait3A_786 = arith.constant 0 : i32
        %dma_wait3A_787 = tpu.memref_slice %arg5[%dma_wait3A_785, %dma_wait3A_786] : memref<512000x128xf32, #tpu.memory_space<hbm>> -> memref<8x128xf32, #tpu.memory_space<hbm>>
        %dma_wait3A_788 = arith.constant 0 : i32
        %dma_wait3A_789 = arith.constant 0 : i32
        %dma_wait3A_790 = tpu.memref_slice %arg5[%dma_wait3A_788, %dma_wait3A_789] : memref<512000x128xf32, #tpu.memory_space<hbm>> -> memref<8x128xf32, #tpu.memory_space<hbm>>
        %dma_wait3A_791 = arith.constant 16 : i32
        %dma_wait3A_792 = arith.constant 0 : i32
        %dma_wait3A_793 = tpu.memref_slice %arg12[%dma_wait3A_791, %dma_wait3A_792] : memref<80x128xf32, #tpu.memory_space<vmem>> -> memref<8x128xf32, #tpu.memory_space<vmem>>
        tpu.wait_dma2 semaphore(%arg16 : memref<!tpu.dma_semaphore, #tpu.memory_space<semaphore_mem>>) src(%dma_wait3A_793 : memref<8x128xf32, #tpu.memory_space<vmem>>) dst(%dma_wait3A_790 : memref<8x128xf32, #tpu.memory_space<hbm>>)
        %dma_wait3A_794 = arith.constant 24 : i32
        %dma_wait3A_795 = arith.constant 0 : i32
        %dma_wait3A_796 = tpu.memref_slice %arg12[%dma_wait3A_794, %dma_wait3A_795] : memref<80x128xf32, #tpu.memory_space<vmem>> -> memref<8x128xf32, #tpu.memory_space<vmem>>
        %dma_wait3A_797 = arith.constant 0 : i32
        %dma_wait3A_798 = arith.constant 0 : i32
        %dma_wait3A_799 = tpu.memref_slice %arg5[%dma_wait3A_797, %dma_wait3A_798] : memref<512000x128xf32, #tpu.memory_space<hbm>> -> memref<8x128xf32, #tpu.memory_space<hbm>>
        %dma_wait3A_800 = arith.constant 0 : i32
        %dma_wait3A_801 = arith.constant 0 : i32
        %dma_wait3A_802 = tpu.memref_slice %arg5[%dma_wait3A_800, %dma_wait3A_801] : memref<512000x128xf32, #tpu.memory_space<hbm>> -> memref<8x128xf32, #tpu.memory_space<hbm>>
        %dma_wait3A_803 = arith.constant 24 : i32
        %dma_wait3A_804 = arith.constant 0 : i32
        %dma_wait3A_805 = tpu.memref_slice %arg12[%dma_wait3A_803, %dma_wait3A_804] : memref<80x128xf32, #tpu.memory_space<vmem>> -> memref<8x128xf32, #tpu.memory_space<vmem>>
        tpu.wait_dma2 semaphore(%arg16 : memref<!tpu.dma_semaphore, #tpu.memory_space<semaphore_mem>>) src(%dma_wait3A_805 : memref<8x128xf32, #tpu.memory_space<vmem>>) dst(%dma_wait3A_802 : memref<8x128xf32, #tpu.memory_space<hbm>>)
        %dma_wait3A_806 = arith.constant 32 : i32
        %dma_wait3A_807 = arith.constant 0 : i32
        %dma_wait3A_808 = tpu.memref_slice %arg12[%dma_wait3A_806, %dma_wait3A_807] : memref<80x128xf32, #tpu.memory_space<vmem>> -> memref<8x128xf32, #tpu.memory_space<vmem>>
        %dma_wait3A_809 = arith.constant 0 : i32
        %dma_wait3A_810 = arith.constant 0 : i32
        %dma_wait3A_811 = tpu.memref_slice %arg5[%dma_wait3A_809, %dma_wait3A_810] : memref<512000x128xf32, #tpu.memory_space<hbm>> -> memref<8x128xf32, #tpu.memory_space<hbm>>
        %dma_wait3A_812 = arith.constant 0 : i32
        %dma_wait3A_813 = arith.constant 0 : i32
        %dma_wait3A_814 = tpu.memref_slice %arg5[%dma_wait3A_812, %dma_wait3A_813] : memref<512000x128xf32, #tpu.memory_space<hbm>> -> memref<8x128xf32, #tpu.memory_space<hbm>>
        %dma_wait3A_815 = arith.constant 32 : i32
        %dma_wait3A_816 = arith.constant 0 : i32
        %dma_wait3A_817 = tpu.memref_slice %arg12[%dma_wait3A_815, %dma_wait3A_816] : memref<80x128xf32, #tpu.memory_space<vmem>> -> memref<8x128xf32, #tpu.memory_space<vmem>>
        tpu.wait_dma2 semaphore(%arg16 : memref<!tpu.dma_semaphore, #tpu.memory_space<semaphore_mem>>) src(%dma_wait3A_817 : memref<8x128xf32, #tpu.memory_space<vmem>>) dst(%dma_wait3A_814 : memref<8x128xf32, #tpu.memory_space<hbm>>)
        %dma_wait3A_818 = arith.constant 40 : i32
        %dma_wait3A_819 = arith.constant 0 : i32
        %dma_wait3A_820 = tpu.memref_slice %arg12[%dma_wait3A_818, %dma_wait3A_819] : memref<80x128xf32, #tpu.memory_space<vmem>> -> memref<8x128xf32, #tpu.memory_space<vmem>>
        %dma_wait3A_821 = arith.constant 0 : i32
        %dma_wait3A_822 = arith.constant 0 : i32
        %dma_wait3A_823 = tpu.memref_slice %arg5[%dma_wait3A_821, %dma_wait3A_822] : memref<512000x128xf32, #tpu.memory_space<hbm>> -> memref<8x128xf32, #tpu.memory_space<hbm>>
        %dma_wait3A_824 = arith.constant 0 : i32
        %dma_wait3A_825 = arith.constant 0 : i32
        %dma_wait3A_826 = tpu.memref_slice %arg5[%dma_wait3A_824, %dma_wait3A_825] : memref<512000x128xf32, #tpu.memory_space<hbm>> -> memref<8x128xf32, #tpu.memory_space<hbm>>
        %dma_wait3A_827 = arith.constant 40 : i32
        %dma_wait3A_828 = arith.constant 0 : i32
        %dma_wait3A_829 = tpu.memref_slice %arg12[%dma_wait3A_827, %dma_wait3A_828] : memref<80x128xf32, #tpu.memory_space<vmem>> -> memref<8x128xf32, #tpu.memory_space<vmem>>
        tpu.wait_dma2 semaphore(%arg16 : memref<!tpu.dma_semaphore, #tpu.memory_space<semaphore_mem>>) src(%dma_wait3A_829 : memref<8x128xf32, #tpu.memory_space<vmem>>) dst(%dma_wait3A_826 : memref<8x128xf32, #tpu.memory_space<hbm>>)
        %dma_wait3A_830 = arith.constant 48 : i32
        %dma_wait3A_831 = arith.constant 0 : i32
        %dma_wait3A_832 = tpu.memref_slice %arg12[%dma_wait3A_830, %dma_wait3A_831] : memref<80x128xf32, #tpu.memory_space<vmem>> -> memref<8x128xf32, #tpu.memory_space<vmem>>
        %dma_wait3A_833 = arith.constant 0 : i32
        %dma_wait3A_834 = arith.constant 0 : i32
        %dma_wait3A_835 = tpu.memref_slice %arg5[%dma_wait3A_833, %dma_wait3A_834] : memref<512000x128xf32, #tpu.memory_space<hbm>> -> memref<8x128xf32, #tpu.memory_space<hbm>>
        %dma_wait3A_836 = arith.constant 0 : i32
        %dma_wait3A_837 = arith.constant 0 : i32
        %dma_wait3A_838 = tpu.memref_slice %arg5[%dma_wait3A_836, %dma_wait3A_837] : memref<512000x128xf32, #tpu.memory_space<hbm>> -> memref<8x128xf32, #tpu.memory_space<hbm>>
        %dma_wait3A_839 = arith.constant 48 : i32
        %dma_wait3A_840 = arith.constant 0 : i32
        %dma_wait3A_841 = tpu.memref_slice %arg12[%dma_wait3A_839, %dma_wait3A_840] : memref<80x128xf32, #tpu.memory_space<vmem>> -> memref<8x128xf32, #tpu.memory_space<vmem>>
        tpu.wait_dma2 semaphore(%arg16 : memref<!tpu.dma_semaphore, #tpu.memory_space<semaphore_mem>>) src(%dma_wait3A_841 : memref<8x128xf32, #tpu.memory_space<vmem>>) dst(%dma_wait3A_838 : memref<8x128xf32, #tpu.memory_space<hbm>>)
        %dma_wait3A_842 = arith.constant 56 : i32
        %dma_wait3A_843 = arith.constant 0 : i32
        %dma_wait3A_844 = tpu.memref_slice %arg12[%dma_wait3A_842, %dma_wait3A_843] : memref<80x128xf32, #tpu.memory_space<vmem>> -> memref<8x128xf32, #tpu.memory_space<vmem>>
        %dma_wait3A_845 = arith.constant 0 : i32
        %dma_wait3A_846 = arith.constant 0 : i32
        %dma_wait3A_847 = tpu.memref_slice %arg5[%dma_wait3A_845, %dma_wait3A_846] : memref<512000x128xf32, #tpu.memory_space<hbm>> -> memref<8x128xf32, #tpu.memory_space<hbm>>
        %dma_wait3A_848 = arith.constant 0 : i32
        %dma_wait3A_849 = arith.constant 0 : i32
        %dma_wait3A_850 = tpu.memref_slice %arg5[%dma_wait3A_848, %dma_wait3A_849] : memref<512000x128xf32, #tpu.memory_space<hbm>> -> memref<8x128xf32, #tpu.memory_space<hbm>>
        %dma_wait3A_851 = arith.constant 56 : i32
        %dma_wait3A_852 = arith.constant 0 : i32
        %dma_wait3A_853 = tpu.memref_slice %arg12[%dma_wait3A_851, %dma_wait3A_852] : memref<80x128xf32, #tpu.memory_space<vmem>> -> memref<8x128xf32, #tpu.memory_space<vmem>>
        tpu.wait_dma2 semaphore(%arg16 : memref<!tpu.dma_semaphore, #tpu.memory_space<semaphore_mem>>) src(%dma_wait3A_853 : memref<8x128xf32, #tpu.memory_space<vmem>>) dst(%dma_wait3A_850 : memref<8x128xf32, #tpu.memory_space<hbm>>)
        %dma_wait3A_854 = arith.constant 64 : i32
        %dma_wait3A_855 = arith.constant 0 : i32
        %dma_wait3A_856 = tpu.memref_slice %arg12[%dma_wait3A_854, %dma_wait3A_855] : memref<80x128xf32, #tpu.memory_space<vmem>> -> memref<8x128xf32, #tpu.memory_space<vmem>>
        %dma_wait3A_857 = arith.constant 0 : i32
        %dma_wait3A_858 = arith.constant 0 : i32
        %dma_wait3A_859 = tpu.memref_slice %arg5[%dma_wait3A_857, %dma_wait3A_858] : memref<512000x128xf32, #tpu.memory_space<hbm>> -> memref<8x128xf32, #tpu.memory_space<hbm>>
        %dma_wait3A_860 = arith.constant 0 : i32
        %dma_wait3A_861 = arith.constant 0 : i32
        %dma_wait3A_862 = tpu.memref_slice %arg5[%dma_wait3A_860, %dma_wait3A_861] : memref<512000x128xf32, #tpu.memory_space<hbm>> -> memref<8x128xf32, #tpu.memory_space<hbm>>
        %dma_wait3A_863 = arith.constant 64 : i32
        %dma_wait3A_864 = arith.constant 0 : i32
        %dma_wait3A_865 = tpu.memref_slice %arg12[%dma_wait3A_863, %dma_wait3A_864] : memref<80x128xf32, #tpu.memory_space<vmem>> -> memref<8x128xf32, #tpu.memory_space<vmem>>
        tpu.wait_dma2 semaphore(%arg16 : memref<!tpu.dma_semaphore, #tpu.memory_space<semaphore_mem>>) src(%dma_wait3A_865 : memref<8x128xf32, #tpu.memory_space<vmem>>) dst(%dma_wait3A_862 : memref<8x128xf32, #tpu.memory_space<hbm>>)
        %dma_wait3A_866 = arith.constant 72 : i32
        %dma_wait3A_867 = arith.constant 0 : i32
        %dma_wait3A_868 = tpu.memref_slice %arg12[%dma_wait3A_866, %dma_wait3A_867] : memref<80x128xf32, #tpu.memory_space<vmem>> -> memref<8x128xf32, #tpu.memory_space<vmem>>
        %dma_wait3A_869 = arith.constant 0 : i32
        %dma_wait3A_870 = arith.constant 0 : i32
        %dma_wait3A_871 = tpu.memref_slice %arg5[%dma_wait3A_869, %dma_wait3A_870] : memref<512000x128xf32, #tpu.memory_space<hbm>> -> memref<8x128xf32, #tpu.memory_space<hbm>>
        %dma_wait3A_872 = arith.constant 0 : i32
        %dma_wait3A_873 = arith.constant 0 : i32
        %dma_wait3A_874 = tpu.memref_slice %arg5[%dma_wait3A_872, %dma_wait3A_873] : memref<512000x128xf32, #tpu.memory_space<hbm>> -> memref<8x128xf32, #tpu.memory_space<hbm>>
        %dma_wait3A_875 = arith.constant 72 : i32
        %dma_wait3A_876 = arith.constant 0 : i32
        %dma_wait3A_877 = tpu.memref_slice %arg12[%dma_wait3A_875, %dma_wait3A_876] : memref<80x128xf32, #tpu.memory_space<vmem>> -> memref<8x128xf32, #tpu.memory_space<vmem>>
        tpu.wait_dma2 semaphore(%arg16 : memref<!tpu.dma_semaphore, #tpu.memory_space<semaphore_mem>>) src(%dma_wait3A_877 : memref<8x128xf32, #tpu.memory_space<vmem>>) dst(%dma_wait3A_874 : memref<8x128xf32, #tpu.memory_space<hbm>>)
      } else {
      }
      %get3A_726 = arith.index_cast %add3A_692 : i32 to index
      %get3A_727 = arith.constant 0 : index
      %get3A_728 = tpu.vector_load %arg6[%get3A_726, %get3A_727] {strides = array<i32>} : memref<200x128xi32, #tpu.memory_space<vmem>>, vector<16xi32>,
      %get3A_729 = arith.index_cast %add3A_692 : i32 to index
      %get3A_730 = arith.constant 16 : index
      %get3A_731 = tpu.vector_load %arg6[%get3A_729, %get3A_730] {strides = array<i32>} : memref<200x128xi32, #tpu.memory_space<vmem>>, vector<16xi32>,
      %get3A_732 = arith.index_cast %add3A_692 : i32 to index
      %get3A_733 = arith.constant 32 : index
      %get3A_734 = tpu.vector_load %arg6[%get3A_732, %get3A_733] {strides = array<i32>} : memref<200x128xi32, #tpu.memory_space<vmem>>, vector<16xi32>,
      %get3A_735 = arith.index_cast %add3A_692 : i32 to index
      %get3A_736 = arith.constant 48 : index
      %get3A_737 = tpu.vector_load %arg6[%get3A_735, %get3A_736] {strides = array<i32>} : memref<200x128xi32, #tpu.memory_space<vmem>>, vector<16xi32>,
      %get3A_738 = arith.index_cast %add3A_692 : i32 to index
      %get3A_739 = arith.constant 64 : index
      %get3A_740 = tpu.vector_load %arg6[%get3A_738, %get3A_739] {strides = array<i32>} : memref<200x128xi32, #tpu.memory_space<vmem>>, vector<16xi32>,
      %get3A_741 = arith.index_cast %add3A_692 : i32 to index
      %get3A_742 = arith.constant 80 : index
      %get3A_743 = tpu.vector_load %arg6[%get3A_741, %get3A_742] {strides = array<i32>} : memref<200x128xi32, #tpu.memory_space<vmem>>, vector<16xi32>,
      %get3A_744 = arith.index_cast %add3A_692 : i32 to index
      %get3A_745 = arith.constant 96 : index
      %get3A_746 = tpu.vector_load %arg6[%get3A_744, %get3A_745] {strides = array<i32>} : memref<200x128xi32, #tpu.memory_space<vmem>>, vector<16xi32>,
      %get3A_747 = arith.index_cast %add3A_692 : i32 to index
      %get3A_748 = arith.constant 112 : index
      %get3A_749 = tpu.vector_load %arg6[%get3A_747, %get3A_748] {strides = array<i32>} : memref<200x128xi32, #tpu.memory_space<vmem>>, vector<16xi32>,
      %scan3A_750 = arith.constant 0 : i32
      %scan3A_751 = arith.constant 0 : i32
      %scan3A_752 = arith.constant 10 : i32
      %scan3A_753 = arith.addi %scan3A_751, %scan3A_752 : i32
      %scan3A_754 = arith.constant 1 : i32
      %scan3A_755 = scf.for %scan3A_758 = %scan3A_751 to %scan3A_753 step %scan3A_754 iter_args(%scan3A_759 = %scan3A_750) -> (i32)  : i32 {
        %mul3A_760 = arith.constant 8 : i32
        %mul3A_761 = arith.muli %scan3A_758, %mul3A_760 : i32
        %mul3A_762 = arith.constant 304 : i32
        %mul3A_763 = arith.muli %mul3A_761, %mul3A_762 : i32
        %gather3A = tpu.memref_slice %arg8[%mul3A_763] : memref<24320xf32, #tpu.memory_space<vmem>> -> memref<304xf32, #tpu.memory_space<vmem>>
        %gather3A_764 = tpu.vector_load_idx %gather3A[%get3A_728] : memref<304xf32, #tpu.memory_space<vmem>>[vector<16xi32>], vector<16xf32>,
        %gather3A_765 = tpu.memref_slice %arg8[%mul3A_763] : memref<24320xf32, #tpu.memory_space<vmem>> -> memref<304xf32, #tpu.memory_space<vmem>>
        %gather3A_766 = tpu.vector_load_idx %gather3A_765[%get3A_731] : memref<304xf32, #tpu.memory_space<vmem>>[vector<16xi32>], vector<16xf32>,
        %gather3A_767 = tpu.memref_slice %arg8[%mul3A_763] : memref<24320xf32, #tpu.memory_space<vmem>> -> memref<304xf32, #tpu.memory_space<vmem>>
        %gather3A_768 = tpu.vector_load_idx %gather3A_767[%get3A_734] : memref<304xf32, #tpu.memory_space<vmem>>[vector<16xi32>], vector<16xf32>,
        %gather3A_769 = tpu.memref_slice %arg8[%mul3A_763] : memref<24320xf32, #tpu.memory_space<vmem>> -> memref<304xf32, #tpu.memory_space<vmem>>
        %gather3A_770 = tpu.vector_load_idx %gather3A_769[%get3A_737] : memref<304xf32, #tpu.memory_space<vmem>>[vector<16xi32>], vector<16xf32>,
        %gather3A_771 = tpu.memref_slice %arg8[%mul3A_763] : memref<24320xf32, #tpu.memory_space<vmem>> -> memref<304xf32, #tpu.memory_space<vmem>>
        %gather3A_772 = tpu.vector_load_idx %gather3A_771[%get3A_740] : memref<304xf32, #tpu.memory_space<vmem>>[vector<16xi32>], vector<16xf32>,
        %gather3A_773 = tpu.memref_slice %arg8[%mul3A_763] : memref<24320xf32, #tpu.memory_space<vmem>> -> memref<304xf32, #tpu.memory_space<vmem>>
        %gather3A_774 = tpu.vector_load_idx %gather3A_773[%get3A_743] : memref<304xf32, #tpu.memory_space<vmem>>[vector<16xi32>], vector<16xf32>,
        %gather3A_775 = tpu.memref_slice %arg8[%mul3A_763] : memref<24320xf32, #tpu.memory_space<vmem>> -> memref<304xf32, #tpu.memory_space<vmem>>
        %gather3A_776 = tpu.vector_load_idx %gather3A_775[%get3A_746] : memref<304xf32, #tpu.memory_space<vmem>>[vector<16xi32>], vector<16xf32>,
        %gather3A_777 = tpu.memref_slice %arg8[%mul3A_763] : memref<24320xf32, #tpu.memory_space<vmem>> -> memref<304xf32, #tpu.memory_space<vmem>>
        %gather3A_778 = tpu.vector_load_idx %gather3A_777[%get3A_749] : memref<304xf32, #tpu.memory_space<vmem>>[vector<16xi32>], vector<16xf32>,
        %mul3A_779 = arith.constant 8 : i32
        %mul3A_780 = arith.muli %scan3A_758, %mul3A_779 : i32
        %add3A_781 = arith.constant 1 : i32
        %add3A_782 = arith.addi %mul3A_780, %add3A_781 : i32
        %mul3A_783 = arith.constant 304 : i32
        %mul3A_784 = arith.muli %add3A_782, %mul3A_783 : i32
        %gather3A_785 = tpu.memref_slice %arg8[%mul3A_784] : memref<24320xf32, #tpu.memory_space<vmem>> -> memref<304xf32, #tpu.memory_space<vmem>>
        %gather3A_786 = tpu.vector_load_idx %gather3A_785[%get3A_728] : memref<304xf32, #tpu.memory_space<vmem>>[vector<16xi32>], vector<16xf32>,
        %gather3A_787 = tpu.memref_slice %arg8[%mul3A_784] : memref<24320xf32, #tpu.memory_space<vmem>> -> memref<304xf32, #tpu.memory_space<vmem>>
        %gather3A_788 = tpu.vector_load_idx %gather3A_787[%get3A_731] : memref<304xf32, #tpu.memory_space<vmem>>[vector<16xi32>], vector<16xf32>,
        %gather3A_789 = tpu.memref_slice %arg8[%mul3A_784] : memref<24320xf32, #tpu.memory_space<vmem>> -> memref<304xf32, #tpu.memory_space<vmem>>
        %gather3A_790 = tpu.vector_load_idx %gather3A_789[%get3A_734] : memref<304xf32, #tpu.memory_space<vmem>>[vector<16xi32>], vector<16xf32>,
        %gather3A_791 = tpu.memref_slice %arg8[%mul3A_784] : memref<24320xf32, #tpu.memory_space<vmem>> -> memref<304xf32, #tpu.memory_space<vmem>>
        %gather3A_792 = tpu.vector_load_idx %gather3A_791[%get3A_737] : memref<304xf32, #tpu.memory_space<vmem>>[vector<16xi32>], vector<16xf32>,
        %gather3A_793 = tpu.memref_slice %arg8[%mul3A_784] : memref<24320xf32, #tpu.memory_space<vmem>> -> memref<304xf32, #tpu.memory_space<vmem>>
        %gather3A_794 = tpu.vector_load_idx %gather3A_793[%get3A_740] : memref<304xf32, #tpu.memory_space<vmem>>[vector<16xi32>], vector<16xf32>,
        %gather3A_795 = tpu.memref_slice %arg8[%mul3A_784] : memref<24320xf32, #tpu.memory_space<vmem>> -> memref<304xf32, #tpu.memory_space<vmem>>
        %gather3A_796 = tpu.vector_load_idx %gather3A_795[%get3A_743] : memref<304xf32, #tpu.memory_space<vmem>>[vector<16xi32>], vector<16xf32>,
        %gather3A_797 = tpu.memref_slice %arg8[%mul3A_784] : memref<24320xf32, #tpu.memory_space<vmem>> -> memref<304xf32, #tpu.memory_space<vmem>>
        %gather3A_798 = tpu.vector_load_idx %gather3A_797[%get3A_746] : memref<304xf32, #tpu.memory_space<vmem>>[vector<16xi32>], vector<16xf32>,
        %gather3A_799 = tpu.memref_slice %arg8[%mul3A_784] : memref<24320xf32, #tpu.memory_space<vmem>> -> memref<304xf32, #tpu.memory_space<vmem>>
        %gather3A_800 = tpu.vector_load_idx %gather3A_799[%get3A_749] : memref<304xf32, #tpu.memory_space<vmem>>[vector<16xi32>], vector<16xf32>,
        %mul3A_801 = arith.constant 8 : i32
        %mul3A_802 = arith.muli %scan3A_758, %mul3A_801 : i32
        %add3A_803 = arith.constant 1 : i32
        %add3A_804 = arith.addi %mul3A_802, %add3A_803 : i32
        %sub3A_805 = arith.constant 1 : i32
        %sub3A_806 = arith.subi %add3A_804, %sub3A_805 : i32
        %swap3A = arith.index_cast %sub3A_806 : i32 to index
        %swap3A_807 = arith.constant 0 : index
        %swap3A_808 = tpu.vector_load %arg12[%swap3A, %swap3A_807] {strides = array<i32>} : memref<80x128xf32, #tpu.memory_space<vmem>>, vector<16xf32>,
        tpu.vector_store %arg12[%swap3A, %swap3A_807], %gather3A_764 {strides = array<i32>} : memref<80x128xf32, #tpu.memory_space<vmem>>, vector<16xf32>,
        %swap3A_809 = arith.index_cast %sub3A_806 : i32 to index
        %swap3A_810 = arith.constant 16 : index
        %swap3A_811 = tpu.vector_load %arg12[%swap3A_809, %swap3A_810] {strides = array<i32>} : memref<80x128xf32, #tpu.memory_space<vmem>>, vector<16xf32>,
        tpu.vector_store %arg12[%swap3A_809, %swap3A_810], %gather3A_766 {strides = array<i32>} : memref<80x128xf32, #tpu.memory_space<vmem>>, vector<16xf32>,
        %swap3A_812 = arith.index_cast %sub3A_806 : i32 to index
        %swap3A_813 = arith.constant 32 : index
        %swap3A_814 = tpu.vector_load %arg12[%swap3A_812, %swap3A_813] {strides = array<i32>} : memref<80x128xf32, #tpu.memory_space<vmem>>, vector<16xf32>,
        tpu.vector_store %arg12[%swap3A_812, %swap3A_813], %gather3A_768 {strides = array<i32>} : memref<80x128xf32, #tpu.memory_space<vmem>>, vector<16xf32>,
        %swap3A_815 = arith.index_cast %sub3A_806 : i32 to index
        %swap3A_816 = arith.constant 48 : index
        %swap3A_817 = tpu.vector_load %arg12[%swap3A_815, %swap3A_816] {strides = array<i32>} : memref<80x128xf32, #tpu.memory_space<vmem>>, vector<16xf32>,
        tpu.vector_store %arg12[%swap3A_815, %swap3A_816], %gather3A_770 {strides = array<i32>} : memref<80x128xf32, #tpu.memory_space<vmem>>, vector<16xf32>,
        %swap3A_818 = arith.index_cast %sub3A_806 : i32 to index
        %swap3A_819 = arith.constant 64 : index
        %swap3A_820 = tpu.vector_load %arg12[%swap3A_818, %swap3A_819] {strides = array<i32>} : memref<80x128xf32, #tpu.memory_space<vmem>>, vector<16xf32>,
        tpu.vector_store %arg12[%swap3A_818, %swap3A_819], %gather3A_772 {strides = array<i32>} : memref<80x128xf32, #tpu.memory_space<vmem>>, vector<16xf32>,
        %swap3A_821 = arith.index_cast %sub3A_806 : i32 to index
        %swap3A_822 = arith.constant 80 : index
        %swap3A_823 = tpu.vector_load %arg12[%swap3A_821, %swap3A_822] {strides = array<i32>} : memref<80x128xf32, #tpu.memory_space<vmem>>, vector<16xf32>,
        tpu.vector_store %arg12[%swap3A_821, %swap3A_822], %gather3A_774 {strides = array<i32>} : memref<80x128xf32, #tpu.memory_space<vmem>>, vector<16xf32>,
        %swap3A_824 = arith.index_cast %sub3A_806 : i32 to index
        %swap3A_825 = arith.constant 96 : index
        %swap3A_826 = tpu.vector_load %arg12[%swap3A_824, %swap3A_825] {strides = array<i32>} : memref<80x128xf32, #tpu.memory_space<vmem>>, vector<16xf32>,
        tpu.vector_store %arg12[%swap3A_824, %swap3A_825], %gather3A_776 {strides = array<i32>} : memref<80x128xf32, #tpu.memory_space<vmem>>, vector<16xf32>,
        %swap3A_827 = arith.index_cast %sub3A_806 : i32 to index
        %swap3A_828 = arith.constant 112 : index
        %swap3A_829 = tpu.vector_load %arg12[%swap3A_827, %swap3A_828] {strides = array<i32>} : memref<80x128xf32, #tpu.memory_space<vmem>>, vector<16xf32>,
        tpu.vector_store %arg12[%swap3A_827, %swap3A_828], %gather3A_778 {strides = array<i32>} : memref<80x128xf32, #tpu.memory_space<vmem>>, vector<16xf32>,
        %mul3A_830 = arith.constant 8 : i32
        %mul3A_831 = arith.muli %scan3A_758, %mul3A_830 : i32
        %add3A_832 = arith.constant 2 : i32
        %add3A_833 = arith.addi %mul3A_831, %add3A_832 : i32
        %mul3A_834 = arith.constant 304 : i32
        %mul3A_835 = arith.muli %add3A_833, %mul3A_834 : i32
        %gather3A_836 = tpu.memref_slice %arg8[%mul3A_835] : memref<24320xf32, #tpu.memory_space<vmem>> -> memref<304xf32, #tpu.memory_space<vmem>>
        %gather3A_837 = tpu.vector_load_idx %gather3A_836[%get3A_728] : memref<304xf32, #tpu.memory_space<vmem>>[vector<16xi32>], vector<16xf32>,
        %gather3A_838 = tpu.memref_slice %arg8[%mul3A_835] : memref<24320xf32, #tpu.memory_space<vmem>> -> memref<304xf32, #tpu.memory_space<vmem>>
        %gather3A_839 = tpu.vector_load_idx %gather3A_838[%get3A_731] : memref<304xf32, #tpu.memory_space<vmem>>[vector<16xi32>], vector<16xf32>,
        %gather3A_840 = tpu.memref_slice %arg8[%mul3A_835] : memref<24320xf32, #tpu.memory_space<vmem>> -> memref<304xf32, #tpu.memory_space<vmem>>
        %gather3A_841 = tpu.vector_load_idx %gather3A_840[%get3A_734] : memref<304xf32, #tpu.memory_space<vmem>>[vector<16xi32>], vector<16xf32>,
        %gather3A_842 = tpu.memref_slice %arg8[%mul3A_835] : memref<24320xf32, #tpu.memory_space<vmem>> -> memref<304xf32, #tpu.memory_space<vmem>>
        %gather3A_843 = tpu.vector_load_idx %gather3A_842[%get3A_737] : memref<304xf32, #tpu.memory_space<vmem>>[vector<16xi32>], vector<16xf32>,
        %gather3A_844 = tpu.memref_slice %arg8[%mul3A_835] : memref<24320xf32, #tpu.memory_space<vmem>> -> memref<304xf32, #tpu.memory_space<vmem>>
        %gather3A_845 = tpu.vector_load_idx %gather3A_844[%get3A_740] : memref<304xf32, #tpu.memory_space<vmem>>[vector<16xi32>], vector<16xf32>,
        %gather3A_846 = tpu.memref_slice %arg8[%mul3A_835] : memref<24320xf32, #tpu.memory_space<vmem>> -> memref<304xf32, #tpu.memory_space<vmem>>
        %gather3A_847 = tpu.vector_load_idx %gather3A_846[%get3A_743] : memref<304xf32, #tpu.memory_space<vmem>>[vector<16xi32>], vector<16xf32>,
        %gather3A_848 = tpu.memref_slice %arg8[%mul3A_835] : memref<24320xf32, #tpu.memory_space<vmem>> -> memref<304xf32, #tpu.memory_space<vmem>>
        %gather3A_849 = tpu.vector_load_idx %gather3A_848[%get3A_746] : memref<304xf32, #tpu.memory_space<vmem>>[vector<16xi32>], vector<16xf32>,
        %gather3A_850 = tpu.memref_slice %arg8[%mul3A_835] : memref<24320xf32, #tpu.memory_space<vmem>> -> memref<304xf32, #tpu.memory_space<vmem>>
        %gather3A_851 = tpu.vector_load_idx %gather3A_850[%get3A_749] : memref<304xf32, #tpu.memory_space<vmem>>[vector<16xi32>], vector<16xf32>,
        %mul3A_852 = arith.constant 8 : i32
        %mul3A_853 = arith.muli %scan3A_758, %mul3A_852 : i32
        %add3A_854 = arith.constant 2 : i32
        %add3A_855 = arith.addi %mul3A_853, %add3A_854 : i32
        %sub3A_856 = arith.constant 1 : i32
        %sub3A_857 = arith.subi %add3A_855, %sub3A_856 : i32
        %swap3A_858 = arith.index_cast %sub3A_857 : i32 to index
        %swap3A_859 = arith.constant 0 : index
        %swap3A_860 = tpu.vector_load %arg12[%swap3A_858, %swap3A_859] {strides = array<i32>} : memref<80x128xf32, #tpu.memory_space<vmem>>, vector<16xf32>,
        tpu.vector_store %arg12[%swap3A_858, %swap3A_859], %gather3A_786 {strides = array<i32>} : memref<80x128xf32, #tpu.memory_space<vmem>>, vector<16xf32>,
        %swap3A_861 = arith.index_cast %sub3A_857 : i32 to index
        %swap3A_862 = arith.constant 16 : index
        %swap3A_863 = tpu.vector_load %arg12[%swap3A_861, %swap3A_862] {strides = array<i32>} : memref<80x128xf32, #tpu.memory_space<vmem>>, vector<16xf32>,
        tpu.vector_store %arg12[%swap3A_861, %swap3A_862], %gather3A_788 {strides = array<i32>} : memref<80x128xf32, #tpu.memory_space<vmem>>, vector<16xf32>,
        %swap3A_864 = arith.index_cast %sub3A_857 : i32 to index
        %swap3A_865 = arith.constant 32 : index
        %swap3A_866 = tpu.vector_load %arg12[%swap3A_864, %swap3A_865] {strides = array<i32>} : memref<80x128xf32, #tpu.memory_space<vmem>>, vector<16xf32>,
        tpu.vector_store %arg12[%swap3A_864, %swap3A_865], %gather3A_790 {strides = array<i32>} : memref<80x128xf32, #tpu.memory_space<vmem>>, vector<16xf32>,
        %swap3A_867 = arith.index_cast %sub3A_857 : i32 to index
        %swap3A_868 = arith.constant 48 : index
        %swap3A_869 = tpu.vector_load %arg12[%swap3A_867, %swap3A_868] {strides = array<i32>} : memref<80x128xf32, #tpu.memory_space<vmem>>, vector<16xf32>,
        tpu.vector_store %arg12[%swap3A_867, %swap3A_868], %gather3A_792 {strides = array<i32>} : memref<80x128xf32, #tpu.memory_space<vmem>>, vector<16xf32>,
        %swap3A_870 = arith.index_cast %sub3A_857 : i32 to index
        %swap3A_871 = arith.constant 64 : index
        %swap3A_872 = tpu.vector_load %arg12[%swap3A_870, %swap3A_871] {strides = array<i32>} : memref<80x128xf32, #tpu.memory_space<vmem>>, vector<16xf32>,
        tpu.vector_store %arg12[%swap3A_870, %swap3A_871], %gather3A_794 {strides = array<i32>} : memref<80x128xf32, #tpu.memory_space<vmem>>, vector<16xf32>,
        %swap3A_873 = arith.index_cast %sub3A_857 : i32 to index
        %swap3A_874 = arith.constant 80 : index
        %swap3A_875 = tpu.vector_load %arg12[%swap3A_873, %swap3A_874] {strides = array<i32>} : memref<80x128xf32, #tpu.memory_space<vmem>>, vector<16xf32>,
        tpu.vector_store %arg12[%swap3A_873, %swap3A_874], %gather3A_796 {strides = array<i32>} : memref<80x128xf32, #tpu.memory_space<vmem>>, vector<16xf32>,
        %swap3A_876 = arith.index_cast %sub3A_857 : i32 to index
        %swap3A_877 = arith.constant 96 : index
        %swap3A_878 = tpu.vector_load %arg12[%swap3A_876, %swap3A_877] {strides = array<i32>} : memref<80x128xf32, #tpu.memory_space<vmem>>, vector<16xf32>,
        tpu.vector_store %arg12[%swap3A_876, %swap3A_877], %gather3A_798 {strides = array<i32>} : memref<80x128xf32, #tpu.memory_space<vmem>>, vector<16xf32>,
        %swap3A_879 = arith.index_cast %sub3A_857 : i32 to index
        %swap3A_880 = arith.constant 112 : index
        %swap3A_881 = tpu.vector_load %arg12[%swap3A_879, %swap3A_880] {strides = array<i32>} : memref<80x128xf32, #tpu.memory_space<vmem>>, vector<16xf32>,
        tpu.vector_store %arg12[%swap3A_879, %swap3A_880], %gather3A_800 {strides = array<i32>} : memref<80x128xf32, #tpu.memory_space<vmem>>, vector<16xf32>,
        %mul3A_882 = arith.constant 8 : i32
        %mul3A_883 = arith.muli %scan3A_758, %mul3A_882 : i32
        %add3A_884 = arith.constant 3 : i32
        %add3A_885 = arith.addi %mul3A_883, %add3A_884 : i32
        %mul3A_886 = arith.constant 304 : i32
        %mul3A_887 = arith.muli %add3A_885, %mul3A_886 : i32
        %gather3A_888 = tpu.memref_slice %arg8[%mul3A_887] : memref<24320xf32, #tpu.memory_space<vmem>> -> memref<304xf32, #tpu.memory_space<vmem>>
        %gather3A_889 = tpu.vector_load_idx %gather3A_888[%get3A_728] : memref<304xf32, #tpu.memory_space<vmem>>[vector<16xi32>], vector<16xf32>,
        %gather3A_890 = tpu.memref_slice %arg8[%mul3A_887] : memref<24320xf32, #tpu.memory_space<vmem>> -> memref<304xf32, #tpu.memory_space<vmem>>
        %gather3A_891 = tpu.vector_load_idx %gather3A_890[%get3A_731] : memref<304xf32, #tpu.memory_space<vmem>>[vector<16xi32>], vector<16xf32>,
        %gather3A_892 = tpu.memref_slice %arg8[%mul3A_887] : memref<24320xf32, #tpu.memory_space<vmem>> -> memref<304xf32, #tpu.memory_space<vmem>>
        %gather3A_893 = tpu.vector_load_idx %gather3A_892[%get3A_734] : memref<304xf32, #tpu.memory_space<vmem>>[vector<16xi32>], vector<16xf32>,
        %gather3A_894 = tpu.memref_slice %arg8[%mul3A_887] : memref<24320xf32, #tpu.memory_space<vmem>> -> memref<304xf32, #tpu.memory_space<vmem>>
        %gather3A_895 = tpu.vector_load_idx %gather3A_894[%get3A_737] : memref<304xf32, #tpu.memory_space<vmem>>[vector<16xi32>], vector<16xf32>,
        %gather3A_896 = tpu.memref_slice %arg8[%mul3A_887] : memref<24320xf32, #tpu.memory_space<vmem>> -> memref<304xf32, #tpu.memory_space<vmem>>
        %gather3A_897 = tpu.vector_load_idx %gather3A_896[%get3A_740] : memref<304xf32, #tpu.memory_space<vmem>>[vector<16xi32>], vector<16xf32>,
        %gather3A_898 = tpu.memref_slice %arg8[%mul3A_887] : memref<24320xf32, #tpu.memory_space<vmem>> -> memref<304xf32, #tpu.memory_space<vmem>>
        %gather3A_899 = tpu.vector_load_idx %gather3A_898[%get3A_743] : memref<304xf32, #tpu.memory_space<vmem>>[vector<16xi32>], vector<16xf32>,
        %gather3A_900 = tpu.memref_slice %arg8[%mul3A_887] : memref<24320xf32, #tpu.memory_space<vmem>> -> memref<304xf32, #tpu.memory_space<vmem>>
        %gather3A_901 = tpu.vector_load_idx %gather3A_900[%get3A_746] : memref<304xf32, #tpu.memory_space<vmem>>[vector<16xi32>], vector<16xf32>,
        %gather3A_902 = tpu.memref_slice %arg8[%mul3A_887] : memref<24320xf32, #tpu.memory_space<vmem>> -> memref<304xf32, #tpu.memory_space<vmem>>
        %gather3A_903 = tpu.vector_load_idx %gather3A_902[%get3A_749] : memref<304xf32, #tpu.memory_space<vmem>>[vector<16xi32>], vector<16xf32>,
        %mul3A_904 = arith.constant 8 : i32
        %mul3A_905 = arith.muli %scan3A_758, %mul3A_904 : i32
        %add3A_906 = arith.constant 3 : i32
        %add3A_907 = arith.addi %mul3A_905, %add3A_906 : i32
        %sub3A_908 = arith.constant 1 : i32
        %sub3A_909 = arith.subi %add3A_907, %sub3A_908 : i32
        %swap3A_910 = arith.index_cast %sub3A_909 : i32 to index
        %swap3A_911 = arith.constant 0 : index
        %swap3A_912 = tpu.vector_load %arg12[%swap3A_910, %swap3A_911] {strides = array<i32>} : memref<80x128xf32, #tpu.memory_space<vmem>>, vector<16xf32>,
        tpu.vector_store %arg12[%swap3A_910, %swap3A_911], %gather3A_837 {strides = array<i32>} : memref<80x128xf32, #tpu.memory_space<vmem>>, vector<16xf32>,
        %swap3A_913 = arith.index_cast %sub3A_909 : i32 to index
        %swap3A_914 = arith.constant 16 : index
        %swap3A_915 = tpu.vector_load %arg12[%swap3A_913, %swap3A_914] {strides = array<i32>} : memref<80x128xf32, #tpu.memory_space<vmem>>, vector<16xf32>,
        tpu.vector_store %arg12[%swap3A_913, %swap3A_914], %gather3A_839 {strides = array<i32>} : memref<80x128xf32, #tpu.memory_space<vmem>>, vector<16xf32>,
        %swap3A_916 = arith.index_cast %sub3A_909 : i32 to index
        %swap3A_917 = arith.constant 32 : index
        %swap3A_918 = tpu.vector_load %arg12[%swap3A_916, %swap3A_917] {strides = array<i32>} : memref<80x128xf32, #tpu.memory_space<vmem>>, vector<16xf32>,
        tpu.vector_store %arg12[%swap3A_916, %swap3A_917], %gather3A_841 {strides = array<i32>} : memref<80x128xf32, #tpu.memory_space<vmem>>, vector<16xf32>,
        %swap3A_919 = arith.index_cast %sub3A_909 : i32 to index
        %swap3A_920 = arith.constant 48 : index
        %swap3A_921 = tpu.vector_load %arg12[%swap3A_919, %swap3A_920] {strides = array<i32>} : memref<80x128xf32, #tpu.memory_space<vmem>>, vector<16xf32>,
        tpu.vector_store %arg12[%swap3A_919, %swap3A_920], %gather3A_843 {strides = array<i32>} : memref<80x128xf32, #tpu.memory_space<vmem>>, vector<16xf32>,
        %swap3A_922 = arith.index_cast %sub3A_909 : i32 to index
        %swap3A_923 = arith.constant 64 : index
        %swap3A_924 = tpu.vector_load %arg12[%swap3A_922, %swap3A_923] {strides = array<i32>} : memref<80x128xf32, #tpu.memory_space<vmem>>, vector<16xf32>,
        tpu.vector_store %arg12[%swap3A_922, %swap3A_923], %gather3A_845 {strides = array<i32>} : memref<80x128xf32, #tpu.memory_space<vmem>>, vector<16xf32>,
        %swap3A_925 = arith.index_cast %sub3A_909 : i32 to index
        %swap3A_926 = arith.constant 80 : index
        %swap3A_927 = tpu.vector_load %arg12[%swap3A_925, %swap3A_926] {strides = array<i32>} : memref<80x128xf32, #tpu.memory_space<vmem>>, vector<16xf32>,
        tpu.vector_store %arg12[%swap3A_925, %swap3A_926], %gather3A_847 {strides = array<i32>} : memref<80x128xf32, #tpu.memory_space<vmem>>, vector<16xf32>,
        %swap3A_928 = arith.index_cast %sub3A_909 : i32 to index
        %swap3A_929 = arith.constant 96 : index
        %swap3A_930 = tpu.vector_load %arg12[%swap3A_928, %swap3A_929] {strides = array<i32>} : memref<80x128xf32, #tpu.memory_space<vmem>>, vector<16xf32>,
        tpu.vector_store %arg12[%swap3A_928, %swap3A_929], %gather3A_849 {strides = array<i32>} : memref<80x128xf32, #tpu.memory_space<vmem>>, vector<16xf32>,
        %swap3A_931 = arith.index_cast %sub3A_909 : i32 to index
        %swap3A_932 = arith.constant 112 : index
        %swap3A_933 = tpu.vector_load %arg12[%swap3A_931, %swap3A_932] {strides = array<i32>} : memref<80x128xf32, #tpu.memory_space<vmem>>, vector<16xf32>,
        tpu.vector_store %arg12[%swap3A_931, %swap3A_932], %gather3A_851 {strides = array<i32>} : memref<80x128xf32, #tpu.memory_space<vmem>>, vector<16xf32>,
        %mul3A_934 = arith.constant 8 : i32
        %mul3A_935 = arith.muli %scan3A_758, %mul3A_934 : i32
        %add3A_936 = arith.constant 4 : i32
        %add3A_937 = arith.addi %mul3A_935, %add3A_936 : i32
        %mul3A_938 = arith.constant 304 : i32
        %mul3A_939 = arith.muli %add3A_937, %mul3A_938 : i32
        %gather3A_940 = tpu.memref_slice %arg8[%mul3A_939] : memref<24320xf32, #tpu.memory_space<vmem>> -> memref<304xf32, #tpu.memory_space<vmem>>
        %gather3A_941 = tpu.vector_load_idx %gather3A_940[%get3A_728] : memref<304xf32, #tpu.memory_space<vmem>>[vector<16xi32>], vector<16xf32>,
        %gather3A_942 = tpu.memref_slice %arg8[%mul3A_939] : memref<24320xf32, #tpu.memory_space<vmem>> -> memref<304xf32, #tpu.memory_space<vmem>>
        %gather3A_943 = tpu.vector_load_idx %gather3A_942[%get3A_731] : memref<304xf32, #tpu.memory_space<vmem>>[vector<16xi32>], vector<16xf32>,
        %gather3A_944 = tpu.memref_slice %arg8[%mul3A_939] : memref<24320xf32, #tpu.memory_space<vmem>> -> memref<304xf32, #tpu.memory_space<vmem>>
        %gather3A_945 = tpu.vector_load_idx %gather3A_944[%get3A_734] : memref<304xf32, #tpu.memory_space<vmem>>[vector<16xi32>], vector<16xf32>,
        %gather3A_946 = tpu.memref_slice %arg8[%mul3A_939] : memref<24320xf32, #tpu.memory_space<vmem>> -> memref<304xf32, #tpu.memory_space<vmem>>
        %gather3A_947 = tpu.vector_load_idx %gather3A_946[%get3A_737] : memref<304xf32, #tpu.memory_space<vmem>>[vector<16xi32>], vector<16xf32>,
        %gather3A_948 = tpu.memref_slice %arg8[%mul3A_939] : memref<24320xf32, #tpu.memory_space<vmem>> -> memref<304xf32, #tpu.memory_space<vmem>>
        %gather3A_949 = tpu.vector_load_idx %gather3A_948[%get3A_740] : memref<304xf32, #tpu.memory_space<vmem>>[vector<16xi32>], vector<16xf32>,
        %gather3A_950 = tpu.memref_slice %arg8[%mul3A_939] : memref<24320xf32, #tpu.memory_space<vmem>> -> memref<304xf32, #tpu.memory_space<vmem>>
        %gather3A_951 = tpu.vector_load_idx %gather3A_950[%get3A_743] : memref<304xf32, #tpu.memory_space<vmem>>[vector<16xi32>], vector<16xf32>,
        %gather3A_952 = tpu.memref_slice %arg8[%mul3A_939] : memref<24320xf32, #tpu.memory_space<vmem>> -> memref<304xf32, #tpu.memory_space<vmem>>
        %gather3A_953 = tpu.vector_load_idx %gather3A_952[%get3A_746] : memref<304xf32, #tpu.memory_space<vmem>>[vector<16xi32>], vector<16xf32>,
        %gather3A_954 = tpu.memref_slice %arg8[%mul3A_939] : memref<24320xf32, #tpu.memory_space<vmem>> -> memref<304xf32, #tpu.memory_space<vmem>>
        %gather3A_955 = tpu.vector_load_idx %gather3A_954[%get3A_749] : memref<304xf32, #tpu.memory_space<vmem>>[vector<16xi32>], vector<16xf32>,
        %mul3A_956 = arith.constant 8 : i32
        %mul3A_957 = arith.muli %scan3A_758, %mul3A_956 : i32
        %add3A_958 = arith.constant 4 : i32
        %add3A_959 = arith.addi %mul3A_957, %add3A_958 : i32
        %sub3A_960 = arith.constant 1 : i32
        %sub3A_961 = arith.subi %add3A_959, %sub3A_960 : i32
        %swap3A_962 = arith.index_cast %sub3A_961 : i32 to index
        %swap3A_963 = arith.constant 0 : index
        %swap3A_964 = tpu.vector_load %arg12[%swap3A_962, %swap3A_963] {strides = array<i32>} : memref<80x128xf32, #tpu.memory_space<vmem>>, vector<16xf32>,
        tpu.vector_store %arg12[%swap3A_962, %swap3A_963], %gather3A_889 {strides = array<i32>} : memref<80x128xf32, #tpu.memory_space<vmem>>, vector<16xf32>,
        %swap3A_965 = arith.index_cast %sub3A_961 : i32 to index
        %swap3A_966 = arith.constant 16 : index
        %swap3A_967 = tpu.vector_load %arg12[%swap3A_965, %swap3A_966] {strides = array<i32>} : memref<80x128xf32, #tpu.memory_space<vmem>>, vector<16xf32>,
        tpu.vector_store %arg12[%swap3A_965, %swap3A_966], %gather3A_891 {strides = array<i32>} : memref<80x128xf32, #tpu.memory_space<vmem>>, vector<16xf32>,
        %swap3A_968 = arith.index_cast %sub3A_961 : i32 to index
        %swap3A_969 = arith.constant 32 : index
        %swap3A_970 = tpu.vector_load %arg12[%swap3A_968, %swap3A_969] {strides = array<i32>} : memref<80x128xf32, #tpu.memory_space<vmem>>, vector<16xf32>,
        tpu.vector_store %arg12[%swap3A_968, %swap3A_969], %gather3A_893 {strides = array<i32>} : memref<80x128xf32, #tpu.memory_space<vmem>>, vector<16xf32>,
        %swap3A_971 = arith.index_cast %sub3A_961 : i32 to index
        %swap3A_972 = arith.constant 48 : index
        %swap3A_973 = tpu.vector_load %arg12[%swap3A_971, %swap3A_972] {strides = array<i32>} : memref<80x128xf32, #tpu.memory_space<vmem>>, vector<16xf32>,
        tpu.vector_store %arg12[%swap3A_971, %swap3A_972], %gather3A_895 {strides = array<i32>} : memref<80x128xf32, #tpu.memory_space<vmem>>, vector<16xf32>,
        %swap3A_974 = arith.index_cast %sub3A_961 : i32 to index
        %swap3A_975 = arith.constant 64 : index
        %swap3A_976 = tpu.vector_load %arg12[%swap3A_974, %swap3A_975] {strides = array<i32>} : memref<80x128xf32, #tpu.memory_space<vmem>>, vector<16xf32>,
        tpu.vector_store %arg12[%swap3A_974, %swap3A_975], %gather3A_897 {strides = array<i32>} : memref<80x128xf32, #tpu.memory_space<vmem>>, vector<16xf32>,
        %swap3A_977 = arith.index_cast %sub3A_961 : i32 to index
        %swap3A_978 = arith.constant 80 : index
        %swap3A_979 = tpu.vector_load %arg12[%swap3A_977, %swap3A_978] {strides = array<i32>} : memref<80x128xf32, #tpu.memory_space<vmem>>, vector<16xf32>,
        tpu.vector_store %arg12[%swap3A_977, %swap3A_978], %gather3A_899 {strides = array<i32>} : memref<80x128xf32, #tpu.memory_space<vmem>>, vector<16xf32>,
        %swap3A_980 = arith.index_cast %sub3A_961 : i32 to index
        %swap3A_981 = arith.constant 96 : index
        %swap3A_982 = tpu.vector_load %arg12[%swap3A_980, %swap3A_981] {strides = array<i32>} : memref<80x128xf32, #tpu.memory_space<vmem>>, vector<16xf32>,
        tpu.vector_store %arg12[%swap3A_980, %swap3A_981], %gather3A_901 {strides = array<i32>} : memref<80x128xf32, #tpu.memory_space<vmem>>, vector<16xf32>,
        %swap3A_983 = arith.index_cast %sub3A_961 : i32 to index
        %swap3A_984 = arith.constant 112 : index
        %swap3A_985 = tpu.vector_load %arg12[%swap3A_983, %swap3A_984] {strides = array<i32>} : memref<80x128xf32, #tpu.memory_space<vmem>>, vector<16xf32>,
        tpu.vector_store %arg12[%swap3A_983, %swap3A_984], %gather3A_903 {strides = array<i32>} : memref<80x128xf32, #tpu.memory_space<vmem>>, vector<16xf32>,
        %mul3A_986 = arith.constant 8 : i32
        %mul3A_987 = arith.muli %scan3A_758, %mul3A_986 : i32
        %add3A_988 = arith.constant 5 : i32
        %add3A_989 = arith.addi %mul3A_987, %add3A_988 : i32
        %mul3A_990 = arith.constant 304 : i32
        %mul3A_991 = arith.muli %add3A_989, %mul3A_990 : i32
        %gather3A_992 = tpu.memref_slice %arg8[%mul3A_991] : memref<24320xf32, #tpu.memory_space<vmem>> -> memref<304xf32, #tpu.memory_space<vmem>>
        %gather3A_993 = tpu.vector_load_idx %gather3A_992[%get3A_728] : memref<304xf32, #tpu.memory_space<vmem>>[vector<16xi32>], vector<16xf32>,
        %gather3A_994 = tpu.memref_slice %arg8[%mul3A_991] : memref<24320xf32, #tpu.memory_space<vmem>> -> memref<304xf32, #tpu.memory_space<vmem>>
        %gather3A_995 = tpu.vector_load_idx %gather3A_994[%get3A_731] : memref<304xf32, #tpu.memory_space<vmem>>[vector<16xi32>], vector<16xf32>,
        %gather3A_996 = tpu.memref_slice %arg8[%mul3A_991] : memref<24320xf32, #tpu.memory_space<vmem>> -> memref<304xf32, #tpu.memory_space<vmem>>
        %gather3A_997 = tpu.vector_load_idx %gather3A_996[%get3A_734] : memref<304xf32, #tpu.memory_space<vmem>>[vector<16xi32>], vector<16xf32>,
        %gather3A_998 = tpu.memref_slice %arg8[%mul3A_991] : memref<24320xf32, #tpu.memory_space<vmem>> -> memref<304xf32, #tpu.memory_space<vmem>>
        %gather3A_999 = tpu.vector_load_idx %gather3A_998[%get3A_737] : memref<304xf32, #tpu.memory_space<vmem>>[vector<16xi32>], vector<16xf32>,
        %gather3A_1000 = tpu.memref_slice %arg8[%mul3A_991] : memref<24320xf32, #tpu.memory_space<vmem>> -> memref<304xf32, #tpu.memory_space<vmem>>
        %gather3A_1001 = tpu.vector_load_idx %gather3A_1000[%get3A_740] : memref<304xf32, #tpu.memory_space<vmem>>[vector<16xi32>], vector<16xf32>,
        %gather3A_1002 = tpu.memref_slice %arg8[%mul3A_991] : memref<24320xf32, #tpu.memory_space<vmem>> -> memref<304xf32, #tpu.memory_space<vmem>>
        %gather3A_1003 = tpu.vector_load_idx %gather3A_1002[%get3A_743] : memref<304xf32, #tpu.memory_space<vmem>>[vector<16xi32>], vector<16xf32>,
        %gather3A_1004 = tpu.memref_slice %arg8[%mul3A_991] : memref<24320xf32, #tpu.memory_space<vmem>> -> memref<304xf32, #tpu.memory_space<vmem>>
        %gather3A_1005 = tpu.vector_load_idx %gather3A_1004[%get3A_746] : memref<304xf32, #tpu.memory_space<vmem>>[vector<16xi32>], vector<16xf32>,
        %gather3A_1006 = tpu.memref_slice %arg8[%mul3A_991] : memref<24320xf32, #tpu.memory_space<vmem>> -> memref<304xf32, #tpu.memory_space<vmem>>
        %gather3A_1007 = tpu.vector_load_idx %gather3A_1006[%get3A_749] : memref<304xf32, #tpu.memory_space<vmem>>[vector<16xi32>], vector<16xf32>,
        %mul3A_1008 = arith.constant 8 : i32
        %mul3A_1009 = arith.muli %scan3A_758, %mul3A_1008 : i32
        %add3A_1010 = arith.constant 5 : i32
        %add3A_1011 = arith.addi %mul3A_1009, %add3A_1010 : i32
        %sub3A_1012 = arith.constant 1 : i32
        %sub3A_1013 = arith.subi %add3A_1011, %sub3A_1012 : i32
        %swap3A_1014 = arith.index_cast %sub3A_1013 : i32 to index
        %swap3A_1015 = arith.constant 0 : index
        %swap3A_1016 = tpu.vector_load %arg12[%swap3A_1014, %swap3A_1015] {strides = array<i32>} : memref<80x128xf32, #tpu.memory_space<vmem>>, vector<16xf32>,
        tpu.vector_store %arg12[%swap3A_1014, %swap3A_1015], %gather3A_941 {strides = array<i32>} : memref<80x128xf32, #tpu.memory_space<vmem>>, vector<16xf32>,
        %swap3A_1017 = arith.index_cast %sub3A_1013 : i32 to index
        %swap3A_1018 = arith.constant 16 : index
        %swap3A_1019 = tpu.vector_load %arg12[%swap3A_1017, %swap3A_1018] {strides = array<i32>} : memref<80x128xf32, #tpu.memory_space<vmem>>, vector<16xf32>,
        tpu.vector_store %arg12[%swap3A_1017, %swap3A_1018], %gather3A_943 {strides = array<i32>} : memref<80x128xf32, #tpu.memory_space<vmem>>, vector<16xf32>,
        %swap3A_1020 = arith.index_cast %sub3A_1013 : i32 to index
        %swap3A_1021 = arith.constant 32 : index
        %swap3A_1022 = tpu.vector_load %arg12[%swap3A_1020, %swap3A_1021] {strides = array<i32>} : memref<80x128xf32, #tpu.memory_space<vmem>>, vector<16xf32>,
        tpu.vector_store %arg12[%swap3A_1020, %swap3A_1021], %gather3A_945 {strides = array<i32>} : memref<80x128xf32, #tpu.memory_space<vmem>>, vector<16xf32>,
        %swap3A_1023 = arith.index_cast %sub3A_1013 : i32 to index
        %swap3A_1024 = arith.constant 48 : index
        %swap3A_1025 = tpu.vector_load %arg12[%swap3A_1023, %swap3A_1024] {strides = array<i32>} : memref<80x128xf32, #tpu.memory_space<vmem>>, vector<16xf32>,
        tpu.vector_store %arg12[%swap3A_1023, %swap3A_1024], %gather3A_947 {strides = array<i32>} : memref<80x128xf32, #tpu.memory_space<vmem>>, vector<16xf32>,
        %swap3A_1026 = arith.index_cast %sub3A_1013 : i32 to index
        %swap3A_1027 = arith.constant 64 : index
        %swap3A_1028 = tpu.vector_load %arg12[%swap3A_1026, %swap3A_1027] {strides = array<i32>} : memref<80x128xf32, #tpu.memory_space<vmem>>, vector<16xf32>,
        tpu.vector_store %arg12[%swap3A_1026, %swap3A_1027], %gather3A_949 {strides = array<i32>} : memref<80x128xf32, #tpu.memory_space<vmem>>, vector<16xf32>,
        %swap3A_1029 = arith.index_cast %sub3A_1013 : i32 to index
        %swap3A_1030 = arith.constant 80 : index
        %swap3A_1031 = tpu.vector_load %arg12[%swap3A_1029, %swap3A_1030] {strides = array<i32>} : memref<80x128xf32, #tpu.memory_space<vmem>>, vector<16xf32>,
        tpu.vector_store %arg12[%swap3A_1029, %swap3A_1030], %gather3A_951 {strides = array<i32>} : memref<80x128xf32, #tpu.memory_space<vmem>>, vector<16xf32>,
        %swap3A_1032 = arith.index_cast %sub3A_1013 : i32 to index
        %swap3A_1033 = arith.constant 96 : index
        %swap3A_1034 = tpu.vector_load %arg12[%swap3A_1032, %swap3A_1033] {strides = array<i32>} : memref<80x128xf32, #tpu.memory_space<vmem>>, vector<16xf32>,
        tpu.vector_store %arg12[%swap3A_1032, %swap3A_1033], %gather3A_953 {strides = array<i32>} : memref<80x128xf32, #tpu.memory_space<vmem>>, vector<16xf32>,
        %swap3A_1035 = arith.index_cast %sub3A_1013 : i32 to index
        %swap3A_1036 = arith.constant 112 : index
        %swap3A_1037 = tpu.vector_load %arg12[%swap3A_1035, %swap3A_1036] {strides = array<i32>} : memref<80x128xf32, #tpu.memory_space<vmem>>, vector<16xf32>,
        tpu.vector_store %arg12[%swap3A_1035, %swap3A_1036], %gather3A_955 {strides = array<i32>} : memref<80x128xf32, #tpu.memory_space<vmem>>, vector<16xf32>,
        %mul3A_1038 = arith.constant 8 : i32
        %mul3A_1039 = arith.muli %scan3A_758, %mul3A_1038 : i32
        %add3A_1040 = arith.constant 6 : i32
        %add3A_1041 = arith.addi %mul3A_1039, %add3A_1040 : i32
        %mul3A_1042 = arith.constant 304 : i32
        %mul3A_1043 = arith.muli %add3A_1041, %mul3A_1042 : i32
        %gather3A_1044 = tpu.memref_slice %arg8[%mul3A_1043] : memref<24320xf32, #tpu.memory_space<vmem>> -> memref<304xf32, #tpu.memory_space<vmem>>
        %gather3A_1045 = tpu.vector_load_idx %gather3A_1044[%get3A_728] : memref<304xf32, #tpu.memory_space<vmem>>[vector<16xi32>], vector<16xf32>,
        %gather3A_1046 = tpu.memref_slice %arg8[%mul3A_1043] : memref<24320xf32, #tpu.memory_space<vmem>> -> memref<304xf32, #tpu.memory_space<vmem>>
        %gather3A_1047 = tpu.vector_load_idx %gather3A_1046[%get3A_731] : memref<304xf32, #tpu.memory_space<vmem>>[vector<16xi32>], vector<16xf32>,
        %gather3A_1048 = tpu.memref_slice %arg8[%mul3A_1043] : memref<24320xf32, #tpu.memory_space<vmem>> -> memref<304xf32, #tpu.memory_space<vmem>>
        %gather3A_1049 = tpu.vector_load_idx %gather3A_1048[%get3A_734] : memref<304xf32, #tpu.memory_space<vmem>>[vector<16xi32>], vector<16xf32>,
        %gather3A_1050 = tpu.memref_slice %arg8[%mul3A_1043] : memref<24320xf32, #tpu.memory_space<vmem>> -> memref<304xf32, #tpu.memory_space<vmem>>
        %gather3A_1051 = tpu.vector_load_idx %gather3A_1050[%get3A_737] : memref<304xf32, #tpu.memory_space<vmem>>[vector<16xi32>], vector<16xf32>,
        %gather3A_1052 = tpu.memref_slice %arg8[%mul3A_1043] : memref<24320xf32, #tpu.memory_space<vmem>> -> memref<304xf32, #tpu.memory_space<vmem>>
        %gather3A_1053 = tpu.vector_load_idx %gather3A_1052[%get3A_740] : memref<304xf32, #tpu.memory_space<vmem>>[vector<16xi32>], vector<16xf32>,
        %gather3A_1054 = tpu.memref_slice %arg8[%mul3A_1043] : memref<24320xf32, #tpu.memory_space<vmem>> -> memref<304xf32, #tpu.memory_space<vmem>>
        %gather3A_1055 = tpu.vector_load_idx %gather3A_1054[%get3A_743] : memref<304xf32, #tpu.memory_space<vmem>>[vector<16xi32>], vector<16xf32>,
        %gather3A_1056 = tpu.memref_slice %arg8[%mul3A_1043] : memref<24320xf32, #tpu.memory_space<vmem>> -> memref<304xf32, #tpu.memory_space<vmem>>
        %gather3A_1057 = tpu.vector_load_idx %gather3A_1056[%get3A_746] : memref<304xf32, #tpu.memory_space<vmem>>[vector<16xi32>], vector<16xf32>,
        %gather3A_1058 = tpu.memref_slice %arg8[%mul3A_1043] : memref<24320xf32, #tpu.memory_space<vmem>> -> memref<304xf32, #tpu.memory_space<vmem>>
        %gather3A_1059 = tpu.vector_load_idx %gather3A_1058[%get3A_749] : memref<304xf32, #tpu.memory_space<vmem>>[vector<16xi32>], vector<16xf32>,
        %mul3A_1060 = arith.constant 8 : i32
        %mul3A_1061 = arith.muli %scan3A_758, %mul3A_1060 : i32
        %add3A_1062 = arith.constant 6 : i32
        %add3A_1063 = arith.addi %mul3A_1061, %add3A_1062 : i32
        %sub3A_1064 = arith.constant 1 : i32
        %sub3A_1065 = arith.subi %add3A_1063, %sub3A_1064 : i32
        %swap3A_1066 = arith.index_cast %sub3A_1065 : i32 to index
        %swap3A_1067 = arith.constant 0 : index
        %swap3A_1068 = tpu.vector_load %arg12[%swap3A_1066, %swap3A_1067] {strides = array<i32>} : memref<80x128xf32, #tpu.memory_space<vmem>>, vector<16xf32>,
        tpu.vector_store %arg12[%swap3A_1066, %swap3A_1067], %gather3A_993 {strides = array<i32>} : memref<80x128xf32, #tpu.memory_space<vmem>>, vector<16xf32>,
        %swap3A_1069 = arith.index_cast %sub3A_1065 : i32 to index
        %swap3A_1070 = arith.constant 16 : index
        %swap3A_1071 = tpu.vector_load %arg12[%swap3A_1069, %swap3A_1070] {strides = array<i32>} : memref<80x128xf32, #tpu.memory_space<vmem>>, vector<16xf32>,
        tpu.vector_store %arg12[%swap3A_1069, %swap3A_1070], %gather3A_995 {strides = array<i32>} : memref<80x128xf32, #tpu.memory_space<vmem>>, vector<16xf32>,
        %swap3A_1072 = arith.index_cast %sub3A_1065 : i32 to index
        %swap3A_1073 = arith.constant 32 : index
        %swap3A_1074 = tpu.vector_load %arg12[%swap3A_1072, %swap3A_1073] {strides = array<i32>} : memref<80x128xf32, #tpu.memory_space<vmem>>, vector<16xf32>,
        tpu.vector_store %arg12[%swap3A_1072, %swap3A_1073], %gather3A_997 {strides = array<i32>} : memref<80x128xf32, #tpu.memory_space<vmem>>, vector<16xf32>,
        %swap3A_1075 = arith.index_cast %sub3A_1065 : i32 to index
        %swap3A_1076 = arith.constant 48 : index
        %swap3A_1077 = tpu.vector_load %arg12[%swap3A_1075, %swap3A_1076] {strides = array<i32>} : memref<80x128xf32, #tpu.memory_space<vmem>>, vector<16xf32>,
        tpu.vector_store %arg12[%swap3A_1075, %swap3A_1076], %gather3A_999 {strides = array<i32>} : memref<80x128xf32, #tpu.memory_space<vmem>>, vector<16xf32>,
        %swap3A_1078 = arith.index_cast %sub3A_1065 : i32 to index
        %swap3A_1079 = arith.constant 64 : index
        %swap3A_1080 = tpu.vector_load %arg12[%swap3A_1078, %swap3A_1079] {strides = array<i32>} : memref<80x128xf32, #tpu.memory_space<vmem>>, vector<16xf32>,
        tpu.vector_store %arg12[%swap3A_1078, %swap3A_1079], %gather3A_1001 {strides = array<i32>} : memref<80x128xf32, #tpu.memory_space<vmem>>, vector<16xf32>,
        %swap3A_1081 = arith.index_cast %sub3A_1065 : i32 to index
        %swap3A_1082 = arith.constant 80 : index
        %swap3A_1083 = tpu.vector_load %arg12[%swap3A_1081, %swap3A_1082] {strides = array<i32>} : memref<80x128xf32, #tpu.memory_space<vmem>>, vector<16xf32>,
        tpu.vector_store %arg12[%swap3A_1081, %swap3A_1082], %gather3A_1003 {strides = array<i32>} : memref<80x128xf32, #tpu.memory_space<vmem>>, vector<16xf32>,
        %swap3A_1084 = arith.index_cast %sub3A_1065 : i32 to index
        %swap3A_1085 = arith.constant 96 : index
        %swap3A_1086 = tpu.vector_load %arg12[%swap3A_1084, %swap3A_1085] {strides = array<i32>} : memref<80x128xf32, #tpu.memory_space<vmem>>, vector<16xf32>,
        tpu.vector_store %arg12[%swap3A_1084, %swap3A_1085], %gather3A_1005 {strides = array<i32>} : memref<80x128xf32, #tpu.memory_space<vmem>>, vector<16xf32>,
        %swap3A_1087 = arith.index_cast %sub3A_1065 : i32 to index
        %swap3A_1088 = arith.constant 112 : index
        %swap3A_1089 = tpu.vector_load %arg12[%swap3A_1087, %swap3A_1088] {strides = array<i32>} : memref<80x128xf32, #tpu.memory_space<vmem>>, vector<16xf32>,
        tpu.vector_store %arg12[%swap3A_1087, %swap3A_1088], %gather3A_1007 {strides = array<i32>} : memref<80x128xf32, #tpu.memory_space<vmem>>, vector<16xf32>,
        %mul3A_1090 = arith.constant 8 : i32
        %mul3A_1091 = arith.muli %scan3A_758, %mul3A_1090 : i32
        %add3A_1092 = arith.constant 7 : i32
        %add3A_1093 = arith.addi %mul3A_1091, %add3A_1092 : i32
        %mul3A_1094 = arith.constant 304 : i32
        %mul3A_1095 = arith.muli %add3A_1093, %mul3A_1094 : i32
        %gather3A_1096 = tpu.memref_slice %arg8[%mul3A_1095] : memref<24320xf32, #tpu.memory_space<vmem>> -> memref<304xf32, #tpu.memory_space<vmem>>
        %gather3A_1097 = tpu.vector_load_idx %gather3A_1096[%get3A_728] : memref<304xf32, #tpu.memory_space<vmem>>[vector<16xi32>], vector<16xf32>,
        %gather3A_1098 = tpu.memref_slice %arg8[%mul3A_1095] : memref<24320xf32, #tpu.memory_space<vmem>> -> memref<304xf32, #tpu.memory_space<vmem>>
        %gather3A_1099 = tpu.vector_load_idx %gather3A_1098[%get3A_731] : memref<304xf32, #tpu.memory_space<vmem>>[vector<16xi32>], vector<16xf32>,
        %gather3A_1100 = tpu.memref_slice %arg8[%mul3A_1095] : memref<24320xf32, #tpu.memory_space<vmem>> -> memref<304xf32, #tpu.memory_space<vmem>>
        %gather3A_1101 = tpu.vector_load_idx %gather3A_1100[%get3A_734] : memref<304xf32, #tpu.memory_space<vmem>>[vector<16xi32>], vector<16xf32>,
        %gather3A_1102 = tpu.memref_slice %arg8[%mul3A_1095] : memref<24320xf32, #tpu.memory_space<vmem>> -> memref<304xf32, #tpu.memory_space<vmem>>
        %gather3A_1103 = tpu.vector_load_idx %gather3A_1102[%get3A_737] : memref<304xf32, #tpu.memory_space<vmem>>[vector<16xi32>], vector<16xf32>,
        %gather3A_1104 = tpu.memref_slice %arg8[%mul3A_1095] : memref<24320xf32, #tpu.memory_space<vmem>> -> memref<304xf32, #tpu.memory_space<vmem>>
        %gather3A_1105 = tpu.vector_load_idx %gather3A_1104[%get3A_740] : memref<304xf32, #tpu.memory_space<vmem>>[vector<16xi32>], vector<16xf32>,
        %gather3A_1106 = tpu.memref_slice %arg8[%mul3A_1095] : memref<24320xf32, #tpu.memory_space<vmem>> -> memref<304xf32, #tpu.memory_space<vmem>>
        %gather3A_1107 = tpu.vector_load_idx %gather3A_1106[%get3A_743] : memref<304xf32, #tpu.memory_space<vmem>>[vector<16xi32>], vector<16xf32>,
        %gather3A_1108 = tpu.memref_slice %arg8[%mul3A_1095] : memref<24320xf32, #tpu.memory_space<vmem>> -> memref<304xf32, #tpu.memory_space<vmem>>
        %gather3A_1109 = tpu.vector_load_idx %gather3A_1108[%get3A_746] : memref<304xf32, #tpu.memory_space<vmem>>[vector<16xi32>], vector<16xf32>,
        %gather3A_1110 = tpu.memref_slice %arg8[%mul3A_1095] : memref<24320xf32, #tpu.memory_space<vmem>> -> memref<304xf32, #tpu.memory_space<vmem>>
        %gather3A_1111 = tpu.vector_load_idx %gather3A_1110[%get3A_749] : memref<304xf32, #tpu.memory_space<vmem>>[vector<16xi32>], vector<16xf32>,
        %mul3A_1112 = arith.constant 8 : i32
        %mul3A_1113 = arith.muli %scan3A_758, %mul3A_1112 : i32
        %add3A_1114 = arith.constant 7 : i32
        %add3A_1115 = arith.addi %mul3A_1113, %add3A_1114 : i32
        %sub3A_1116 = arith.constant 1 : i32
        %sub3A_1117 = arith.subi %add3A_1115, %sub3A_1116 : i32
        %swap3A_1118 = arith.index_cast %sub3A_1117 : i32 to index
        %swap3A_1119 = arith.constant 0 : index
        %swap3A_1120 = tpu.vector_load %arg12[%swap3A_1118, %swap3A_1119] {strides = array<i32>} : memref<80x128xf32, #tpu.memory_space<vmem>>, vector<16xf32>,
        tpu.vector_store %arg12[%swap3A_1118, %swap3A_1119], %gather3A_1045 {strides = array<i32>} : memref<80x128xf32, #tpu.memory_space<vmem>>, vector<16xf32>,
        %swap3A_1121 = arith.index_cast %sub3A_1117 : i32 to index
        %swap3A_1122 = arith.constant 16 : index
        %swap3A_1123 = tpu.vector_load %arg12[%swap3A_1121, %swap3A_1122] {strides = array<i32>} : memref<80x128xf32, #tpu.memory_space<vmem>>, vector<16xf32>,
        tpu.vector_store %arg12[%swap3A_1121, %swap3A_1122], %gather3A_1047 {strides = array<i32>} : memref<80x128xf32, #tpu.memory_space<vmem>>, vector<16xf32>,
        %swap3A_1124 = arith.index_cast %sub3A_1117 : i32 to index
        %swap3A_1125 = arith.constant 32 : index
        %swap3A_1126 = tpu.vector_load %arg12[%swap3A_1124, %swap3A_1125] {strides = array<i32>} : memref<80x128xf32, #tpu.memory_space<vmem>>, vector<16xf32>,
        tpu.vector_store %arg12[%swap3A_1124, %swap3A_1125], %gather3A_1049 {strides = array<i32>} : memref<80x128xf32, #tpu.memory_space<vmem>>, vector<16xf32>,
        %swap3A_1127 = arith.index_cast %sub3A_1117 : i32 to index
        %swap3A_1128 = arith.constant 48 : index
        %swap3A_1129 = tpu.vector_load %arg12[%swap3A_1127, %swap3A_1128] {strides = array<i32>} : memref<80x128xf32, #tpu.memory_space<vmem>>, vector<16xf32>,
        tpu.vector_store %arg12[%swap3A_1127, %swap3A_1128], %gather3A_1051 {strides = array<i32>} : memref<80x128xf32, #tpu.memory_space<vmem>>, vector<16xf32>,
        %swap3A_1130 = arith.index_cast %sub3A_1117 : i32 to index
        %swap3A_1131 = arith.constant 64 : index
        %swap3A_1132 = tpu.vector_load %arg12[%swap3A_1130, %swap3A_1131] {strides = array<i32>} : memref<80x128xf32, #tpu.memory_space<vmem>>, vector<16xf32>,
        tpu.vector_store %arg12[%swap3A_1130, %swap3A_1131], %gather3A_1053 {strides = array<i32>} : memref<80x128xf32, #tpu.memory_space<vmem>>, vector<16xf32>,
        %swap3A_1133 = arith.index_cast %sub3A_1117 : i32 to index
        %swap3A_1134 = arith.constant 80 : index
        %swap3A_1135 = tpu.vector_load %arg12[%swap3A_1133, %swap3A_1134] {strides = array<i32>} : memref<80x128xf32, #tpu.memory_space<vmem>>, vector<16xf32>,
        tpu.vector_store %arg12[%swap3A_1133, %swap3A_1134], %gather3A_1055 {strides = array<i32>} : memref<80x128xf32, #tpu.memory_space<vmem>>, vector<16xf32>,
        %swap3A_1136 = arith.index_cast %sub3A_1117 : i32 to index
        %swap3A_1137 = arith.constant 96 : index
        %swap3A_1138 = tpu.vector_load %arg12[%swap3A_1136, %swap3A_1137] {strides = array<i32>} : memref<80x128xf32, #tpu.memory_space<vmem>>, vector<16xf32>,
        tpu.vector_store %arg12[%swap3A_1136, %swap3A_1137], %gather3A_1057 {strides = array<i32>} : memref<80x128xf32, #tpu.memory_space<vmem>>, vector<16xf32>,
        %swap3A_1139 = arith.index_cast %sub3A_1117 : i32 to index
        %swap3A_1140 = arith.constant 112 : index
        %swap3A_1141 = tpu.vector_load %arg12[%swap3A_1139, %swap3A_1140] {strides = array<i32>} : memref<80x128xf32, #tpu.memory_space<vmem>>, vector<16xf32>,
        tpu.vector_store %arg12[%swap3A_1139, %swap3A_1140], %gather3A_1059 {strides = array<i32>} : memref<80x128xf32, #tpu.memory_space<vmem>>, vector<16xf32>,
        %mul3A_1142 = arith.constant 8 : i32
        %mul3A_1143 = arith.muli %scan3A_758, %mul3A_1142 : i32
        %add3A_1144 = arith.constant 7 : i32
        %add3A_1145 = arith.addi %mul3A_1143, %add3A_1144 : i32
        %swap3A_1146 = arith.index_cast %add3A_1145 : i32 to index
        %swap3A_1147 = arith.constant 0 : index
        %swap3A_1148 = tpu.vector_load %arg12[%swap3A_1146, %swap3A_1147] {strides = array<i32>} : memref<80x128xf32, #tpu.memory_space<vmem>>, vector<16xf32>,
        tpu.vector_store %arg12[%swap3A_1146, %swap3A_1147], %gather3A_1097 {strides = array<i32>} : memref<80x128xf32, #tpu.memory_space<vmem>>, vector<16xf32>,
        %swap3A_1149 = arith.index_cast %add3A_1145 : i32 to index
        %swap3A_1150 = arith.constant 16 : index
        %swap3A_1151 = tpu.vector_load %arg12[%swap3A_1149, %swap3A_1150] {strides = array<i32>} : memref<80x128xf32, #tpu.memory_space<vmem>>, vector<16xf32>,
        tpu.vector_store %arg12[%swap3A_1149, %swap3A_1150], %gather3A_1099 {strides = array<i32>} : memref<80x128xf32, #tpu.memory_space<vmem>>, vector<16xf32>,
        %swap3A_1152 = arith.index_cast %add3A_1145 : i32 to index
        %swap3A_1153 = arith.constant 32 : index
        %swap3A_1154 = tpu.vector_load %arg12[%swap3A_1152, %swap3A_1153] {strides = array<i32>} : memref<80x128xf32, #tpu.memory_space<vmem>>, vector<16xf32>,
        tpu.vector_store %arg12[%swap3A_1152, %swap3A_1153], %gather3A_1101 {strides = array<i32>} : memref<80x128xf32, #tpu.memory_space<vmem>>, vector<16xf32>,
        %swap3A_1155 = arith.index_cast %add3A_1145 : i32 to index
        %swap3A_1156 = arith.constant 48 : index
        %swap3A_1157 = tpu.vector_load %arg12[%swap3A_1155, %swap3A_1156] {strides = array<i32>} : memref<80x128xf32, #tpu.memory_space<vmem>>, vector<16xf32>,
        tpu.vector_store %arg12[%swap3A_1155, %swap3A_1156], %gather3A_1103 {strides = array<i32>} : memref<80x128xf32, #tpu.memory_space<vmem>>, vector<16xf32>,
        %swap3A_1158 = arith.index_cast %add3A_1145 : i32 to index
        %swap3A_1159 = arith.constant 64 : index
        %swap3A_1160 = tpu.vector_load %arg12[%swap3A_1158, %swap3A_1159] {strides = array<i32>} : memref<80x128xf32, #tpu.memory_space<vmem>>, vector<16xf32>,
        tpu.vector_store %arg12[%swap3A_1158, %swap3A_1159], %gather3A_1105 {strides = array<i32>} : memref<80x128xf32, #tpu.memory_space<vmem>>, vector<16xf32>,
        %swap3A_1161 = arith.index_cast %add3A_1145 : i32 to index
        %swap3A_1162 = arith.constant 80 : index
        %swap3A_1163 = tpu.vector_load %arg12[%swap3A_1161, %swap3A_1162] {strides = array<i32>} : memref<80x128xf32, #tpu.memory_space<vmem>>, vector<16xf32>,
        tpu.vector_store %arg12[%swap3A_1161, %swap3A_1162], %gather3A_1107 {strides = array<i32>} : memref<80x128xf32, #tpu.memory_space<vmem>>, vector<16xf32>,
        %swap3A_1164 = arith.index_cast %add3A_1145 : i32 to index
        %swap3A_1165 = arith.constant 96 : index
        %swap3A_1166 = tpu.vector_load %arg12[%swap3A_1164, %swap3A_1165] {strides = array<i32>} : memref<80x128xf32, #tpu.memory_space<vmem>>, vector<16xf32>,
        tpu.vector_store %arg12[%swap3A_1164, %swap3A_1165], %gather3A_1109 {strides = array<i32>} : memref<80x128xf32, #tpu.memory_space<vmem>>, vector<16xf32>,
        %swap3A_1167 = arith.index_cast %add3A_1145 : i32 to index
        %swap3A_1168 = arith.constant 112 : index
        %swap3A_1169 = tpu.vector_load %arg12[%swap3A_1167, %swap3A_1168] {strides = array<i32>} : memref<80x128xf32, #tpu.memory_space<vmem>>, vector<16xf32>,
        tpu.vector_store %arg12[%swap3A_1167, %swap3A_1168], %gather3A_1111 {strides = array<i32>} : memref<80x128xf32, #tpu.memory_space<vmem>>, vector<16xf32>,
        %mul3A_1170 = arith.constant 10 : i32
        %mul3A_1171 = arith.muli %select_n3A_717, %mul3A_1170 : i32
        %add3A_1172 = arith.addi %mul3A_1171, %scan3A_758 : i32
        %mul3A_1173 = arith.constant 256 : i32
        %mul3A_1174 = arith.muli %add3A_1172, %mul3A_1173 : i32
        %mul3A_1175 = arith.constant 8 : i32
        %mul3A_1176 = arith.muli %sub3A_720, %mul3A_1175 : i32
        %add3A_1177 = arith.addi %mul3A_1174, %mul3A_1176 : i32
        %mul3A_1178 = arith.constant 8 : i32
        %mul3A_1179 = arith.muli %scan3A_758, %mul3A_1178 : i32
        %dma_start3A = arith.constant 0 : i32
        %dma_start3A_1180 = tpu.memref_slice %arg12[%mul3A_1179, %dma_start3A] : memref<80x128xf32, #tpu.memory_space<vmem>> -> memref<8x128xf32, #tpu.memory_space<vmem>>
        %dma_start3A_1181 = arith.constant 0 : i32
        %dma_start3A_1182 = tpu.memref_slice %arg5[%add3A_1177, %dma_start3A_1181] : memref<512000x128xf32, #tpu.memory_space<hbm>> -> memref<8x128xf32, #tpu.memory_space<hbm>>
        %dma_start3A_1183 = arith.constant 0 : i32
        %dma_start3A_1184 = tpu.memref_slice %arg5[%add3A_1177, %dma_start3A_1183] : memref<512000x128xf32, #tpu.memory_space<hbm>> -> memref<8x128xf32, #tpu.memory_space<hbm>>
        %dma_start3A_1185 = arith.constant 0 : i32
        %dma_start3A_1186 = tpu.memref_slice %arg12[%mul3A_1179, %dma_start3A_1185] : memref<80x128xf32, #tpu.memory_space<vmem>> -> memref<8x128xf32, #tpu.memory_space<vmem>>
        tpu.enqueue_dma source(%dma_start3A_1186 : memref<8x128xf32, #tpu.memory_space<vmem>>) target(%dma_start3A_1184 : memref<8x128xf32, #tpu.memory_space<hbm>>) target_semaphore(%arg16 : memref<!tpu.dma_semaphore, #tpu.memory_space<semaphore_mem>>)
        %scan3A_1187 = arith.constant 0 : i32
        scf.yield %scan3A_1187 : i32
      }
      %scan3A_756 = arith.constant 10 : i32
      %scan3A_757 = arith.constant 0 : i32
      scf.yield %scan3A_757 : i32
    }
    %scan3A_15 = arith.constant 50 : i32
    %dma_wait3A = arith.constant 0 : i32
    %dma_wait3A_16 = arith.constant 0 : i32
    %dma_wait3A_17 = tpu.memref_slice %arg9[%dma_wait3A, %dma_wait3A_16] : memref<80x128xf32, #tpu.memory_space<vmem>> -> memref<8x128xf32, #tpu.memory_space<vmem>>
    %dma_wait3A_18 = arith.constant 0 : i32
    %dma_wait3A_19 = arith.constant 0 : i32
    %dma_wait3A_20 = tpu.memref_slice %arg5[%dma_wait3A_18, %dma_wait3A_19] : memref<512000x128xf32, #tpu.memory_space<hbm>> -> memref<8x128xf32, #tpu.memory_space<hbm>>
    %dma_wait3A_21 = arith.constant 0 : i32
    %dma_wait3A_22 = arith.constant 0 : i32
    %dma_wait3A_23 = tpu.memref_slice %arg5[%dma_wait3A_21, %dma_wait3A_22] : memref<512000x128xf32, #tpu.memory_space<hbm>> -> memref<8x128xf32, #tpu.memory_space<hbm>>
    %dma_wait3A_24 = arith.constant 0 : i32
    %dma_wait3A_25 = arith.constant 0 : i32
    %dma_wait3A_26 = tpu.memref_slice %arg9[%dma_wait3A_24, %dma_wait3A_25] : memref<80x128xf32, #tpu.memory_space<vmem>> -> memref<8x128xf32, #tpu.memory_space<vmem>>
    tpu.wait_dma2 semaphore(%arg13 : memref<!tpu.dma_semaphore, #tpu.memory_space<semaphore_mem>>) src(%dma_wait3A_26 : memref<8x128xf32, #tpu.memory_space<vmem>>) dst(%dma_wait3A_23 : memref<8x128xf32, #tpu.memory_space<hbm>>)
    %dma_wait3A_27 = arith.constant 8 : i32
    %dma_wait3A_28 = arith.constant 0 : i32
    %dma_wait3A_29 = tpu.memref_slice %arg9[%dma_wait3A_27, %dma_wait3A_28] : memref<80x128xf32, #tpu.memory_space<vmem>> -> memref<8x128xf32, #tpu.memory_space<vmem>>
    %dma_wait3A_30 = arith.constant 0 : i32
    %dma_wait3A_31 = arith.constant 0 : i32
    %dma_wait3A_32 = tpu.memref_slice %arg5[%dma_wait3A_30, %dma_wait3A_31] : memref<512000x128xf32, #tpu.memory_space<hbm>> -> memref<8x128xf32, #tpu.memory_space<hbm>>
    %dma_wait3A_33 = arith.constant 0 : i32
    %dma_wait3A_34 = arith.constant 0 : i32
    %dma_wait3A_35 = tpu.memref_slice %arg5[%dma_wait3A_33, %dma_wait3A_34] : memref<512000x128xf32, #tpu.memory_space<hbm>> -> memref<8x128xf32, #tpu.memory_space<hbm>>
    %dma_wait3A_36 = arith.constant 8 : i32
    %dma_wait3A_37 = arith.constant 0 : i32
    %dma_wait3A_38 = tpu.memref_slice %arg9[%dma_wait3A_36, %dma_wait3A_37] : memref<80x128xf32, #tpu.memory_space<vmem>> -> memref<8x128xf32, #tpu.memory_space<vmem>>
    tpu.wait_dma2 semaphore(%arg13 : memref<!tpu.dma_semaphore, #tpu.memory_space<semaphore_mem>>) src(%dma_wait3A_38 : memref<8x128xf32, #tpu.memory_space<vmem>>) dst(%dma_wait3A_35 : memref<8x128xf32, #tpu.memory_space<hbm>>)
    %dma_wait3A_39 = arith.constant 16 : i32
    %dma_wait3A_40 = arith.constant 0 : i32
    %dma_wait3A_41 = tpu.memref_slice %arg9[%dma_wait3A_39, %dma_wait3A_40] : memref<80x128xf32, #tpu.memory_space<vmem>> -> memref<8x128xf32, #tpu.memory_space<vmem>>
    %dma_wait3A_42 = arith.constant 0 : i32
    %dma_wait3A_43 = arith.constant 0 : i32
    %dma_wait3A_44 = tpu.memref_slice %arg5[%dma_wait3A_42, %dma_wait3A_43] : memref<512000x128xf32, #tpu.memory_space<hbm>> -> memref<8x128xf32, #tpu.memory_space<hbm>>
    %dma_wait3A_45 = arith.constant 0 : i32
    %dma_wait3A_46 = arith.constant 0 : i32
    %dma_wait3A_47 = tpu.memref_slice %arg5[%dma_wait3A_45, %dma_wait3A_46] : memref<512000x128xf32, #tpu.memory_space<hbm>> -> memref<8x128xf32, #tpu.memory_space<hbm>>
    %dma_wait3A_48 = arith.constant 16 : i32
    %dma_wait3A_49 = arith.constant 0 : i32
    %dma_wait3A_50 = tpu.memref_slice %arg9[%dma_wait3A_48, %dma_wait3A_49] : memref<80x128xf32, #tpu.memory_space<vmem>> -> memref<8x128xf32, #tpu.memory_space<vmem>>
    tpu.wait_dma2 semaphore(%arg13 : memref<!tpu.dma_semaphore, #tpu.memory_space<semaphore_mem>>) src(%dma_wait3A_50 : memref<8x128xf32, #tpu.memory_space<vmem>>) dst(%dma_wait3A_47 : memref<8x128xf32, #tpu.memory_space<hbm>>)
    %dma_wait3A_51 = arith.constant 24 : i32
    %dma_wait3A_52 = arith.constant 0 : i32
    %dma_wait3A_53 = tpu.memref_slice %arg9[%dma_wait3A_51, %dma_wait3A_52] : memref<80x128xf32, #tpu.memory_space<vmem>> -> memref<8x128xf32, #tpu.memory_space<vmem>>
    %dma_wait3A_54 = arith.constant 0 : i32
    %dma_wait3A_55 = arith.constant 0 : i32
    %dma_wait3A_56 = tpu.memref_slice %arg5[%dma_wait3A_54, %dma_wait3A_55] : memref<512000x128xf32, #tpu.memory_space<hbm>> -> memref<8x128xf32, #tpu.memory_space<hbm>>
    %dma_wait3A_57 = arith.constant 0 : i32
    %dma_wait3A_58 = arith.constant 0 : i32
    %dma_wait3A_59 = tpu.memref_slice %arg5[%dma_wait3A_57, %dma_wait3A_58] : memref<512000x128xf32, #tpu.memory_space<hbm>> -> memref<8x128xf32, #tpu.memory_space<hbm>>
    %dma_wait3A_60 = arith.constant 24 : i32
    %dma_wait3A_61 = arith.constant 0 : i32
    %dma_wait3A_62 = tpu.memref_slice %arg9[%dma_wait3A_60, %dma_wait3A_61] : memref<80x128xf32, #tpu.memory_space<vmem>> -> memref<8x128xf32, #tpu.memory_space<vmem>>
    tpu.wait_dma2 semaphore(%arg13 : memref<!tpu.dma_semaphore, #tpu.memory_space<semaphore_mem>>) src(%dma_wait3A_62 : memref<8x128xf32, #tpu.memory_space<vmem>>) dst(%dma_wait3A_59 : memref<8x128xf32, #tpu.memory_space<hbm>>)
    %dma_wait3A_63 = arith.constant 32 : i32
    %dma_wait3A_64 = arith.constant 0 : i32
    %dma_wait3A_65 = tpu.memref_slice %arg9[%dma_wait3A_63, %dma_wait3A_64] : memref<80x128xf32, #tpu.memory_space<vmem>> -> memref<8x128xf32, #tpu.memory_space<vmem>>
    %dma_wait3A_66 = arith.constant 0 : i32
    %dma_wait3A_67 = arith.constant 0 : i32
    %dma_wait3A_68 = tpu.memref_slice %arg5[%dma_wait3A_66, %dma_wait3A_67] : memref<512000x128xf32, #tpu.memory_space<hbm>> -> memref<8x128xf32, #tpu.memory_space<hbm>>
    %dma_wait3A_69 = arith.constant 0 : i32
    %dma_wait3A_70 = arith.constant 0 : i32
    %dma_wait3A_71 = tpu.memref_slice %arg5[%dma_wait3A_69, %dma_wait3A_70] : memref<512000x128xf32, #tpu.memory_space<hbm>> -> memref<8x128xf32, #tpu.memory_space<hbm>>
    %dma_wait3A_72 = arith.constant 32 : i32
    %dma_wait3A_73 = arith.constant 0 : i32
    %dma_wait3A_74 = tpu.memref_slice %arg9[%dma_wait3A_72, %dma_wait3A_73] : memref<80x128xf32, #tpu.memory_space<vmem>> -> memref<8x128xf32, #tpu.memory_space<vmem>>
    tpu.wait_dma2 semaphore(%arg13 : memref<!tpu.dma_semaphore, #tpu.memory_space<semaphore_mem>>) src(%dma_wait3A_74 : memref<8x128xf32, #tpu.memory_space<vmem>>) dst(%dma_wait3A_71 : memref<8x128xf32, #tpu.memory_space<hbm>>)
    %dma_wait3A_75 = arith.constant 40 : i32
    %dma_wait3A_76 = arith.constant 0 : i32
    %dma_wait3A_77 = tpu.memref_slice %arg9[%dma_wait3A_75, %dma_wait3A_76] : memref<80x128xf32, #tpu.memory_space<vmem>> -> memref<8x128xf32, #tpu.memory_space<vmem>>
    %dma_wait3A_78 = arith.constant 0 : i32
    %dma_wait3A_79 = arith.constant 0 : i32
    %dma_wait3A_80 = tpu.memref_slice %arg5[%dma_wait3A_78, %dma_wait3A_79] : memref<512000x128xf32, #tpu.memory_space<hbm>> -> memref<8x128xf32, #tpu.memory_space<hbm>>
    %dma_wait3A_81 = arith.constant 0 : i32
    %dma_wait3A_82 = arith.constant 0 : i32
    %dma_wait3A_83 = tpu.memref_slice %arg5[%dma_wait3A_81, %dma_wait3A_82] : memref<512000x128xf32, #tpu.memory_space<hbm>> -> memref<8x128xf32, #tpu.memory_space<hbm>>
    %dma_wait3A_84 = arith.constant 40 : i32
    %dma_wait3A_85 = arith.constant 0 : i32
    %dma_wait3A_86 = tpu.memref_slice %arg9[%dma_wait3A_84, %dma_wait3A_85] : memref<80x128xf32, #tpu.memory_space<vmem>> -> memref<8x128xf32, #tpu.memory_space<vmem>>
    tpu.wait_dma2 semaphore(%arg13 : memref<!tpu.dma_semaphore, #tpu.memory_space<semaphore_mem>>) src(%dma_wait3A_86 : memref<8x128xf32, #tpu.memory_space<vmem>>) dst(%dma_wait3A_83 : memref<8x128xf32, #tpu.memory_space<hbm>>)
    %dma_wait3A_87 = arith.constant 48 : i32
    %dma_wait3A_88 = arith.constant 0 : i32
    %dma_wait3A_89 = tpu.memref_slice %arg9[%dma_wait3A_87, %dma_wait3A_88] : memref<80x128xf32, #tpu.memory_space<vmem>> -> memref<8x128xf32, #tpu.memory_space<vmem>>
    %dma_wait3A_90 = arith.constant 0 : i32
    %dma_wait3A_91 = arith.constant 0 : i32
    %dma_wait3A_92 = tpu.memref_slice %arg5[%dma_wait3A_90, %dma_wait3A_91] : memref<512000x128xf32, #tpu.memory_space<hbm>> -> memref<8x128xf32, #tpu.memory_space<hbm>>
    %dma_wait3A_93 = arith.constant 0 : i32
    %dma_wait3A_94 = arith.constant 0 : i32
    %dma_wait3A_95 = tpu.memref_slice %arg5[%dma_wait3A_93, %dma_wait3A_94] : memref<512000x128xf32, #tpu.memory_space<hbm>> -> memref<8x128xf32, #tpu.memory_space<hbm>>
    %dma_wait3A_96 = arith.constant 48 : i32
    %dma_wait3A_97 = arith.constant 0 : i32
    %dma_wait3A_98 = tpu.memref_slice %arg9[%dma_wait3A_96, %dma_wait3A_97] : memref<80x128xf32, #tpu.memory_space<vmem>> -> memref<8x128xf32, #tpu.memory_space<vmem>>
    tpu.wait_dma2 semaphore(%arg13 : memref<!tpu.dma_semaphore, #tpu.memory_space<semaphore_mem>>) src(%dma_wait3A_98 : memref<8x128xf32, #tpu.memory_space<vmem>>) dst(%dma_wait3A_95 : memref<8x128xf32, #tpu.memory_space<hbm>>)
    %dma_wait3A_99 = arith.constant 56 : i32
    %dma_wait3A_100 = arith.constant 0 : i32
    %dma_wait3A_101 = tpu.memref_slice %arg9[%dma_wait3A_99, %dma_wait3A_100] : memref<80x128xf32, #tpu.memory_space<vmem>> -> memref<8x128xf32, #tpu.memory_space<vmem>>
    %dma_wait3A_102 = arith.constant 0 : i32
    %dma_wait3A_103 = arith.constant 0 : i32
    %dma_wait3A_104 = tpu.memref_slice %arg5[%dma_wait3A_102, %dma_wait3A_103] : memref<512000x128xf32, #tpu.memory_space<hbm>> -> memref<8x128xf32, #tpu.memory_space<hbm>>
    %dma_wait3A_105 = arith.constant 0 : i32
    %dma_wait3A_106 = arith.constant 0 : i32
    %dma_wait3A_107 = tpu.memref_slice %arg5[%dma_wait3A_105, %dma_wait3A_106] : memref<512000x128xf32, #tpu.memory_space<hbm>> -> memref<8x128xf32, #tpu.memory_space<hbm>>
    %dma_wait3A_108 = arith.constant 56 : i32
    %dma_wait3A_109 = arith.constant 0 : i32
    %dma_wait3A_110 = tpu.memref_slice %arg9[%dma_wait3A_108, %dma_wait3A_109] : memref<80x128xf32, #tpu.memory_space<vmem>> -> memref<8x128xf32, #tpu.memory_space<vmem>>
    tpu.wait_dma2 semaphore(%arg13 : memref<!tpu.dma_semaphore, #tpu.memory_space<semaphore_mem>>) src(%dma_wait3A_110 : memref<8x128xf32, #tpu.memory_space<vmem>>) dst(%dma_wait3A_107 : memref<8x128xf32, #tpu.memory_space<hbm>>)
    %dma_wait3A_111 = arith.constant 64 : i32
    %dma_wait3A_112 = arith.constant 0 : i32
    %dma_wait3A_113 = tpu.memref_slice %arg9[%dma_wait3A_111, %dma_wait3A_112] : memref<80x128xf32, #tpu.memory_space<vmem>> -> memref<8x128xf32, #tpu.memory_space<vmem>>
    %dma_wait3A_114 = arith.constant 0 : i32
    %dma_wait3A_115 = arith.constant 0 : i32
    %dma_wait3A_116 = tpu.memref_slice %arg5[%dma_wait3A_114, %dma_wait3A_115] : memref<512000x128xf32, #tpu.memory_space<hbm>> -> memref<8x128xf32, #tpu.memory_space<hbm>>
    %dma_wait3A_117 = arith.constant 0 : i32
    %dma_wait3A_118 = arith.constant 0 : i32
    %dma_wait3A_119 = tpu.memref_slice %arg5[%dma_wait3A_117, %dma_wait3A_118] : memref<512000x128xf32, #tpu.memory_space<hbm>> -> memref<8x128xf32, #tpu.memory_space<hbm>>
    %dma_wait3A_120 = arith.constant 64 : i32
    %dma_wait3A_121 = arith.constant 0 : i32
    %dma_wait3A_122 = tpu.memref_slice %arg9[%dma_wait3A_120, %dma_wait3A_121] : memref<80x128xf32, #tpu.memory_space<vmem>> -> memref<8x128xf32, #tpu.memory_space<vmem>>
    tpu.wait_dma2 semaphore(%arg13 : memref<!tpu.dma_semaphore, #tpu.memory_space<semaphore_mem>>) src(%dma_wait3A_122 : memref<8x128xf32, #tpu.memory_space<vmem>>) dst(%dma_wait3A_119 : memref<8x128xf32, #tpu.memory_space<hbm>>)
    %dma_wait3A_123 = arith.constant 72 : i32
    %dma_wait3A_124 = arith.constant 0 : i32
    %dma_wait3A_125 = tpu.memref_slice %arg9[%dma_wait3A_123, %dma_wait3A_124] : memref<80x128xf32, #tpu.memory_space<vmem>> -> memref<8x128xf32, #tpu.memory_space<vmem>>
    %dma_wait3A_126 = arith.constant 0 : i32
    %dma_wait3A_127 = arith.constant 0 : i32
    %dma_wait3A_128 = tpu.memref_slice %arg5[%dma_wait3A_126, %dma_wait3A_127] : memref<512000x128xf32, #tpu.memory_space<hbm>> -> memref<8x128xf32, #tpu.memory_space<hbm>>
    %dma_wait3A_129 = arith.constant 0 : i32
    %dma_wait3A_130 = arith.constant 0 : i32
    %dma_wait3A_131 = tpu.memref_slice %arg5[%dma_wait3A_129, %dma_wait3A_130] : memref<512000x128xf32, #tpu.memory_space<hbm>> -> memref<8x128xf32, #tpu.memory_space<hbm>>
    %dma_wait3A_132 = arith.constant 72 : i32
    %dma_wait3A_133 = arith.constant 0 : i32
    %dma_wait3A_134 = tpu.memref_slice %arg9[%dma_wait3A_132, %dma_wait3A_133] : memref<80x128xf32, #tpu.memory_space<vmem>> -> memref<8x128xf32, #tpu.memory_space<vmem>>
    tpu.wait_dma2 semaphore(%arg13 : memref<!tpu.dma_semaphore, #tpu.memory_space<semaphore_mem>>) src(%dma_wait3A_134 : memref<8x128xf32, #tpu.memory_space<vmem>>) dst(%dma_wait3A_131 : memref<8x128xf32, #tpu.memory_space<hbm>>)
    %dma_wait3A_135 = arith.constant 0 : i32
    %dma_wait3A_136 = arith.constant 0 : i32
    %dma_wait3A_137 = tpu.memref_slice %arg10[%dma_wait3A_135, %dma_wait3A_136] : memref<80x128xf32, #tpu.memory_space<vmem>> -> memref<8x128xf32, #tpu.memory_space<vmem>>
    %dma_wait3A_138 = arith.constant 0 : i32
    %dma_wait3A_139 = arith.constant 0 : i32
    %dma_wait3A_140 = tpu.memref_slice %arg5[%dma_wait3A_138, %dma_wait3A_139] : memref<512000x128xf32, #tpu.memory_space<hbm>> -> memref<8x128xf32, #tpu.memory_space<hbm>>
    %dma_wait3A_141 = arith.constant 0 : i32
    %dma_wait3A_142 = arith.constant 0 : i32
    %dma_wait3A_143 = tpu.memref_slice %arg5[%dma_wait3A_141, %dma_wait3A_142] : memref<512000x128xf32, #tpu.memory_space<hbm>> -> memref<8x128xf32, #tpu.memory_space<hbm>>
    %dma_wait3A_144 = arith.constant 0 : i32
    %dma_wait3A_145 = arith.constant 0 : i32
    %dma_wait3A_146 = tpu.memref_slice %arg10[%dma_wait3A_144, %dma_wait3A_145] : memref<80x128xf32, #tpu.memory_space<vmem>> -> memref<8x128xf32, #tpu.memory_space<vmem>>
    tpu.wait_dma2 semaphore(%arg14 : memref<!tpu.dma_semaphore, #tpu.memory_space<semaphore_mem>>) src(%dma_wait3A_146 : memref<8x128xf32, #tpu.memory_space<vmem>>) dst(%dma_wait3A_143 : memref<8x128xf32, #tpu.memory_space<hbm>>)
    %dma_wait3A_147 = arith.constant 8 : i32
    %dma_wait3A_148 = arith.constant 0 : i32
    %dma_wait3A_149 = tpu.memref_slice %arg10[%dma_wait3A_147, %dma_wait3A_148] : memref<80x128xf32, #tpu.memory_space<vmem>> -> memref<8x128xf32, #tpu.memory_space<vmem>>
    %dma_wait3A_150 = arith.constant 0 : i32
    %dma_wait3A_151 = arith.constant 0 : i32
    %dma_wait3A_152 = tpu.memref_slice %arg5[%dma_wait3A_150, %dma_wait3A_151] : memref<512000x128xf32, #tpu.memory_space<hbm>> -> memref<8x128xf32, #tpu.memory_space<hbm>>
    %dma_wait3A_153 = arith.constant 0 : i32
    %dma_wait3A_154 = arith.constant 0 : i32
    %dma_wait3A_155 = tpu.memref_slice %arg5[%dma_wait3A_153, %dma_wait3A_154] : memref<512000x128xf32, #tpu.memory_space<hbm>> -> memref<8x128xf32, #tpu.memory_space<hbm>>
    %dma_wait3A_156 = arith.constant 8 : i32
    %dma_wait3A_157 = arith.constant 0 : i32
    %dma_wait3A_158 = tpu.memref_slice %arg10[%dma_wait3A_156, %dma_wait3A_157] : memref<80x128xf32, #tpu.memory_space<vmem>> -> memref<8x128xf32, #tpu.memory_space<vmem>>
    tpu.wait_dma2 semaphore(%arg14 : memref<!tpu.dma_semaphore, #tpu.memory_space<semaphore_mem>>) src(%dma_wait3A_158 : memref<8x128xf32, #tpu.memory_space<vmem>>) dst(%dma_wait3A_155 : memref<8x128xf32, #tpu.memory_space<hbm>>)
    %dma_wait3A_159 = arith.constant 16 : i32
    %dma_wait3A_160 = arith.constant 0 : i32
    %dma_wait3A_161 = tpu.memref_slice %arg10[%dma_wait3A_159, %dma_wait3A_160] : memref<80x128xf32, #tpu.memory_space<vmem>> -> memref<8x128xf32, #tpu.memory_space<vmem>>
    %dma_wait3A_162 = arith.constant 0 : i32
    %dma_wait3A_163 = arith.constant 0 : i32
    %dma_wait3A_164 = tpu.memref_slice %arg5[%dma_wait3A_162, %dma_wait3A_163] : memref<512000x128xf32, #tpu.memory_space<hbm>> -> memref<8x128xf32, #tpu.memory_space<hbm>>
    %dma_wait3A_165 = arith.constant 0 : i32
    %dma_wait3A_166 = arith.constant 0 : i32
    %dma_wait3A_167 = tpu.memref_slice %arg5[%dma_wait3A_165, %dma_wait3A_166] : memref<512000x128xf32, #tpu.memory_space<hbm>> -> memref<8x128xf32, #tpu.memory_space<hbm>>
    %dma_wait3A_168 = arith.constant 16 : i32
    %dma_wait3A_169 = arith.constant 0 : i32
    %dma_wait3A_170 = tpu.memref_slice %arg10[%dma_wait3A_168, %dma_wait3A_169] : memref<80x128xf32, #tpu.memory_space<vmem>> -> memref<8x128xf32, #tpu.memory_space<vmem>>
    tpu.wait_dma2 semaphore(%arg14 : memref<!tpu.dma_semaphore, #tpu.memory_space<semaphore_mem>>) src(%dma_wait3A_170 : memref<8x128xf32, #tpu.memory_space<vmem>>) dst(%dma_wait3A_167 : memref<8x128xf32, #tpu.memory_space<hbm>>)
    %dma_wait3A_171 = arith.constant 24 : i32
    %dma_wait3A_172 = arith.constant 0 : i32
    %dma_wait3A_173 = tpu.memref_slice %arg10[%dma_wait3A_171, %dma_wait3A_172] : memref<80x128xf32, #tpu.memory_space<vmem>> -> memref<8x128xf32, #tpu.memory_space<vmem>>
    %dma_wait3A_174 = arith.constant 0 : i32
    %dma_wait3A_175 = arith.constant 0 : i32
    %dma_wait3A_176 = tpu.memref_slice %arg5[%dma_wait3A_174, %dma_wait3A_175] : memref<512000x128xf32, #tpu.memory_space<hbm>> -> memref<8x128xf32, #tpu.memory_space<hbm>>
    %dma_wait3A_177 = arith.constant 0 : i32
    %dma_wait3A_178 = arith.constant 0 : i32
    %dma_wait3A_179 = tpu.memref_slice %arg5[%dma_wait3A_177, %dma_wait3A_178] : memref<512000x128xf32, #tpu.memory_space<hbm>> -> memref<8x128xf32, #tpu.memory_space<hbm>>
    %dma_wait3A_180 = arith.constant 24 : i32
    %dma_wait3A_181 = arith.constant 0 : i32
    %dma_wait3A_182 = tpu.memref_slice %arg10[%dma_wait3A_180, %dma_wait3A_181] : memref<80x128xf32, #tpu.memory_space<vmem>> -> memref<8x128xf32, #tpu.memory_space<vmem>>
    tpu.wait_dma2 semaphore(%arg14 : memref<!tpu.dma_semaphore, #tpu.memory_space<semaphore_mem>>) src(%dma_wait3A_182 : memref<8x128xf32, #tpu.memory_space<vmem>>) dst(%dma_wait3A_179 : memref<8x128xf32, #tpu.memory_space<hbm>>)
    %dma_wait3A_183 = arith.constant 32 : i32
    %dma_wait3A_184 = arith.constant 0 : i32
    %dma_wait3A_185 = tpu.memref_slice %arg10[%dma_wait3A_183, %dma_wait3A_184] : memref<80x128xf32, #tpu.memory_space<vmem>> -> memref<8x128xf32, #tpu.memory_space<vmem>>
    %dma_wait3A_186 = arith.constant 0 : i32
    %dma_wait3A_187 = arith.constant 0 : i32
    %dma_wait3A_188 = tpu.memref_slice %arg5[%dma_wait3A_186, %dma_wait3A_187] : memref<512000x128xf32, #tpu.memory_space<hbm>> -> memref<8x128xf32, #tpu.memory_space<hbm>>
    %dma_wait3A_189 = arith.constant 0 : i32
    %dma_wait3A_190 = arith.constant 0 : i32
    %dma_wait3A_191 = tpu.memref_slice %arg5[%dma_wait3A_189, %dma_wait3A_190] : memref<512000x128xf32, #tpu.memory_space<hbm>> -> memref<8x128xf32, #tpu.memory_space<hbm>>
    %dma_wait3A_192 = arith.constant 32 : i32
    %dma_wait3A_193 = arith.constant 0 : i32
    %dma_wait3A_194 = tpu.memref_slice %arg10[%dma_wait3A_192, %dma_wait3A_193] : memref<80x128xf32, #tpu.memory_space<vmem>> -> memref<8x128xf32, #tpu.memory_space<vmem>>
    tpu.wait_dma2 semaphore(%arg14 : memref<!tpu.dma_semaphore, #tpu.memory_space<semaphore_mem>>) src(%dma_wait3A_194 : memref<8x128xf32, #tpu.memory_space<vmem>>) dst(%dma_wait3A_191 : memref<8x128xf32, #tpu.memory_space<hbm>>)
    %dma_wait3A_195 = arith.constant 40 : i32
    %dma_wait3A_196 = arith.constant 0 : i32
    %dma_wait3A_197 = tpu.memref_slice %arg10[%dma_wait3A_195, %dma_wait3A_196] : memref<80x128xf32, #tpu.memory_space<vmem>> -> memref<8x128xf32, #tpu.memory_space<vmem>>
    %dma_wait3A_198 = arith.constant 0 : i32
    %dma_wait3A_199 = arith.constant 0 : i32
    %dma_wait3A_200 = tpu.memref_slice %arg5[%dma_wait3A_198, %dma_wait3A_199] : memref<512000x128xf32, #tpu.memory_space<hbm>> -> memref<8x128xf32, #tpu.memory_space<hbm>>
    %dma_wait3A_201 = arith.constant 0 : i32
    %dma_wait3A_202 = arith.constant 0 : i32
    %dma_wait3A_203 = tpu.memref_slice %arg5[%dma_wait3A_201, %dma_wait3A_202] : memref<512000x128xf32, #tpu.memory_space<hbm>> -> memref<8x128xf32, #tpu.memory_space<hbm>>
    %dma_wait3A_204 = arith.constant 40 : i32
    %dma_wait3A_205 = arith.constant 0 : i32
    %dma_wait3A_206 = tpu.memref_slice %arg10[%dma_wait3A_204, %dma_wait3A_205] : memref<80x128xf32, #tpu.memory_space<vmem>> -> memref<8x128xf32, #tpu.memory_space<vmem>>
    tpu.wait_dma2 semaphore(%arg14 : memref<!tpu.dma_semaphore, #tpu.memory_space<semaphore_mem>>) src(%dma_wait3A_206 : memref<8x128xf32, #tpu.memory_space<vmem>>) dst(%dma_wait3A_203 : memref<8x128xf32, #tpu.memory_space<hbm>>)
    %dma_wait3A_207 = arith.constant 48 : i32
    %dma_wait3A_208 = arith.constant 0 : i32
    %dma_wait3A_209 = tpu.memref_slice %arg10[%dma_wait3A_207, %dma_wait3A_208] : memref<80x128xf32, #tpu.memory_space<vmem>> -> memref<8x128xf32, #tpu.memory_space<vmem>>
    %dma_wait3A_210 = arith.constant 0 : i32
    %dma_wait3A_211 = arith.constant 0 : i32
    %dma_wait3A_212 = tpu.memref_slice %arg5[%dma_wait3A_210, %dma_wait3A_211] : memref<512000x128xf32, #tpu.memory_space<hbm>> -> memref<8x128xf32, #tpu.memory_space<hbm>>
    %dma_wait3A_213 = arith.constant 0 : i32
    %dma_wait3A_214 = arith.constant 0 : i32
    %dma_wait3A_215 = tpu.memref_slice %arg5[%dma_wait3A_213, %dma_wait3A_214] : memref<512000x128xf32, #tpu.memory_space<hbm>> -> memref<8x128xf32, #tpu.memory_space<hbm>>
    %dma_wait3A_216 = arith.constant 48 : i32
    %dma_wait3A_217 = arith.constant 0 : i32
    %dma_wait3A_218 = tpu.memref_slice %arg10[%dma_wait3A_216, %dma_wait3A_217] : memref<80x128xf32, #tpu.memory_space<vmem>> -> memref<8x128xf32, #tpu.memory_space<vmem>>
    tpu.wait_dma2 semaphore(%arg14 : memref<!tpu.dma_semaphore, #tpu.memory_space<semaphore_mem>>) src(%dma_wait3A_218 : memref<8x128xf32, #tpu.memory_space<vmem>>) dst(%dma_wait3A_215 : memref<8x128xf32, #tpu.memory_space<hbm>>)
    %dma_wait3A_219 = arith.constant 56 : i32
    %dma_wait3A_220 = arith.constant 0 : i32
    %dma_wait3A_221 = tpu.memref_slice %arg10[%dma_wait3A_219, %dma_wait3A_220] : memref<80x128xf32, #tpu.memory_space<vmem>> -> memref<8x128xf32, #tpu.memory_space<vmem>>
    %dma_wait3A_222 = arith.constant 0 : i32
    %dma_wait3A_223 = arith.constant 0 : i32
    %dma_wait3A_224 = tpu.memref_slice %arg5[%dma_wait3A_222, %dma_wait3A_223] : memref<512000x128xf32, #tpu.memory_space<hbm>> -> memref<8x128xf32, #tpu.memory_space<hbm>>
    %dma_wait3A_225 = arith.constant 0 : i32
    %dma_wait3A_226 = arith.constant 0 : i32
    %dma_wait3A_227 = tpu.memref_slice %arg5[%dma_wait3A_225, %dma_wait3A_226] : memref<512000x128xf32, #tpu.memory_space<hbm>> -> memref<8x128xf32, #tpu.memory_space<hbm>>
    %dma_wait3A_228 = arith.constant 56 : i32
    %dma_wait3A_229 = arith.constant 0 : i32
    %dma_wait3A_230 = tpu.memref_slice %arg10[%dma_wait3A_228, %dma_wait3A_229] : memref<80x128xf32, #tpu.memory_space<vmem>> -> memref<8x128xf32, #tpu.memory_space<vmem>>
    tpu.wait_dma2 semaphore(%arg14 : memref<!tpu.dma_semaphore, #tpu.memory_space<semaphore_mem>>) src(%dma_wait3A_230 : memref<8x128xf32, #tpu.memory_space<vmem>>) dst(%dma_wait3A_227 : memref<8x128xf32, #tpu.memory_space<hbm>>)
    %dma_wait3A_231 = arith.constant 64 : i32
    %dma_wait3A_232 = arith.constant 0 : i32
    %dma_wait3A_233 = tpu.memref_slice %arg10[%dma_wait3A_231, %dma_wait3A_232] : memref<80x128xf32, #tpu.memory_space<vmem>> -> memref<8x128xf32, #tpu.memory_space<vmem>>
    %dma_wait3A_234 = arith.constant 0 : i32
    %dma_wait3A_235 = arith.constant 0 : i32
    %dma_wait3A_236 = tpu.memref_slice %arg5[%dma_wait3A_234, %dma_wait3A_235] : memref<512000x128xf32, #tpu.memory_space<hbm>> -> memref<8x128xf32, #tpu.memory_space<hbm>>
    %dma_wait3A_237 = arith.constant 0 : i32
    %dma_wait3A_238 = arith.constant 0 : i32
    %dma_wait3A_239 = tpu.memref_slice %arg5[%dma_wait3A_237, %dma_wait3A_238] : memref<512000x128xf32, #tpu.memory_space<hbm>> -> memref<8x128xf32, #tpu.memory_space<hbm>>
    %dma_wait3A_240 = arith.constant 64 : i32
    %dma_wait3A_241 = arith.constant 0 : i32
    %dma_wait3A_242 = tpu.memref_slice %arg10[%dma_wait3A_240, %dma_wait3A_241] : memref<80x128xf32, #tpu.memory_space<vmem>> -> memref<8x128xf32, #tpu.memory_space<vmem>>
    tpu.wait_dma2 semaphore(%arg14 : memref<!tpu.dma_semaphore, #tpu.memory_space<semaphore_mem>>) src(%dma_wait3A_242 : memref<8x128xf32, #tpu.memory_space<vmem>>) dst(%dma_wait3A_239 : memref<8x128xf32, #tpu.memory_space<hbm>>)
    %dma_wait3A_243 = arith.constant 72 : i32
    %dma_wait3A_244 = arith.constant 0 : i32
    %dma_wait3A_245 = tpu.memref_slice %arg10[%dma_wait3A_243, %dma_wait3A_244] : memref<80x128xf32, #tpu.memory_space<vmem>> -> memref<8x128xf32, #tpu.memory_space<vmem>>
    %dma_wait3A_246 = arith.constant 0 : i32
    %dma_wait3A_247 = arith.constant 0 : i32
    %dma_wait3A_248 = tpu.memref_slice %arg5[%dma_wait3A_246, %dma_wait3A_247] : memref<512000x128xf32, #tpu.memory_space<hbm>> -> memref<8x128xf32, #tpu.memory_space<hbm>>
    %dma_wait3A_249 = arith.constant 0 : i32
    %dma_wait3A_250 = arith.constant 0 : i32
    %dma_wait3A_251 = tpu.memref_slice %arg5[%dma_wait3A_249, %dma_wait3A_250] : memref<512000x128xf32, #tpu.memory_space<hbm>> -> memref<8x128xf32, #tpu.memory_space<hbm>>
    %dma_wait3A_252 = arith.constant 72 : i32
    %dma_wait3A_253 = arith.constant 0 : i32
    %dma_wait3A_254 = tpu.memref_slice %arg10[%dma_wait3A_252, %dma_wait3A_253] : memref<80x128xf32, #tpu.memory_space<vmem>> -> memref<8x128xf32, #tpu.memory_space<vmem>>
    tpu.wait_dma2 semaphore(%arg14 : memref<!tpu.dma_semaphore, #tpu.memory_space<semaphore_mem>>) src(%dma_wait3A_254 : memref<8x128xf32, #tpu.memory_space<vmem>>) dst(%dma_wait3A_251 : memref<8x128xf32, #tpu.memory_space<hbm>>)
    %dma_wait3A_255 = arith.constant 0 : i32
    %dma_wait3A_256 = arith.constant 0 : i32
    %dma_wait3A_257 = tpu.memref_slice %arg11[%dma_wait3A_255, %dma_wait3A_256] : memref<80x128xf32, #tpu.memory_space<vmem>> -> memref<8x128xf32, #tpu.memory_space<vmem>>
    %dma_wait3A_258 = arith.constant 0 : i32
    %dma_wait3A_259 = arith.constant 0 : i32
    %dma_wait3A_260 = tpu.memref_slice %arg5[%dma_wait3A_258, %dma_wait3A_259] : memref<512000x128xf32, #tpu.memory_space<hbm>> -> memref<8x128xf32, #tpu.memory_space<hbm>>
    %dma_wait3A_261 = arith.constant 0 : i32
    %dma_wait3A_262 = arith.constant 0 : i32
    %dma_wait3A_263 = tpu.memref_slice %arg5[%dma_wait3A_261, %dma_wait3A_262] : memref<512000x128xf32, #tpu.memory_space<hbm>> -> memref<8x128xf32, #tpu.memory_space<hbm>>
    %dma_wait3A_264 = arith.constant 0 : i32
    %dma_wait3A_265 = arith.constant 0 : i32
    %dma_wait3A_266 = tpu.memref_slice %arg11[%dma_wait3A_264, %dma_wait3A_265] : memref<80x128xf32, #tpu.memory_space<vmem>> -> memref<8x128xf32, #tpu.memory_space<vmem>>
    tpu.wait_dma2 semaphore(%arg15 : memref<!tpu.dma_semaphore, #tpu.memory_space<semaphore_mem>>) src(%dma_wait3A_266 : memref<8x128xf32, #tpu.memory_space<vmem>>) dst(%dma_wait3A_263 : memref<8x128xf32, #tpu.memory_space<hbm>>)
    %dma_wait3A_267 = arith.constant 8 : i32
    %dma_wait3A_268 = arith.constant 0 : i32
    %dma_wait3A_269 = tpu.memref_slice %arg11[%dma_wait3A_267, %dma_wait3A_268] : memref<80x128xf32, #tpu.memory_space<vmem>> -> memref<8x128xf32, #tpu.memory_space<vmem>>
    %dma_wait3A_270 = arith.constant 0 : i32
    %dma_wait3A_271 = arith.constant 0 : i32
    %dma_wait3A_272 = tpu.memref_slice %arg5[%dma_wait3A_270, %dma_wait3A_271] : memref<512000x128xf32, #tpu.memory_space<hbm>> -> memref<8x128xf32, #tpu.memory_space<hbm>>
    %dma_wait3A_273 = arith.constant 0 : i32
    %dma_wait3A_274 = arith.constant 0 : i32
    %dma_wait3A_275 = tpu.memref_slice %arg5[%dma_wait3A_273, %dma_wait3A_274] : memref<512000x128xf32, #tpu.memory_space<hbm>> -> memref<8x128xf32, #tpu.memory_space<hbm>>
    %dma_wait3A_276 = arith.constant 8 : i32
    %dma_wait3A_277 = arith.constant 0 : i32
    %dma_wait3A_278 = tpu.memref_slice %arg11[%dma_wait3A_276, %dma_wait3A_277] : memref<80x128xf32, #tpu.memory_space<vmem>> -> memref<8x128xf32, #tpu.memory_space<vmem>>
    tpu.wait_dma2 semaphore(%arg15 : memref<!tpu.dma_semaphore, #tpu.memory_space<semaphore_mem>>) src(%dma_wait3A_278 : memref<8x128xf32, #tpu.memory_space<vmem>>) dst(%dma_wait3A_275 : memref<8x128xf32, #tpu.memory_space<hbm>>)
    %dma_wait3A_279 = arith.constant 16 : i32
    %dma_wait3A_280 = arith.constant 0 : i32
    %dma_wait3A_281 = tpu.memref_slice %arg11[%dma_wait3A_279, %dma_wait3A_280] : memref<80x128xf32, #tpu.memory_space<vmem>> -> memref<8x128xf32, #tpu.memory_space<vmem>>
    %dma_wait3A_282 = arith.constant 0 : i32
    %dma_wait3A_283 = arith.constant 0 : i32
    %dma_wait3A_284 = tpu.memref_slice %arg5[%dma_wait3A_282, %dma_wait3A_283] : memref<512000x128xf32, #tpu.memory_space<hbm>> -> memref<8x128xf32, #tpu.memory_space<hbm>>
    %dma_wait3A_285 = arith.constant 0 : i32
    %dma_wait3A_286 = arith.constant 0 : i32
    %dma_wait3A_287 = tpu.memref_slice %arg5[%dma_wait3A_285, %dma_wait3A_286] : memref<512000x128xf32, #tpu.memory_space<hbm>> -> memref<8x128xf32, #tpu.memory_space<hbm>>
    %dma_wait3A_288 = arith.constant 16 : i32
    %dma_wait3A_289 = arith.constant 0 : i32
    %dma_wait3A_290 = tpu.memref_slice %arg11[%dma_wait3A_288, %dma_wait3A_289] : memref<80x128xf32, #tpu.memory_space<vmem>> -> memref<8x128xf32, #tpu.memory_space<vmem>>
    tpu.wait_dma2 semaphore(%arg15 : memref<!tpu.dma_semaphore, #tpu.memory_space<semaphore_mem>>) src(%dma_wait3A_290 : memref<8x128xf32, #tpu.memory_space<vmem>>) dst(%dma_wait3A_287 : memref<8x128xf32, #tpu.memory_space<hbm>>)
    %dma_wait3A_291 = arith.constant 24 : i32
    %dma_wait3A_292 = arith.constant 0 : i32
    %dma_wait3A_293 = tpu.memref_slice %arg11[%dma_wait3A_291, %dma_wait3A_292] : memref<80x128xf32, #tpu.memory_space<vmem>> -> memref<8x128xf32, #tpu.memory_space<vmem>>
    %dma_wait3A_294 = arith.constant 0 : i32
    %dma_wait3A_295 = arith.constant 0 : i32
    %dma_wait3A_296 = tpu.memref_slice %arg5[%dma_wait3A_294, %dma_wait3A_295] : memref<512000x128xf32, #tpu.memory_space<hbm>> -> memref<8x128xf32, #tpu.memory_space<hbm>>
    %dma_wait3A_297 = arith.constant 0 : i32
    %dma_wait3A_298 = arith.constant 0 : i32
    %dma_wait3A_299 = tpu.memref_slice %arg5[%dma_wait3A_297, %dma_wait3A_298] : memref<512000x128xf32, #tpu.memory_space<hbm>> -> memref<8x128xf32, #tpu.memory_space<hbm>>
    %dma_wait3A_300 = arith.constant 24 : i32
    %dma_wait3A_301 = arith.constant 0 : i32
    %dma_wait3A_302 = tpu.memref_slice %arg11[%dma_wait3A_300, %dma_wait3A_301] : memref<80x128xf32, #tpu.memory_space<vmem>> -> memref<8x128xf32, #tpu.memory_space<vmem>>
    tpu.wait_dma2 semaphore(%arg15 : memref<!tpu.dma_semaphore, #tpu.memory_space<semaphore_mem>>) src(%dma_wait3A_302 : memref<8x128xf32, #tpu.memory_space<vmem>>) dst(%dma_wait3A_299 : memref<8x128xf32, #tpu.memory_space<hbm>>)
    %dma_wait3A_303 = arith.constant 32 : i32
    %dma_wait3A_304 = arith.constant 0 : i32
    %dma_wait3A_305 = tpu.memref_slice %arg11[%dma_wait3A_303, %dma_wait3A_304] : memref<80x128xf32, #tpu.memory_space<vmem>> -> memref<8x128xf32, #tpu.memory_space<vmem>>
    %dma_wait3A_306 = arith.constant 0 : i32
    %dma_wait3A_307 = arith.constant 0 : i32
    %dma_wait3A_308 = tpu.memref_slice %arg5[%dma_wait3A_306, %dma_wait3A_307] : memref<512000x128xf32, #tpu.memory_space<hbm>> -> memref<8x128xf32, #tpu.memory_space<hbm>>
    %dma_wait3A_309 = arith.constant 0 : i32
    %dma_wait3A_310 = arith.constant 0 : i32
    %dma_wait3A_311 = tpu.memref_slice %arg5[%dma_wait3A_309, %dma_wait3A_310] : memref<512000x128xf32, #tpu.memory_space<hbm>> -> memref<8x128xf32, #tpu.memory_space<hbm>>
    %dma_wait3A_312 = arith.constant 32 : i32
    %dma_wait3A_313 = arith.constant 0 : i32
    %dma_wait3A_314 = tpu.memref_slice %arg11[%dma_wait3A_312, %dma_wait3A_313] : memref<80x128xf32, #tpu.memory_space<vmem>> -> memref<8x128xf32, #tpu.memory_space<vmem>>
    tpu.wait_dma2 semaphore(%arg15 : memref<!tpu.dma_semaphore, #tpu.memory_space<semaphore_mem>>) src(%dma_wait3A_314 : memref<8x128xf32, #tpu.memory_space<vmem>>) dst(%dma_wait3A_311 : memref<8x128xf32, #tpu.memory_space<hbm>>)
    %dma_wait3A_315 = arith.constant 40 : i32
    %dma_wait3A_316 = arith.constant 0 : i32
    %dma_wait3A_317 = tpu.memref_slice %arg11[%dma_wait3A_315, %dma_wait3A_316] : memref<80x128xf32, #tpu.memory_space<vmem>> -> memref<8x128xf32, #tpu.memory_space<vmem>>
    %dma_wait3A_318 = arith.constant 0 : i32
    %dma_wait3A_319 = arith.constant 0 : i32
    %dma_wait3A_320 = tpu.memref_slice %arg5[%dma_wait3A_318, %dma_wait3A_319] : memref<512000x128xf32, #tpu.memory_space<hbm>> -> memref<8x128xf32, #tpu.memory_space<hbm>>
    %dma_wait3A_321 = arith.constant 0 : i32
    %dma_wait3A_322 = arith.constant 0 : i32
    %dma_wait3A_323 = tpu.memref_slice %arg5[%dma_wait3A_321, %dma_wait3A_322] : memref<512000x128xf32, #tpu.memory_space<hbm>> -> memref<8x128xf32, #tpu.memory_space<hbm>>
    %dma_wait3A_324 = arith.constant 40 : i32
    %dma_wait3A_325 = arith.constant 0 : i32
    %dma_wait3A_326 = tpu.memref_slice %arg11[%dma_wait3A_324, %dma_wait3A_325] : memref<80x128xf32, #tpu.memory_space<vmem>> -> memref<8x128xf32, #tpu.memory_space<vmem>>
    tpu.wait_dma2 semaphore(%arg15 : memref<!tpu.dma_semaphore, #tpu.memory_space<semaphore_mem>>) src(%dma_wait3A_326 : memref<8x128xf32, #tpu.memory_space<vmem>>) dst(%dma_wait3A_323 : memref<8x128xf32, #tpu.memory_space<hbm>>)
    %dma_wait3A_327 = arith.constant 48 : i32
    %dma_wait3A_328 = arith.constant 0 : i32
    %dma_wait3A_329 = tpu.memref_slice %arg11[%dma_wait3A_327, %dma_wait3A_328] : memref<80x128xf32, #tpu.memory_space<vmem>> -> memref<8x128xf32, #tpu.memory_space<vmem>>
    %dma_wait3A_330 = arith.constant 0 : i32
    %dma_wait3A_331 = arith.constant 0 : i32
    %dma_wait3A_332 = tpu.memref_slice %arg5[%dma_wait3A_330, %dma_wait3A_331] : memref<512000x128xf32, #tpu.memory_space<hbm>> -> memref<8x128xf32, #tpu.memory_space<hbm>>
    %dma_wait3A_333 = arith.constant 0 : i32
    %dma_wait3A_334 = arith.constant 0 : i32
    %dma_wait3A_335 = tpu.memref_slice %arg5[%dma_wait3A_333, %dma_wait3A_334] : memref<512000x128xf32, #tpu.memory_space<hbm>> -> memref<8x128xf32, #tpu.memory_space<hbm>>
    %dma_wait3A_336 = arith.constant 48 : i32
    %dma_wait3A_337 = arith.constant 0 : i32
    %dma_wait3A_338 = tpu.memref_slice %arg11[%dma_wait3A_336, %dma_wait3A_337] : memref<80x128xf32, #tpu.memory_space<vmem>> -> memref<8x128xf32, #tpu.memory_space<vmem>>
    tpu.wait_dma2 semaphore(%arg15 : memref<!tpu.dma_semaphore, #tpu.memory_space<semaphore_mem>>) src(%dma_wait3A_338 : memref<8x128xf32, #tpu.memory_space<vmem>>) dst(%dma_wait3A_335 : memref<8x128xf32, #tpu.memory_space<hbm>>)
    %dma_wait3A_339 = arith.constant 56 : i32
    %dma_wait3A_340 = arith.constant 0 : i32
    %dma_wait3A_341 = tpu.memref_slice %arg11[%dma_wait3A_339, %dma_wait3A_340] : memref<80x128xf32, #tpu.memory_space<vmem>> -> memref<8x128xf32, #tpu.memory_space<vmem>>
    %dma_wait3A_342 = arith.constant 0 : i32
    %dma_wait3A_343 = arith.constant 0 : i32
    %dma_wait3A_344 = tpu.memref_slice %arg5[%dma_wait3A_342, %dma_wait3A_343] : memref<512000x128xf32, #tpu.memory_space<hbm>> -> memref<8x128xf32, #tpu.memory_space<hbm>>
    %dma_wait3A_345 = arith.constant 0 : i32
    %dma_wait3A_346 = arith.constant 0 : i32
    %dma_wait3A_347 = tpu.memref_slice %arg5[%dma_wait3A_345, %dma_wait3A_346] : memref<512000x128xf32, #tpu.memory_space<hbm>> -> memref<8x128xf32, #tpu.memory_space<hbm>>
    %dma_wait3A_348 = arith.constant 56 : i32
    %dma_wait3A_349 = arith.constant 0 : i32
    %dma_wait3A_350 = tpu.memref_slice %arg11[%dma_wait3A_348, %dma_wait3A_349] : memref<80x128xf32, #tpu.memory_space<vmem>> -> memref<8x128xf32, #tpu.memory_space<vmem>>
    tpu.wait_dma2 semaphore(%arg15 : memref<!tpu.dma_semaphore, #tpu.memory_space<semaphore_mem>>) src(%dma_wait3A_350 : memref<8x128xf32, #tpu.memory_space<vmem>>) dst(%dma_wait3A_347 : memref<8x128xf32, #tpu.memory_space<hbm>>)
    %dma_wait3A_351 = arith.constant 64 : i32
    %dma_wait3A_352 = arith.constant 0 : i32
    %dma_wait3A_353 = tpu.memref_slice %arg11[%dma_wait3A_351, %dma_wait3A_352] : memref<80x128xf32, #tpu.memory_space<vmem>> -> memref<8x128xf32, #tpu.memory_space<vmem>>
    %dma_wait3A_354 = arith.constant 0 : i32
    %dma_wait3A_355 = arith.constant 0 : i32
    %dma_wait3A_356 = tpu.memref_slice %arg5[%dma_wait3A_354, %dma_wait3A_355] : memref<512000x128xf32, #tpu.memory_space<hbm>> -> memref<8x128xf32, #tpu.memory_space<hbm>>
    %dma_wait3A_357 = arith.constant 0 : i32
    %dma_wait3A_358 = arith.constant 0 : i32
    %dma_wait3A_359 = tpu.memref_slice %arg5[%dma_wait3A_357, %dma_wait3A_358] : memref<512000x128xf32, #tpu.memory_space<hbm>> -> memref<8x128xf32, #tpu.memory_space<hbm>>
    %dma_wait3A_360 = arith.constant 64 : i32
    %dma_wait3A_361 = arith.constant 0 : i32
    %dma_wait3A_362 = tpu.memref_slice %arg11[%dma_wait3A_360, %dma_wait3A_361] : memref<80x128xf32, #tpu.memory_space<vmem>> -> memref<8x128xf32, #tpu.memory_space<vmem>>
    tpu.wait_dma2 semaphore(%arg15 : memref<!tpu.dma_semaphore, #tpu.memory_space<semaphore_mem>>) src(%dma_wait3A_362 : memref<8x128xf32, #tpu.memory_space<vmem>>) dst(%dma_wait3A_359 : memref<8x128xf32, #tpu.memory_space<hbm>>)
    %dma_wait3A_363 = arith.constant 72 : i32
    %dma_wait3A_364 = arith.constant 0 : i32
    %dma_wait3A_365 = tpu.memref_slice %arg11[%dma_wait3A_363, %dma_wait3A_364] : memref<80x128xf32, #tpu.memory_space<vmem>> -> memref<8x128xf32, #tpu.memory_space<vmem>>
    %dma_wait3A_366 = arith.constant 0 : i32
    %dma_wait3A_367 = arith.constant 0 : i32
    %dma_wait3A_368 = tpu.memref_slice %arg5[%dma_wait3A_366, %dma_wait3A_367] : memref<512000x128xf32, #tpu.memory_space<hbm>> -> memref<8x128xf32, #tpu.memory_space<hbm>>
    %dma_wait3A_369 = arith.constant 0 : i32
    %dma_wait3A_370 = arith.constant 0 : i32
    %dma_wait3A_371 = tpu.memref_slice %arg5[%dma_wait3A_369, %dma_wait3A_370] : memref<512000x128xf32, #tpu.memory_space<hbm>> -> memref<8x128xf32, #tpu.memory_space<hbm>>
    %dma_wait3A_372 = arith.constant 72 : i32
    %dma_wait3A_373 = arith.constant 0 : i32
    %dma_wait3A_374 = tpu.memref_slice %arg11[%dma_wait3A_372, %dma_wait3A_373] : memref<80x128xf32, #tpu.memory_space<vmem>> -> memref<8x128xf32, #tpu.memory_space<vmem>>
    tpu.wait_dma2 semaphore(%arg15 : memref<!tpu.dma_semaphore, #tpu.memory_space<semaphore_mem>>) src(%dma_wait3A_374 : memref<8x128xf32, #tpu.memory_space<vmem>>) dst(%dma_wait3A_371 : memref<8x128xf32, #tpu.memory_space<hbm>>)
    %dma_wait3A_375 = arith.constant 0 : i32
    %dma_wait3A_376 = arith.constant 0 : i32
    %dma_wait3A_377 = tpu.memref_slice %arg12[%dma_wait3A_375, %dma_wait3A_376] : memref<80x128xf32, #tpu.memory_space<vmem>> -> memref<8x128xf32, #tpu.memory_space<vmem>>
    %dma_wait3A_378 = arith.constant 0 : i32
    %dma_wait3A_379 = arith.constant 0 : i32
    %dma_wait3A_380 = tpu.memref_slice %arg5[%dma_wait3A_378, %dma_wait3A_379] : memref<512000x128xf32, #tpu.memory_space<hbm>> -> memref<8x128xf32, #tpu.memory_space<hbm>>
    %dma_wait3A_381 = arith.constant 0 : i32
    %dma_wait3A_382 = arith.constant 0 : i32
    %dma_wait3A_383 = tpu.memref_slice %arg5[%dma_wait3A_381, %dma_wait3A_382] : memref<512000x128xf32, #tpu.memory_space<hbm>> -> memref<8x128xf32, #tpu.memory_space<hbm>>
    %dma_wait3A_384 = arith.constant 0 : i32
    %dma_wait3A_385 = arith.constant 0 : i32
    %dma_wait3A_386 = tpu.memref_slice %arg12[%dma_wait3A_384, %dma_wait3A_385] : memref<80x128xf32, #tpu.memory_space<vmem>> -> memref<8x128xf32, #tpu.memory_space<vmem>>
    tpu.wait_dma2 semaphore(%arg16 : memref<!tpu.dma_semaphore, #tpu.memory_space<semaphore_mem>>) src(%dma_wait3A_386 : memref<8x128xf32, #tpu.memory_space<vmem>>) dst(%dma_wait3A_383 : memref<8x128xf32, #tpu.memory_space<hbm>>)
    %dma_wait3A_387 = arith.constant 8 : i32
    %dma_wait3A_388 = arith.constant 0 : i32
    %dma_wait3A_389 = tpu.memref_slice %arg12[%dma_wait3A_387, %dma_wait3A_388] : memref<80x128xf32, #tpu.memory_space<vmem>> -> memref<8x128xf32, #tpu.memory_space<vmem>>
    %dma_wait3A_390 = arith.constant 0 : i32
    %dma_wait3A_391 = arith.constant 0 : i32
    %dma_wait3A_392 = tpu.memref_slice %arg5[%dma_wait3A_390, %dma_wait3A_391] : memref<512000x128xf32, #tpu.memory_space<hbm>> -> memref<8x128xf32, #tpu.memory_space<hbm>>
    %dma_wait3A_393 = arith.constant 0 : i32
    %dma_wait3A_394 = arith.constant 0 : i32
    %dma_wait3A_395 = tpu.memref_slice %arg5[%dma_wait3A_393, %dma_wait3A_394] : memref<512000x128xf32, #tpu.memory_space<hbm>> -> memref<8x128xf32, #tpu.memory_space<hbm>>
    %dma_wait3A_396 = arith.constant 8 : i32
    %dma_wait3A_397 = arith.constant 0 : i32
    %dma_wait3A_398 = tpu.memref_slice %arg12[%dma_wait3A_396, %dma_wait3A_397] : memref<80x128xf32, #tpu.memory_space<vmem>> -> memref<8x128xf32, #tpu.memory_space<vmem>>
    tpu.wait_dma2 semaphore(%arg16 : memref<!tpu.dma_semaphore, #tpu.memory_space<semaphore_mem>>) src(%dma_wait3A_398 : memref<8x128xf32, #tpu.memory_space<vmem>>) dst(%dma_wait3A_395 : memref<8x128xf32, #tpu.memory_space<hbm>>)
    %dma_wait3A_399 = arith.constant 16 : i32
    %dma_wait3A_400 = arith.constant 0 : i32
    %dma_wait3A_401 = tpu.memref_slice %arg12[%dma_wait3A_399, %dma_wait3A_400] : memref<80x128xf32, #tpu.memory_space<vmem>> -> memref<8x128xf32, #tpu.memory_space<vmem>>
    %dma_wait3A_402 = arith.constant 0 : i32
    %dma_wait3A_403 = arith.constant 0 : i32
    %dma_wait3A_404 = tpu.memref_slice %arg5[%dma_wait3A_402, %dma_wait3A_403] : memref<512000x128xf32, #tpu.memory_space<hbm>> -> memref<8x128xf32, #tpu.memory_space<hbm>>
    %dma_wait3A_405 = arith.constant 0 : i32
    %dma_wait3A_406 = arith.constant 0 : i32
    %dma_wait3A_407 = tpu.memref_slice %arg5[%dma_wait3A_405, %dma_wait3A_406] : memref<512000x128xf32, #tpu.memory_space<hbm>> -> memref<8x128xf32, #tpu.memory_space<hbm>>
    %dma_wait3A_408 = arith.constant 16 : i32
    %dma_wait3A_409 = arith.constant 0 : i32
    %dma_wait3A_410 = tpu.memref_slice %arg12[%dma_wait3A_408, %dma_wait3A_409] : memref<80x128xf32, #tpu.memory_space<vmem>> -> memref<8x128xf32, #tpu.memory_space<vmem>>
    tpu.wait_dma2 semaphore(%arg16 : memref<!tpu.dma_semaphore, #tpu.memory_space<semaphore_mem>>) src(%dma_wait3A_410 : memref<8x128xf32, #tpu.memory_space<vmem>>) dst(%dma_wait3A_407 : memref<8x128xf32, #tpu.memory_space<hbm>>)
    %dma_wait3A_411 = arith.constant 24 : i32
    %dma_wait3A_412 = arith.constant 0 : i32
    %dma_wait3A_413 = tpu.memref_slice %arg12[%dma_wait3A_411, %dma_wait3A_412] : memref<80x128xf32, #tpu.memory_space<vmem>> -> memref<8x128xf32, #tpu.memory_space<vmem>>
    %dma_wait3A_414 = arith.constant 0 : i32
    %dma_wait3A_415 = arith.constant 0 : i32
    %dma_wait3A_416 = tpu.memref_slice %arg5[%dma_wait3A_414, %dma_wait3A_415] : memref<512000x128xf32, #tpu.memory_space<hbm>> -> memref<8x128xf32, #tpu.memory_space<hbm>>
    %dma_wait3A_417 = arith.constant 0 : i32
    %dma_wait3A_418 = arith.constant 0 : i32
    %dma_wait3A_419 = tpu.memref_slice %arg5[%dma_wait3A_417, %dma_wait3A_418] : memref<512000x128xf32, #tpu.memory_space<hbm>> -> memref<8x128xf32, #tpu.memory_space<hbm>>
    %dma_wait3A_420 = arith.constant 24 : i32
    %dma_wait3A_421 = arith.constant 0 : i32
    %dma_wait3A_422 = tpu.memref_slice %arg12[%dma_wait3A_420, %dma_wait3A_421] : memref<80x128xf32, #tpu.memory_space<vmem>> -> memref<8x128xf32, #tpu.memory_space<vmem>>
    tpu.wait_dma2 semaphore(%arg16 : memref<!tpu.dma_semaphore, #tpu.memory_space<semaphore_mem>>) src(%dma_wait3A_422 : memref<8x128xf32, #tpu.memory_space<vmem>>) dst(%dma_wait3A_419 : memref<8x128xf32, #tpu.memory_space<hbm>>)
    %dma_wait3A_423 = arith.constant 32 : i32
    %dma_wait3A_424 = arith.constant 0 : i32
    %dma_wait3A_425 = tpu.memref_slice %arg12[%dma_wait3A_423, %dma_wait3A_424] : memref<80x128xf32, #tpu.memory_space<vmem>> -> memref<8x128xf32, #tpu.memory_space<vmem>>
    %dma_wait3A_426 = arith.constant 0 : i32
    %dma_wait3A_427 = arith.constant 0 : i32
    %dma_wait3A_428 = tpu.memref_slice %arg5[%dma_wait3A_426, %dma_wait3A_427] : memref<512000x128xf32, #tpu.memory_space<hbm>> -> memref<8x128xf32, #tpu.memory_space<hbm>>
    %dma_wait3A_429 = arith.constant 0 : i32
    %dma_wait3A_430 = arith.constant 0 : i32
    %dma_wait3A_431 = tpu.memref_slice %arg5[%dma_wait3A_429, %dma_wait3A_430] : memref<512000x128xf32, #tpu.memory_space<hbm>> -> memref<8x128xf32, #tpu.memory_space<hbm>>
    %dma_wait3A_432 = arith.constant 32 : i32
    %dma_wait3A_433 = arith.constant 0 : i32
    %dma_wait3A_434 = tpu.memref_slice %arg12[%dma_wait3A_432, %dma_wait3A_433] : memref<80x128xf32, #tpu.memory_space<vmem>> -> memref<8x128xf32, #tpu.memory_space<vmem>>
    tpu.wait_dma2 semaphore(%arg16 : memref<!tpu.dma_semaphore, #tpu.memory_space<semaphore_mem>>) src(%dma_wait3A_434 : memref<8x128xf32, #tpu.memory_space<vmem>>) dst(%dma_wait3A_431 : memref<8x128xf32, #tpu.memory_space<hbm>>)
    %dma_wait3A_435 = arith.constant 40 : i32
    %dma_wait3A_436 = arith.constant 0 : i32
    %dma_wait3A_437 = tpu.memref_slice %arg12[%dma_wait3A_435, %dma_wait3A_436] : memref<80x128xf32, #tpu.memory_space<vmem>> -> memref<8x128xf32, #tpu.memory_space<vmem>>
    %dma_wait3A_438 = arith.constant 0 : i32
    %dma_wait3A_439 = arith.constant 0 : i32
    %dma_wait3A_440 = tpu.memref_slice %arg5[%dma_wait3A_438, %dma_wait3A_439] : memref<512000x128xf32, #tpu.memory_space<hbm>> -> memref<8x128xf32, #tpu.memory_space<hbm>>
    %dma_wait3A_441 = arith.constant 0 : i32
    %dma_wait3A_442 = arith.constant 0 : i32
    %dma_wait3A_443 = tpu.memref_slice %arg5[%dma_wait3A_441, %dma_wait3A_442] : memref<512000x128xf32, #tpu.memory_space<hbm>> -> memref<8x128xf32, #tpu.memory_space<hbm>>
    %dma_wait3A_444 = arith.constant 40 : i32
    %dma_wait3A_445 = arith.constant 0 : i32
    %dma_wait3A_446 = tpu.memref_slice %arg12[%dma_wait3A_444, %dma_wait3A_445] : memref<80x128xf32, #tpu.memory_space<vmem>> -> memref<8x128xf32, #tpu.memory_space<vmem>>
    tpu.wait_dma2 semaphore(%arg16 : memref<!tpu.dma_semaphore, #tpu.memory_space<semaphore_mem>>) src(%dma_wait3A_446 : memref<8x128xf32, #tpu.memory_space<vmem>>) dst(%dma_wait3A_443 : memref<8x128xf32, #tpu.memory_space<hbm>>)
    %dma_wait3A_447 = arith.constant 48 : i32
    %dma_wait3A_448 = arith.constant 0 : i32
    %dma_wait3A_449 = tpu.memref_slice %arg12[%dma_wait3A_447, %dma_wait3A_448] : memref<80x128xf32, #tpu.memory_space<vmem>> -> memref<8x128xf32, #tpu.memory_space<vmem>>
    %dma_wait3A_450 = arith.constant 0 : i32
    %dma_wait3A_451 = arith.constant 0 : i32
    %dma_wait3A_452 = tpu.memref_slice %arg5[%dma_wait3A_450, %dma_wait3A_451] : memref<512000x128xf32, #tpu.memory_space<hbm>> -> memref<8x128xf32, #tpu.memory_space<hbm>>
    %dma_wait3A_453 = arith.constant 0 : i32
    %dma_wait3A_454 = arith.constant 0 : i32
    %dma_wait3A_455 = tpu.memref_slice %arg5[%dma_wait3A_453, %dma_wait3A_454] : memref<512000x128xf32, #tpu.memory_space<hbm>> -> memref<8x128xf32, #tpu.memory_space<hbm>>
    %dma_wait3A_456 = arith.constant 48 : i32
    %dma_wait3A_457 = arith.constant 0 : i32
    %dma_wait3A_458 = tpu.memref_slice %arg12[%dma_wait3A_456, %dma_wait3A_457] : memref<80x128xf32, #tpu.memory_space<vmem>> -> memref<8x128xf32, #tpu.memory_space<vmem>>
    tpu.wait_dma2 semaphore(%arg16 : memref<!tpu.dma_semaphore, #tpu.memory_space<semaphore_mem>>) src(%dma_wait3A_458 : memref<8x128xf32, #tpu.memory_space<vmem>>) dst(%dma_wait3A_455 : memref<8x128xf32, #tpu.memory_space<hbm>>)
    %dma_wait3A_459 = arith.constant 56 : i32
    %dma_wait3A_460 = arith.constant 0 : i32
    %dma_wait3A_461 = tpu.memref_slice %arg12[%dma_wait3A_459, %dma_wait3A_460] : memref<80x128xf32, #tpu.memory_space<vmem>> -> memref<8x128xf32, #tpu.memory_space<vmem>>
    %dma_wait3A_462 = arith.constant 0 : i32
    %dma_wait3A_463 = arith.constant 0 : i32
    %dma_wait3A_464 = tpu.memref_slice %arg5[%dma_wait3A_462, %dma_wait3A_463] : memref<512000x128xf32, #tpu.memory_space<hbm>> -> memref<8x128xf32, #tpu.memory_space<hbm>>
    %dma_wait3A_465 = arith.constant 0 : i32
    %dma_wait3A_466 = arith.constant 0 : i32
    %dma_wait3A_467 = tpu.memref_slice %arg5[%dma_wait3A_465, %dma_wait3A_466] : memref<512000x128xf32, #tpu.memory_space<hbm>> -> memref<8x128xf32, #tpu.memory_space<hbm>>
    %dma_wait3A_468 = arith.constant 56 : i32
    %dma_wait3A_469 = arith.constant 0 : i32
    %dma_wait3A_470 = tpu.memref_slice %arg12[%dma_wait3A_468, %dma_wait3A_469] : memref<80x128xf32, #tpu.memory_space<vmem>> -> memref<8x128xf32, #tpu.memory_space<vmem>>
    tpu.wait_dma2 semaphore(%arg16 : memref<!tpu.dma_semaphore, #tpu.memory_space<semaphore_mem>>) src(%dma_wait3A_470 : memref<8x128xf32, #tpu.memory_space<vmem>>) dst(%dma_wait3A_467 : memref<8x128xf32, #tpu.memory_space<hbm>>)
    %dma_wait3A_471 = arith.constant 64 : i32
    %dma_wait3A_472 = arith.constant 0 : i32
    %dma_wait3A_473 = tpu.memref_slice %arg12[%dma_wait3A_471, %dma_wait3A_472] : memref<80x128xf32, #tpu.memory_space<vmem>> -> memref<8x128xf32, #tpu.memory_space<vmem>>
    %dma_wait3A_474 = arith.constant 0 : i32
    %dma_wait3A_475 = arith.constant 0 : i32
    %dma_wait3A_476 = tpu.memref_slice %arg5[%dma_wait3A_474, %dma_wait3A_475] : memref<512000x128xf32, #tpu.memory_space<hbm>> -> memref<8x128xf32, #tpu.memory_space<hbm>>
    %dma_wait3A_477 = arith.constant 0 : i32
    %dma_wait3A_478 = arith.constant 0 : i32
    %dma_wait3A_479 = tpu.memref_slice %arg5[%dma_wait3A_477, %dma_wait3A_478] : memref<512000x128xf32, #tpu.memory_space<hbm>> -> memref<8x128xf32, #tpu.memory_space<hbm>>
    %dma_wait3A_480 = arith.constant 64 : i32
    %dma_wait3A_481 = arith.constant 0 : i32
    %dma_wait3A_482 = tpu.memref_slice %arg12[%dma_wait3A_480, %dma_wait3A_481] : memref<80x128xf32, #tpu.memory_space<vmem>> -> memref<8x128xf32, #tpu.memory_space<vmem>>
    tpu.wait_dma2 semaphore(%arg16 : memref<!tpu.dma_semaphore, #tpu.memory_space<semaphore_mem>>) src(%dma_wait3A_482 : memref<8x128xf32, #tpu.memory_space<vmem>>) dst(%dma_wait3A_479 : memref<8x128xf32, #tpu.memory_space<hbm>>)
    %dma_wait3A_483 = arith.constant 72 : i32
    %dma_wait3A_484 = arith.constant 0 : i32
    %dma_wait3A_485 = tpu.memref_slice %arg12[%dma_wait3A_483, %dma_wait3A_484] : memref<80x128xf32, #tpu.memory_space<vmem>> -> memref<8x128xf32, #tpu.memory_space<vmem>>
    %dma_wait3A_486 = arith.constant 0 : i32
    %dma_wait3A_487 = arith.constant 0 : i32
    %dma_wait3A_488 = tpu.memref_slice %arg5[%dma_wait3A_486, %dma_wait3A_487] : memref<512000x128xf32, #tpu.memory_space<hbm>> -> memref<8x128xf32, #tpu.memory_space<hbm>>
    %dma_wait3A_489 = arith.constant 0 : i32
    %dma_wait3A_490 = arith.constant 0 : i32
    %dma_wait3A_491 = tpu.memref_slice %arg5[%dma_wait3A_489, %dma_wait3A_490] : memref<512000x128xf32, #tpu.memory_space<hbm>> -> memref<8x128xf32, #tpu.memory_space<hbm>>
    %dma_wait3A_492 = arith.constant 72 : i32
    %dma_wait3A_493 = arith.constant 0 : i32
    %dma_wait3A_494 = tpu.memref_slice %arg12[%dma_wait3A_492, %dma_wait3A_493] : memref<80x128xf32, #tpu.memory_space<vmem>> -> memref<8x128xf32, #tpu.memory_space<vmem>>
    tpu.wait_dma2 semaphore(%arg16 : memref<!tpu.dma_semaphore, #tpu.memory_space<semaphore_mem>>) src(%dma_wait3A_494 : memref<8x128xf32, #tpu.memory_space<vmem>>) dst(%dma_wait3A_491 : memref<8x128xf32, #tpu.memory_space<hbm>>)
    return
  }
}

</mosaic_0001>

<sc_bundles>
// kernel: kernel.3.cloned.1.call-start
scs
__scs_entry_jumppad:
0x0: {  	(pc) =	sbr.rel $0x88, $3  }
0x1: {  	(tag) =	ssettag $0x0;
	lr =	simm.s32 $0x1  }
0x2: {  	[smem:$0x3F9D] =	sst lr;
	_ =	strace $0xD0000000  }
0x3: {  	_ = 	snop  }
0x4: {  	_ = 	snop  }
0x5: {  	_ = 	snop  }
0x6: {  	_ = 	snop  }
0x7: {  	_ = 	snop  }
__scs_overlays_trampoline_lowered:
0x8: {  	[smem:$0x3FAC] =	sst s0  }
0x9: {  	[smem:$0x3FAD] =	sst s1  }
0xa: {  	[smem:$0x3FAE] =	sst s2  }
0xb: {  	[smem:$0x3FAF] =	sst s3  }
0xc: {  	[smem:$0x3FB0] =	sst s4  }
0xd: {  	[smem:$0x3FB1] =	sst s5  }
0xe: {  	[smem:$0x3FB2] =	sst s6  }
0xf: {  	[smem:$0x3FB3] =	sst s7  }
0x10: {  	[smem:$0x3FB4] =	sst s8  }
0x11: {  	[smem:$0x3FB5] =	sst s9;
	s0 =	simm.s32 @!p0 $0x0  }
0x12: {  	s1 =	sld [smem:$0x3F9B];
	s0 =	simm.s32 @p0 $0x1  }
0x13: {  	[smem:$0x3FB6] =	sst s0;
	s0 =	simm.s32 @!p1 $0x0  }
0x14: {  	s2 =	sld [smem:$0x3F9A];
	s0 =	simm.s32 @p1 $0x1  }
0x15: {  	[smem:$0x3FB7] =	sst s0;
	s0 =	simm.s32 @!p2 $0x0  }
0x16: {  	s3 =	sld [smem:$0x3FDB];
	s0 =	simm.s32 @p2 $0x1  }
0x17: {  	s4 =	simm.s32 $0x1BF5;
	[smem:$0x3FB9] =	sst s0  }
0x18: {  	s0 =	sld [smem:$0x3F9C];
	_ =	swait.ge [sflag:s4], $0x0  }
0x19: {  	s7 =	sld [smem:$0x3F9D]  }
0x1a: {  	s8 =	sadd.s32 $0xFFFFE003, lr  }
0x1b: {  	s9 =	sadd.s32 $0xFFFFFEF7, lr;
	s5 =	simm.s32 $0xFFFFFFFF;
	p2 =	slt.u32 s8, $0xFFFFF086  }
0x1c: {  	p1 =	slt.u32 s9, $0xF7A;
	s5 =	simm.s32 @!p2 $0x0  }
0x1d: {  	s5 =	simm.s32 @p1 $0x1;
	p0 =	seq.s32 s7, s2  }
0x1e: {  	s7 =	smul.u32 @!p0 $0xF7A, s2;
	p2 =	seq.s32 @!p0 s5, $0x0  }
0x1f: {  	s9 =	smul.u32 $0xF7A, s1;
	s8 =	simm.s32 @!p0 $0x1BF5;
	p2 =	por !p2, p0  }
0x20: {  	[sflag:s8] =	ssyncset.s32 @!p0 $0xFFFFF086;
	s6 =	sadd.s32 @!p0 s3, s7;
	s7 =	simm.s32 @!p0 $0x108  }
0x21: {  	s3 =	sadd.s32 s3, s9;
	s6 =	sadd.s32 @!p0 $0x88, s6;
	s7 =	simm.s32 @p2 $0x1082  }
0x22: {  	[simem:s7], [sflag:s8] =	dma.local @!p0 [hbm:s6], $0xF7A  }
0x23: {  	s9 =	sor.u32 $0xD0000000, s2;
	s6 =	simm.s32 $0x108;
	_ =	swait.ge @!p0 [sflag:s8], $0x0  }
0x24: {  	s3 =	sadd.s32 $0x88, s3;
	s6 =	simm.s32 @!p1 $0x1082;
	[sflag:s4] =	ssyncset.s32 $0xFFFFF086  }
0x25: {  	[simem:s6], [sflag:s4] =	dma.local [hbm:s3], $0xF7A  }
0x26: {  	[smem:$0x3F9D] =	sst s1;
	(tag) =	ssettag s2;
	_ =	strace s9  }
0x27: {  	s1 =	sld [smem:$0x3FAD]  }
0x28: {  	s2 =	sld [smem:$0x3FAE]  }
0x29: {  	s4 =	sld [smem:$0x3FB0]  }
0x2a: {  	p0 =	seq.s32 s5, $0x0;
	s5 =	sld [smem:$0x3FB1]  }
0x2b: {  	s6 =	sld [smem:$0x3FB2]  }
0x2c: {  	s7 =	sld [smem:$0x3FB3]  }
0x2d: {  	s3 =	simm.s32 $0x108;
	s8 =	sld [smem:$0x3FB4]  }
0x2e: {  	s3 =	simm.s32 @!p0 $0x1082;
	s9 =	sld [smem:$0x3FB5]  }
0x2f: {  	lr =	sadd.s32 s0, s3;
	s0 =	sld [smem:$0x3FAC]  }
0x30: {  	s3 =	sld [smem:$0x3FAF]  }
0x31: {  	[smem:$0x3FB8] =	sst s10  }
0x32: {  	s10 =	sld [smem:$0x3FB6];
	_ =	sdelay $0x3  }
0x33: {  	p0 =	seq.s32 s10, $0x1;
	s10 =	sld [smem:$0x3FB8];
	_ =	sdelay $0x3  }
0x34: {  	[smem:$0x3FB8] =	sst s10  }
0x35: {  	s10 =	sld [smem:$0x3FB7];
	_ =	sdelay $0x3  }
0x36: {  	p1 =	seq.s32 s10, $0x1;
	s10 =	sld [smem:$0x3FB8];
	_ =	sdelay $0x3  }
0x37: {  	[smem:$0x3FB8] =	sst s10  }
0x38: {  	s10 =	sld [smem:$0x3FB9]  }
0x39: {  	_ = 	snop;
	(pc) =	sbr.ind lr, $3  }
0x3a: {  	_ = 	snop  }
0x3b: {  	_ = 	snop  }
0x3c: {  	p2 =	seq.s32 s10, $0x1;
	s10 =	sld [smem:$0x3FB8]  }
0x3d: {  	_ =	shalt  }
0x3e: {  	_ =	shalt  }
0x3f: {  	_ =	shalt  }
0x40: {  	_ =	shalt  }
0x41: {  	_ =	shalt  }
0x42: {  	_ =	shalt  }
0x43: {  	_ =	shalt  }
0x44: {  	_ =	shalt  }
0x45: {  	_ =	shalt  }
0x46: {  	_ =	shalt  }
0x47: {  	_ =	shalt  }
0x48: {  	_ =	shalt  }
0x49: {  	_ =	shalt  }
0x4a: {  	_ =	shalt  }
0x4b: {  	_ =	shalt  }
0x4c: {  	_ =	shalt  }
0x4d: {  	_ =	shalt  }
0x4e: {  	_ =	shalt  }
0x4f: {  	_ =	shalt  }
0x50: {  	_ =	shalt  }
0x51: {  	_ =	shalt  }
0x52: {  	_ =	shalt  }
0x53: {  	_ =	shalt  }
0x54: {  	_ =	shalt  }
0x55: {  	_ =	shalt  }
0x56: {  	_ =	shalt  }
0x57: {  	_ =	shalt  }
0x58: {  	_ =	shalt  }
0x59: {  	_ =	shalt  }
0x5a: {  	_ =	shalt  }
0x5b: {  	_ =	shalt  }
0x5c: {  	_ =	shalt  }
0x5d: {  	_ =	shalt  }
0x5e: {  	_ =	shalt  }
0x5f: {  	_ =	shalt  }
0x60: {  	_ =	shalt  }
0x61: {  	_ =	shalt  }
0x62: {  	_ =	shalt  }
0x63: {  	_ =	shalt  }
0x64: {  	_ =	shalt  }
0x65: {  	_ =	shalt  }
0x66: {  	_ =	shalt  }
0x67: {  	_ =	shalt  }
0x68: {  	_ =	shalt  }
0x69: {  	_ =	shalt  }
0x6a: {  	_ =	shalt  }
0x6b: {  	_ =	shalt  }
0x6c: {  	_ =	shalt  }
0x6d: {  	_ =	shalt  }
0x6e: {  	_ =	shalt  }
0x6f: {  	_ =	shalt  }
0x70: {  	_ =	shalt  }
0x71: {  	_ =	shalt  }
0x72: {  	_ =	shalt  }
0x73: {  	_ =	shalt  }
0x74: {  	_ =	shalt  }
0x75: {  	_ =	shalt  }
0x76: {  	_ =	shalt  }
0x77: {  	_ =	shalt  }
0x78: {  	_ =	shalt  }
0x79: {  	_ =	shalt  }
0x7a: {  	_ =	shalt  }
0x7b: {  	_ =	shalt  }
0x7c: {  	_ =	shalt  }
0x7d: {  	_ =	shalt  }
0x7e: {  	_ =	shalt  }
0x7f: {  	_ =	shalt  }
0x80: {  	_ =	shalt  }
0x81: {  	_ =	shalt  }
0x82: {  	_ =	shalt  }
0x83: {  	_ =	shalt  }
0x84: {  	_ =	shalt  }
0x85: {  	_ =	shalt  }
0x86: {  	_ =	shalt  }
0x87: {  	_ =	shalt  }
.Lfunc_end0:
.L_simem_size_0:
called_computation_lowered:
.L_overlay_start_0:
0x88: {  	s2 =	sld [smem:$0x3FD9]  }
0x89: {  	s3 =	sld [smem:$0x3FFE];
	_ =	sdelay $0x1  }
0x8a: {  	s1 =	srdreg.scid  }
0x8b: {  	s0 =	sand.u32 $0x1, s1  }
0x8c: {  	s17 =	sshll.u32 s0, $0xA;
	s2 =	sadd.s32 s3, s2  }
0x8d: {  	s2 =	sadd.s32 s2, s17  }
0x8e: {  	[smem:$0x3FC4] =	sst s2  }
0x8f: {  	_ = 	snop  }
0x90: {  	s2 =	sld [smem:$0x3FD0];
	(tm) =	ssettm $0x1  }
0x91: {  	s18 =	sld [smem:$0x3FFB];
	_ =	sdelay $0x3  }
0x92: {  	_ =	strace s18  }
0x93: {  	s3 =	sld [smem:$0x3FFC];
	_ =	sdelay $0x3  }
0x94: {  	_ =	strace s3  }
0x95: {  	s3 =	sld [smem:$0x3FFD];
	_ =	sdelay $0x3  }
0x96: {  	_ =	strace s3  }
0x97: {  	_ =	strace $0x8FFFFFFF  }
0x98: {  	s19 =	sld [smem:$0x3FDB];
	_ =	sdelay $0x1  }
0x99: {  	s4 =	simm.s32 $_scs_section_size  }
0x9a: {  	s5 =	simm.s32 $_size__tile_overlayer_lowered;
	s6 =	simm.s32 $_tile_overlayer_lowered  }
0x9b: {  	s22 =	simm.s32 $0x1BFF;
	s21 =	sshll.u32 s6, $0x1;
	s3 =	sadd.s32 s4, s19  }
0x9c: {  	s7 =	simm.s32 $0x0;
	s20 =	sshll.u32 s5, $0x1;
	s5 =	sadd.s32 s21, s3  }
0x9d: {  	[timem:s7], [sflag:s22] =	dma.local [hbm:s5], s20  }
0x9e: {  	_ =	swait.ge [sflag:s22], s20  }
0x9f: {  	s4 =	ssub.s32 $0x0, s20;
	[sflag:s22] =	ssyncset.done $0x0  }
0xa0: {  	[sflag:s22] =	ssyncadd.s32 s4;
	_ =	sdelay $0x1  }
0xa1: {  	s23 =	simm.s32 $0x1B8B  }
0xa2: {  	_ =	swait.ge [sflag:s23], $0x1  }
0xa3: {  	[sflag:s23] =	ssyncset.done $0x0  }
0xa4: {  	s25 =	simm.s32 $0x1B8E;
	s24 =	sld [smem:$0x3FFE];
	[sflag:s23] =	ssyncadd.s32 $0xFFFFFFFF  }
0xa5: {  	s26 =	simm.s32 $execute0_lowered;
	[smem:$0x3FD2] =	sst s25  }
0xa6: {  	s5 =	sshll.u32 s26, $0x1;
	_ =	strace $0x80000046;
	[dreg:$0x1] =	wrdreg $0xFFFFFFFF  }
0xa7: {  	s28 =	simm.s32 $_size_execute0_lowered;
	s3 =	sadd.s32 s3, s5;
	[dreg:$0x0] =	wrdreg $0x0  }
0xa8: {  	s5 =	sshll.u32 s28, $0x1;
	[dreg:$0x2] =	wrdreg s3  }
0xa9: {  	[dreg:$0x3] =	wrdreg s5  }
0xaa: {  	[dreg:$0x4] =	wrdreg $0xC0  }
0xab: {  	_ =	task [dreg:s7], $0x5FFFF  }
0xac: {  	[dreg:$0x1] =	wrdreg $0xFFFFFFFF  }
0xad: {  	[dreg:$0x0] =	wrdreg $0x60  }
0xae: {  	[dreg:$0x2] =	wrdreg s24  }
0xaf: {  	[dreg:$0x3] =	wrdreg s2  }
0xb0: {  	[dreg:$0x4] =	wrdreg $0x9  }
0xb1: {  	_ =	task.clear_ibuf [dreg:s7], $0x5FFFF;
	_ =	strace $0x90000046  }
0xb2: {  	s29 =	simm.s32 $0x9;
	_ =	strace $0x80000048  }
0xb3: {  	_ =	swait.ge [sflag:s29], $0x1  }
0xb4: {  	[sflag:s29] =	ssyncadd.s32 $0xFFFFFFFF  }
0xb5: {  	_ =	strace $0x90000048  }
0xb6: {  	_ =	sfence  }
0xb7: {  	s30 =	sld [smem:$0x0];
	_ =	sdelay $0x2  }
0xb8: {  	s31 =	sshll.u32 s1, $0xD;
	s1 =	sshrl.u32 s1, $0x2  }
0xb9: {  	s3 =	sand.u32 $0x4000, s31;
	s1 =	sadd.s32 s1, s30  }
0xba: {  	s0 =	sor.u32 s3, s0;
	s1 =	sshll.u32 s1, $0x11  }
0xbb: {  	s0 =	sor.u32 s1, s0  }
0xbc: {  	s0 =	sadd.s32 $0x8F2B, s0  }
0xbd: {  	[sflag:s0] =	ssyncadd.remote.s32 $0x1  }
0xbe: {  	_ =	sfence.sel $0xFFFF  }
0xbf: {  	[dreg:$0x0] =	wrdreg $0xFFFFFFFF;
	(pc) =	sbr.abs _section_cstart, $3  }
0xc0: {  	[dreg:$0x1] =	wrdreg $0xFFFFFFFF  }
0xc1: {  	_ =	task.clear_ibuf [dreg:s7], $0x2FFFF;
	_ =	strace $0x9FFFFFFF  }
0xc2: {  	(tm) =	ssettm $0x7FFFFFFF  }
0xc3: {  	_ =	shalt  }
tec
execute0_lowered:
.L_overlay_start_1:
0x0: {  	(tag) =	ssettag $0x1  }
0x1: {  	s0 =	rddreg [dreg:$0x0];
	s1 =	srdreg.scid  }
0x2: {  	s7 =	stileid.u32;
	s2 =	rddreg [dreg:$0x1]  }
0x3: {  	s3 =	simm.s32 $0x0;
	s17 =	simm.s32 $0x5;
	s19 =	simm.s32 $0x1  }
0x4: {  	s20 =	simm.s32 $0x2;
	s21 =	simm.s32 $0x3;
	s5 =	smul.u32 $0x64000, s7  }
0x5: {  	s1 =	sand.u32 $0x1, s1;
	s4 =	sshll.u32 s7, $0x1;
	s7 =	smul.u32 $0x190, s7  }
0x6: {  	s22 =	simm.s32 $0x4;
	s23 =	simm.s32 $0x0;
	s8 =	smul.u32 $0xC8, s1  }
0x7: {  	[smem:$0x7FF] =	sst s3;
	s4 =	sor.u32 s1, s4;
	s28 =	smul.u32 $0x32000, s1  }
0x8: {  	_ =	strace $0x80000047;
	s6 =	ssub.s32 $0x2, s1;
	s4 =	smul.u32 $0xC80, s4  }
0x9: {  	s25 =	sshrl.u32 s6, $0x1;
	s1 =	sadd.s32 s8, s7;
	s30 =	sadd.s32 s28, s5  }
0xa: {  	s4 =	sadd.s32 s4, s0;
	s0 =	sadd.s32 $0x600, s0;
	[dreg:$0x7] =	wrdreg s30  }
0xb: {  	s10 =	sor.u32 $0x1, s1;
	[dreg:$0x3] =	wrdreg s0;
	s26 =	sadd.s32 $0x1200, s4  }
0xc: {  	s11 =	sor.u32 $0x2, s1;
	s29 =	sadd.s32 $0x1A200, s4;
	[dreg:$0x4] =	wrdreg s26  }
0xd: {  	s0 =	ssub.s32 s6, s25;
	s31 =	sshll.u32 s10, $0xA;
	[dreg:$0x5] =	wrdreg s29  }
0xe: {  	s14 =	sor.u32 $0x3, s1;
	s0 =	smax.u32 s0, $0x1;
	[dreg:$0x8] =	wrdreg s31  }
0xf: {  	s13 =	sshll.u32 s11, $0xA;
	s15 =	sshll.u32 s14, $0xA;
	[dreg:$0x6] =	wrdreg s0  }
.LBB2_1:
0x10: {  	s0 =	rddreg [dreg:$0x3];
	s4 =	simm.s32 $0xC800  }
0x11: {  	[tilespmem:s4], [sflag:$0x5] =	stream.linear.gather [hbm4b:s0+s3], $0x5F00, $0x38;
	[tilespmem:$0x1C700] =	vst v63  }
0x12: {  	_ =	swait.ge [sflag:s17], $0x5F00  }
0x13: {  	[sflag:s17] =	ssyncset.done $0x0  }
0x14: {  	s29 =	rddreg [dreg:$0x4];
	[sflag:s17] =	ssyncadd.s32 $0xFFFFA100  }
0x15: {  	[tilespmem:s3], [sflag:$0x5] =	stream.linear.gather [hbm4b:s29+s3], $0x6400, $0x38;
	[tilespmem:$0x1C700] =	vst v63  }
0x16: {  	_ =	swait.ge [sflag:s17], $0x6400  }
0x17: {  	[sflag:s17] =	ssyncset.done $0x0  }
0x18: {  	s31 =	simm.s32 $0x6400;
	s30 =	rddreg [dreg:$0x5];
	[sflag:s17] =	ssyncadd.s32 $0xFFFF9C00  }
0x19: {  	[tilespmem:s31], [sflag:$0x5] =	stream.linear.gather [hbm4b:s30+s3], $0x6400, $0x38;
	[tilespmem:$0x1C700] =	vst v63  }
0x1a: {  	_ =	swait.ge [sflag:s17], $0x6400  }
0x1b: {  	[sflag:s17] =	ssyncset.done $0x0  }
0x1c: {  	s0 =	simm.s32 $0x0;
	[sflag:s17] =	ssyncadd.s32 $0xFFFF9C00  }
0x1d: {  	v5 =	vld [tilespmem:s0+$0x6400]  }
0x1e: {  	v4 =	vld [tilespmem:s0+$0x6410]  }
0x1f: {  	v3 =	vld [tilespmem:s0+$0x6420]  }
0x20: {  	v2 =	vld [tilespmem:s0+$0x6430]  }
0x21: {  	v1 =	vld [tilespmem:s0+$0x6440]  }
0x22: {  	v0 =	vld [tilespmem:s0+$0x6450]  }
0x23: {  	v6 =	vld [tilespmem:s0+$0x0]  }
0x24: {  	v11 =	vld [tilespmem:s0+$0x10]  }
0x25: {  	v10 =	vld [tilespmem:s0+$0x20]  }
0x26: {  	v9 =	vld [tilespmem:s0+$0x30]  }
0x27: {  	v8 =	vld [tilespmem:s0+$0x40]  }
0x28: {  	v7 =	vld [tilespmem:s0+$0x50];
	v12 =	vmul.u32 $0xB, v6  }
0x29: {  	s4 =	simm.s32 $0x200;
	v11 =	vmul.u32 $0xB, v11;
	v6 =	vld [tilespmem:s0+$0x60]  }
.LBB2_2:
0x2a: {  	p0 =	sne.s32 s4, $0x18E00;
	v5 =	vadd.s32 v5, v12;
	v10 =	vmul.u32 $0xB, v10;
	v12 =	vld [tilespmem:s0+$0x70]  }
0x2b: {  	[tilespmem:s0+$0x0] =	vst v5;
	v4 =	vadd.s32 v4, v11;
	v9 =	vmul.u32 $0xB, v9;
	v11 =	vld [tilespmem:s0+$0x6460]  }
0x2c: {  	s5 =	sshra.s32 s4, $0x2;
	[tilespmem:s0+$0x10] =	vst v4;
	v3 =	vadd.s32 v3, v10;
	v8 =	vmul.u32 $0xB, v8;
	v10 =	vld [tilespmem:s0+$0x6470]  }
0x2d: {  	v5 =	vld [tilespmem:s5+$0x6400];
	[tilespmem:s0+$0x20] =	vst v3;
	v2 =	vadd.s32 v2, v9;
	v7 =	vmul.u32 $0xB, v7  }
0x2e: {  	v4 =	vld [tilespmem:s5+$0x6410];
	[tilespmem:s0+$0x30] =	vst v2;
	v1 =	vadd.s32 v1, v8;
	v6 =	vmul.u32 $0xB, v6  }
0x2f: {  	v3 =	vld [tilespmem:s5+$0x6420];
	[tilespmem:s0+$0x40] =	vst v1;
	v0 =	vadd.s32 v0, v7;
	v7 =	vmul.u32 $0xB, v12  }
0x30: {  	v2 =	vld [tilespmem:s5+$0x6430];
	[tilespmem:s0+$0x50] =	vst v0;
	v0 =	vadd.s32 v11, v6  }
0x31: {  	v1 =	vld [tilespmem:s5+$0x6440];
	[tilespmem:s0+$0x60] =	vst v0;
	v6 =	vadd.s32 v10, v7  }
0x32: {  	v0 =	vld [tilespmem:s5+$0x6450];
	[tilespmem:s0+$0x70] =	vst v6;
	s0 =	smov.u32 s5  }
0x33: {  	v6 =	vld [tilespmem:s0+$0x0]  }
0x34: {  	v11 =	vld [tilespmem:s0+$0x10]  }
.Ltmp0:
0x35: {  	v10 =	vld [tilespmem:s0+$0x20];
	(pc) =	sbr.rel @p0 .LBB2_2-.Ltmp0, $4  }
0x36: {  	v9 =	vld [tilespmem:s0+$0x30]  }
0x37: {  	v8 =	vld [tilespmem:s0+$0x40]  }
0x38: {  	v12 =	vmul.u32 $0xB, v6;
	v7 =	vld [tilespmem:s0+$0x50]  }
0x39: {  	s4 =	sadd.s32 $0x200, s4;
	v11 =	vmul.u32 $0xB, v11;
	v6 =	vld [tilespmem:s0+$0x60]  }
0x3a: {  	v5 =	vadd.s32 v5, v12;
	v54 =	vld [tilespmem:s0+$0x70];
	v55 =	vmul.u32 $0xB, v10  }
0x3b: {  	v56 =	vld [tilespmem:s0+$0x6460];
	[tilespmem:s0+$0x0] =	vst v5;
	v4 =	vadd.s32 v4, v11;
	v9 =	vmul.u32 $0xB, v9  }
0x3c: {  	v58 =	vld [tilespmem:s0+$0x6470];
	[tilespmem:s0+$0x10] =	vst v4;
	v3 =	vadd.s32 v3, v55;
	v57 =	vmul.u32 $0xB, v8  }
0x3d: {  	[tilespmem:s0+$0x20] =	vst v3;
	v2 =	vadd.s32 v2, v9;
	v59 =	vmul.u32 $0xB, v7  }
0x3e: {  	[tilespmem:s0+$0x30] =	vst v2;
	v1 =	vadd.s32 v1, v57;
	v60 =	vmul.u32 $0xB, v6  }
0x3f: {  	[tilespmem:s0+$0x40] =	vst v1;
	v0 =	vadd.s32 v0, v59;
	v61 =	vmul.u32 $0xB, v54  }
0x40: {  	s24 =	simm.s32 $0x0;
	s25 =	smov.u32 s14;
	s26 =	smov.u32 s15;
	[tilespmem:s0+$0x50] =	vst v0;
	v62 =	vadd.s32 v56, v60  }
0x41: {  	s28 =	smov.u32 s11;
	s29 =	smov.u32 s13;
	s31 =	rddreg [dreg:$0x8];
	[tilespmem:s0+$0x60] =	vst v62;
	v63 =	vadd.s32 v58, v61  }
0x42: {  	s30 =	smov.u32 s10;
	s8 =	smov.u32 s1;
	s9 =	rddreg [dreg:$0x7];
	[tilespmem:s0+$0x70] =	vst v63  }
.LBB2_4:
0x43: {  	p0 =	seq.s32 s24, $0x0  }
0x44: {  	s0 =	simm.s32 @!p0 $0x1  }
0x45: {  	_ =	swait.ge @!p0 [sflag:s0], $0x400  }
0x46: {  	[sflag:s0] =	ssyncset.done @!p0 $0x0  }
0x47: {  	[sflag:s0] =	ssyncadd.s32 @!p0 $0xFFFFFC00  }
0x48: {  	_ =	swait.ge @!p0 [sflag:s0], $0x400  }
0x49: {  	[sflag:s0] =	ssyncset.done @!p0 $0x0  }
0x4a: {  	[sflag:s0] =	ssyncadd.s32 @!p0 $0xFFFFFC00  }
0x4b: {  	_ =	swait.ge @!p0 [sflag:s0], $0x400  }
0x4c: {  	[sflag:s0] =	ssyncset.done @!p0 $0x0  }
0x4d: {  	[sflag:s0] =	ssyncadd.s32 @!p0 $0xFFFFFC00  }
0x4e: {  	_ =	swait.ge @!p0 [sflag:s0], $0x400  }
0x4f: {  	[sflag:s0] =	ssyncset.done @!p0 $0x0  }
0x50: {  	[sflag:s0] =	ssyncadd.s32 @!p0 $0xFFFFFC00  }
0x51: {  	_ =	swait.ge @!p0 [sflag:s0], $0x400  }
0x52: {  	[sflag:s0] =	ssyncset.done @!p0 $0x0  }
0x53: {  	[sflag:s0] =	ssyncadd.s32 @!p0 $0xFFFFFC00  }
0x54: {  	_ =	swait.ge @!p0 [sflag:s0], $0x400  }
0x55: {  	[sflag:s0] =	ssyncset.done @!p0 $0x0  }
0x56: {  	[sflag:s0] =	ssyncadd.s32 @!p0 $0xFFFFFC00  }
0x57: {  	_ =	swait.ge @!p0 [sflag:s0], $0x400  }
0x58: {  	[sflag:s0] =	ssyncset.done @!p0 $0x0  }
0x59: {  	[sflag:s0] =	ssyncadd.s32 @!p0 $0xFFFFFC00  }
0x5a: {  	_ =	swait.ge @!p0 [sflag:s0], $0x400  }
0x5b: {  	[sflag:s0] =	ssyncset.done @!p0 $0x0  }
0x5c: {  	[sflag:s0] =	ssyncadd.s32 @!p0 $0xFFFFFC00  }
0x5d: {  	_ =	swait.ge @!p0 [sflag:s0], $0x400  }
0x5e: {  	[sflag:s0] =	ssyncset.done @!p0 $0x0  }
0x5f: {  	[sflag:s0] =	ssyncadd.s32 @!p0 $0xFFFFFC00  }
0x60: {  	_ =	swait.ge @!p0 [sflag:s0], $0x400  }
0x61: {  	s5 =	sshll.u32 s24, $0x9;
	[sflag:s0] =	ssyncset.done @!p0 $0x0  }
0x62: {  	s4 =	sshrl.u32 s25, $0x5;
	[sflag:s0] =	ssyncadd.s32 @!p0 $0xFFFFFC00;
	s0 =	sand.u32 $0x3FFFFE00, s5  }
0x63: {  	s7 =	sshrl.u32 s8, $0x5;
	s4 =	smul.u32 $0x48000, s4;
	v0 =	vld [tilespmem:s0+$0x0]  }
0x64: {  	s6 =	sshrl.u32 s28, $0x5;
	s7 =	smul.u32 $0x48000, s7;
	v1 =	vld [tilespmem:s0+$0x10]  }
0x65: {  	s18 =	sshrl.u32 s30, $0x5;
	s12 =	smul.u32 $0x48000, s6;
	s4 =	sadd.s32 s4, s26;
	v2 =	vld [tilespmem:s0+$0x20]  }
0x66: {  	s6 =	smul.u32 $0x48000, s18;
	s18 =	sadd.s32 s7, s9;
	s4 =	sshrl.u32 s4, $0x3;
	v3 =	vld [tilespmem:s0+$0x30]  }
0x67: {  	s7 =	simm.s32 $0x12700;
	s16 =	sadd.s32 s4, s2;
	s5 =	sadd.s32 s12, s29;
	v4 =	vld [tilespmem:s0+$0x40]  }
0x68: {  	s12 =	sadd.s32 s6, s31;
	s6 =	sshrl.u32 s18, $0x3;
	s18 =	sshll.u32 s24, $0x2;
	v5 =	vld [tilespmem:s0+$0x50]  }
0x69: {  	s4 =	sshrl.u32 s5, $0x3;
	s5 =	sshrl.u32 s12, $0x3;
	s6 =	sadd.s32 s6, s2;
	v6 =	vld [tilespmem:s0+$0x60]  }
0x6a: {  	v7 =	vld [tilespmem:s0+$0x70];
	s0 =	simm.s32 $0x0;
	s4 =	sadd.s32 s4, s2;
	s5 =	sadd.s32 s5, s2  }
.LBB2_5:
0x6b: {  	s12 =	sshra.s32 s0, $0x2  }
0x6c: {  	v8 =	vld.idx.msk [tilespmem:v0+s12+$0xC800], $0xffff  }
0x6d: {  	v9 =	vld.idx.msk [tilespmem:v1+s12+$0xC800], $0xffff  }
0x6e: {  	v10 =	vld.idx.msk [tilespmem:v2+s12+$0xC800], $0xffff  }
0x6f: {  	v11 =	vld.idx.msk [tilespmem:v3+s12+$0xC800], $0xffff  }
0x70: {  	v12 =	vld.idx.msk [tilespmem:v4+s12+$0xC800], $0xffff  }
0x71: {  	v13 =	vld.idx.msk [tilespmem:v5+s12+$0xC800], $0xffff  }
0x72: {  	v14 =	vld.idx.msk [tilespmem:v6+s12+$0xC800], $0xffff  }
0x73: {  	v15 =	vld.idx.msk [tilespmem:v7+s12+$0xC800], $0xffff  }
0x74: {  	v16 =	vld.idx.msk [tilespmem:v0+s12+$0xC930], $0xffff  }
0x75: {  	v17 =	vld.idx.msk [tilespmem:v1+s12+$0xC930], $0xffff  }
0x76: {  	v18 =	vld.idx.msk [tilespmem:v2+s12+$0xC930], $0xffff  }
0x77: {  	v19 =	vld.idx.msk [tilespmem:v3+s12+$0xC930], $0xffff  }
0x78: {  	v20 =	vld.idx.msk [tilespmem:v4+s12+$0xC930], $0xffff  }
0x79: {  	v21 =	vld.idx.msk [tilespmem:v5+s12+$0xC930], $0xffff  }
0x7a: {  	v22 =	vld.idx.msk [tilespmem:v6+s12+$0xC930], $0xffff  }
0x7b: {  	v23 =	vld.idx.msk [tilespmem:v7+s12+$0xC930], $0xffff;
	[tilespmem:s7+$0x0] =	vst v8  }
0x7c: {  	[tilespmem:s7+$0x10] =	vst v9  }
0x7d: {  	[tilespmem:s7+$0x20] =	vst v10  }
0x7e: {  	[tilespmem:s7+$0x30] =	vst v11  }
0x7f: {  	[tilespmem:s7+$0x40] =	vst v12  }
0x80: {  	[tilespmem:s7+$0x50] =	vst v13  }
0x81: {  	[tilespmem:s7+$0x60] =	vst v14  }
0x82: {  	[tilespmem:s7+$0x70] =	vst v15  }
0x83: {  	v8 =	vld.idx.msk [tilespmem:v0+s12+$0xCA60], $0xffff  }
0x84: {  	v9 =	vld.idx.msk [tilespmem:v1+s12+$0xCA60], $0xffff  }
0x85: {  	v10 =	vld.idx.msk [tilespmem:v2+s12+$0xCA60], $0xffff  }
0x86: {  	v11 =	vld.idx.msk [tilespmem:v3+s12+$0xCA60], $0xffff  }
0x87: {  	v12 =	vld.idx.msk [tilespmem:v4+s12+$0xCA60], $0xffff  }
0x88: {  	v13 =	vld.idx.msk [tilespmem:v5+s12+$0xCA60], $0xffff  }
0x89: {  	v14 =	vld.idx.msk [tilespmem:v6+s12+$0xCA60], $0xffff  }
0x8a: {  	v15 =	vld.idx.msk [tilespmem:v7+s12+$0xCA60], $0xffff;
	[tilespmem:s7+$0x80] =	vst v16  }
0x8b: {  	[tilespmem:s7+$0x90] =	vst v17  }
0x8c: {  	[tilespmem:s7+$0xA0] =	vst v18  }
0x8d: {  	[tilespmem:s7+$0xB0] =	vst v19  }
0x8e: {  	[tilespmem:s7+$0xC0] =	vst v20  }
0x8f: {  	[tilespmem:s7+$0xD0] =	vst v21  }
0x90: {  	[tilespmem:s7+$0xE0] =	vst v22  }
0x91: {  	[tilespmem:s7+$0xF0] =	vst v23  }
0x92: {  	v16 =	vld.idx.msk [tilespmem:v0+s12+$0xCB90], $0xffff  }
0x93: {  	v17 =	vld.idx.msk [tilespmem:v1+s12+$0xCB90], $0xffff  }
0x94: {  	v18 =	vld.idx.msk [tilespmem:v2+s12+$0xCB90], $0xffff  }
0x95: {  	v19 =	vld.idx.msk [tilespmem:v3+s12+$0xCB90], $0xffff  }
0x96: {  	v20 =	vld.idx.msk [tilespmem:v4+s12+$0xCB90], $0xffff  }
0x97: {  	v21 =	vld.idx.msk [tilespmem:v5+s12+$0xCB90], $0xffff  }
0x98: {  	v22 =	vld.idx.msk [tilespmem:v6+s12+$0xCB90], $0xffff  }
0x99: {  	v23 =	vld.idx.msk [tilespmem:v7+s12+$0xCB90], $0xffff;
	[tilespmem:s7+$0x100] =	vst v8  }
0x9a: {  	[tilespmem:s7+$0x110] =	vst v9  }
0x9b: {  	[tilespmem:s7+$0x120] =	vst v10  }
0x9c: {  	[tilespmem:s7+$0x130] =	vst v11  }
0x9d: {  	[tilespmem:s7+$0x140] =	vst v12  }
0x9e: {  	[tilespmem:s7+$0x150] =	vst v13  }
0x9f: {  	[tilespmem:s7+$0x160] =	vst v14  }
0xa0: {  	[tilespmem:s7+$0x170] =	vst v15  }
0xa1: {  	v8 =	vld.idx.msk [tilespmem:v0+s12+$0xCCC0], $0xffff  }
0xa2: {  	v9 =	vld.idx.msk [tilespmem:v1+s12+$0xCCC0], $0xffff  }
0xa3: {  	v10 =	vld.idx.msk [tilespmem:v2+s12+$0xCCC0], $0xffff  }
0xa4: {  	v11 =	vld.idx.msk [tilespmem:v3+s12+$0xCCC0], $0xffff  }
0xa5: {  	v12 =	vld.idx.msk [tilespmem:v4+s12+$0xCCC0], $0xffff  }
0xa6: {  	v13 =	vld.idx.msk [tilespmem:v5+s12+$0xCCC0], $0xffff  }
0xa7: {  	v14 =	vld.idx.msk [tilespmem:v6+s12+$0xCCC0], $0xffff  }
0xa8: {  	v15 =	vld.idx.msk [tilespmem:v7+s12+$0xCCC0], $0xffff;
	[tilespmem:s7+$0x180] =	vst v16  }
0xa9: {  	[tilespmem:s7+$0x190] =	vst v17  }
0xaa: {  	[tilespmem:s7+$0x1A0] =	vst v18  }
0xab: {  	[tilespmem:s7+$0x1B0] =	vst v19  }
0xac: {  	[tilespmem:s7+$0x1C0] =	vst v20  }
0xad: {  	[tilespmem:s7+$0x1D0] =	vst v21  }
0xae: {  	[tilespmem:s7+$0x1E0] =	vst v22  }
0xaf: {  	[tilespmem:s7+$0x1F0] =	vst v23  }
0xb0: {  	v16 =	vld.idx.msk [tilespmem:v0+s12+$0xCDF0], $0xffff  }
0xb1: {  	v17 =	vld.idx.msk [tilespmem:v1+s12+$0xCDF0], $0xffff  }
0xb2: {  	v18 =	vld.idx.msk [tilespmem:v2+s12+$0xCDF0], $0xffff  }
0xb3: {  	v19 =	vld.idx.msk [tilespmem:v3+s12+$0xCDF0], $0xffff  }
0xb4: {  	v20 =	vld.idx.msk [tilespmem:v4+s12+$0xCDF0], $0xffff  }
0xb5: {  	v21 =	vld.idx.msk [tilespmem:v5+s12+$0xCDF0], $0xffff  }
0xb6: {  	v22 =	vld.idx.msk [tilespmem:v6+s12+$0xCDF0], $0xffff  }
0xb7: {  	v23 =	vld.idx.msk [tilespmem:v7+s12+$0xCDF0], $0xffff;
	[tilespmem:s7+$0x200] =	vst v8  }
0xb8: {  	[tilespmem:s7+$0x210] =	vst v9  }
0xb9: {  	[tilespmem:s7+$0x220] =	vst v10  }
0xba: {  	[tilespmem:s7+$0x230] =	vst v11  }
0xbb: {  	[tilespmem:s7+$0x240] =	vst v12  }
0xbc: {  	[tilespmem:s7+$0x250] =	vst v13  }
0xbd: {  	[tilespmem:s7+$0x260] =	vst v14  }
0xbe: {  	[tilespmem:s7+$0x270] =	vst v15  }
0xbf: {  	v8 =	vld.idx.msk [tilespmem:v0+s12+$0xCF20], $0xffff  }
0xc0: {  	v9 =	vld.idx.msk [tilespmem:v1+s12+$0xCF20], $0xffff  }
0xc1: {  	v10 =	vld.idx.msk [tilespmem:v2+s12+$0xCF20], $0xffff  }
0xc2: {  	v11 =	vld.idx.msk [tilespmem:v3+s12+$0xCF20], $0xffff  }
0xc3: {  	v12 =	vld.idx.msk [tilespmem:v4+s12+$0xCF20], $0xffff  }
0xc4: {  	v13 =	vld.idx.msk [tilespmem:v5+s12+$0xCF20], $0xffff  }
0xc5: {  	v14 =	vld.idx.msk [tilespmem:v6+s12+$0xCF20], $0xffff  }
0xc6: {  	v15 =	vld.idx.msk [tilespmem:v7+s12+$0xCF20], $0xffff;
	[tilespmem:s7+$0x280] =	vst v16  }
0xc7: {  	[tilespmem:s7+$0x290] =	vst v17  }
0xc8: {  	[tilespmem:s7+$0x2A0] =	vst v18  }
0xc9: {  	[tilespmem:s7+$0x2B0] =	vst v19  }
0xca: {  	[tilespmem:s7+$0x2C0] =	vst v20  }
0xcb: {  	[tilespmem:s7+$0x2D0] =	vst v21  }
0xcc: {  	[tilespmem:s7+$0x2E0] =	vst v22  }
0xcd: {  	[tilespmem:s7+$0x2F0] =	vst v23  }
0xce: {  	v16 =	vld.idx.msk [tilespmem:v0+s12+$0xD050], $0xffff  }
0xcf: {  	v17 =	vld.idx.msk [tilespmem:v1+s12+$0xD050], $0xffff  }
0xd0: {  	v18 =	vld.idx.msk [tilespmem:v2+s12+$0xD050], $0xffff  }
0xd1: {  	v19 =	vld.idx.msk [tilespmem:v3+s12+$0xD050], $0xffff  }
0xd2: {  	v20 =	vld.idx.msk [tilespmem:v4+s12+$0xD050], $0xffff  }
0xd3: {  	v21 =	vld.idx.msk [tilespmem:v5+s12+$0xD050], $0xffff  }
0xd4: {  	v22 =	vld.idx.msk [tilespmem:v6+s12+$0xD050], $0xffff  }
0xd5: {  	v23 =	vld.idx.msk [tilespmem:v7+s12+$0xD050], $0xffff;
	[tilespmem:s7+$0x300] =	vst v8  }
0xd6: {  	[tilespmem:s7+$0x310] =	vst v9  }
0xd7: {  	[tilespmem:s7+$0x320] =	vst v10  }
0xd8: {  	[tilespmem:s7+$0x330] =	vst v11  }
0xd9: {  	[tilespmem:s7+$0x340] =	vst v12  }
0xda: {  	[tilespmem:s7+$0x350] =	vst v13  }
0xdb: {  	[tilespmem:s7+$0x360] =	vst v14  }
0xdc: {  	[tilespmem:s7+$0x370] =	vst v15  }
0xdd: {  	[tilespmem:s7+$0x380] =	vst v16  }
0xde: {  	[tilespmem:s7+$0x390] =	vst v17  }
0xdf: {  	[tilespmem:s7+$0x3A0] =	vst v18  }
0xe0: {  	[tilespmem:s7+$0x3B0] =	vst v19  }
0xe1: {  	p1 =	sne.s32 s0, $0x15600;
	[tilespmem:s7+$0x3C0] =	vst v20  }
.Ltmp1:
0xe2: {  	[tilespmem:s7+$0x3D0] =	vst v21;
	(pc) =	sbr.rel @p1 .LBB2_5-.Ltmp1, $4  }
0xe3: {  	[tilespmem:s7+$0x3E0] =	vst v22  }
0xe4: {  	[tilespmem:s7+$0x3F0] =	vst v23  }
0xe5: {  	[hbm4b:s6+s3] =	stream.linear.scatter [tilespmem:s7], [sflag:$0x1], $0x400, $0x38;
	[tilespmem:$0x1C700] =	vst v63  }
0xe6: {  	s0 =	sadd.s32 $0x2600, s0;
	s6 =	sadd.s32 $0x1000, s6;
	s7 =	sadd.s32 $0x400, s7  }
0xe7: {  	s0 =	simm.s32 @!p0 $0x2  }
0xe8: {  	_ =	swait.ge @!p0 [sflag:s0], $0x400  }
0xe9: {  	[sflag:s0] =	ssyncset.done @!p0 $0x0  }
0xea: {  	[sflag:s0] =	ssyncadd.s32 @!p0 $0xFFFFFC00  }
0xeb: {  	_ =	swait.ge @!p0 [sflag:s0], $0x400  }
0xec: {  	[sflag:s0] =	ssyncset.done @!p0 $0x0  }
0xed: {  	[sflag:s0] =	ssyncadd.s32 @!p0 $0xFFFFFC00  }
0xee: {  	_ =	swait.ge @!p0 [sflag:s0], $0x400  }
0xef: {  	[sflag:s0] =	ssyncset.done @!p0 $0x0  }
0xf0: {  	[sflag:s0] =	ssyncadd.s32 @!p0 $0xFFFFFC00  }
0xf1: {  	_ =	swait.ge @!p0 [sflag:s0], $0x400  }
0xf2: {  	[sflag:s0] =	ssyncset.done @!p0 $0x0  }
0xf3: {  	[sflag:s0] =	ssyncadd.s32 @!p0 $0xFFFFFC00  }
0xf4: {  	_ =	swait.ge @!p0 [sflag:s0], $0x400  }
0xf5: {  	[sflag:s0] =	ssyncset.done @!p0 $0x0  }
0xf6: {  	[sflag:s0] =	ssyncadd.s32 @!p0 $0xFFFFFC00  }
0xf7: {  	_ =	swait.ge @!p0 [sflag:s0], $0x400  }
0xf8: {  	[sflag:s0] =	ssyncset.done @!p0 $0x0  }
0xf9: {  	[sflag:s0] =	ssyncadd.s32 @!p0 $0xFFFFFC00  }
0xfa: {  	_ =	swait.ge @!p0 [sflag:s0], $0x400  }
0xfb: {  	[sflag:s0] =	ssyncset.done @!p0 $0x0  }
0xfc: {  	[sflag:s0] =	ssyncadd.s32 @!p0 $0xFFFFFC00  }
0xfd: {  	_ =	swait.ge @!p0 [sflag:s0], $0x400  }
0xfe: {  	[sflag:s0] =	ssyncset.done @!p0 $0x0  }
0xff: {  	[sflag:s0] =	ssyncadd.s32 @!p0 $0xFFFFFC00  }
0x100: {  	_ =	swait.ge @!p0 [sflag:s0], $0x400  }
0x101: {  	[sflag:s0] =	ssyncset.done @!p0 $0x0  }
0x102: {  	[sflag:s0] =	ssyncadd.s32 @!p0 $0xFFFFFC00  }
0x103: {  	s6 =	sor.u32 $0x1, s18;
	_ =	swait.ge @!p0 [sflag:s0], $0x400  }
0x104: {  	s6 =	sshll.u32 s6, $0x7;
	[sflag:s0] =	ssyncset.done @!p0 $0x0  }
0x105: {  	s12 =	sand.u32 $0x3FFFFF80, s6;
	[sflag:s0] =	ssyncadd.s32 @!p0 $0xFFFFFC00  }
0x106: {  	v0 =	vld [tilespmem:s12+$0x0]  }
0x107: {  	v1 =	vld [tilespmem:s12+$0x10]  }
0x108: {  	v2 =	vld [tilespmem:s12+$0x20]  }
0x109: {  	v3 =	vld [tilespmem:s12+$0x30]  }
0x10a: {  	v4 =	vld [tilespmem:s12+$0x40]  }
0x10b: {  	v5 =	vld [tilespmem:s12+$0x50]  }
0x10c: {  	v6 =	vld [tilespmem:s12+$0x60]  }
0x10d: {  	s6 =	simm.s32 $0x0;
	s0 =	simm.s32 $0x14F00;
	v7 =	vld [tilespmem:s12+$0x70]  }
.LBB2_7:
0x10e: {  	s7 =	sshra.s32 s6, $0x2  }
0x10f: {  	v8 =	vld.idx.msk [tilespmem:v0+s7+$0xC800], $0xffff  }
0x110: {  	v9 =	vld.idx.msk [tilespmem:v1+s7+$0xC800], $0xffff  }
0x111: {  	v10 =	vld.idx.msk [tilespmem:v2+s7+$0xC800], $0xffff  }
0x112: {  	v11 =	vld.idx.msk [tilespmem:v3+s7+$0xC800], $0xffff  }
0x113: {  	v12 =	vld.idx.msk [tilespmem:v4+s7+$0xC800], $0xffff  }
0x114: {  	v13 =	vld.idx.msk [tilespmem:v5+s7+$0xC800], $0xffff  }
0x115: {  	v14 =	vld.idx.msk [tilespmem:v6+s7+$0xC800], $0xffff  }
0x116: {  	v15 =	vld.idx.msk [tilespmem:v7+s7+$0xC800], $0xffff  }
0x117: {  	v16 =	vld.idx.msk [tilespmem:v0+s7+$0xC930], $0xffff  }
0x118: {  	v17 =	vld.idx.msk [tilespmem:v1+s7+$0xC930], $0xffff  }
0x119: {  	v18 =	vld.idx.msk [tilespmem:v2+s7+$0xC930], $0xffff  }
0x11a: {  	v19 =	vld.idx.msk [tilespmem:v3+s7+$0xC930], $0xffff  }
0x11b: {  	v20 =	vld.idx.msk [tilespmem:v4+s7+$0xC930], $0xffff  }
0x11c: {  	v21 =	vld.idx.msk [tilespmem:v5+s7+$0xC930], $0xffff  }
0x11d: {  	v22 =	vld.idx.msk [tilespmem:v6+s7+$0xC930], $0xffff  }
0x11e: {  	v23 =	vld.idx.msk [tilespmem:v7+s7+$0xC930], $0xffff;
	[tilespmem:s0+$0x0] =	vst v8  }
0x11f: {  	[tilespmem:s0+$0x10] =	vst v9  }
0x120: {  	[tilespmem:s0+$0x20] =	vst v10  }
0x121: {  	[tilespmem:s0+$0x30] =	vst v11  }
0x122: {  	[tilespmem:s0+$0x40] =	vst v12  }
0x123: {  	[tilespmem:s0+$0x50] =	vst v13  }
0x124: {  	[tilespmem:s0+$0x60] =	vst v14  }
0x125: {  	[tilespmem:s0+$0x70] =	vst v15  }
0x126: {  	v8 =	vld.idx.msk [tilespmem:v0+s7+$0xCA60], $0xffff  }
0x127: {  	v9 =	vld.idx.msk [tilespmem:v1+s7+$0xCA60], $0xffff  }
0x128: {  	v10 =	vld.idx.msk [tilespmem:v2+s7+$0xCA60], $0xffff  }
0x129: {  	v11 =	vld.idx.msk [tilespmem:v3+s7+$0xCA60], $0xffff  }
0x12a: {  	v12 =	vld.idx.msk [tilespmem:v4+s7+$0xCA60], $0xffff  }
0x12b: {  	v13 =	vld.idx.msk [tilespmem:v5+s7+$0xCA60], $0xffff  }
0x12c: {  	v14 =	vld.idx.msk [tilespmem:v6+s7+$0xCA60], $0xffff  }
0x12d: {  	v15 =	vld.idx.msk [tilespmem:v7+s7+$0xCA60], $0xffff;
	[tilespmem:s0+$0x80] =	vst v16  }
0x12e: {  	[tilespmem:s0+$0x90] =	vst v17  }
0x12f: {  	[tilespmem:s0+$0xA0] =	vst v18  }
0x130: {  	[tilespmem:s0+$0xB0] =	vst v19  }
0x131: {  	[tilespmem:s0+$0xC0] =	vst v20  }
0x132: {  	[tilespmem:s0+$0xD0] =	vst v21  }
0x133: {  	[tilespmem:s0+$0xE0] =	vst v22  }
0x134: {  	[tilespmem:s0+$0xF0] =	vst v23  }
0x135: {  	v16 =	vld.idx.msk [tilespmem:v0+s7+$0xCB90], $0xffff  }
0x136: {  	v17 =	vld.idx.msk [tilespmem:v1+s7+$0xCB90], $0xffff  }
0x137: {  	v18 =	vld.idx.msk [tilespmem:v2+s7+$0xCB90], $0xffff  }
0x138: {  	v19 =	vld.idx.msk [tilespmem:v3+s7+$0xCB90], $0xffff  }
0x139: {  	v20 =	vld.idx.msk [tilespmem:v4+s7+$0xCB90], $0xffff  }
0x13a: {  	v21 =	vld.idx.msk [tilespmem:v5+s7+$0xCB90], $0xffff  }
0x13b: {  	v22 =	vld.idx.msk [tilespmem:v6+s7+$0xCB90], $0xffff  }
0x13c: {  	v23 =	vld.idx.msk [tilespmem:v7+s7+$0xCB90], $0xffff;
	[tilespmem:s0+$0x100] =	vst v8  }
0x13d: {  	[tilespmem:s0+$0x110] =	vst v9  }
0x13e: {  	[tilespmem:s0+$0x120] =	vst v10  }
0x13f: {  	[tilespmem:s0+$0x130] =	vst v11  }
0x140: {  	[tilespmem:s0+$0x140] =	vst v12  }
0x141: {  	[tilespmem:s0+$0x150] =	vst v13  }
0x142: {  	[tilespmem:s0+$0x160] =	vst v14  }
0x143: {  	[tilespmem:s0+$0x170] =	vst v15  }
0x144: {  	v8 =	vld.idx.msk [tilespmem:v0+s7+$0xCCC0], $0xffff  }
0x145: {  	v9 =	vld.idx.msk [tilespmem:v1+s7+$0xCCC0], $0xffff  }
0x146: {  	v10 =	vld.idx.msk [tilespmem:v2+s7+$0xCCC0], $0xffff  }
0x147: {  	v11 =	vld.idx.msk [tilespmem:v3+s7+$0xCCC0], $0xffff  }
0x148: {  	v12 =	vld.idx.msk [tilespmem:v4+s7+$0xCCC0], $0xffff  }
0x149: {  	v13 =	vld.idx.msk [tilespmem:v5+s7+$0xCCC0], $0xffff  }
0x14a: {  	v14 =	vld.idx.msk [tilespmem:v6+s7+$0xCCC0], $0xffff  }
0x14b: {  	v15 =	vld.idx.msk [tilespmem:v7+s7+$0xCCC0], $0xffff;
	[tilespmem:s0+$0x180] =	vst v16  }
0x14c: {  	[tilespmem:s0+$0x190] =	vst v17  }
0x14d: {  	[tilespmem:s0+$0x1A0] =	vst v18  }
0x14e: {  	[tilespmem:s0+$0x1B0] =	vst v19  }
0x14f: {  	[tilespmem:s0+$0x1C0] =	vst v20  }
0x150: {  	[tilespmem:s0+$0x1D0] =	vst v21  }
0x151: {  	[tilespmem:s0+$0x1E0] =	vst v22  }
0x152: {  	[tilespmem:s0+$0x1F0] =	vst v23  }
0x153: {  	v16 =	vld.idx.msk [tilespmem:v0+s7+$0xCDF0], $0xffff  }
0x154: {  	v17 =	vld.idx.msk [tilespmem:v1+s7+$0xCDF0], $0xffff  }
0x155: {  	v18 =	vld.idx.msk [tilespmem:v2+s7+$0xCDF0], $0xffff  }
0x156: {  	v19 =	vld.idx.msk [tilespmem:v3+s7+$0xCDF0], $0xffff  }
0x157: {  	v20 =	vld.idx.msk [tilespmem:v4+s7+$0xCDF0], $0xffff  }
0x158: {  	v21 =	vld.idx.msk [tilespmem:v5+s7+$0xCDF0], $0xffff  }
0x159: {  	v22 =	vld.idx.msk [tilespmem:v6+s7+$0xCDF0], $0xffff  }
0x15a: {  	v23 =	vld.idx.msk [tilespmem:v7+s7+$0xCDF0], $0xffff;
	[tilespmem:s0+$0x200] =	vst v8  }
0x15b: {  	[tilespmem:s0+$0x210] =	vst v9  }
0x15c: {  	[tilespmem:s0+$0x220] =	vst v10  }
0x15d: {  	[tilespmem:s0+$0x230] =	vst v11  }
0x15e: {  	[tilespmem:s0+$0x240] =	vst v12  }
0x15f: {  	[tilespmem:s0+$0x250] =	vst v13  }
0x160: {  	[tilespmem:s0+$0x260] =	vst v14  }
0x161: {  	[tilespmem:s0+$0x270] =	vst v15  }
0x162: {  	v8 =	vld.idx.msk [tilespmem:v0+s7+$0xCF20], $0xffff  }
0x163: {  	v9 =	vld.idx.msk [tilespmem:v1+s7+$0xCF20], $0xffff  }
0x164: {  	v10 =	vld.idx.msk [tilespmem:v2+s7+$0xCF20], $0xffff  }
0x165: {  	v11 =	vld.idx.msk [tilespmem:v3+s7+$0xCF20], $0xffff  }
0x166: {  	v12 =	vld.idx.msk [tilespmem:v4+s7+$0xCF20], $0xffff  }
0x167: {  	v13 =	vld.idx.msk [tilespmem:v5+s7+$0xCF20], $0xffff  }
0x168: {  	v14 =	vld.idx.msk [tilespmem:v6+s7+$0xCF20], $0xffff  }
0x169: {  	v15 =	vld.idx.msk [tilespmem:v7+s7+$0xCF20], $0xffff;
	[tilespmem:s0+$0x280] =	vst v16  }
0x16a: {  	[tilespmem:s0+$0x290] =	vst v17  }
0x16b: {  	[tilespmem:s0+$0x2A0] =	vst v18  }
0x16c: {  	[tilespmem:s0+$0x2B0] =	vst v19  }
0x16d: {  	[tilespmem:s0+$0x2C0] =	vst v20  }
0x16e: {  	[tilespmem:s0+$0x2D0] =	vst v21  }
0x16f: {  	[tilespmem:s0+$0x2E0] =	vst v22  }
0x170: {  	[tilespmem:s0+$0x2F0] =	vst v23  }
0x171: {  	v16 =	vld.idx.msk [tilespmem:v0+s7+$0xD050], $0xffff  }
0x172: {  	v17 =	vld.idx.msk [tilespmem:v1+s7+$0xD050], $0xffff  }
0x173: {  	v18 =	vld.idx.msk [tilespmem:v2+s7+$0xD050], $0xffff  }
0x174: {  	v19 =	vld.idx.msk [tilespmem:v3+s7+$0xD050], $0xffff  }
0x175: {  	v20 =	vld.idx.msk [tilespmem:v4+s7+$0xD050], $0xffff  }
0x176: {  	v21 =	vld.idx.msk [tilespmem:v5+s7+$0xD050], $0xffff  }
0x177: {  	v22 =	vld.idx.msk [tilespmem:v6+s7+$0xD050], $0xffff  }
0x178: {  	v23 =	vld.idx.msk [tilespmem:v7+s7+$0xD050], $0xffff;
	[tilespmem:s0+$0x300] =	vst v8  }
0x179: {  	[tilespmem:s0+$0x310] =	vst v9  }
0x17a: {  	[tilespmem:s0+$0x320] =	vst v10  }
0x17b: {  	[tilespmem:s0+$0x330] =	vst v11  }
0x17c: {  	[tilespmem:s0+$0x340] =	vst v12  }
0x17d: {  	[tilespmem:s0+$0x350] =	vst v13  }
0x17e: {  	[tilespmem:s0+$0x360] =	vst v14  }
0x17f: {  	[tilespmem:s0+$0x370] =	vst v15  }
0x180: {  	[tilespmem:s0+$0x380] =	vst v16  }
0x181: {  	[tilespmem:s0+$0x390] =	vst v17  }
0x182: {  	[tilespmem:s0+$0x3A0] =	vst v18  }
0x183: {  	[tilespmem:s0+$0x3B0] =	vst v19  }
0x184: {  	p1 =	sne.s32 s6, $0x15600;
	[tilespmem:s0+$0x3C0] =	vst v20  }
.Ltmp2:
0x185: {  	[tilespmem:s0+$0x3D0] =	vst v21;
	(pc) =	sbr.rel @p1 .LBB2_7-.Ltmp2, $4  }
0x186: {  	[tilespmem:s0+$0x3E0] =	vst v22  }
0x187: {  	[tilespmem:s0+$0x3F0] =	vst v23  }
0x188: {  	[hbm4b:s5+s3] =	stream.linear.scatter [tilespmem:s0], [sflag:$0x2], $0x400, $0x38;
	[tilespmem:$0x1C700] =	vst v63  }
0x189: {  	s6 =	sadd.s32 $0x2600, s6;
	s5 =	sadd.s32 $0x1000, s5;
	s0 =	sadd.s32 $0x400, s0  }
0x18a: {  	s0 =	simm.s32 @!p0 $0x3  }
0x18b: {  	_ =	swait.ge @!p0 [sflag:s0], $0x400  }
0x18c: {  	[sflag:s0] =	ssyncset.done @!p0 $0x0  }
0x18d: {  	[sflag:s0] =	ssyncadd.s32 @!p0 $0xFFFFFC00  }
0x18e: {  	_ =	swait.ge @!p0 [sflag:s0], $0x400  }
0x18f: {  	[sflag:s0] =	ssyncset.done @!p0 $0x0  }
0x190: {  	[sflag:s0] =	ssyncadd.s32 @!p0 $0xFFFFFC00  }
0x191: {  	_ =	swait.ge @!p0 [sflag:s0], $0x400  }
0x192: {  	[sflag:s0] =	ssyncset.done @!p0 $0x0  }
0x193: {  	[sflag:s0] =	ssyncadd.s32 @!p0 $0xFFFFFC00  }
0x194: {  	_ =	swait.ge @!p0 [sflag:s0], $0x400  }
0x195: {  	[sflag:s0] =	ssyncset.done @!p0 $0x0  }
0x196: {  	[sflag:s0] =	ssyncadd.s32 @!p0 $0xFFFFFC00  }
0x197: {  	_ =	swait.ge @!p0 [sflag:s0], $0x400  }
0x198: {  	[sflag:s0] =	ssyncset.done @!p0 $0x0  }
0x199: {  	[sflag:s0] =	ssyncadd.s32 @!p0 $0xFFFFFC00  }
0x19a: {  	_ =	swait.ge @!p0 [sflag:s0], $0x400  }
0x19b: {  	[sflag:s0] =	ssyncset.done @!p0 $0x0  }
0x19c: {  	[sflag:s0] =	ssyncadd.s32 @!p0 $0xFFFFFC00  }
0x19d: {  	_ =	swait.ge @!p0 [sflag:s0], $0x400  }
0x19e: {  	[sflag:s0] =	ssyncset.done @!p0 $0x0  }
0x19f: {  	[sflag:s0] =	ssyncadd.s32 @!p0 $0xFFFFFC00  }
0x1a0: {  	_ =	swait.ge @!p0 [sflag:s0], $0x400  }
0x1a1: {  	[sflag:s0] =	ssyncset.done @!p0 $0x0  }
0x1a2: {  	[sflag:s0] =	ssyncadd.s32 @!p0 $0xFFFFFC00  }
0x1a3: {  	_ =	swait.ge @!p0 [sflag:s0], $0x400  }
0x1a4: {  	[sflag:s0] =	ssyncset.done @!p0 $0x0  }
0x1a5: {  	[sflag:s0] =	ssyncadd.s32 @!p0 $0xFFFFFC00  }
0x1a6: {  	s5 =	sor.u32 $0x2, s18;
	_ =	swait.ge @!p0 [sflag:s0], $0x400  }
0x1a7: {  	s5 =	sshll.u32 s5, $0x7;
	[sflag:s0] =	ssyncset.done @!p0 $0x0  }
0x1a8: {  	s12 =	sand.u32 $0x3FFFFF80, s5;
	[sflag:s0] =	ssyncadd.s32 @!p0 $0xFFFFFC00  }
0x1a9: {  	v0 =	vld [tilespmem:s12+$0x0]  }
0x1aa: {  	v1 =	vld [tilespmem:s12+$0x10]  }
0x1ab: {  	v2 =	vld [tilespmem:s12+$0x20]  }
0x1ac: {  	v3 =	vld [tilespmem:s12+$0x30]  }
0x1ad: {  	v4 =	vld [tilespmem:s12+$0x40]  }
0x1ae: {  	v5 =	vld [tilespmem:s12+$0x50]  }
0x1af: {  	v6 =	vld [tilespmem:s12+$0x60]  }
0x1b0: {  	s5 =	simm.s32 $0x0;
	s0 =	simm.s32 $0x17700;
	v7 =	vld [tilespmem:s12+$0x70]  }
.LBB2_9:
0x1b1: {  	s6 =	sshra.s32 s5, $0x2  }
0x1b2: {  	v8 =	vld.idx.msk [tilespmem:v0+s6+$0xC800], $0xffff  }
0x1b3: {  	v9 =	vld.idx.msk [tilespmem:v1+s6+$0xC800], $0xffff  }
0x1b4: {  	v10 =	vld.idx.msk [tilespmem:v2+s6+$0xC800], $0xffff  }
0x1b5: {  	v11 =	vld.idx.msk [tilespmem:v3+s6+$0xC800], $0xffff  }
0x1b6: {  	v12 =	vld.idx.msk [tilespmem:v4+s6+$0xC800], $0xffff  }
0x1b7: {  	v13 =	vld.idx.msk [tilespmem:v5+s6+$0xC800], $0xffff  }
0x1b8: {  	v14 =	vld.idx.msk [tilespmem:v6+s6+$0xC800], $0xffff  }
0x1b9: {  	v15 =	vld.idx.msk [tilespmem:v7+s6+$0xC800], $0xffff  }
0x1ba: {  	v16 =	vld.idx.msk [tilespmem:v0+s6+$0xC930], $0xffff  }
0x1bb: {  	v17 =	vld.idx.msk [tilespmem:v1+s6+$0xC930], $0xffff  }
0x1bc: {  	v18 =	vld.idx.msk [tilespmem:v2+s6+$0xC930], $0xffff  }
0x1bd: {  	v19 =	vld.idx.msk [tilespmem:v3+s6+$0xC930], $0xffff  }
0x1be: {  	v20 =	vld.idx.msk [tilespmem:v4+s6+$0xC930], $0xffff  }
0x1bf: {  	v21 =	vld.idx.msk [tilespmem:v5+s6+$0xC930], $0xffff  }
0x1c0: {  	v22 =	vld.idx.msk [tilespmem:v6+s6+$0xC930], $0xffff  }
0x1c1: {  	v23 =	vld.idx.msk [tilespmem:v7+s6+$0xC930], $0xffff;
	[tilespmem:s0+$0x0] =	vst v8  }
0x1c2: {  	[tilespmem:s0+$0x10] =	vst v9  }
0x1c3: {  	[tilespmem:s0+$0x20] =	vst v10  }
0x1c4: {  	[tilespmem:s0+$0x30] =	vst v11  }
0x1c5: {  	[tilespmem:s0+$0x40] =	vst v12  }
0x1c6: {  	[tilespmem:s0+$0x50] =	vst v13  }
0x1c7: {  	[tilespmem:s0+$0x60] =	vst v14  }
0x1c8: {  	[tilespmem:s0+$0x70] =	vst v15  }
0x1c9: {  	v8 =	vld.idx.msk [tilespmem:v0+s6+$0xCA60], $0xffff  }
0x1ca: {  	v9 =	vld.idx.msk [tilespmem:v1+s6+$0xCA60], $0xffff  }
0x1cb: {  	v10 =	vld.idx.msk [tilespmem:v2+s6+$0xCA60], $0xffff  }
0x1cc: {  	v11 =	vld.idx.msk [tilespmem:v3+s6+$0xCA60], $0xffff  }
0x1cd: {  	v12 =	vld.idx.msk [tilespmem:v4+s6+$0xCA60], $0xffff  }
0x1ce: {  	v13 =	vld.idx.msk [tilespmem:v5+s6+$0xCA60], $0xffff  }
0x1cf: {  	v14 =	vld.idx.msk [tilespmem:v6+s6+$0xCA60], $0xffff  }
0x1d0: {  	v15 =	vld.idx.msk [tilespmem:v7+s6+$0xCA60], $0xffff;
	[tilespmem:s0+$0x80] =	vst v16  }
0x1d1: {  	[tilespmem:s0+$0x90] =	vst v17  }
0x1d2: {  	[tilespmem:s0+$0xA0] =	vst v18  }
0x1d3: {  	[tilespmem:s0+$0xB0] =	vst v19  }
0x1d4: {  	[tilespmem:s0+$0xC0] =	vst v20  }
0x1d5: {  	[tilespmem:s0+$0xD0] =	vst v21  }
0x1d6: {  	[tilespmem:s0+$0xE0] =	vst v22  }
0x1d7: {  	[tilespmem:s0+$0xF0] =	vst v23  }
0x1d8: {  	v16 =	vld.idx.msk [tilespmem:v0+s6+$0xCB90], $0xffff  }
0x1d9: {  	v17 =	vld.idx.msk [tilespmem:v1+s6+$0xCB90], $0xffff  }
0x1da: {  	v18 =	vld.idx.msk [tilespmem:v2+s6+$0xCB90], $0xffff  }
0x1db: {  	v19 =	vld.idx.msk [tilespmem:v3+s6+$0xCB90], $0xffff  }
0x1dc: {  	v20 =	vld.idx.msk [tilespmem:v4+s6+$0xCB90], $0xffff  }
0x1dd: {  	v21 =	vld.idx.msk [tilespmem:v5+s6+$0xCB90], $0xffff  }
0x1de: {  	v22 =	vld.idx.msk [tilespmem:v6+s6+$0xCB90], $0xffff  }
0x1df: {  	v23 =	vld.idx.msk [tilespmem:v7+s6+$0xCB90], $0xffff;
	[tilespmem:s0+$0x100] =	vst v8  }
0x1e0: {  	[tilespmem:s0+$0x110] =	vst v9  }
0x1e1: {  	[tilespmem:s0+$0x120] =	vst v10  }
0x1e2: {  	[tilespmem:s0+$0x130] =	vst v11  }
0x1e3: {  	[tilespmem:s0+$0x140] =	vst v12  }
0x1e4: {  	[tilespmem:s0+$0x150] =	vst v13  }
0x1e5: {  	[tilespmem:s0+$0x160] =	vst v14  }
0x1e6: {  	[tilespmem:s0+$0x170] =	vst v15  }
0x1e7: {  	v8 =	vld.idx.msk [tilespmem:v0+s6+$0xCCC0], $0xffff  }
0x1e8: {  	v9 =	vld.idx.msk [tilespmem:v1+s6+$0xCCC0], $0xffff  }
0x1e9: {  	v10 =	vld.idx.msk [tilespmem:v2+s6+$0xCCC0], $0xffff  }
0x1ea: {  	v11 =	vld.idx.msk [tilespmem:v3+s6+$0xCCC0], $0xffff  }
0x1eb: {  	v12 =	vld.idx.msk [tilespmem:v4+s6+$0xCCC0], $0xffff  }
0x1ec: {  	v13 =	vld.idx.msk [tilespmem:v5+s6+$0xCCC0], $0xffff  }
0x1ed: {  	v14 =	vld.idx.msk [tilespmem:v6+s6+$0xCCC0], $0xffff  }
0x1ee: {  	v15 =	vld.idx.msk [tilespmem:v7+s6+$0xCCC0], $0xffff;
	[tilespmem:s0+$0x180] =	vst v16  }
0x1ef: {  	[tilespmem:s0+$0x190] =	vst v17  }
0x1f0: {  	[tilespmem:s0+$0x1A0] =	vst v18  }
0x1f1: {  	[tilespmem:s0+$0x1B0] =	vst v19  }
0x1f2: {  	[tilespmem:s0+$0x1C0] =	vst v20  }
0x1f3: {  	[tilespmem:s0+$0x1D0] =	vst v21  }
0x1f4: {  	[tilespmem:s0+$0x1E0] =	vst v22  }
0x1f5: {  	[tilespmem:s0+$0x1F0] =	vst v23  }
0x1f6: {  	v16 =	vld.idx.msk [tilespmem:v0+s6+$0xCDF0], $0xffff  }
0x1f7: {  	v17 =	vld.idx.msk [tilespmem:v1+s6+$0xCDF0], $0xffff  }
0x1f8: {  	v18 =	vld.idx.msk [tilespmem:v2+s6+$0xCDF0], $0xffff  }
0x1f9: {  	v19 =	vld.idx.msk [tilespmem:v3+s6+$0xCDF0], $0xffff  }
0x1fa: {  	v20 =	vld.idx.msk [tilespmem:v4+s6+$0xCDF0], $0xffff  }
0x1fb: {  	v21 =	vld.idx.msk [tilespmem:v5+s6+$0xCDF0], $0xffff  }
0x1fc: {  	v22 =	vld.idx.msk [tilespmem:v6+s6+$0xCDF0], $0xffff  }
0x1fd: {  	v23 =	vld.idx.msk [tilespmem:v7+s6+$0xCDF0], $0xffff;
	[tilespmem:s0+$0x200] =	vst v8  }
0x1fe: {  	[tilespmem:s0+$0x210] =	vst v9  }
0x1ff: {  	[tilespmem:s0+$0x220] =	vst v10  }
0x200: {  	[tilespmem:s0+$0x230] =	vst v11  }
0x201: {  	[tilespmem:s0+$0x240] =	vst v12  }
0x202: {  	[tilespmem:s0+$0x250] =	vst v13  }
0x203: {  	[tilespmem:s0+$0x260] =	vst v14  }
0x204: {  	[tilespmem:s0+$0x270] =	vst v15  }
0x205: {  	v8 =	vld.idx.msk [tilespmem:v0+s6+$0xCF20], $0xffff  }
0x206: {  	v9 =	vld.idx.msk [tilespmem:v1+s6+$0xCF20], $0xffff  }
0x207: {  	v10 =	vld.idx.msk [tilespmem:v2+s6+$0xCF20], $0xffff  }
0x208: {  	v11 =	vld.idx.msk [tilespmem:v3+s6+$0xCF20], $0xffff  }
0x209: {  	v12 =	vld.idx.msk [tilespmem:v4+s6+$0xCF20], $0xffff  }
0x20a: {  	v13 =	vld.idx.msk [tilespmem:v5+s6+$0xCF20], $0xffff  }
0x20b: {  	v14 =	vld.idx.msk [tilespmem:v6+s6+$0xCF20], $0xffff  }
0x20c: {  	v15 =	vld.idx.msk [tilespmem:v7+s6+$0xCF20], $0xffff;
	[tilespmem:s0+$0x280] =	vst v16  }
0x20d: {  	[tilespmem:s0+$0x290] =	vst v17  }
0x20e: {  	[tilespmem:s0+$0x2A0] =	vst v18  }
0x20f: {  	[tilespmem:s0+$0x2B0] =	vst v19  }
0x210: {  	[tilespmem:s0+$0x2C0] =	vst v20  }
0x211: {  	[tilespmem:s0+$0x2D0] =	vst v21  }
0x212: {  	[tilespmem:s0+$0x2E0] =	vst v22  }
0x213: {  	[tilespmem:s0+$0x2F0] =	vst v23  }
0x214: {  	v16 =	vld.idx.msk [tilespmem:v0+s6+$0xD050], $0xffff  }
0x215: {  	v17 =	vld.idx.msk [tilespmem:v1+s6+$0xD050], $0xffff  }
0x216: {  	v18 =	vld.idx.msk [tilespmem:v2+s6+$0xD050], $0xffff  }
0x217: {  	v19 =	vld.idx.msk [tilespmem:v3+s6+$0xD050], $0xffff  }
0x218: {  	v20 =	vld.idx.msk [tilespmem:v4+s6+$0xD050], $0xffff  }
0x219: {  	v21 =	vld.idx.msk [tilespmem:v5+s6+$0xD050], $0xffff  }
0x21a: {  	v22 =	vld.idx.msk [tilespmem:v6+s6+$0xD050], $0xffff  }
0x21b: {  	v23 =	vld.idx.msk [tilespmem:v7+s6+$0xD050], $0xffff;
	[tilespmem:s0+$0x300] =	vst v8  }
0x21c: {  	[tilespmem:s0+$0x310] =	vst v9  }
0x21d: {  	[tilespmem:s0+$0x320] =	vst v10  }
0x21e: {  	[tilespmem:s0+$0x330] =	vst v11  }
0x21f: {  	[tilespmem:s0+$0x340] =	vst v12  }
0x220: {  	[tilespmem:s0+$0x350] =	vst v13  }
0x221: {  	[tilespmem:s0+$0x360] =	vst v14  }
0x222: {  	[tilespmem:s0+$0x370] =	vst v15  }
0x223: {  	[tilespmem:s0+$0x380] =	vst v16  }
0x224: {  	[tilespmem:s0+$0x390] =	vst v17  }
0x225: {  	[tilespmem:s0+$0x3A0] =	vst v18  }
0x226: {  	[tilespmem:s0+$0x3B0] =	vst v19  }
0x227: {  	p1 =	sne.s32 s5, $0x15600;
	[tilespmem:s0+$0x3C0] =	vst v20  }
.Ltmp3:
0x228: {  	[tilespmem:s0+$0x3D0] =	vst v21;
	(pc) =	sbr.rel @p1 .LBB2_9-.Ltmp3, $4  }
0x229: {  	[tilespmem:s0+$0x3E0] =	vst v22  }
0x22a: {  	[tilespmem:s0+$0x3F0] =	vst v23  }
0x22b: {  	[hbm4b:s4+s3] =	stream.linear.scatter [tilespmem:s0], [sflag:$0x3], $0x400, $0x38;
	[tilespmem:$0x1C700] =	vst v63  }
0x22c: {  	s5 =	sadd.s32 $0x2600, s5;
	s4 =	sadd.s32 $0x1000, s4;
	s0 =	sadd.s32 $0x400, s0  }
0x22d: {  	s0 =	simm.s32 @!p0 $0x4  }
0x22e: {  	_ =	swait.ge @!p0 [sflag:s0], $0x400  }
0x22f: {  	[sflag:s0] =	ssyncset.done @!p0 $0x0  }
0x230: {  	[sflag:s0] =	ssyncadd.s32 @!p0 $0xFFFFFC00  }
0x231: {  	_ =	swait.ge @!p0 [sflag:s0], $0x400  }
0x232: {  	[sflag:s0] =	ssyncset.done @!p0 $0x0  }
0x233: {  	[sflag:s0] =	ssyncadd.s32 @!p0 $0xFFFFFC00  }
0x234: {  	_ =	swait.ge @!p0 [sflag:s0], $0x400  }
0x235: {  	[sflag:s0] =	ssyncset.done @!p0 $0x0  }
0x236: {  	[sflag:s0] =	ssyncadd.s32 @!p0 $0xFFFFFC00  }
0x237: {  	_ =	swait.ge @!p0 [sflag:s0], $0x400  }
0x238: {  	[sflag:s0] =	ssyncset.done @!p0 $0x0  }
0x239: {  	[sflag:s0] =	ssyncadd.s32 @!p0 $0xFFFFFC00  }
0x23a: {  	_ =	swait.ge @!p0 [sflag:s0], $0x400  }
0x23b: {  	[sflag:s0] =	ssyncset.done @!p0 $0x0  }
0x23c: {  	[sflag:s0] =	ssyncadd.s32 @!p0 $0xFFFFFC00  }
0x23d: {  	_ =	swait.ge @!p0 [sflag:s0], $0x400  }
0x23e: {  	[sflag:s0] =	ssyncset.done @!p0 $0x0  }
0x23f: {  	[sflag:s0] =	ssyncadd.s32 @!p0 $0xFFFFFC00  }
0x240: {  	_ =	swait.ge @!p0 [sflag:s0], $0x400  }
0x241: {  	[sflag:s0] =	ssyncset.done @!p0 $0x0  }
0x242: {  	[sflag:s0] =	ssyncadd.s32 @!p0 $0xFFFFFC00  }
0x243: {  	_ =	swait.ge @!p0 [sflag:s0], $0x400  }
0x244: {  	[sflag:s0] =	ssyncset.done @!p0 $0x0  }
0x245: {  	[sflag:s0] =	ssyncadd.s32 @!p0 $0xFFFFFC00  }
0x246: {  	_ =	swait.ge @!p0 [sflag:s0], $0x400  }
0x247: {  	[sflag:s0] =	ssyncset.done @!p0 $0x0  }
0x248: {  	[sflag:s0] =	ssyncadd.s32 @!p0 $0xFFFFFC00  }
0x249: {  	s4 =	sor.u32 $0x3, s18;
	_ =	swait.ge @!p0 [sflag:s0], $0x400  }
0x24a: {  	s4 =	sshll.u32 s4, $0x7;
	[sflag:s0] =	ssyncset.done @!p0 $0x0  }
0x24b: {  	s18 =	sand.u32 $0x3FFFFF80, s4;
	[sflag:s0] =	ssyncadd.s32 @!p0 $0xFFFFFC00  }
0x24c: {  	v0 =	vld [tilespmem:s18+$0x0]  }
0x24d: {  	v1 =	vld [tilespmem:s18+$0x10]  }
0x24e: {  	v2 =	vld [tilespmem:s18+$0x20]  }
0x24f: {  	v3 =	vld [tilespmem:s18+$0x30]  }
0x250: {  	v4 =	vld [tilespmem:s18+$0x40]  }
0x251: {  	v5 =	vld [tilespmem:s18+$0x50]  }
0x252: {  	v6 =	vld [tilespmem:s18+$0x60]  }
0x253: {  	s4 =	simm.s32 $0x0;
	s0 =	simm.s32 $0x19F00;
	v7 =	vld [tilespmem:s18+$0x70]  }
.LBB2_11:
0x254: {  	s5 =	sshra.s32 s4, $0x2  }
0x255: {  	v8 =	vld.idx.msk [tilespmem:v0+s5+$0xC800], $0xffff  }
0x256: {  	v9 =	vld.idx.msk [tilespmem:v1+s5+$0xC800], $0xffff  }
0x257: {  	v10 =	vld.idx.msk [tilespmem:v2+s5+$0xC800], $0xffff  }
0x258: {  	v11 =	vld.idx.msk [tilespmem:v3+s5+$0xC800], $0xffff  }
0x259: {  	v12 =	vld.idx.msk [tilespmem:v4+s5+$0xC800], $0xffff  }
0x25a: {  	v13 =	vld.idx.msk [tilespmem:v5+s5+$0xC800], $0xffff  }
0x25b: {  	v14 =	vld.idx.msk [tilespmem:v6+s5+$0xC800], $0xffff  }
0x25c: {  	v15 =	vld.idx.msk [tilespmem:v7+s5+$0xC800], $0xffff  }
0x25d: {  	v16 =	vld.idx.msk [tilespmem:v0+s5+$0xC930], $0xffff  }
0x25e: {  	v17 =	vld.idx.msk [tilespmem:v1+s5+$0xC930], $0xffff  }
0x25f: {  	v18 =	vld.idx.msk [tilespmem:v2+s5+$0xC930], $0xffff  }
0x260: {  	v19 =	vld.idx.msk [tilespmem:v3+s5+$0xC930], $0xffff  }
0x261: {  	v20 =	vld.idx.msk [tilespmem:v4+s5+$0xC930], $0xffff  }
0x262: {  	v21 =	vld.idx.msk [tilespmem:v5+s5+$0xC930], $0xffff  }
0x263: {  	v22 =	vld.idx.msk [tilespmem:v6+s5+$0xC930], $0xffff  }
0x264: {  	v23 =	vld.idx.msk [tilespmem:v7+s5+$0xC930], $0xffff;
	[tilespmem:s0+$0x0] =	vst v8  }
0x265: {  	[tilespmem:s0+$0x10] =	vst v9  }
0x266: {  	[tilespmem:s0+$0x20] =	vst v10  }
0x267: {  	[tilespmem:s0+$0x30] =	vst v11  }
0x268: {  	[tilespmem:s0+$0x40] =	vst v12  }
0x269: {  	[tilespmem:s0+$0x50] =	vst v13  }
0x26a: {  	[tilespmem:s0+$0x60] =	vst v14  }
0x26b: {  	[tilespmem:s0+$0x70] =	vst v15  }
0x26c: {  	v8 =	vld.idx.msk [tilespmem:v0+s5+$0xCA60], $0xffff  }
0x26d: {  	v9 =	vld.idx.msk [tilespmem:v1+s5+$0xCA60], $0xffff  }
0x26e: {  	v10 =	vld.idx.msk [tilespmem:v2+s5+$0xCA60], $0xffff  }
0x26f: {  	v11 =	vld.idx.msk [tilespmem:v3+s5+$0xCA60], $0xffff  }
0x270: {  	v12 =	vld.idx.msk [tilespmem:v4+s5+$0xCA60], $0xffff  }
0x271: {  	v13 =	vld.idx.msk [tilespmem:v5+s5+$0xCA60], $0xffff  }
0x272: {  	v14 =	vld.idx.msk [tilespmem:v6+s5+$0xCA60], $0xffff  }
0x273: {  	v15 =	vld.idx.msk [tilespmem:v7+s5+$0xCA60], $0xffff;
	[tilespmem:s0+$0x80] =	vst v16  }
0x274: {  	[tilespmem:s0+$0x90] =	vst v17  }
0x275: {  	[tilespmem:s0+$0xA0] =	vst v18  }
0x276: {  	[tilespmem:s0+$0xB0] =	vst v19  }
0x277: {  	[tilespmem:s0+$0xC0] =	vst v20  }
0x278: {  	[tilespmem:s0+$0xD0] =	vst v21  }
0x279: {  	[tilespmem:s0+$0xE0] =	vst v22  }
0x27a: {  	[tilespmem:s0+$0xF0] =	vst v23  }
0x27b: {  	v16 =	vld.idx.msk [tilespmem:v0+s5+$0xCB90], $0xffff  }
0x27c: {  	v17 =	vld.idx.msk [tilespmem:v1+s5+$0xCB90], $0xffff  }
0x27d: {  	v18 =	vld.idx.msk [tilespmem:v2+s5+$0xCB90], $0xffff  }
0x27e: {  	v19 =	vld.idx.msk [tilespmem:v3+s5+$0xCB90], $0xffff  }
0x27f: {  	v20 =	vld.idx.msk [tilespmem:v4+s5+$0xCB90], $0xffff  }
0x280: {  	v21 =	vld.idx.msk [tilespmem:v5+s5+$0xCB90], $0xffff  }
0x281: {  	v22 =	vld.idx.msk [tilespmem:v6+s5+$0xCB90], $0xffff  }
0x282: {  	v23 =	vld.idx.msk [tilespmem:v7+s5+$0xCB90], $0xffff;
	[tilespmem:s0+$0x100] =	vst v8  }
0x283: {  	[tilespmem:s0+$0x110] =	vst v9  }
0x284: {  	[tilespmem:s0+$0x120] =	vst v10  }
0x285: {  	[tilespmem:s0+$0x130] =	vst v11  }
0x286: {  	[tilespmem:s0+$0x140] =	vst v12  }
0x287: {  	[tilespmem:s0+$0x150] =	vst v13  }
0x288: {  	[tilespmem:s0+$0x160] =	vst v14  }
0x289: {  	[tilespmem:s0+$0x170] =	vst v15  }
0x28a: {  	v8 =	vld.idx.msk [tilespmem:v0+s5+$0xCCC0], $0xffff  }
0x28b: {  	v9 =	vld.idx.msk [tilespmem:v1+s5+$0xCCC0], $0xffff  }
0x28c: {  	v10 =	vld.idx.msk [tilespmem:v2+s5+$0xCCC0], $0xffff  }
0x28d: {  	v11 =	vld.idx.msk [tilespmem:v3+s5+$0xCCC0], $0xffff  }
0x28e: {  	v12 =	vld.idx.msk [tilespmem:v4+s5+$0xCCC0], $0xffff  }
0x28f: {  	v13 =	vld.idx.msk [tilespmem:v5+s5+$0xCCC0], $0xffff  }
0x290: {  	v14 =	vld.idx.msk [tilespmem:v6+s5+$0xCCC0], $0xffff  }
0x291: {  	v15 =	vld.idx.msk [tilespmem:v7+s5+$0xCCC0], $0xffff;
	[tilespmem:s0+$0x180] =	vst v16  }
0x292: {  	[tilespmem:s0+$0x190] =	vst v17  }
0x293: {  	[tilespmem:s0+$0x1A0] =	vst v18  }
0x294: {  	[tilespmem:s0+$0x1B0] =	vst v19  }
0x295: {  	[tilespmem:s0+$0x1C0] =	vst v20  }
0x296: {  	[tilespmem:s0+$0x1D0] =	vst v21  }
0x297: {  	[tilespmem:s0+$0x1E0] =	vst v22  }
0x298: {  	[tilespmem:s0+$0x1F0] =	vst v23  }
0x299: {  	v16 =	vld.idx.msk [tilespmem:v0+s5+$0xCDF0], $0xffff  }
0x29a: {  	v17 =	vld.idx.msk [tilespmem:v1+s5+$0xCDF0], $0xffff  }
0x29b: {  	v18 =	vld.idx.msk [tilespmem:v2+s5+$0xCDF0], $0xffff  }
0x29c: {  	v19 =	vld.idx.msk [tilespmem:v3+s5+$0xCDF0], $0xffff  }
0x29d: {  	v20 =	vld.idx.msk [tilespmem:v4+s5+$0xCDF0], $0xffff  }
0x29e: {  	v21 =	vld.idx.msk [tilespmem:v5+s5+$0xCDF0], $0xffff  }
0x29f: {  	v22 =	vld.idx.msk [tilespmem:v6+s5+$0xCDF0], $0xffff  }
0x2a0: {  	v23 =	vld.idx.msk [tilespmem:v7+s5+$0xCDF0], $0xffff;
	[tilespmem:s0+$0x200] =	vst v8  }
0x2a1: {  	[tilespmem:s0+$0x210] =	vst v9  }
0x2a2: {  	[tilespmem:s0+$0x220] =	vst v10  }
0x2a3: {  	[tilespmem:s0+$0x230] =	vst v11  }
0x2a4: {  	[tilespmem:s0+$0x240] =	vst v12  }
0x2a5: {  	[tilespmem:s0+$0x250] =	vst v13  }
0x2a6: {  	[tilespmem:s0+$0x260] =	vst v14  }
0x2a7: {  	[tilespmem:s0+$0x270] =	vst v15  }
0x2a8: {  	v8 =	vld.idx.msk [tilespmem:v0+s5+$0xCF20], $0xffff  }
0x2a9: {  	v9 =	vld.idx.msk [tilespmem:v1+s5+$0xCF20], $0xffff  }
0x2aa: {  	v10 =	vld.idx.msk [tilespmem:v2+s5+$0xCF20], $0xffff  }
0x2ab: {  	v11 =	vld.idx.msk [tilespmem:v3+s5+$0xCF20], $0xffff  }
0x2ac: {  	v12 =	vld.idx.msk [tilespmem:v4+s5+$0xCF20], $0xffff  }
0x2ad: {  	v13 =	vld.idx.msk [tilespmem:v5+s5+$0xCF20], $0xffff  }
0x2ae: {  	v14 =	vld.idx.msk [tilespmem:v6+s5+$0xCF20], $0xffff  }
0x2af: {  	v15 =	vld.idx.msk [tilespmem:v7+s5+$0xCF20], $0xffff;
	[tilespmem:s0+$0x280] =	vst v16  }
0x2b0: {  	[tilespmem:s0+$0x290] =	vst v17  }
0x2b1: {  	[tilespmem:s0+$0x2A0] =	vst v18  }
0x2b2: {  	[tilespmem:s0+$0x2B0] =	vst v19  }
0x2b3: {  	[tilespmem:s0+$0x2C0] =	vst v20  }
0x2b4: {  	[tilespmem:s0+$0x2D0] =	vst v21  }
0x2b5: {  	[tilespmem:s0+$0x2E0] =	vst v22  }
0x2b6: {  	[tilespmem:s0+$0x2F0] =	vst v23  }
0x2b7: {  	v16 =	vld.idx.msk [tilespmem:v0+s5+$0xD050], $0xffff  }
0x2b8: {  	v17 =	vld.idx.msk [tilespmem:v1+s5+$0xD050], $0xffff  }
0x2b9: {  	v18 =	vld.idx.msk [tilespmem:v2+s5+$0xD050], $0xffff  }
0x2ba: {  	v19 =	vld.idx.msk [tilespmem:v3+s5+$0xD050], $0xffff  }
0x2bb: {  	v20 =	vld.idx.msk [tilespmem:v4+s5+$0xD050], $0xffff  }
0x2bc: {  	v21 =	vld.idx.msk [tilespmem:v5+s5+$0xD050], $0xffff  }
0x2bd: {  	v22 =	vld.idx.msk [tilespmem:v6+s5+$0xD050], $0xffff  }
0x2be: {  	v23 =	vld.idx.msk [tilespmem:v7+s5+$0xD050], $0xffff;
	[tilespmem:s0+$0x300] =	vst v8  }
0x2bf: {  	[tilespmem:s0+$0x310] =	vst v9  }
0x2c0: {  	[tilespmem:s0+$0x320] =	vst v10  }
0x2c1: {  	[tilespmem:s0+$0x330] =	vst v11  }
0x2c2: {  	[tilespmem:s0+$0x340] =	vst v12  }
0x2c3: {  	[tilespmem:s0+$0x350] =	vst v13  }
0x2c4: {  	[tilespmem:s0+$0x360] =	vst v14  }
0x2c5: {  	[tilespmem:s0+$0x370] =	vst v15  }
0x2c6: {  	[tilespmem:s0+$0x380] =	vst v16  }
0x2c7: {  	[tilespmem:s0+$0x390] =	vst v17  }
0x2c8: {  	[tilespmem:s0+$0x3A0] =	vst v18  }
0x2c9: {  	[tilespmem:s0+$0x3B0] =	vst v19  }
0x2ca: {  	p0 =	sne.s32 s4, $0x15600;
	[tilespmem:s0+$0x3C0] =	vst v20  }
.Ltmp4:
0x2cb: {  	[tilespmem:s0+$0x3D0] =	vst v21;
	(pc) =	sbr.rel @p0 .LBB2_11-.Ltmp4, $4  }
0x2cc: {  	[tilespmem:s0+$0x3E0] =	vst v22  }
0x2cd: {  	[tilespmem:s0+$0x3F0] =	vst v23  }
0x2ce: {  	[hbm4b:s16+s3] =	stream.linear.scatter [tilespmem:s0], [sflag:$0x4], $0x400, $0x38;
	[tilespmem:$0x1C700] =	vst v63  }
0x2cf: {  	s4 =	sadd.s32 $0x2600, s4;
	s16 =	sadd.s32 $0x1000, s16;
	s0 =	sadd.s32 $0x400, s0  }
0x2d0: {  	s24 =	sadd.s32 $0x1, s24  }
0x2d1: {  	p0 =	sne.s32 s24, $0x32  }
.Ltmp5:
0x2d2: {  	_ = 	snop;
	(pc) =	sbr.rel @p0 .LBB2_4-.Ltmp5, $4  }
0x2d3: {  	_ = 	snop  }
0x2d4: {  	s9 =	sadd.s32 $0x1000, s9;
	s8 =	sadd.s32 $0x4, s8  }
0x2d5: {  	s31 =	sadd.s32 $0x1000, s31;
	s30 =	sadd.s32 $0x4, s30;
	s29 =	sadd.s32 $0x1000, s29  }
0x2d6: {  	s28 =	sadd.s32 $0x4, s28;
	s26 =	sadd.s32 $0x1000, s26;
	s25 =	sadd.s32 $0x4, s25  }
0x2d7: {  	_ =	swait.ge [sflag:s19], $0x400  }
0x2d8: {  	[sflag:s19] =	ssyncset.done $0x0  }
0x2d9: {  	[sflag:s19] =	ssyncadd.s32 $0xFFFFFC00  }
0x2da: {  	_ =	swait.ge [sflag:s19], $0x400  }
0x2db: {  	[sflag:s19] =	ssyncset.done $0x0  }
0x2dc: {  	[sflag:s19] =	ssyncadd.s32 $0xFFFFFC00  }
0x2dd: {  	_ =	swait.ge [sflag:s19], $0x400  }
0x2de: {  	[sflag:s19] =	ssyncset.done $0x0  }
0x2df: {  	[sflag:s19] =	ssyncadd.s32 $0xFFFFFC00  }
0x2e0: {  	_ =	swait.ge [sflag:s19], $0x400  }
0x2e1: {  	[sflag:s19] =	ssyncset.done $0x0  }
0x2e2: {  	[sflag:s19] =	ssyncadd.s32 $0xFFFFFC00  }
0x2e3: {  	_ =	swait.ge [sflag:s19], $0x400  }
0x2e4: {  	[sflag:s19] =	ssyncset.done $0x0  }
0x2e5: {  	[sflag:s19] =	ssyncadd.s32 $0xFFFFFC00  }
0x2e6: {  	_ =	swait.ge [sflag:s19], $0x400  }
0x2e7: {  	[sflag:s19] =	ssyncset.done $0x0  }
0x2e8: {  	[sflag:s19] =	ssyncadd.s32 $0xFFFFFC00  }
0x2e9: {  	_ =	swait.ge [sflag:s19], $0x400  }
0x2ea: {  	[sflag:s19] =	ssyncset.done $0x0  }
0x2eb: {  	[sflag:s19] =	ssyncadd.s32 $0xFFFFFC00  }
0x2ec: {  	_ =	swait.ge [sflag:s19], $0x400  }
0x2ed: {  	[sflag:s19] =	ssyncset.done $0x0  }
0x2ee: {  	[sflag:s19] =	ssyncadd.s32 $0xFFFFFC00  }
0x2ef: {  	_ =	swait.ge [sflag:s19], $0x400  }
0x2f0: {  	[sflag:s19] =	ssyncset.done $0x0  }
0x2f1: {  	[sflag:s19] =	ssyncadd.s32 $0xFFFFFC00  }
0x2f2: {  	_ =	swait.ge [sflag:s19], $0x400  }
0x2f3: {  	[sflag:s19] =	ssyncset.done $0x0  }
0x2f4: {  	[sflag:s19] =	ssyncadd.s32 $0xFFFFFC00  }
0x2f5: {  	_ =	swait.ge [sflag:s20], $0x400  }
0x2f6: {  	[sflag:s20] =	ssyncset.done $0x0  }
0x2f7: {  	[sflag:s20] =	ssyncadd.s32 $0xFFFFFC00  }
0x2f8: {  	_ =	swait.ge [sflag:s20], $0x400  }
0x2f9: {  	[sflag:s20] =	ssyncset.done $0x0  }
0x2fa: {  	[sflag:s20] =	ssyncadd.s32 $0xFFFFFC00  }
0x2fb: {  	_ =	swait.ge [sflag:s20], $0x400  }
0x2fc: {  	[sflag:s20] =	ssyncset.done $0x0  }
0x2fd: {  	[sflag:s20] =	ssyncadd.s32 $0xFFFFFC00  }
0x2fe: {  	_ =	swait.ge [sflag:s20], $0x400  }
0x2ff: {  	[sflag:s20] =	ssyncset.done $0x0  }
0x300: {  	[sflag:s20] =	ssyncadd.s32 $0xFFFFFC00  }
0x301: {  	_ =	swait.ge [sflag:s20], $0x400  }
0x302: {  	[sflag:s20] =	ssyncset.done $0x0  }
0x303: {  	[sflag:s20] =	ssyncadd.s32 $0xFFFFFC00  }
0x304: {  	_ =	swait.ge [sflag:s20], $0x400  }
0x305: {  	[sflag:s20] =	ssyncset.done $0x0  }
0x306: {  	[sflag:s20] =	ssyncadd.s32 $0xFFFFFC00  }
0x307: {  	_ =	swait.ge [sflag:s20], $0x400  }
0x308: {  	[sflag:s20] =	ssyncset.done $0x0  }
0x309: {  	[sflag:s20] =	ssyncadd.s32 $0xFFFFFC00  }
0x30a: {  	_ =	swait.ge [sflag:s20], $0x400  }
0x30b: {  	[sflag:s20] =	ssyncset.done $0x0  }
0x30c: {  	[sflag:s20] =	ssyncadd.s32 $0xFFFFFC00  }
0x30d: {  	_ =	swait.ge [sflag:s20], $0x400  }
0x30e: {  	[sflag:s20] =	ssyncset.done $0x0  }
0x30f: {  	[sflag:s20] =	ssyncadd.s32 $0xFFFFFC00  }
0x310: {  	_ =	swait.ge [sflag:s20], $0x400  }
0x311: {  	[sflag:s20] =	ssyncset.done $0x0  }
0x312: {  	[sflag:s20] =	ssyncadd.s32 $0xFFFFFC00  }
0x313: {  	_ =	swait.ge [sflag:s21], $0x400  }
0x314: {  	[sflag:s21] =	ssyncset.done $0x0  }
0x315: {  	[sflag:s21] =	ssyncadd.s32 $0xFFFFFC00  }
0x316: {  	_ =	swait.ge [sflag:s21], $0x400  }
0x317: {  	[sflag:s21] =	ssyncset.done $0x0  }
0x318: {  	[sflag:s21] =	ssyncadd.s32 $0xFFFFFC00  }
0x319: {  	_ =	swait.ge [sflag:s21], $0x400  }
0x31a: {  	[sflag:s21] =	ssyncset.done $0x0  }
0x31b: {  	[sflag:s21] =	ssyncadd.s32 $0xFFFFFC00  }
0x31c: {  	_ =	swait.ge [sflag:s21], $0x400  }
0x31d: {  	[sflag:s21] =	ssyncset.done $0x0  }
0x31e: {  	[sflag:s21] =	ssyncadd.s32 $0xFFFFFC00  }
0x31f: {  	_ =	swait.ge [sflag:s21], $0x400  }
0x320: {  	[sflag:s21] =	ssyncset.done $0x0  }
0x321: {  	[sflag:s21] =	ssyncadd.s32 $0xFFFFFC00  }
0x322: {  	_ =	swait.ge [sflag:s21], $0x400  }
0x323: {  	[sflag:s21] =	ssyncset.done $0x0  }
0x324: {  	[sflag:s21] =	ssyncadd.s32 $0xFFFFFC00  }
0x325: {  	_ =	swait.ge [sflag:s21], $0x400  }
0x326: {  	[sflag:s21] =	ssyncset.done $0x0  }
0x327: {  	[sflag:s21] =	ssyncadd.s32 $0xFFFFFC00  }
0x328: {  	_ =	swait.ge [sflag:s21], $0x400  }
0x329: {  	[sflag:s21] =	ssyncset.done $0x0  }
0x32a: {  	[sflag:s21] =	ssyncadd.s32 $0xFFFFFC00  }
0x32b: {  	_ =	swait.ge [sflag:s21], $0x400  }
0x32c: {  	[sflag:s21] =	ssyncset.done $0x0  }
0x32d: {  	[sflag:s21] =	ssyncadd.s32 $0xFFFFFC00  }
0x32e: {  	_ =	swait.ge [sflag:s21], $0x400  }
0x32f: {  	[sflag:s21] =	ssyncset.done $0x0  }
0x330: {  	[sflag:s21] =	ssyncadd.s32 $0xFFFFFC00  }
0x331: {  	_ =	swait.ge [sflag:s22], $0x400  }
0x332: {  	[sflag:s22] =	ssyncset.done $0x0  }
0x333: {  	[sflag:s22] =	ssyncadd.s32 $0xFFFFFC00  }
0x334: {  	_ =	swait.ge [sflag:s22], $0x400  }
0x335: {  	[sflag:s22] =	ssyncset.done $0x0  }
0x336: {  	[sflag:s22] =	ssyncadd.s32 $0xFFFFFC00  }
0x337: {  	_ =	swait.ge [sflag:s22], $0x400  }
0x338: {  	[sflag:s22] =	ssyncset.done $0x0  }
0x339: {  	[sflag:s22] =	ssyncadd.s32 $0xFFFFFC00  }
0x33a: {  	_ =	swait.ge [sflag:s22], $0x400  }
0x33b: {  	[sflag:s22] =	ssyncset.done $0x0  }
0x33c: {  	[sflag:s22] =	ssyncadd.s32 $0xFFFFFC00  }
0x33d: {  	_ =	swait.ge [sflag:s22], $0x400  }
0x33e: {  	[sflag:s22] =	ssyncset.done $0x0  }
0x33f: {  	[sflag:s22] =	ssyncadd.s32 $0xFFFFFC00  }
0x340: {  	_ =	swait.ge [sflag:s22], $0x400  }
0x341: {  	[sflag:s22] =	ssyncset.done $0x0  }
0x342: {  	[sflag:s22] =	ssyncadd.s32 $0xFFFFFC00  }
0x343: {  	_ =	swait.ge [sflag:s22], $0x400  }
0x344: {  	[sflag:s22] =	ssyncset.done $0x0  }
0x345: {  	[sflag:s22] =	ssyncadd.s32 $0xFFFFFC00  }
0x346: {  	_ =	swait.ge [sflag:s22], $0x400  }
0x347: {  	[sflag:s22] =	ssyncset.done $0x0  }
0x348: {  	[sflag:s22] =	ssyncadd.s32 $0xFFFFFC00  }
0x349: {  	_ =	swait.ge [sflag:s22], $0x400  }
0x34a: {  	[sflag:s22] =	ssyncset.done $0x0  }
0x34b: {  	[sflag:s22] =	ssyncadd.s32 $0xFFFFFC00  }
0x34c: {  	_ =	swait.ge [sflag:s22], $0x400  }
0x34d: {  	s23 =	sadd.s32 $0x1, s23;
	s0 =	rddreg [dreg:$0x6]  }
0x34e: {  	p0 =	sne.s32 s23, s0  }
.Ltmp6:
0x34f: {  	_ = 	snop;
	(pc) =	sbr.rel @p0 .LBB2_1-.Ltmp6, $3  }
0x350: {  	_ =	sdelay $0x1  }
0x351: {  	[sflag:s22] =	ssyncset.done $0x0  }
0x352: {  	[sflag:s22] =	ssyncadd.s32 $0xFFFFFC00  }
0x353: {  	_ =	sfence.sel $0x180000  }
0x354: {  	[bflag:$0x0] =	sbarrier.arrive $0xFFFF  }
0x355: {  	_ =	strace $0x90000047  }
0x356: {  	s0 =	stileid.u32;
	[bflag:$0x2] =	sbarrier.arrive $0xFFFF  }
0x357: {  	p0 =	sne.s32 s0, $0x0;
	s0 =	rddreg [dreg:$0x2]  }
0x358: {  	s0 =	sadd.s32 @!p0 $0x100000, s0  }
0x359: {  	[sflag:s0] =	ssyncadd.tile.s32 @!p0 $0x1;
	_ =	shalt  }
.Lfunc_end2:
_tile_overlayer_lowered:
.L_overlay_start_2:
0x35a: {  	(tag) =	ssettag $0x2  }
0x35b: {  	s0 =	rddreg [dreg:$0x0];
	s2 =	stileid.u32  }
0x35c: {  	s1 =	rddreg [dreg:$0x1];
	p0 =	sne.s32 s2, $0x0  }
0x35d: {  	s3 =	rddreg [dreg:$0x2];
	[bflag:$0x3] =	sbarrier.arrive $0xFFFF;
	s2 =	simm.s32 @!p0 $0x1C05  }
0x35e: {  	[timem:s3], [sflag:s2] =	dma.local @!p0 [hbm:s0], s1  }
0x35f: {  	s0 =	simm.s32 @!p0 $0x5  }
0x360: {  	_ =	swait.ge @!p0 [sflag:s0], s1  }
0x361: {  	s1 =	ssub.s32 @!p0 $0x0, s1;
	[sflag:s0] =	ssyncset.done @!p0 $0x0  }
0x362: {  	[sflag:s0] =	ssyncadd.s32 @!p0 s1  }
0x363: {  	[bflag:$0x3] =	sbarrier.arrive $0xFFFF  }
0x364: {  	_ =	shalt  }

</sc_bundles>
